<compile_context>
chip_gen: v7x
topology: tpu7x:2x2x1
jax: 0.10.2.dev20260603
libtpu: 0.0.44.dev20260713+nightly
codegen_flags: <defaults>
</compile_context>

<pallas_src>
import functools
import jax
import jax.numpy as jnp
from jax import lax
from jax.experimental import pallas as pl
from jax.experimental.pallas import tpu as pltpu
from jax.experimental.pallas import tpu_sc as plsc

N = 10000
E = 320000
G = 64
NPAD = 10240
NC, NS = 2, 16
NW = NC * NS
ROWS_PER_TILE = NPAD // NS
CHUNK = 128
EPT = E // NW
PCHUNK = 40
PCHUNKS = EPT // PCHUNK
PNBUF = 5
DEPT = E // NS
DFULL = DEPT // CHUNK
DTAIL = DEPT - DFULL * CHUNK
DW = 12

_mesh = plsc.VectorSubcoreMesh(core_axis_name="c", subcore_axis_name="s")


def _deg_body(src_ref, dst_ref, ones_ref, zeros_ref, out_ref,
              hist, ones_v, idx_v, tidx_v, gsem, ssem):
    cid = lax.axis_index("c")
    sid = lax.axis_index("s")
    r0 = sid * ROWS_PER_TILE
    pltpu.sync_copy(zeros_ref.at[pl.ds(r0, ROWS_PER_TILE)],
                    hist.at[pl.ds(r0, ROWS_PER_TILE)])
    pltpu.sync_copy(ones_ref, ones_v)
    plsc.subcore_barrier()

    e0 = sid * DEPT

    def run(e_ref):
        def idx(j, b):
            return pltpu.make_async_copy(
                e_ref.at[pl.ds(e0 + j * CHUNK, CHUNK)], idx_v.at[b],
                gsem.at[b])

        def sca(b):
            return pltpu.make_async_copy(ones_v, hist.at[idx_v.at[b]],
                                         ssem.at[b])

        for b in range(DW):
            idx(b, b).start()

        @pl.loop(0, DFULL - DW, step=DW)
        def _(g):
            for b in range(DW):
                idx(g + b, b).wait()
                pltpu.async_copy(ones_v, hist.at[idx_v.at[b]], ssem.at[b],
                                 add=True)
            for b in range(DW):
                sca(b).wait()
                idx(g + b + DW, b).start()

        g0 = DFULL - DW
        for b in range(DW):
            idx(g0 + b, b).wait()
            pltpu.async_copy(ones_v, hist.at[idx_v.at[b]], ssem.at[b],
                             add=True)
        for b in range(DW):
            sca(b).wait()

        pltpu.sync_copy(e_ref.at[pl.ds(e0 + DFULL * CHUNK, DTAIL)], tidx_v)
        pltpu.sync_copy(ones_v.at[pl.ds(0, DTAIL)], hist.at[tidx_v],
                        add=True)

    @pl.when(cid == 0)
    def _():
        run(src_ref)

    @pl.when(cid == 1)
    def _():
        run(dst_ref)

    plsc.subcore_barrier()
    pltpu.sync_copy(hist.at[pl.ds(r0, ROWS_PER_TILE)],
                    out_ref.at[cid, pl.ds(r0, ROWS_PER_TILE)])


@jax.jit
def _degrees(src, dst):
    ones = jnp.ones((CHUNK,), jnp.float32)
    zeros = jnp.zeros((NPAD,), jnp.float32)
    k = pl.kernel(
        _deg_body,
        out_type=jax.ShapeDtypeStruct((NC, NPAD), jnp.float32),
        mesh=_mesh,
        scratch_types=[
            pltpu.VMEM_SHARED((NPAD,), jnp.float32),
            pltpu.VMEM((CHUNK,), jnp.float32),
            pltpu.VMEM((DW, CHUNK), jnp.int32),
            pltpu.VMEM((DTAIL,), jnp.int32),
            pltpu.SemaphoreType.DMA((DW,)),
            pltpu.SemaphoreType.DMA((DW,)),
        ],
    )
    return k(src, dst, ones, zeros)


def _prop_body(pchunk, p_ref, src_ref, dst_ref, zeros_ref, out_ref,
               agg, sidx_v, didx_v, rows_v, gsem, ssem):
    n_chunks = EPT // pchunk
    cid = lax.axis_index("c")
    sid = lax.axis_index("s")
    r0 = sid * ROWS_PER_TILE
    pltpu.sync_copy(zeros_ref.at[pl.ds(r0, ROWS_PER_TILE)],
                    agg.at[pl.ds(r0, ROWS_PER_TILE)])
    wid = cid * NS + sid
    e0 = wid * EPT
    pltpu.sync_copy(src_ref.at[pl.ds(e0, EPT)], sidx_v)
    plsc.subcore_barrier()

    def gat(j, b):
        return pltpu.make_async_copy(
            p_ref.at[sidx_v.at[pl.ds(j * pchunk, pchunk)]], rows_v.at[b],
            gsem.at[b])

    def dix(j, b):
        return pltpu.make_async_copy(
            dst_ref.at[pl.ds(e0 + j * pchunk, pchunk)], didx_v.at[b],
            gsem.at[b])

    def sca(b):
        return pltpu.make_async_copy(rows_v.at[b], agg.at[didx_v.at[b]],
                                     ssem.at[b])

    def prefetch(j, b):
        gat(j, b).start()
        dix(j, b).start()

    for b in range(PNBUF):
        prefetch(b, b)

    @pl.loop(0, n_chunks - PNBUF, step=PNBUF)
    def _(g):
        for b in range(PNBUF):
            gat(g + b, b).wait()
            dix(g + b, b).wait()
            pltpu.async_copy(rows_v.at[b], agg.at[didx_v.at[b]],
                             ssem.at[b], add=True)
        for b in range(PNBUF):
            sca(b).wait()
            prefetch(g + b + PNBUF, b)

    g0 = n_chunks - PNBUF
    for b in range(PNBUF):
        gat(g0 + b, b).wait()
        dix(g0 + b, b).wait()
        pltpu.async_copy(rows_v.at[b], agg.at[didx_v.at[b]],
                         ssem.at[b], add=True)
    for b in range(PNBUF):
        sca(b).wait()

    plsc.subcore_barrier()
    pltpu.sync_copy(agg.at[pl.ds(r0, ROWS_PER_TILE)],
                    out_ref.at[cid, pl.ds(r0, ROWS_PER_TILE)])


@functools.partial(jax.jit, static_argnames=("d",))
def _propagate(p, src, dst, d):
    dt = p.dtype
    zeros = jnp.zeros((NPAD, d), dt)
    cp = pltpu.CompilerParams(use_tc_tiling_on_sc=(d % 128 == 0))
    pchunk = PCHUNK if d > 64 else 2 * PCHUNK
    k = pl.kernel(
        functools.partial(_prop_body, pchunk),
        out_type=jax.ShapeDtypeStruct((NC, NPAD, d), dt),
        mesh=_mesh,
        scratch_types=[
            pltpu.VMEM_SHARED((NPAD, d), dt),
            pltpu.VMEM((EPT,), jnp.int32),
            pltpu.VMEM((PNBUF, pchunk), jnp.int32),
            pltpu.VMEM((PNBUF, pchunk, d), dt),
            pltpu.SemaphoreType.DMA((PNBUF,)),
            pltpu.SemaphoreType.DMA((PNBUF,)),
        ],
        compiler_params=cp,
    )
    return k(p, src, dst, zeros)


RB = 2000
EB = 32000


def _split_body(ei_ref, src_ref, dst_ref):
    src_ref[...] = ei_ref[0]
    dst_ref[...] = ei_ref[1]


def _split(ei):
    src, dst = pl.pallas_call(
        _split_body,
        out_shape=[jax.ShapeDtypeStruct((E,), jnp.int32),
                   jax.ShapeDtypeStruct((E,), jnp.int32)],
    )(ei)
    return src, dst


def _hi_dot(a, b):
    return jnp.dot(a, b, preferred_element_type=jnp.float32,
                   precision=lax.Precision.HIGHEST)


def _matmul_body(x_ref, w_ref, o_ref):
    o_ref[...] = _hi_dot(x_ref[...], w_ref[...])


def _scale_body(p_ref, deg_ref, o_ref):
    norm = lax.rsqrt(jnp.maximum(deg_ref[...], 1.0))
    o_ref[...] = p_ref[...] * norm


def _mid_body(agg_ref, din_ref, dout_ref, b1_ref, w2_ref, o_ref):
    ndst = lax.rsqrt(jnp.maximum(din_ref[...], 1.0))
    nsrc = lax.rsqrt(jnp.maximum(dout_ref[...], 1.0))
    a = (agg_ref[0].astype(jnp.float32) + agg_ref[1].astype(jnp.float32))
    h1 = jnp.maximum(a * ndst + b1_ref[...], 0.0)
    o_ref[...] = _hi_dot(h1 * nsrc, w2_ref[...])


def _tdot(a, b):
    return lax.dot_general(a, b, (((0,), (0,)), ((), ())),
                           preferred_element_type=jnp.float32,
                           precision=lax.Precision.HIGHEST)


def _post_body(agg_ref, din_ref, b2_ref, gid_ref,
               wc1_ref, bc1_ref, wc2_ref, bc2_ref, wc3_ref, bc3_ref,
               o_ref, sums_acc, counts_acc):
    i = pl.program_id(0)
    ndst = lax.rsqrt(jnp.maximum(din_ref[...], 1.0))
    a = agg_ref[0] + agg_ref[1]
    h2 = jnp.maximum(a * ndst + b2_ref[...], 0.0)
    gid = gid_ref[...]
    cols = lax.broadcasted_iota(jnp.int32, (RB, G), 1)
    onehot = (cols == gid).astype(jnp.float32)
    s = _tdot(onehot, h2)
    c = _tdot(onehot, jnp.ones((RB, 1), jnp.float32))

    @pl.when(i == 0)
    def _():
        sums_acc[...] = s
        counts_acc[...] = c

    @pl.when(i > 0)
    def _():
        sums_acc[...] += s
        counts_acc[...] += c

    @pl.when(i == N // RB - 1)
    def _():
        hg = sums_acc[...] / jnp.maximum(counts_acc[...], 1.0)
        out = _hi_dot(hg, wc1_ref[...]) + bc1_ref[...]
        out = _hi_dot(out, wc2_ref[...]) + bc2_ref[...]
        out = _hi_dot(out, wc3_ref[...]) + bc3_ref[...]
        o_ref[...] = out


def _row_spec(d):
    return pl.BlockSpec((RB, d), lambda i: (i, 0))


def _fix_spec(shape):
    nd = len(shape)
    return pl.BlockSpec(shape, lambda i: (0,) * nd)


def _matmul(x, W1):
    return pl.pallas_call(
        _matmul_body,
        grid=(N // RB,),
        in_specs=[_row_spec(x.shape[1]), _fix_spec(W1.shape)],
        out_specs=_row_spec(W1.shape[1]),
        out_shape=jax.ShapeDtypeStruct((N, W1.shape[1]), jnp.float32),
    )(x, W1)


def _scale(p, deg_out):
    d = p.shape[1]
    return pl.pallas_call(
        _scale_body,
        grid=(N // RB,),
        in_specs=[_row_spec(d), _row_spec(1)],
        out_specs=_row_spec(d),
        out_shape=jax.ShapeDtypeStruct((N, d), jnp.float32),
    )(p, deg_out)


def _mid(agg1, deg_in, deg_out, b1, W2):
    d = agg1.shape[2]
    return pl.pallas_call(
        _mid_body,
        grid=(N // RB,),
        in_specs=[pl.BlockSpec((NC, RB, d), lambda i: (0, i, 0)),
                  _row_spec(1), _row_spec(1),
                  _fix_spec((1, d)), _fix_spec(W2.shape)],
        out_specs=_row_spec(W2.shape[1]),
        out_shape=jax.ShapeDtypeStruct((N, W2.shape[1]), jnp.float32),
    )(agg1, deg_in, deg_out, b1, W2)


def _post(agg2, deg_in, b2, gid, Wc1, bc1, Wc2, bc2, Wc3, bc3):
    d = agg2.shape[2]
    return pl.pallas_call(
        _post_body,
        grid=(N // RB,),
        in_specs=[pl.BlockSpec((NC, RB, d), lambda i: (0, i, 0)),
                  _row_spec(1),
                  _fix_spec((1, d)),
                  _row_spec(1),
                  _fix_spec(Wc1.shape), _fix_spec((1, Wc1.shape[1])),
                  _fix_spec(Wc2.shape), _fix_spec((1, Wc2.shape[1])),
                  _fix_spec(Wc3.shape), _fix_spec((1, Wc3.shape[1]))],
        out_specs=_fix_spec((G, Wc3.shape[1])),
        out_shape=jax.ShapeDtypeStruct((G, Wc3.shape[1]), jnp.float32),
        scratch_shapes=[pltpu.VMEM((G, d), jnp.float32),
                        pltpu.VMEM((G, 1), jnp.float32)],
    )(agg2, deg_in, b2, gid, Wc1, bc1, Wc2, bc2, Wc3, bc3)


def kernel(x, edge_index, graph_ids, W1, b1, W2, b2,
           Wc1, bc1, Wc2, bc2, Wc3, bc3):
    ei = edge_index.astype(jnp.int32)
    src, dst = _split(ei)

    degs = _degrees(src, dst)
    deg_out = degs[0, :N].reshape(N, 1)
    deg_in = degs[1, :N].reshape(N, 1)

    p1u = _matmul(x, W1)
    p1 = _scale(p1u, deg_out)
    agg1 = _propagate(p1, src, dst, W1.shape[1])
    p2 = _mid(agg1, deg_in, deg_out, b1.reshape(1, -1), W2)
    agg2 = _propagate(p2, src, dst, W2.shape[1])
    out = _post(agg2, deg_in, b2.reshape(1, -1),
                graph_ids.astype(jnp.int32).reshape(N, 1),
                Wc1, bc1.reshape(1, -1), Wc2, bc2.reshape(1, -1),
                Wc3, bc3.reshape(1, -1))
    return out

# --- scband reference (transcript-rebuilt; emitter-appended) ---
"""Pipeline reference for scband-two-conv-three-classi-layer-gcn-50448685859135 (READ-ONLY COPY).

The authoritative reference and input builder live on the scoring server;
editing this copy changes nothing except your own understanding.
"""

import jax, jax.numpy as jnp
import numpy as np

N = 10000
E = 320000
G = 64
D_IN = 128
D_H1 = 128
D_H2 = 64
N_CLS = 10

def setup_inputs(seed: int = 0) -> dict:
    key = jax.random.key(seed)
    ks = jax.random.split(key, 16)
    x = jax.random.normal(ks[0], (N, D_IN), dtype=jnp.float32)
    edge_index = jax.random.randint(ks[1], (2, E), 0, N, dtype=jnp.int64)
    graph_ids = jnp.sort(jax.random.randint(ks[2], (N,), 0, G, dtype=jnp.int64))
    W1 = jax.random.normal(ks[3], (D_IN, D_H1), dtype=jnp.float32) * 0.05
    b1 = jnp.zeros((D_H1,), dtype=jnp.float32)
    W2 = jax.random.normal(ks[4], (D_H1, D_H2), dtype=jnp.float32) * 0.05
    b2 = jnp.zeros((D_H2,), dtype=jnp.float32)
    Wc1 = jax.random.normal(ks[5], (D_H2, 12), dtype=jnp.float32) * 0.05
    bc1 = jnp.zeros((12,), dtype=jnp.float32)
    Wc2 = jax.random.normal(ks[6], (12, 12), dtype=jnp.float32) * 0.05
    bc2 = jnp.zeros((12,), dtype=jnp.float32)
    Wc3 = jax.random.normal(ks[7], (12, N_CLS), dtype=jnp.float32) * 0.05
    bc3 = jnp.zeros((N_CLS,), dtype=jnp.float32)
    return {"x": x, "edge_index": edge_index, "graph_ids": graph_ids,
            "W1": W1, "b1": b1, "W2": W2, "b2": b2,
            "Wc1": Wc1, "bc1": bc1, "Wc2": Wc2, "bc2": bc2, "Wc3": Wc3, "bc3": bc3}

def reference(x, edge_index, graph_ids, W1, b1, W2, b2, Wc1, bc1, Wc2, bc2, Wc3, bc3):
    src = edge_index[0]
    dst = edge_index[1]
    ones_e = jnp.ones((E,), dtype=jnp.float32)
    deg_out = jax.ops.segment_sum(ones_e, src, num_segments=N)
    deg_in = jax.ops.segment_sum(ones_e, dst, num_segments=N)
    norm_src = 1.0 / jnp.sqrt(jnp.maximum(deg_out, 1.0))
    norm_dst = 1.0 / jnp.sqrt(jnp.maximum(deg_in, 1.0))

    def gconv(h, W, b):
        # DGL GraphConv with norm='both': D^{-1/2} A D^{-1/2} H W + b
        h = h * norm_src[:, None]
        m = jnp.take(h, src, axis=0)
        agg = jax.ops.segment_sum(m, dst, num_segments=N)
        agg = agg * norm_dst[:, None]
        return agg @ W + b

    h = jax.nn.relu(gconv(x, W1, b1))
    h = jax.nn.relu(gconv(h, W2, b2))
    # dgl.mean_nodes over batched graph
    ones_n = jnp.ones((N,), dtype=jnp.float32)
    sums = jax.ops.segment_sum(h, graph_ids, num_segments=G)
    counts = jax.ops.segment_sum(ones_n, graph_ids, num_segments=G)
    hg = sums / jnp.maximum(counts, 1.0)[:, None]
    out = hg @ Wc1 + bc1
    out = out @ Wc2 + bc2
    out = out @ Wc3 + bc3
    return out

if __name__ == "__main__":
    import jax
    _d = setup_inputs()
    print(jax.jit(kernel)(*tuple(_d.values())))

</pallas_src>

<mosaic_0001>
#map = affine_map<(d0, d1) -> (0)>
#map1 = affine_map<(d0, d1) -> (0, 0)>
module attributes {stable_mosaic.version = 14 : i64} {
  func.func @_deg_body(%arg0: i32, %arg1: i32, %arg2: memref<320000xi32, #tpu.memory_space<hbm>>, %arg3: memref<320000xi32, #tpu.memory_space<hbm>>, %arg4: memref<128xf32, #tpu.memory_space<hbm>>, %arg5: memref<10240xf32, #tpu.memory_space<hbm>>, %arg6: memref<2x10240xf32, #tpu.memory_space<hbm>>, %arg7: memref<10240xf32, #tpu.memory_space<vmem_shared>>, %arg8: memref<128xf32, #tpu.memory_space<vmem>>, %arg9: memref<12x128xi32, #tpu.memory_space<vmem>>, %arg10: memref<32xi32, #tpu.memory_space<vmem>>, %arg11: memref<12x!tpu.dma_semaphore, #tpu.memory_space<semaphore_mem>>, %arg12: memref<12x!tpu.dma_semaphore, #tpu.memory_space<semaphore_mem>>) attributes {dimension_semantics = [#tpu.dimension_semantics<core_parallel>, #tpu.dimension_semantics<subcore_parallel>], iteration_bounds = array<i64: 2, 16>, scalar_prefetch = 0 : i64, scratch_operands = 6 : i64, tpu.core_type = #tpu.core_type<sc_vector_subcore>, window_params = [{transform_indices = #map}, {transform_indices = #map}, {transform_indices = #map}, {transform_indices = #map}, {transform_indices = #map1}]} {
    %mul3A = arith.constant 640 : i32
    %mul3A_0 = arith.muli %arg1, %mul3A : i32
    "tpu.region"() ({
      %run_scoped3A = tpu.sem_alloc : memref<!tpu.dma_semaphore, #tpu.memory_space<semaphore_mem>>
      %dma_start3A = tpu.memref_slice %arg7[%mul3A_0] : memref<10240xf32, #tpu.memory_space<vmem_shared>> -> memref<640xf32, #tpu.memory_space<vmem_shared>>
      %dma_start3A_11 = tpu.memref_slice %arg5[%mul3A_0] : memref<10240xf32, #tpu.memory_space<hbm>> -> memref<640xf32, #tpu.memory_space<hbm>>
      tpu.enqueue_dma source(%dma_start3A_11 : memref<640xf32, #tpu.memory_space<hbm>>) target(%dma_start3A : memref<640xf32, #tpu.memory_space<vmem_shared>>) target_semaphore(%run_scoped3A : memref<!tpu.dma_semaphore, #tpu.memory_space<semaphore_mem>>)
      %dma_wait3A = tpu.memref_slice %arg7[%mul3A_0] : memref<10240xf32, #tpu.memory_space<vmem_shared>> -> memref<640xf32, #tpu.memory_space<vmem_shared>>
      %dma_wait3A_12 = tpu.memref_slice %arg5[%mul3A_0] : memref<10240xf32, #tpu.memory_space<hbm>> -> memref<640xf32, #tpu.memory_space<hbm>>
      tpu.wait_dma2 semaphore(%run_scoped3A : memref<!tpu.dma_semaphore, #tpu.memory_space<semaphore_mem>>) src(%dma_wait3A_12 : memref<640xf32, #tpu.memory_space<hbm>>) dst(%dma_wait3A : memref<640xf32, #tpu.memory_space<vmem_shared>>)
      tpu.yield
    }) : () -> ()
    "tpu.region"() ({
      %run_scoped3A = tpu.sem_alloc : memref<!tpu.dma_semaphore, #tpu.memory_space<semaphore_mem>>
      tpu.enqueue_dma source(%arg4 : memref<128xf32, #tpu.memory_space<hbm>>) target(%arg8 : memref<128xf32, #tpu.memory_space<vmem>>) target_semaphore(%run_scoped3A : memref<!tpu.dma_semaphore, #tpu.memory_space<semaphore_mem>>)
      tpu.wait_dma2 semaphore(%run_scoped3A : memref<!tpu.dma_semaphore, #tpu.memory_space<semaphore_mem>>) src(%arg4 : memref<128xf32, #tpu.memory_space<hbm>>) dst(%arg8 : memref<128xf32, #tpu.memory_space<vmem>>)
      tpu.yield
    }) : () -> ()
    %barrier3A = arith.constant 0 : index
    tpu.barrier barrier_id(%barrier3A)
    %mul3A_1 = arith.constant 20000 : i32
    %mul3A_2 = arith.muli %arg1, %mul3A_1 : i32
    %eq3A = arith.constant 0 : i32
    %eq3A_3 = arith.cmpi eq, %arg0, %eq3A : i32
    %convert_element_type3A = arith.extui %eq3A_3 : i1 to i32
    %cond3A = arith.constant 0 : i32
    %cond3A_4 = arith.cmpi ne, %convert_element_type3A, %cond3A : i32
    scf.if %cond3A_4 {
      %add3A = arith.constant 0 : i32
      %add3A_11 = arith.addi %mul3A_2, %add3A : i32
      %dma_start3A = arith.constant 0 : i32
      %dma_start3A_12 = arith.constant 0 : i32
      %dma_start3A_13 = arith.constant 0 : i32
      %dma_start3A_14 = tpu.memref_slice %arg9[%dma_start3A, %dma_start3A_13] : memref<12x128xi32, #tpu.memory_space<vmem>> -> memref<1x128xi32, #tpu.memory_space<vmem>>
      %dma_start3A_15 = tpu.memref_squeeze %dma_start3A_14 : memref<1x128xi32, #tpu.memory_space<vmem>> -> memref<128xi32, #tpu.memory_space<vmem>>
      %dma_start3A_16 = tpu.memref_slice %arg2[%add3A_11] : memref<320000xi32, #tpu.memory_space<hbm>> -> memref<128xi32, #tpu.memory_space<hbm>>
      %dma_start3A_17 = tpu.memref_slice %arg11[%dma_start3A_12] : memref<12x!tpu.dma_semaphore, #tpu.memory_space<semaphore_mem>> -> memref<1x!tpu.dma_semaphore, #tpu.memory_space<semaphore_mem>>
      %dma_start3A_18 = tpu.memref_squeeze %dma_start3A_17 : memref<1x!tpu.dma_semaphore, #tpu.memory_space<semaphore_mem>> -> memref<!tpu.dma_semaphore, #tpu.memory_space<semaphore_mem>>
      %dma_start3A_19 = arith.constant 0 : i32
      %dma_start3A_20 = tpu.memref_slice %arg9[%dma_start3A, %dma_start3A_19] : memref<12x128xi32, #tpu.memory_space<vmem>> -> memref<1x128xi32, #tpu.memory_space<vmem>>
      %dma_start3A_21 = tpu.memref_squeeze %dma_start3A_20 : memref<1x128xi32, #tpu.memory_space<vmem>> -> memref<128xi32, #tpu.memory_space<vmem>>
      %dma_start3A_22 = tpu.memref_slice %arg2[%add3A_11] : memref<320000xi32, #tpu.memory_space<hbm>> -> memref<128xi32, #tpu.memory_space<hbm>>
      tpu.enqueue_dma source(%dma_start3A_22 : memref<128xi32, #tpu.memory_space<hbm>>) target(%dma_start3A_21 : memref<128xi32, #tpu.memory_space<vmem>>) target_semaphore(%dma_start3A_18 : memref<!tpu.dma_semaphore, #tpu.memory_space<semaphore_mem>>)
      %add3A_23 = arith.constant 128 : i32
      %add3A_24 = arith.addi %mul3A_2, %add3A_23 : i32
      %dma_start3A_25 = arith.constant 1 : i32
      %dma_start3A_26 = arith.constant 1 : i32
      %dma_start3A_27 = arith.constant 0 : i32
      %dma_start3A_28 = tpu.memref_slice %arg9[%dma_start3A_25, %dma_start3A_27] : memref<12x128xi32, #tpu.memory_space<vmem>> -> memref<1x128xi32, #tpu.memory_space<vmem>>
      %dma_start3A_29 = tpu.memref_squeeze %dma_start3A_28 : memref<1x128xi32, #tpu.memory_space<vmem>> -> memref<128xi32, #tpu.memory_space<vmem>>
      %dma_start3A_30 = tpu.memref_slice %arg2[%add3A_24] : memref<320000xi32, #tpu.memory_space<hbm>> -> memref<128xi32, #tpu.memory_space<hbm>>
      %dma_start3A_31 = tpu.memref_slice %arg11[%dma_start3A_26] : memref<12x!tpu.dma_semaphore, #tpu.memory_space<semaphore_mem>> -> memref<1x!tpu.dma_semaphore, #tpu.memory_space<semaphore_mem>>
      %dma_start3A_32 = tpu.memref_squeeze %dma_start3A_31 : memref<1x!tpu.dma_semaphore, #tpu.memory_space<semaphore_mem>> -> memref<!tpu.dma_semaphore, #tpu.memory_space<semaphore_mem>>
      %dma_start3A_33 = arith.constant 0 : i32
      %dma_start3A_34 = tpu.memref_slice %arg9[%dma_start3A_25, %dma_start3A_33] : memref<12x128xi32, #tpu.memory_space<vmem>> -> memref<1x128xi32, #tpu.memory_space<vmem>>
      %dma_start3A_35 = tpu.memref_squeeze %dma_start3A_34 : memref<1x128xi32, #tpu.memory_space<vmem>> -> memref<128xi32, #tpu.memory_space<vmem>>
      %dma_start3A_36 = tpu.memref_slice %arg2[%add3A_24] : memref<320000xi32, #tpu.memory_space<hbm>> -> memref<128xi32, #tpu.memory_space<hbm>>
      tpu.enqueue_dma source(%dma_start3A_36 : memref<128xi32, #tpu.memory_space<hbm>>) target(%dma_start3A_35 : memref<128xi32, #tpu.memory_space<vmem>>) target_semaphore(%dma_start3A_32 : memref<!tpu.dma_semaphore, #tpu.memory_space<semaphore_mem>>)
      %add3A_37 = arith.constant 256 : i32
      %add3A_38 = arith.addi %mul3A_2, %add3A_37 : i32
      %dma_start3A_39 = arith.constant 2 : i32
      %dma_start3A_40 = arith.constant 2 : i32
      %dma_start3A_41 = arith.constant 0 : i32
      %dma_start3A_42 = tpu.memref_slice %arg9[%dma_start3A_39, %dma_start3A_41] : memref<12x128xi32, #tpu.memory_space<vmem>> -> memref<1x128xi32, #tpu.memory_space<vmem>>
      %dma_start3A_43 = tpu.memref_squeeze %dma_start3A_42 : memref<1x128xi32, #tpu.memory_space<vmem>> -> memref<128xi32, #tpu.memory_space<vmem>>
      %dma_start3A_44 = tpu.memref_slice %arg2[%add3A_38] : memref<320000xi32, #tpu.memory_space<hbm>> -> memref<128xi32, #tpu.memory_space<hbm>>
      %dma_start3A_45 = tpu.memref_slice %arg11[%dma_start3A_40] : memref<12x!tpu.dma_semaphore, #tpu.memory_space<semaphore_mem>> -> memref<1x!tpu.dma_semaphore, #tpu.memory_space<semaphore_mem>>
      %dma_start3A_46 = tpu.memref_squeeze %dma_start3A_45 : memref<1x!tpu.dma_semaphore, #tpu.memory_space<semaphore_mem>> -> memref<!tpu.dma_semaphore, #tpu.memory_space<semaphore_mem>>
      %dma_start3A_47 = arith.constant 0 : i32
      %dma_start3A_48 = tpu.memref_slice %arg9[%dma_start3A_39, %dma_start3A_47] : memref<12x128xi32, #tpu.memory_space<vmem>> -> memref<1x128xi32, #tpu.memory_space<vmem>>
      %dma_start3A_49 = tpu.memref_squeeze %dma_start3A_48 : memref<1x128xi32, #tpu.memory_space<vmem>> -> memref<128xi32, #tpu.memory_space<vmem>>
      %dma_start3A_50 = tpu.memref_slice %arg2[%add3A_38] : memref<320000xi32, #tpu.memory_space<hbm>> -> memref<128xi32, #tpu.memory_space<hbm>>
      tpu.enqueue_dma source(%dma_start3A_50 : memref<128xi32, #tpu.memory_space<hbm>>) target(%dma_start3A_49 : memref<128xi32, #tpu.memory_space<vmem>>) target_semaphore(%dma_start3A_46 : memref<!tpu.dma_semaphore, #tpu.memory_space<semaphore_mem>>)
      %add3A_51 = arith.constant 384 : i32
      %add3A_52 = arith.addi %mul3A_2, %add3A_51 : i32
      %dma_start3A_53 = arith.constant 3 : i32
      %dma_start3A_54 = arith.constant 3 : i32
      %dma_start3A_55 = arith.constant 0 : i32
      %dma_start3A_56 = tpu.memref_slice %arg9[%dma_start3A_53, %dma_start3A_55] : memref<12x128xi32, #tpu.memory_space<vmem>> -> memref<1x128xi32, #tpu.memory_space<vmem>>
      %dma_start3A_57 = tpu.memref_squeeze %dma_start3A_56 : memref<1x128xi32, #tpu.memory_space<vmem>> -> memref<128xi32, #tpu.memory_space<vmem>>
      %dma_start3A_58 = tpu.memref_slice %arg2[%add3A_52] : memref<320000xi32, #tpu.memory_space<hbm>> -> memref<128xi32, #tpu.memory_space<hbm>>
      %dma_start3A_59 = tpu.memref_slice %arg11[%dma_start3A_54] : memref<12x!tpu.dma_semaphore, #tpu.memory_space<semaphore_mem>> -> memref<1x!tpu.dma_semaphore, #tpu.memory_space<semaphore_mem>>
      %dma_start3A_60 = tpu.memref_squeeze %dma_start3A_59 : memref<1x!tpu.dma_semaphore, #tpu.memory_space<semaphore_mem>> -> memref<!tpu.dma_semaphore, #tpu.memory_space<semaphore_mem>>
      %dma_start3A_61 = arith.constant 0 : i32
      %dma_start3A_62 = tpu.memref_slice %arg9[%dma_start3A_53, %dma_start3A_61] : memref<12x128xi32, #tpu.memory_space<vmem>> -> memref<1x128xi32, #tpu.memory_space<vmem>>
      %dma_start3A_63 = tpu.memref_squeeze %dma_start3A_62 : memref<1x128xi32, #tpu.memory_space<vmem>> -> memref<128xi32, #tpu.memory_space<vmem>>
      %dma_start3A_64 = tpu.memref_slice %arg2[%add3A_52] : memref<320000xi32, #tpu.memory_space<hbm>> -> memref<128xi32, #tpu.memory_space<hbm>>
      tpu.enqueue_dma source(%dma_start3A_64 : memref<128xi32, #tpu.memory_space<hbm>>) target(%dma_start3A_63 : memref<128xi32, #tpu.memory_space<vmem>>) target_semaphore(%dma_start3A_60 : memref<!tpu.dma_semaphore, #tpu.memory_space<semaphore_mem>>)
      %add3A_65 = arith.constant 512 : i32
      %add3A_66 = arith.addi %mul3A_2, %add3A_65 : i32
      %dma_start3A_67 = arith.constant 4 : i32
      %dma_start3A_68 = arith.constant 4 : i32
      %dma_start3A_69 = arith.constant 0 : i32
      %dma_start3A_70 = tpu.memref_slice %arg9[%dma_start3A_67, %dma_start3A_69] : memref<12x128xi32, #tpu.memory_space<vmem>> -> memref<1x128xi32, #tpu.memory_space<vmem>>
      %dma_start3A_71 = tpu.memref_squeeze %dma_start3A_70 : memref<1x128xi32, #tpu.memory_space<vmem>> -> memref<128xi32, #tpu.memory_space<vmem>>
      %dma_start3A_72 = tpu.memref_slice %arg2[%add3A_66] : memref<320000xi32, #tpu.memory_space<hbm>> -> memref<128xi32, #tpu.memory_space<hbm>>
      %dma_start3A_73 = tpu.memref_slice %arg11[%dma_start3A_68] : memref<12x!tpu.dma_semaphore, #tpu.memory_space<semaphore_mem>> -> memref<1x!tpu.dma_semaphore, #tpu.memory_space<semaphore_mem>>
      %dma_start3A_74 = tpu.memref_squeeze %dma_start3A_73 : memref<1x!tpu.dma_semaphore, #tpu.memory_space<semaphore_mem>> -> memref<!tpu.dma_semaphore, #tpu.memory_space<semaphore_mem>>
      %dma_start3A_75 = arith.constant 0 : i32
      %dma_start3A_76 = tpu.memref_slice %arg9[%dma_start3A_67, %dma_start3A_75] : memref<12x128xi32, #tpu.memory_space<vmem>> -> memref<1x128xi32, #tpu.memory_space<vmem>>
      %dma_start3A_77 = tpu.memref_squeeze %dma_start3A_76 : memref<1x128xi32, #tpu.memory_space<vmem>> -> memref<128xi32, #tpu.memory_space<vmem>>
      %dma_start3A_78 = tpu.memref_slice %arg2[%add3A_66] : memref<320000xi32, #tpu.memory_space<hbm>> -> memref<128xi32, #tpu.memory_space<hbm>>
      tpu.enqueue_dma source(%dma_start3A_78 : memref<128xi32, #tpu.memory_space<hbm>>) target(%dma_start3A_77 : memref<128xi32, #tpu.memory_space<vmem>>) target_semaphore(%dma_start3A_74 : memref<!tpu.dma_semaphore, #tpu.memory_space<semaphore_mem>>)
      %add3A_79 = arith.constant 640 : i32
      %add3A_80 = arith.addi %mul3A_2, %add3A_79 : i32
      %dma_start3A_81 = arith.constant 5 : i32
      %dma_start3A_82 = arith.constant 5 : i32
      %dma_start3A_83 = arith.constant 0 : i32
      %dma_start3A_84 = tpu.memref_slice %arg9[%dma_start3A_81, %dma_start3A_83] : memref<12x128xi32, #tpu.memory_space<vmem>> -> memref<1x128xi32, #tpu.memory_space<vmem>>
      %dma_start3A_85 = tpu.memref_squeeze %dma_start3A_84 : memref<1x128xi32, #tpu.memory_space<vmem>> -> memref<128xi32, #tpu.memory_space<vmem>>
      %dma_start3A_86 = tpu.memref_slice %arg2[%add3A_80] : memref<320000xi32, #tpu.memory_space<hbm>> -> memref<128xi32, #tpu.memory_space<hbm>>
      %dma_start3A_87 = tpu.memref_slice %arg11[%dma_start3A_82] : memref<12x!tpu.dma_semaphore, #tpu.memory_space<semaphore_mem>> -> memref<1x!tpu.dma_semaphore, #tpu.memory_space<semaphore_mem>>
      %dma_start3A_88 = tpu.memref_squeeze %dma_start3A_87 : memref<1x!tpu.dma_semaphore, #tpu.memory_space<semaphore_mem>> -> memref<!tpu.dma_semaphore, #tpu.memory_space<semaphore_mem>>
      %dma_start3A_89 = arith.constant 0 : i32
      %dma_start3A_90 = tpu.memref_slice %arg9[%dma_start3A_81, %dma_start3A_89] : memref<12x128xi32, #tpu.memory_space<vmem>> -> memref<1x128xi32, #tpu.memory_space<vmem>>
      %dma_start3A_91 = tpu.memref_squeeze %dma_start3A_90 : memref<1x128xi32, #tpu.memory_space<vmem>> -> memref<128xi32, #tpu.memory_space<vmem>>
      %dma_start3A_92 = tpu.memref_slice %arg2[%add3A_80] : memref<320000xi32, #tpu.memory_space<hbm>> -> memref<128xi32, #tpu.memory_space<hbm>>
      tpu.enqueue_dma source(%dma_start3A_92 : memref<128xi32, #tpu.memory_space<hbm>>) target(%dma_start3A_91 : memref<128xi32, #tpu.memory_space<vmem>>) target_semaphore(%dma_start3A_88 : memref<!tpu.dma_semaphore, #tpu.memory_space<semaphore_mem>>)
      %add3A_93 = arith.constant 768 : i32
      %add3A_94 = arith.addi %mul3A_2, %add3A_93 : i32
      %dma_start3A_95 = arith.constant 6 : i32
      %dma_start3A_96 = arith.constant 6 : i32
      %dma_start3A_97 = arith.constant 0 : i32
      %dma_start3A_98 = tpu.memref_slice %arg9[%dma_start3A_95, %dma_start3A_97] : memref<12x128xi32, #tpu.memory_space<vmem>> -> memref<1x128xi32, #tpu.memory_space<vmem>>
      %dma_start3A_99 = tpu.memref_squeeze %dma_start3A_98 : memref<1x128xi32, #tpu.memory_space<vmem>> -> memref<128xi32, #tpu.memory_space<vmem>>
      %dma_start3A_100 = tpu.memref_slice %arg2[%add3A_94] : memref<320000xi32, #tpu.memory_space<hbm>> -> memref<128xi32, #tpu.memory_space<hbm>>
      %dma_start3A_101 = tpu.memref_slice %arg11[%dma_start3A_96] : memref<12x!tpu.dma_semaphore, #tpu.memory_space<semaphore_mem>> -> memref<1x!tpu.dma_semaphore, #tpu.memory_space<semaphore_mem>>
      %dma_start3A_102 = tpu.memref_squeeze %dma_start3A_101 : memref<1x!tpu.dma_semaphore, #tpu.memory_space<semaphore_mem>> -> memref<!tpu.dma_semaphore, #tpu.memory_space<semaphore_mem>>
      %dma_start3A_103 = arith.constant 0 : i32
      %dma_start3A_104 = tpu.memref_slice %arg9[%dma_start3A_95, %dma_start3A_103] : memref<12x128xi32, #tpu.memory_space<vmem>> -> memref<1x128xi32, #tpu.memory_space<vmem>>
      %dma_start3A_105 = tpu.memref_squeeze %dma_start3A_104 : memref<1x128xi32, #tpu.memory_space<vmem>> -> memref<128xi32, #tpu.memory_space<vmem>>
      %dma_start3A_106 = tpu.memref_slice %arg2[%add3A_94] : memref<320000xi32, #tpu.memory_space<hbm>> -> memref<128xi32, #tpu.memory_space<hbm>>
      tpu.enqueue_dma source(%dma_start3A_106 : memref<128xi32, #tpu.memory_space<hbm>>) target(%dma_start3A_105 : memref<128xi32, #tpu.memory_space<vmem>>) target_semaphore(%dma_start3A_102 : memref<!tpu.dma_semaphore, #tpu.memory_space<semaphore_mem>>)
      %add3A_107 = arith.constant 896 : i32
      %add3A_108 = arith.addi %mul3A_2, %add3A_107 : i32
      %dma_start3A_109 = arith.constant 7 : i32
      %dma_start3A_110 = arith.constant 7 : i32
      %dma_start3A_111 = arith.constant 0 : i32
      %dma_start3A_112 = tpu.memref_slice %arg9[%dma_start3A_109, %dma_start3A_111] : memref<12x128xi32, #tpu.memory_space<vmem>> -> memref<1x128xi32, #tpu.memory_space<vmem>>
      %dma_start3A_113 = tpu.memref_squeeze %dma_start3A_112 : memref<1x128xi32, #tpu.memory_space<vmem>> -> memref<128xi32, #tpu.memory_space<vmem>>
      %dma_start3A_114 = tpu.memref_slice %arg2[%add3A_108] : memref<320000xi32, #tpu.memory_space<hbm>> -> memref<128xi32, #tpu.memory_space<hbm>>
      %dma_start3A_115 = tpu.memref_slice %arg11[%dma_start3A_110] : memref<12x!tpu.dma_semaphore, #tpu.memory_space<semaphore_mem>> -> memref<1x!tpu.dma_semaphore, #tpu.memory_space<semaphore_mem>>
      %dma_start3A_116 = tpu.memref_squeeze %dma_start3A_115 : memref<1x!tpu.dma_semaphore, #tpu.memory_space<semaphore_mem>> -> memref<!tpu.dma_semaphore, #tpu.memory_space<semaphore_mem>>
      %dma_start3A_117 = arith.constant 0 : i32
      %dma_start3A_118 = tpu.memref_slice %arg9[%dma_start3A_109, %dma_start3A_117] : memref<12x128xi32, #tpu.memory_space<vmem>> -> memref<1x128xi32, #tpu.memory_space<vmem>>
      %dma_start3A_119 = tpu.memref_squeeze %dma_start3A_118 : memref<1x128xi32, #tpu.memory_space<vmem>> -> memref<128xi32, #tpu.memory_space<vmem>>
      %dma_start3A_120 = tpu.memref_slice %arg2[%add3A_108] : memref<320000xi32, #tpu.memory_space<hbm>> -> memref<128xi32, #tpu.memory_space<hbm>>
      tpu.enqueue_dma source(%dma_start3A_120 : memref<128xi32, #tpu.memory_space<hbm>>) target(%dma_start3A_119 : memref<128xi32, #tpu.memory_space<vmem>>) target_semaphore(%dma_start3A_116 : memref<!tpu.dma_semaphore, #tpu.memory_space<semaphore_mem>>)
      %add3A_121 = arith.constant 1024 : i32
      %add3A_122 = arith.addi %mul3A_2, %add3A_121 : i32
      %dma_start3A_123 = arith.constant 8 : i32
      %dma_start3A_124 = arith.constant 8 : i32
      %dma_start3A_125 = arith.constant 0 : i32
      %dma_start3A_126 = tpu.memref_slice %arg9[%dma_start3A_123, %dma_start3A_125] : memref<12x128xi32, #tpu.memory_space<vmem>> -> memref<1x128xi32, #tpu.memory_space<vmem>>
      %dma_start3A_127 = tpu.memref_squeeze %dma_start3A_126 : memref<1x128xi32, #tpu.memory_space<vmem>> -> memref<128xi32, #tpu.memory_space<vmem>>
      %dma_start3A_128 = tpu.memref_slice %arg2[%add3A_122] : memref<320000xi32, #tpu.memory_space<hbm>> -> memref<128xi32, #tpu.memory_space<hbm>>
      %dma_start3A_129 = tpu.memref_slice %arg11[%dma_start3A_124] : memref<12x!tpu.dma_semaphore, #tpu.memory_space<semaphore_mem>> -> memref<1x!tpu.dma_semaphore, #tpu.memory_space<semaphore_mem>>
      %dma_start3A_130 = tpu.memref_squeeze %dma_start3A_129 : memref<1x!tpu.dma_semaphore, #tpu.memory_space<semaphore_mem>> -> memref<!tpu.dma_semaphore, #tpu.memory_space<semaphore_mem>>
      %dma_start3A_131 = arith.constant 0 : i32
      %dma_start3A_132 = tpu.memref_slice %arg9[%dma_start3A_123, %dma_start3A_131] : memref<12x128xi32, #tpu.memory_space<vmem>> -> memref<1x128xi32, #tpu.memory_space<vmem>>
      %dma_start3A_133 = tpu.memref_squeeze %dma_start3A_132 : memref<1x128xi32, #tpu.memory_space<vmem>> -> memref<128xi32, #tpu.memory_space<vmem>>
      %dma_start3A_134 = tpu.memref_slice %arg2[%add3A_122] : memref<320000xi32, #tpu.memory_space<hbm>> -> memref<128xi32, #tpu.memory_space<hbm>>
      tpu.enqueue_dma source(%dma_start3A_134 : memref<128xi32, #tpu.memory_space<hbm>>) target(%dma_start3A_133 : memref<128xi32, #tpu.memory_space<vmem>>) target_semaphore(%dma_start3A_130 : memref<!tpu.dma_semaphore, #tpu.memory_space<semaphore_mem>>)
      %add3A_135 = arith.constant 1152 : i32
      %add3A_136 = arith.addi %mul3A_2, %add3A_135 : i32
      %dma_start3A_137 = arith.constant 9 : i32
      %dma_start3A_138 = arith.constant 9 : i32
      %dma_start3A_139 = arith.constant 0 : i32
      %dma_start3A_140 = tpu.memref_slice %arg9[%dma_start3A_137, %dma_start3A_139] : memref<12x128xi32, #tpu.memory_space<vmem>> -> memref<1x128xi32, #tpu.memory_space<vmem>>
      %dma_start3A_141 = tpu.memref_squeeze %dma_start3A_140 : memref<1x128xi32, #tpu.memory_space<vmem>> -> memref<128xi32, #tpu.memory_space<vmem>>
      %dma_start3A_142 = tpu.memref_slice %arg2[%add3A_136] : memref<320000xi32, #tpu.memory_space<hbm>> -> memref<128xi32, #tpu.memory_space<hbm>>
      %dma_start3A_143 = tpu.memref_slice %arg11[%dma_start3A_138] : memref<12x!tpu.dma_semaphore, #tpu.memory_space<semaphore_mem>> -> memref<1x!tpu.dma_semaphore, #tpu.memory_space<semaphore_mem>>
      %dma_start3A_144 = tpu.memref_squeeze %dma_start3A_143 : memref<1x!tpu.dma_semaphore, #tpu.memory_space<semaphore_mem>> -> memref<!tpu.dma_semaphore, #tpu.memory_space<semaphore_mem>>
      %dma_start3A_145 = arith.constant 0 : i32
      %dma_start3A_146 = tpu.memref_slice %arg9[%dma_start3A_137, %dma_start3A_145] : memref<12x128xi32, #tpu.memory_space<vmem>> -> memref<1x128xi32, #tpu.memory_space<vmem>>
      %dma_start3A_147 = tpu.memref_squeeze %dma_start3A_146 : memref<1x128xi32, #tpu.memory_space<vmem>> -> memref<128xi32, #tpu.memory_space<vmem>>
      %dma_start3A_148 = tpu.memref_slice %arg2[%add3A_136] : memref<320000xi32, #tpu.memory_space<hbm>> -> memref<128xi32, #tpu.memory_space<hbm>>
      tpu.enqueue_dma source(%dma_start3A_148 : memref<128xi32, #tpu.memory_space<hbm>>) target(%dma_start3A_147 : memref<128xi32, #tpu.memory_space<vmem>>) target_semaphore(%dma_start3A_144 : memref<!tpu.dma_semaphore, #tpu.memory_space<semaphore_mem>>)
      %add3A_149 = arith.constant 1280 : i32
      %add3A_150 = arith.addi %mul3A_2, %add3A_149 : i32
      %dma_start3A_151 = arith.constant 10 : i32
      %dma_start3A_152 = arith.constant 10 : i32
      %dma_start3A_153 = arith.constant 0 : i32
      %dma_start3A_154 = tpu.memref_slice %arg9[%dma_start3A_151, %dma_start3A_153] : memref<12x128xi32, #tpu.memory_space<vmem>> -> memref<1x128xi32, #tpu.memory_space<vmem>>
      %dma_start3A_155 = tpu.memref_squeeze %dma_start3A_154 : memref<1x128xi32, #tpu.memory_space<vmem>> -> memref<128xi32, #tpu.memory_space<vmem>>
      %dma_start3A_156 = tpu.memref_slice %arg2[%add3A_150] : memref<320000xi32, #tpu.memory_space<hbm>> -> memref<128xi32, #tpu.memory_space<hbm>>
      %dma_start3A_157 = tpu.memref_slice %arg11[%dma_start3A_152] : memref<12x!tpu.dma_semaphore, #tpu.memory_space<semaphore_mem>> -> memref<1x!tpu.dma_semaphore, #tpu.memory_space<semaphore_mem>>
      %dma_start3A_158 = tpu.memref_squeeze %dma_start3A_157 : memref<1x!tpu.dma_semaphore, #tpu.memory_space<semaphore_mem>> -> memref<!tpu.dma_semaphore, #tpu.memory_space<semaphore_mem>>
      %dma_start3A_159 = arith.constant 0 : i32
      %dma_start3A_160 = tpu.memref_slice %arg9[%dma_start3A_151, %dma_start3A_159] : memref<12x128xi32, #tpu.memory_space<vmem>> -> memref<1x128xi32, #tpu.memory_space<vmem>>
      %dma_start3A_161 = tpu.memref_squeeze %dma_start3A_160 : memref<1x128xi32, #tpu.memory_space<vmem>> -> memref<128xi32, #tpu.memory_space<vmem>>
      %dma_start3A_162 = tpu.memref_slice %arg2[%add3A_150] : memref<320000xi32, #tpu.memory_space<hbm>> -> memref<128xi32, #tpu.memory_space<hbm>>
      tpu.enqueue_dma source(%dma_start3A_162 : memref<128xi32, #tpu.memory_space<hbm>>) target(%dma_start3A_161 : memref<128xi32, #tpu.memory_space<vmem>>) target_semaphore(%dma_start3A_158 : memref<!tpu.dma_semaphore, #tpu.memory_space<semaphore_mem>>)
      %add3A_163 = arith.constant 1408 : i32
      %add3A_164 = arith.addi %mul3A_2, %add3A_163 : i32
      %dma_start3A_165 = arith.constant 11 : i32
      %dma_start3A_166 = arith.constant 11 : i32
      %dma_start3A_167 = arith.constant 0 : i32
      %dma_start3A_168 = tpu.memref_slice %arg9[%dma_start3A_165, %dma_start3A_167] : memref<12x128xi32, #tpu.memory_space<vmem>> -> memref<1x128xi32, #tpu.memory_space<vmem>>
      %dma_start3A_169 = tpu.memref_squeeze %dma_start3A_168 : memref<1x128xi32, #tpu.memory_space<vmem>> -> memref<128xi32, #tpu.memory_space<vmem>>
      %dma_start3A_170 = tpu.memref_slice %arg2[%add3A_164] : memref<320000xi32, #tpu.memory_space<hbm>> -> memref<128xi32, #tpu.memory_space<hbm>>
      %dma_start3A_171 = tpu.memref_slice %arg11[%dma_start3A_166] : memref<12x!tpu.dma_semaphore, #tpu.memory_space<semaphore_mem>> -> memref<1x!tpu.dma_semaphore, #tpu.memory_space<semaphore_mem>>
      %dma_start3A_172 = tpu.memref_squeeze %dma_start3A_171 : memref<1x!tpu.dma_semaphore, #tpu.memory_space<semaphore_mem>> -> memref<!tpu.dma_semaphore, #tpu.memory_space<semaphore_mem>>
      %dma_start3A_173 = arith.constant 0 : i32
      %dma_start3A_174 = tpu.memref_slice %arg9[%dma_start3A_165, %dma_start3A_173] : memref<12x128xi32, #tpu.memory_space<vmem>> -> memref<1x128xi32, #tpu.memory_space<vmem>>
      %dma_start3A_175 = tpu.memref_squeeze %dma_start3A_174 : memref<1x128xi32, #tpu.memory_space<vmem>> -> memref<128xi32, #tpu.memory_space<vmem>>
      %dma_start3A_176 = tpu.memref_slice %arg2[%add3A_164] : memref<320000xi32, #tpu.memory_space<hbm>> -> memref<128xi32, #tpu.memory_space<hbm>>
      tpu.enqueue_dma source(%dma_start3A_176 : memref<128xi32, #tpu.memory_space<hbm>>) target(%dma_start3A_175 : memref<128xi32, #tpu.memory_space<vmem>>) target_semaphore(%dma_start3A_172 : memref<!tpu.dma_semaphore, #tpu.memory_space<semaphore_mem>>)
      %scan3A = arith.constant 0 : i32
      %scan3A_177 = arith.constant 12 : i32
      %scan3A_178 = arith.addi %scan3A, %scan3A_177 : i32
      %scan3A_179 = arith.constant 1 : i32
      scf.for %scan3A_566 = %scan3A to %scan3A_178 step %scan3A_179  : i32 {
        %mul3A_567 = arith.constant 12 : i32
        %mul3A_568 = arith.muli %scan3A_566, %mul3A_567 : i32
        %add3A_569 = arith.constant 0 : i32
        %add3A_570 = arith.addi %add3A_569, %mul3A_568 : i32
        %add3A_571 = arith.constant 0 : i32
        %add3A_572 = arith.addi %add3A_570, %add3A_571 : i32
        %mul3A_573 = arith.constant 128 : i32
        %mul3A_574 = arith.muli %add3A_572, %mul3A_573 : i32
        %add3A_575 = arith.addi %mul3A_2, %mul3A_574 : i32
        %dma_wait3A_576 = arith.constant 0 : i32
        %dma_wait3A_577 = arith.constant 0 : i32
        %dma_wait3A_578 = arith.constant 0 : i32
        %dma_wait3A_579 = tpu.memref_slice %arg9[%dma_wait3A_576, %dma_wait3A_578] : memref<12x128xi32, #tpu.memory_space<vmem>> -> memref<1x128xi32, #tpu.memory_space<vmem>>
        %dma_wait3A_580 = tpu.memref_squeeze %dma_wait3A_579 : memref<1x128xi32, #tpu.memory_space<vmem>> -> memref<128xi32, #tpu.memory_space<vmem>>
        %dma_wait3A_581 = tpu.memref_slice %arg2[%add3A_575] : memref<320000xi32, #tpu.memory_space<hbm>> -> memref<128xi32, #tpu.memory_space<hbm>>
        %dma_wait3A_582 = tpu.memref_slice %arg11[%dma_wait3A_577] : memref<12x!tpu.dma_semaphore, #tpu.memory_space<semaphore_mem>> -> memref<1x!tpu.dma_semaphore, #tpu.memory_space<semaphore_mem>>
        %dma_wait3A_583 = tpu.memref_squeeze %dma_wait3A_582 : memref<1x!tpu.dma_semaphore, #tpu.memory_space<semaphore_mem>> -> memref<!tpu.dma_semaphore, #tpu.memory_space<semaphore_mem>>
        %dma_wait3A_584 = arith.constant 0 : i32
        %dma_wait3A_585 = tpu.memref_slice %arg9[%dma_wait3A_576, %dma_wait3A_584] : memref<12x128xi32, #tpu.memory_space<vmem>> -> memref<1x128xi32, #tpu.memory_space<vmem>>
        %dma_wait3A_586 = tpu.memref_squeeze %dma_wait3A_585 : memref<1x128xi32, #tpu.memory_space<vmem>> -> memref<128xi32, #tpu.memory_space<vmem>>
        %dma_wait3A_587 = tpu.memref_slice %arg2[%add3A_575] : memref<320000xi32, #tpu.memory_space<hbm>> -> memref<128xi32, #tpu.memory_space<hbm>>
        tpu.wait_dma2 semaphore(%dma_wait3A_583 : memref<!tpu.dma_semaphore, #tpu.memory_space<semaphore_mem>>) src(%dma_wait3A_587 : memref<128xi32, #tpu.memory_space<hbm>>) dst(%dma_wait3A_586 : memref<128xi32, #tpu.memory_space<vmem>>)
        %dma_start3A_588 = arith.constant 0 : i32
        %dma_start3A_589 = arith.constant 0 : i32
        %dma_start3A_590 = arith.constant 0 : i32
        %dma_start3A_591 = tpu.memref_slice %arg9[%dma_start3A_588, %dma_start3A_590] : memref<12x128xi32, #tpu.memory_space<vmem>> -> memref<1x128xi32, #tpu.memory_space<vmem>>
        %dma_start3A_592 = tpu.memref_squeeze %dma_start3A_591 : memref<1x128xi32, #tpu.memory_space<vmem>> -> memref<128xi32, #tpu.memory_space<vmem>>
        %dma_start3A_593 = arith.constant 0 : i32
        %dma_start3A_594 = tpu.memref_slice %arg7[%dma_start3A_593] : memref<10240xf32, #tpu.memory_space<vmem_shared>> -> memref<10240xf32, #tpu.memory_space<vmem_shared>>
        %dma_start3A_595 = tpu.memref_slice %arg12[%dma_start3A_589] : memref<12x!tpu.dma_semaphore, #tpu.memory_space<semaphore_mem>> -> memref<1x!tpu.dma_semaphore, #tpu.memory_space<semaphore_mem>>
        %dma_start3A_596 = tpu.memref_squeeze %dma_start3A_595 : memref<1x!tpu.dma_semaphore, #tpu.memory_space<semaphore_mem>> -> memref<!tpu.dma_semaphore, #tpu.memory_space<semaphore_mem>>
        tpu.enqueue_indirect_dma source(%arg8 : memref<128xf32, #tpu.memory_space<vmem>>) target(%dma_start3A_594 : memref<10240xf32, #tpu.memory_space<vmem_shared>>) offsets(%dma_start3A_592 : memref<128xi32, #tpu.memory_space<vmem>>) semaphore(%dma_start3A_596 : memref<!tpu.dma_semaphore, #tpu.memory_space<semaphore_mem>>) {add = true}
        %add3A_597 = arith.constant 1 : i32
        %add3A_598 = arith.addi %add3A_570, %add3A_597 : i32
        %mul3A_599 = arith.constant 128 : i32
        %mul3A_600 = arith.muli %add3A_598, %mul3A_599 : i32
        %add3A_601 = arith.addi %mul3A_2, %mul3A_600 : i32
        %dma_wait3A_602 = arith.constant 1 : i32
        %dma_wait3A_603 = arith.constant 1 : i32
        %dma_wait3A_604 = arith.constant 0 : i32
        %dma_wait3A_605 = tpu.memref_slice %arg9[%dma_wait3A_602, %dma_wait3A_604] : memref<12x128xi32, #tpu.memory_space<vmem>> -> memref<1x128xi32, #tpu.memory_space<vmem>>
        %dma_wait3A_606 = tpu.memref_squeeze %dma_wait3A_605 : memref<1x128xi32, #tpu.memory_space<vmem>> -> memref<128xi32, #tpu.memory_space<vmem>>
        %dma_wait3A_607 = tpu.memref_slice %arg2[%add3A_601] : memref<320000xi32, #tpu.memory_space<hbm>> -> memref<128xi32, #tpu.memory_space<hbm>>
        %dma_wait3A_608 = tpu.memref_slice %arg11[%dma_wait3A_603] : memref<12x!tpu.dma_semaphore, #tpu.memory_space<semaphore_mem>> -> memref<1x!tpu.dma_semaphore, #tpu.memory_space<semaphore_mem>>
        %dma_wait3A_609 = tpu.memref_squeeze %dma_wait3A_608 : memref<1x!tpu.dma_semaphore, #tpu.memory_space<semaphore_mem>> -> memref<!tpu.dma_semaphore, #tpu.memory_space<semaphore_mem>>
        %dma_wait3A_610 = arith.constant 0 : i32
        %dma_wait3A_611 = tpu.memref_slice %arg9[%dma_wait3A_602, %dma_wait3A_610] : memref<12x128xi32, #tpu.memory_space<vmem>> -> memref<1x128xi32, #tpu.memory_space<vmem>>
        %dma_wait3A_612 = tpu.memref_squeeze %dma_wait3A_611 : memref<1x128xi32, #tpu.memory_space<vmem>> -> memref<128xi32, #tpu.memory_space<vmem>>
        %dma_wait3A_613 = tpu.memref_slice %arg2[%add3A_601] : memref<320000xi32, #tpu.memory_space<hbm>> -> memref<128xi32, #tpu.memory_space<hbm>>
        tpu.wait_dma2 semaphore(%dma_wait3A_609 : memref<!tpu.dma_semaphore, #tpu.memory_space<semaphore_mem>>) src(%dma_wait3A_613 : memref<128xi32, #tpu.memory_space<hbm>>) dst(%dma_wait3A_612 : memref<128xi32, #tpu.memory_space<vmem>>)
        %dma_start3A_614 = arith.constant 1 : i32
        %dma_start3A_615 = arith.constant 1 : i32
        %dma_start3A_616 = arith.constant 0 : i32
        %dma_start3A_617 = tpu.memref_slice %arg9[%dma_start3A_614, %dma_start3A_616] : memref<12x128xi32, #tpu.memory_space<vmem>> -> memref<1x128xi32, #tpu.memory_space<vmem>>
        %dma_start3A_618 = tpu.memref_squeeze %dma_start3A_617 : memref<1x128xi32, #tpu.memory_space<vmem>> -> memref<128xi32, #tpu.memory_space<vmem>>
        %dma_start3A_619 = arith.constant 0 : i32
        %dma_start3A_620 = tpu.memref_slice %arg7[%dma_start3A_619] : memref<10240xf32, #tpu.memory_space<vmem_shared>> -> memref<10240xf32, #tpu.memory_space<vmem_shared>>
        %dma_start3A_621 = tpu.memref_slice %arg12[%dma_start3A_615] : memref<12x!tpu.dma_semaphore, #tpu.memory_space<semaphore_mem>> -> memref<1x!tpu.dma_semaphore, #tpu.memory_space<semaphore_mem>>
        %dma_start3A_622 = tpu.memref_squeeze %dma_start3A_621 : memref<1x!tpu.dma_semaphore, #tpu.memory_space<semaphore_mem>> -> memref<!tpu.dma_semaphore, #tpu.memory_space<semaphore_mem>>
        tpu.enqueue_indirect_dma source(%arg8 : memref<128xf32, #tpu.memory_space<vmem>>) target(%dma_start3A_620 : memref<10240xf32, #tpu.memory_space<vmem_shared>>) offsets(%dma_start3A_618 : memref<128xi32, #tpu.memory_space<vmem>>) semaphore(%dma_start3A_622 : memref<!tpu.dma_semaphore, #tpu.memory_space<semaphore_mem>>) {add = true}
        %add3A_623 = arith.constant 2 : i32
        %add3A_624 = arith.addi %add3A_570, %add3A_623 : i32
        %mul3A_625 = arith.constant 128 : i32
        %mul3A_626 = arith.muli %add3A_624, %mul3A_625 : i32
        %add3A_627 = arith.addi %mul3A_2, %mul3A_626 : i32
        %dma_wait3A_628 = arith.constant 2 : i32
        %dma_wait3A_629 = arith.constant 2 : i32
        %dma_wait3A_630 = arith.constant 0 : i32
        %dma_wait3A_631 = tpu.memref_slice %arg9[%dma_wait3A_628, %dma_wait3A_630] : memref<12x128xi32, #tpu.memory_space<vmem>> -> memref<1x128xi32, #tpu.memory_space<vmem>>
        %dma_wait3A_632 = tpu.memref_squeeze %dma_wait3A_631 : memref<1x128xi32, #tpu.memory_space<vmem>> -> memref<128xi32, #tpu.memory_space<vmem>>
        %dma_wait3A_633 = tpu.memref_slice %arg2[%add3A_627] : memref<320000xi32, #tpu.memory_space<hbm>> -> memref<128xi32, #tpu.memory_space<hbm>>
        %dma_wait3A_634 = tpu.memref_slice %arg11[%dma_wait3A_629] : memref<12x!tpu.dma_semaphore, #tpu.memory_space<semaphore_mem>> -> memref<1x!tpu.dma_semaphore, #tpu.memory_space<semaphore_mem>>
        %dma_wait3A_635 = tpu.memref_squeeze %dma_wait3A_634 : memref<1x!tpu.dma_semaphore, #tpu.memory_space<semaphore_mem>> -> memref<!tpu.dma_semaphore, #tpu.memory_space<semaphore_mem>>
        %dma_wait3A_636 = arith.constant 0 : i32
        %dma_wait3A_637 = tpu.memref_slice %arg9[%dma_wait3A_628, %dma_wait3A_636] : memref<12x128xi32, #tpu.memory_space<vmem>> -> memref<1x128xi32, #tpu.memory_space<vmem>>
        %dma_wait3A_638 = tpu.memref_squeeze %dma_wait3A_637 : memref<1x128xi32, #tpu.memory_space<vmem>> -> memref<128xi32, #tpu.memory_space<vmem>>
        %dma_wait3A_639 = tpu.memref_slice %arg2[%add3A_627] : memref<320000xi32, #tpu.memory_space<hbm>> -> memref<128xi32, #tpu.memory_space<hbm>>
        tpu.wait_dma2 semaphore(%dma_wait3A_635 : memref<!tpu.dma_semaphore, #tpu.memory_space<semaphore_mem>>) src(%dma_wait3A_639 : memref<128xi32, #tpu.memory_space<hbm>>) dst(%dma_wait3A_638 : memref<128xi32, #tpu.memory_space<vmem>>)
        %dma_start3A_640 = arith.constant 2 : i32
        %dma_start3A_641 = arith.constant 2 : i32
        %dma_start3A_642 = arith.constant 0 : i32
        %dma_start3A_643 = tpu.memref_slice %arg9[%dma_start3A_640, %dma_start3A_642] : memref<12x128xi32, #tpu.memory_space<vmem>> -> memref<1x128xi32, #tpu.memory_space<vmem>>
        %dma_start3A_644 = tpu.memref_squeeze %dma_start3A_643 : memref<1x128xi32, #tpu.memory_space<vmem>> -> memref<128xi32, #tpu.memory_space<vmem>>
        %dma_start3A_645 = arith.constant 0 : i32
        %dma_start3A_646 = tpu.memref_slice %arg7[%dma_start3A_645] : memref<10240xf32, #tpu.memory_space<vmem_shared>> -> memref<10240xf32, #tpu.memory_space<vmem_shared>>
        %dma_start3A_647 = tpu.memref_slice %arg12[%dma_start3A_641] : memref<12x!tpu.dma_semaphore, #tpu.memory_space<semaphore_mem>> -> memref<1x!tpu.dma_semaphore, #tpu.memory_space<semaphore_mem>>
        %dma_start3A_648 = tpu.memref_squeeze %dma_start3A_647 : memref<1x!tpu.dma_semaphore, #tpu.memory_space<semaphore_mem>> -> memref<!tpu.dma_semaphore, #tpu.memory_space<semaphore_mem>>
        tpu.enqueue_indirect_dma source(%arg8 : memref<128xf32, #tpu.memory_space<vmem>>) target(%dma_start3A_646 : memref<10240xf32, #tpu.memory_space<vmem_shared>>) offsets(%dma_start3A_644 : memref<128xi32, #tpu.memory_space<vmem>>) semaphore(%dma_start3A_648 : memref<!tpu.dma_semaphore, #tpu.memory_space<semaphore_mem>>) {add = true}
        %add3A_649 = arith.constant 3 : i32
        %add3A_650 = arith.addi %add3A_570, %add3A_649 : i32
        %mul3A_651 = arith.constant 128 : i32
        %mul3A_652 = arith.muli %add3A_650, %mul3A_651 : i32
        %add3A_653 = arith.addi %mul3A_2, %mul3A_652 : i32
        %dma_wait3A_654 = arith.constant 3 : i32
        %dma_wait3A_655 = arith.constant 3 : i32
        %dma_wait3A_656 = arith.constant 0 : i32
        %dma_wait3A_657 = tpu.memref_slice %arg9[%dma_wait3A_654, %dma_wait3A_656] : memref<12x128xi32, #tpu.memory_space<vmem>> -> memref<1x128xi32, #tpu.memory_space<vmem>>
        %dma_wait3A_658 = tpu.memref_squeeze %dma_wait3A_657 : memref<1x128xi32, #tpu.memory_space<vmem>> -> memref<128xi32, #tpu.memory_space<vmem>>
        %dma_wait3A_659 = tpu.memref_slice %arg2[%add3A_653] : memref<320000xi32, #tpu.memory_space<hbm>> -> memref<128xi32, #tpu.memory_space<hbm>>
        %dma_wait3A_660 = tpu.memref_slice %arg11[%dma_wait3A_655] : memref<12x!tpu.dma_semaphore, #tpu.memory_space<semaphore_mem>> -> memref<1x!tpu.dma_semaphore, #tpu.memory_space<semaphore_mem>>
        %dma_wait3A_661 = tpu.memref_squeeze %dma_wait3A_660 : memref<1x!tpu.dma_semaphore, #tpu.memory_space<semaphore_mem>> -> memref<!tpu.dma_semaphore, #tpu.memory_space<semaphore_mem>>
        %dma_wait3A_662 = arith.constant 0 : i32
        %dma_wait3A_663 = tpu.memref_slice %arg9[%dma_wait3A_654, %dma_wait3A_662] : memref<12x128xi32, #tpu.memory_space<vmem>> -> memref<1x128xi32, #tpu.memory_space<vmem>>
        %dma_wait3A_664 = tpu.memref_squeeze %dma_wait3A_663 : memref<1x128xi32, #tpu.memory_space<vmem>> -> memref<128xi32, #tpu.memory_space<vmem>>
        %dma_wait3A_665 = tpu.memref_slice %arg2[%add3A_653] : memref<320000xi32, #tpu.memory_space<hbm>> -> memref<128xi32, #tpu.memory_space<hbm>>
        tpu.wait_dma2 semaphore(%dma_wait3A_661 : memref<!tpu.dma_semaphore, #tpu.memory_space<semaphore_mem>>) src(%dma_wait3A_665 : memref<128xi32, #tpu.memory_space<hbm>>) dst(%dma_wait3A_664 : memref<128xi32, #tpu.memory_space<vmem>>)
        %dma_start3A_666 = arith.constant 3 : i32
        %dma_start3A_667 = arith.constant 3 : i32
        %dma_start3A_668 = arith.constant 0 : i32
        %dma_start3A_669 = tpu.memref_slice %arg9[%dma_start3A_666, %dma_start3A_668] : memref<12x128xi32, #tpu.memory_space<vmem>> -> memref<1x128xi32, #tpu.memory_space<vmem>>
        %dma_start3A_670 = tpu.memref_squeeze %dma_start3A_669 : memref<1x128xi32, #tpu.memory_space<vmem>> -> memref<128xi32, #tpu.memory_space<vmem>>
        %dma_start3A_671 = arith.constant 0 : i32
        %dma_start3A_672 = tpu.memref_slice %arg7[%dma_start3A_671] : memref<10240xf32, #tpu.memory_space<vmem_shared>> -> memref<10240xf32, #tpu.memory_space<vmem_shared>>
        %dma_start3A_673 = tpu.memref_slice %arg12[%dma_start3A_667] : memref<12x!tpu.dma_semaphore, #tpu.memory_space<semaphore_mem>> -> memref<1x!tpu.dma_semaphore, #tpu.memory_space<semaphore_mem>>
        %dma_start3A_674 = tpu.memref_squeeze %dma_start3A_673 : memref<1x!tpu.dma_semaphore, #tpu.memory_space<semaphore_mem>> -> memref<!tpu.dma_semaphore, #tpu.memory_space<semaphore_mem>>
        tpu.enqueue_indirect_dma source(%arg8 : memref<128xf32, #tpu.memory_space<vmem>>) target(%dma_start3A_672 : memref<10240xf32, #tpu.memory_space<vmem_shared>>) offsets(%dma_start3A_670 : memref<128xi32, #tpu.memory_space<vmem>>) semaphore(%dma_start3A_674 : memref<!tpu.dma_semaphore, #tpu.memory_space<semaphore_mem>>) {add = true}
        %add3A_675 = arith.constant 4 : i32
        %add3A_676 = arith.addi %add3A_570, %add3A_675 : i32
        %mul3A_677 = arith.constant 128 : i32
        %mul3A_678 = arith.muli %add3A_676, %mul3A_677 : i32
        %add3A_679 = arith.addi %mul3A_2, %mul3A_678 : i32
        %dma_wait3A_680 = arith.constant 4 : i32
        %dma_wait3A_681 = arith.constant 4 : i32
        %dma_wait3A_682 = arith.constant 0 : i32
        %dma_wait3A_683 = tpu.memref_slice %arg9[%dma_wait3A_680, %dma_wait3A_682] : memref<12x128xi32, #tpu.memory_space<vmem>> -> memref<1x128xi32, #tpu.memory_space<vmem>>
        %dma_wait3A_684 = tpu.memref_squeeze %dma_wait3A_683 : memref<1x128xi32, #tpu.memory_space<vmem>> -> memref<128xi32, #tpu.memory_space<vmem>>
        %dma_wait3A_685 = tpu.memref_slice %arg2[%add3A_679] : memref<320000xi32, #tpu.memory_space<hbm>> -> memref<128xi32, #tpu.memory_space<hbm>>
        %dma_wait3A_686 = tpu.memref_slice %arg11[%dma_wait3A_681] : memref<12x!tpu.dma_semaphore, #tpu.memory_space<semaphore_mem>> -> memref<1x!tpu.dma_semaphore, #tpu.memory_space<semaphore_mem>>
        %dma_wait3A_687 = tpu.memref_squeeze %dma_wait3A_686 : memref<1x!tpu.dma_semaphore, #tpu.memory_space<semaphore_mem>> -> memref<!tpu.dma_semaphore, #tpu.memory_space<semaphore_mem>>
        %dma_wait3A_688 = arith.constant 0 : i32
        %dma_wait3A_689 = tpu.memref_slice %arg9[%dma_wait3A_680, %dma_wait3A_688] : memref<12x128xi32, #tpu.memory_space<vmem>> -> memref<1x128xi32, #tpu.memory_space<vmem>>
        %dma_wait3A_690 = tpu.memref_squeeze %dma_wait3A_689 : memref<1x128xi32, #tpu.memory_space<vmem>> -> memref<128xi32, #tpu.memory_space<vmem>>
        %dma_wait3A_691 = tpu.memref_slice %arg2[%add3A_679] : memref<320000xi32, #tpu.memory_space<hbm>> -> memref<128xi32, #tpu.memory_space<hbm>>
        tpu.wait_dma2 semaphore(%dma_wait3A_687 : memref<!tpu.dma_semaphore, #tpu.memory_space<semaphore_mem>>) src(%dma_wait3A_691 : memref<128xi32, #tpu.memory_space<hbm>>) dst(%dma_wait3A_690 : memref<128xi32, #tpu.memory_space<vmem>>)
        %dma_start3A_692 = arith.constant 4 : i32
        %dma_start3A_693 = arith.constant 4 : i32
        %dma_start3A_694 = arith.constant 0 : i32
        %dma_start3A_695 = tpu.memref_slice %arg9[%dma_start3A_692, %dma_start3A_694] : memref<12x128xi32, #tpu.memory_space<vmem>> -> memref<1x128xi32, #tpu.memory_space<vmem>>
        %dma_start3A_696 = tpu.memref_squeeze %dma_start3A_695 : memref<1x128xi32, #tpu.memory_space<vmem>> -> memref<128xi32, #tpu.memory_space<vmem>>
        %dma_start3A_697 = arith.constant 0 : i32
        %dma_start3A_698 = tpu.memref_slice %arg7[%dma_start3A_697] : memref<10240xf32, #tpu.memory_space<vmem_shared>> -> memref<10240xf32, #tpu.memory_space<vmem_shared>>
        %dma_start3A_699 = tpu.memref_slice %arg12[%dma_start3A_693] : memref<12x!tpu.dma_semaphore, #tpu.memory_space<semaphore_mem>> -> memref<1x!tpu.dma_semaphore, #tpu.memory_space<semaphore_mem>>
        %dma_start3A_700 = tpu.memref_squeeze %dma_start3A_699 : memref<1x!tpu.dma_semaphore, #tpu.memory_space<semaphore_mem>> -> memref<!tpu.dma_semaphore, #tpu.memory_space<semaphore_mem>>
        tpu.enqueue_indirect_dma source(%arg8 : memref<128xf32, #tpu.memory_space<vmem>>) target(%dma_start3A_698 : memref<10240xf32, #tpu.memory_space<vmem_shared>>) offsets(%dma_start3A_696 : memref<128xi32, #tpu.memory_space<vmem>>) semaphore(%dma_start3A_700 : memref<!tpu.dma_semaphore, #tpu.memory_space<semaphore_mem>>) {add = true}
        %add3A_701 = arith.constant 5 : i32
        %add3A_702 = arith.addi %add3A_570, %add3A_701 : i32
        %mul3A_703 = arith.constant 128 : i32
        %mul3A_704 = arith.muli %add3A_702, %mul3A_703 : i32
        %add3A_705 = arith.addi %mul3A_2, %mul3A_704 : i32
        %dma_wait3A_706 = arith.constant 5 : i32
        %dma_wait3A_707 = arith.constant 5 : i32
        %dma_wait3A_708 = arith.constant 0 : i32
        %dma_wait3A_709 = tpu.memref_slice %arg9[%dma_wait3A_706, %dma_wait3A_708] : memref<12x128xi32, #tpu.memory_space<vmem>> -> memref<1x128xi32, #tpu.memory_space<vmem>>
        %dma_wait3A_710 = tpu.memref_squeeze %dma_wait3A_709 : memref<1x128xi32, #tpu.memory_space<vmem>> -> memref<128xi32, #tpu.memory_space<vmem>>
        %dma_wait3A_711 = tpu.memref_slice %arg2[%add3A_705] : memref<320000xi32, #tpu.memory_space<hbm>> -> memref<128xi32, #tpu.memory_space<hbm>>
        %dma_wait3A_712 = tpu.memref_slice %arg11[%dma_wait3A_707] : memref<12x!tpu.dma_semaphore, #tpu.memory_space<semaphore_mem>> -> memref<1x!tpu.dma_semaphore, #tpu.memory_space<semaphore_mem>>
        %dma_wait3A_713 = tpu.memref_squeeze %dma_wait3A_712 : memref<1x!tpu.dma_semaphore, #tpu.memory_space<semaphore_mem>> -> memref<!tpu.dma_semaphore, #tpu.memory_space<semaphore_mem>>
        %dma_wait3A_714 = arith.constant 0 : i32
        %dma_wait3A_715 = tpu.memref_slice %arg9[%dma_wait3A_706, %dma_wait3A_714] : memref<12x128xi32, #tpu.memory_space<vmem>> -> memref<1x128xi32, #tpu.memory_space<vmem>>
        %dma_wait3A_716 = tpu.memref_squeeze %dma_wait3A_715 : memref<1x128xi32, #tpu.memory_space<vmem>> -> memref<128xi32, #tpu.memory_space<vmem>>
        %dma_wait3A_717 = tpu.memref_slice %arg2[%add3A_705] : memref<320000xi32, #tpu.memory_space<hbm>> -> memref<128xi32, #tpu.memory_space<hbm>>
        tpu.wait_dma2 semaphore(%dma_wait3A_713 : memref<!tpu.dma_semaphore, #tpu.memory_space<semaphore_mem>>) src(%dma_wait3A_717 : memref<128xi32, #tpu.memory_space<hbm>>) dst(%dma_wait3A_716 : memref<128xi32, #tpu.memory_space<vmem>>)
        %dma_start3A_718 = arith.constant 5 : i32
        %dma_start3A_719 = arith.constant 5 : i32
        %dma_start3A_720 = arith.constant 0 : i32
        %dma_start3A_721 = tpu.memref_slice %arg9[%dma_start3A_718, %dma_start3A_720] : memref<12x128xi32, #tpu.memory_space<vmem>> -> memref<1x128xi32, #tpu.memory_space<vmem>>
        %dma_start3A_722 = tpu.memref_squeeze %dma_start3A_721 : memref<1x128xi32, #tpu.memory_space<vmem>> -> memref<128xi32, #tpu.memory_space<vmem>>
        %dma_start3A_723 = arith.constant 0 : i32
        %dma_start3A_724 = tpu.memref_slice %arg7[%dma_start3A_723] : memref<10240xf32, #tpu.memory_space<vmem_shared>> -> memref<10240xf32, #tpu.memory_space<vmem_shared>>
        %dma_start3A_725 = tpu.memref_slice %arg12[%dma_start3A_719] : memref<12x!tpu.dma_semaphore, #tpu.memory_space<semaphore_mem>> -> memref<1x!tpu.dma_semaphore, #tpu.memory_space<semaphore_mem>>
        %dma_start3A_726 = tpu.memref_squeeze %dma_start3A_725 : memref<1x!tpu.dma_semaphore, #tpu.memory_space<semaphore_mem>> -> memref<!tpu.dma_semaphore, #tpu.memory_space<semaphore_mem>>
        tpu.enqueue_indirect_dma source(%arg8 : memref<128xf32, #tpu.memory_space<vmem>>) target(%dma_start3A_724 : memref<10240xf32, #tpu.memory_space<vmem_shared>>) offsets(%dma_start3A_722 : memref<128xi32, #tpu.memory_space<vmem>>) semaphore(%dma_start3A_726 : memref<!tpu.dma_semaphore, #tpu.memory_space<semaphore_mem>>) {add = true}
        %add3A_727 = arith.constant 6 : i32
        %add3A_728 = arith.addi %add3A_570, %add3A_727 : i32
        %mul3A_729 = arith.constant 128 : i32
        %mul3A_730 = arith.muli %add3A_728, %mul3A_729 : i32
        %add3A_731 = arith.addi %mul3A_2, %mul3A_730 : i32
        %dma_wait3A_732 = arith.constant 6 : i32
        %dma_wait3A_733 = arith.constant 6 : i32
        %dma_wait3A_734 = arith.constant 0 : i32
        %dma_wait3A_735 = tpu.memref_slice %arg9[%dma_wait3A_732, %dma_wait3A_734] : memref<12x128xi32, #tpu.memory_space<vmem>> -> memref<1x128xi32, #tpu.memory_space<vmem>>
        %dma_wait3A_736 = tpu.memref_squeeze %dma_wait3A_735 : memref<1x128xi32, #tpu.memory_space<vmem>> -> memref<128xi32, #tpu.memory_space<vmem>>
        %dma_wait3A_737 = tpu.memref_slice %arg2[%add3A_731] : memref<320000xi32, #tpu.memory_space<hbm>> -> memref<128xi32, #tpu.memory_space<hbm>>
        %dma_wait3A_738 = tpu.memref_slice %arg11[%dma_wait3A_733] : memref<12x!tpu.dma_semaphore, #tpu.memory_space<semaphore_mem>> -> memref<1x!tpu.dma_semaphore, #tpu.memory_space<semaphore_mem>>
        %dma_wait3A_739 = tpu.memref_squeeze %dma_wait3A_738 : memref<1x!tpu.dma_semaphore, #tpu.memory_space<semaphore_mem>> -> memref<!tpu.dma_semaphore, #tpu.memory_space<semaphore_mem>>
        %dma_wait3A_740 = arith.constant 0 : i32
        %dma_wait3A_741 = tpu.memref_slice %arg9[%dma_wait3A_732, %dma_wait3A_740] : memref<12x128xi32, #tpu.memory_space<vmem>> -> memref<1x128xi32, #tpu.memory_space<vmem>>
        %dma_wait3A_742 = tpu.memref_squeeze %dma_wait3A_741 : memref<1x128xi32, #tpu.memory_space<vmem>> -> memref<128xi32, #tpu.memory_space<vmem>>
        %dma_wait3A_743 = tpu.memref_slice %arg2[%add3A_731] : memref<320000xi32, #tpu.memory_space<hbm>> -> memref<128xi32, #tpu.memory_space<hbm>>
        tpu.wait_dma2 semaphore(%dma_wait3A_739 : memref<!tpu.dma_semaphore, #tpu.memory_space<semaphore_mem>>) src(%dma_wait3A_743 : memref<128xi32, #tpu.memory_space<hbm>>) dst(%dma_wait3A_742 : memref<128xi32, #tpu.memory_space<vmem>>)
        %dma_start3A_744 = arith.constant 6 : i32
        %dma_start3A_745 = arith.constant 6 : i32
        %dma_start3A_746 = arith.constant 0 : i32
        %dma_start3A_747 = tpu.memref_slice %arg9[%dma_start3A_744, %dma_start3A_746] : memref<12x128xi32, #tpu.memory_space<vmem>> -> memref<1x128xi32, #tpu.memory_space<vmem>>
        %dma_start3A_748 = tpu.memref_squeeze %dma_start3A_747 : memref<1x128xi32, #tpu.memory_space<vmem>> -> memref<128xi32, #tpu.memory_space<vmem>>
        %dma_start3A_749 = arith.constant 0 : i32
        %dma_start3A_750 = tpu.memref_slice %arg7[%dma_start3A_749] : memref<10240xf32, #tpu.memory_space<vmem_shared>> -> memref<10240xf32, #tpu.memory_space<vmem_shared>>
        %dma_start3A_751 = tpu.memref_slice %arg12[%dma_start3A_745] : memref<12x!tpu.dma_semaphore, #tpu.memory_space<semaphore_mem>> -> memref<1x!tpu.dma_semaphore, #tpu.memory_space<semaphore_mem>>
        %dma_start3A_752 = tpu.memref_squeeze %dma_start3A_751 : memref<1x!tpu.dma_semaphore, #tpu.memory_space<semaphore_mem>> -> memref<!tpu.dma_semaphore, #tpu.memory_space<semaphore_mem>>
        tpu.enqueue_indirect_dma source(%arg8 : memref<128xf32, #tpu.memory_space<vmem>>) target(%dma_start3A_750 : memref<10240xf32, #tpu.memory_space<vmem_shared>>) offsets(%dma_start3A_748 : memref<128xi32, #tpu.memory_space<vmem>>) semaphore(%dma_start3A_752 : memref<!tpu.dma_semaphore, #tpu.memory_space<semaphore_mem>>) {add = true}
        %add3A_753 = arith.constant 7 : i32
        %add3A_754 = arith.addi %add3A_570, %add3A_753 : i32
        %mul3A_755 = arith.constant 128 : i32
        %mul3A_756 = arith.muli %add3A_754, %mul3A_755 : i32
        %add3A_757 = arith.addi %mul3A_2, %mul3A_756 : i32
        %dma_wait3A_758 = arith.constant 7 : i32
        %dma_wait3A_759 = arith.constant 7 : i32
        %dma_wait3A_760 = arith.constant 0 : i32
        %dma_wait3A_761 = tpu.memref_slice %arg9[%dma_wait3A_758, %dma_wait3A_760] : memref<12x128xi32, #tpu.memory_space<vmem>> -> memref<1x128xi32, #tpu.memory_space<vmem>>
        %dma_wait3A_762 = tpu.memref_squeeze %dma_wait3A_761 : memref<1x128xi32, #tpu.memory_space<vmem>> -> memref<128xi32, #tpu.memory_space<vmem>>
        %dma_wait3A_763 = tpu.memref_slice %arg2[%add3A_757] : memref<320000xi32, #tpu.memory_space<hbm>> -> memref<128xi32, #tpu.memory_space<hbm>>
        %dma_wait3A_764 = tpu.memref_slice %arg11[%dma_wait3A_759] : memref<12x!tpu.dma_semaphore, #tpu.memory_space<semaphore_mem>> -> memref<1x!tpu.dma_semaphore, #tpu.memory_space<semaphore_mem>>
        %dma_wait3A_765 = tpu.memref_squeeze %dma_wait3A_764 : memref<1x!tpu.dma_semaphore, #tpu.memory_space<semaphore_mem>> -> memref<!tpu.dma_semaphore, #tpu.memory_space<semaphore_mem>>
        %dma_wait3A_766 = arith.constant 0 : i32
        %dma_wait3A_767 = tpu.memref_slice %arg9[%dma_wait3A_758, %dma_wait3A_766] : memref<12x128xi32, #tpu.memory_space<vmem>> -> memref<1x128xi32, #tpu.memory_space<vmem>>
        %dma_wait3A_768 = tpu.memref_squeeze %dma_wait3A_767 : memref<1x128xi32, #tpu.memory_space<vmem>> -> memref<128xi32, #tpu.memory_space<vmem>>
        %dma_wait3A_769 = tpu.memref_slice %arg2[%add3A_757] : memref<320000xi32, #tpu.memory_space<hbm>> -> memref<128xi32, #tpu.memory_space<hbm>>
        tpu.wait_dma2 semaphore(%dma_wait3A_765 : memref<!tpu.dma_semaphore, #tpu.memory_space<semaphore_mem>>) src(%dma_wait3A_769 : memref<128xi32, #tpu.memory_space<hbm>>) dst(%dma_wait3A_768 : memref<128xi32, #tpu.memory_space<vmem>>)
        %dma_start3A_770 = arith.constant 7 : i32
        %dma_start3A_771 = arith.constant 7 : i32
        %dma_start3A_772 = arith.constant 0 : i32
        %dma_start3A_773 = tpu.memref_slice %arg9[%dma_start3A_770, %dma_start3A_772] : memref<12x128xi32, #tpu.memory_space<vmem>> -> memref<1x128xi32, #tpu.memory_space<vmem>>
        %dma_start3A_774 = tpu.memref_squeeze %dma_start3A_773 : memref<1x128xi32, #tpu.memory_space<vmem>> -> memref<128xi32, #tpu.memory_space<vmem>>
        %dma_start3A_775 = arith.constant 0 : i32
        %dma_start3A_776 = tpu.memref_slice %arg7[%dma_start3A_775] : memref<10240xf32, #tpu.memory_space<vmem_shared>> -> memref<10240xf32, #tpu.memory_space<vmem_shared>>
        %dma_start3A_777 = tpu.memref_slice %arg12[%dma_start3A_771] : memref<12x!tpu.dma_semaphore, #tpu.memory_space<semaphore_mem>> -> memref<1x!tpu.dma_semaphore, #tpu.memory_space<semaphore_mem>>
        %dma_start3A_778 = tpu.memref_squeeze %dma_start3A_777 : memref<1x!tpu.dma_semaphore, #tpu.memory_space<semaphore_mem>> -> memref<!tpu.dma_semaphore, #tpu.memory_space<semaphore_mem>>
        tpu.enqueue_indirect_dma source(%arg8 : memref<128xf32, #tpu.memory_space<vmem>>) target(%dma_start3A_776 : memref<10240xf32, #tpu.memory_space<vmem_shared>>) offsets(%dma_start3A_774 : memref<128xi32, #tpu.memory_space<vmem>>) semaphore(%dma_start3A_778 : memref<!tpu.dma_semaphore, #tpu.memory_space<semaphore_mem>>) {add = true}
        %add3A_779 = arith.constant 8 : i32
        %add3A_780 = arith.addi %add3A_570, %add3A_779 : i32
        %mul3A_781 = arith.constant 128 : i32
        %mul3A_782 = arith.muli %add3A_780, %mul3A_781 : i32
        %add3A_783 = arith.addi %mul3A_2, %mul3A_782 : i32
        %dma_wait3A_784 = arith.constant 8 : i32
        %dma_wait3A_785 = arith.constant 8 : i32
        %dma_wait3A_786 = arith.constant 0 : i32
        %dma_wait3A_787 = tpu.memref_slice %arg9[%dma_wait3A_784, %dma_wait3A_786] : memref<12x128xi32, #tpu.memory_space<vmem>> -> memref<1x128xi32, #tpu.memory_space<vmem>>
        %dma_wait3A_788 = tpu.memref_squeeze %dma_wait3A_787 : memref<1x128xi32, #tpu.memory_space<vmem>> -> memref<128xi32, #tpu.memory_space<vmem>>
        %dma_wait3A_789 = tpu.memref_slice %arg2[%add3A_783] : memref<320000xi32, #tpu.memory_space<hbm>> -> memref<128xi32, #tpu.memory_space<hbm>>
        %dma_wait3A_790 = tpu.memref_slice %arg11[%dma_wait3A_785] : memref<12x!tpu.dma_semaphore, #tpu.memory_space<semaphore_mem>> -> memref<1x!tpu.dma_semaphore, #tpu.memory_space<semaphore_mem>>
        %dma_wait3A_791 = tpu.memref_squeeze %dma_wait3A_790 : memref<1x!tpu.dma_semaphore, #tpu.memory_space<semaphore_mem>> -> memref<!tpu.dma_semaphore, #tpu.memory_space<semaphore_mem>>
        %dma_wait3A_792 = arith.constant 0 : i32
        %dma_wait3A_793 = tpu.memref_slice %arg9[%dma_wait3A_784, %dma_wait3A_792] : memref<12x128xi32, #tpu.memory_space<vmem>> -> memref<1x128xi32, #tpu.memory_space<vmem>>
        %dma_wait3A_794 = tpu.memref_squeeze %dma_wait3A_793 : memref<1x128xi32, #tpu.memory_space<vmem>> -> memref<128xi32, #tpu.memory_space<vmem>>
        %dma_wait3A_795 = tpu.memref_slice %arg2[%add3A_783] : memref<320000xi32, #tpu.memory_space<hbm>> -> memref<128xi32, #tpu.memory_space<hbm>>
        tpu.wait_dma2 semaphore(%dma_wait3A_791 : memref<!tpu.dma_semaphore, #tpu.memory_space<semaphore_mem>>) src(%dma_wait3A_795 : memref<128xi32, #tpu.memory_space<hbm>>) dst(%dma_wait3A_794 : memref<128xi32, #tpu.memory_space<vmem>>)
        %dma_start3A_796 = arith.constant 8 : i32
        %dma_start3A_797 = arith.constant 8 : i32
        %dma_start3A_798 = arith.constant 0 : i32
        %dma_start3A_799 = tpu.memref_slice %arg9[%dma_start3A_796, %dma_start3A_798] : memref<12x128xi32, #tpu.memory_space<vmem>> -> memref<1x128xi32, #tpu.memory_space<vmem>>
        %dma_start3A_800 = tpu.memref_squeeze %dma_start3A_799 : memref<1x128xi32, #tpu.memory_space<vmem>> -> memref<128xi32, #tpu.memory_space<vmem>>
        %dma_start3A_801 = arith.constant 0 : i32
        %dma_start3A_802 = tpu.memref_slice %arg7[%dma_start3A_801] : memref<10240xf32, #tpu.memory_space<vmem_shared>> -> memref<10240xf32, #tpu.memory_space<vmem_shared>>
        %dma_start3A_803 = tpu.memref_slice %arg12[%dma_start3A_797] : memref<12x!tpu.dma_semaphore, #tpu.memory_space<semaphore_mem>> -> memref<1x!tpu.dma_semaphore, #tpu.memory_space<semaphore_mem>>
        %dma_start3A_804 = tpu.memref_squeeze %dma_start3A_803 : memref<1x!tpu.dma_semaphore, #tpu.memory_space<semaphore_mem>> -> memref<!tpu.dma_semaphore, #tpu.memory_space<semaphore_mem>>
        tpu.enqueue_indirect_dma source(%arg8 : memref<128xf32, #tpu.memory_space<vmem>>) target(%dma_start3A_802 : memref<10240xf32, #tpu.memory_space<vmem_shared>>) offsets(%dma_start3A_800 : memref<128xi32, #tpu.memory_space<vmem>>) semaphore(%dma_start3A_804 : memref<!tpu.dma_semaphore, #tpu.memory_space<semaphore_mem>>) {add = true}
        %add3A_805 = arith.constant 9 : i32
        %add3A_806 = arith.addi %add3A_570, %add3A_805 : i32
        %mul3A_807 = arith.constant 128 : i32
        %mul3A_808 = arith.muli %add3A_806, %mul3A_807 : i32
        %add3A_809 = arith.addi %mul3A_2, %mul3A_808 : i32
        %dma_wait3A_810 = arith.constant 9 : i32
        %dma_wait3A_811 = arith.constant 9 : i32
        %dma_wait3A_812 = arith.constant 0 : i32
        %dma_wait3A_813 = tpu.memref_slice %arg9[%dma_wait3A_810, %dma_wait3A_812] : memref<12x128xi32, #tpu.memory_space<vmem>> -> memref<1x128xi32, #tpu.memory_space<vmem>>
        %dma_wait3A_814 = tpu.memref_squeeze %dma_wait3A_813 : memref<1x128xi32, #tpu.memory_space<vmem>> -> memref<128xi32, #tpu.memory_space<vmem>>
        %dma_wait3A_815 = tpu.memref_slice %arg2[%add3A_809] : memref<320000xi32, #tpu.memory_space<hbm>> -> memref<128xi32, #tpu.memory_space<hbm>>
        %dma_wait3A_816 = tpu.memref_slice %arg11[%dma_wait3A_811] : memref<12x!tpu.dma_semaphore, #tpu.memory_space<semaphore_mem>> -> memref<1x!tpu.dma_semaphore, #tpu.memory_space<semaphore_mem>>
        %dma_wait3A_817 = tpu.memref_squeeze %dma_wait3A_816 : memref<1x!tpu.dma_semaphore, #tpu.memory_space<semaphore_mem>> -> memref<!tpu.dma_semaphore, #tpu.memory_space<semaphore_mem>>
        %dma_wait3A_818 = arith.constant 0 : i32
        %dma_wait3A_819 = tpu.memref_slice %arg9[%dma_wait3A_810, %dma_wait3A_818] : memref<12x128xi32, #tpu.memory_space<vmem>> -> memref<1x128xi32, #tpu.memory_space<vmem>>
        %dma_wait3A_820 = tpu.memref_squeeze %dma_wait3A_819 : memref<1x128xi32, #tpu.memory_space<vmem>> -> memref<128xi32, #tpu.memory_space<vmem>>
        %dma_wait3A_821 = tpu.memref_slice %arg2[%add3A_809] : memref<320000xi32, #tpu.memory_space<hbm>> -> memref<128xi32, #tpu.memory_space<hbm>>
        tpu.wait_dma2 semaphore(%dma_wait3A_817 : memref<!tpu.dma_semaphore, #tpu.memory_space<semaphore_mem>>) src(%dma_wait3A_821 : memref<128xi32, #tpu.memory_space<hbm>>) dst(%dma_wait3A_820 : memref<128xi32, #tpu.memory_space<vmem>>)
        %dma_start3A_822 = arith.constant 9 : i32
        %dma_start3A_823 = arith.constant 9 : i32
        %dma_start3A_824 = arith.constant 0 : i32
        %dma_start3A_825 = tpu.memref_slice %arg9[%dma_start3A_822, %dma_start3A_824] : memref<12x128xi32, #tpu.memory_space<vmem>> -> memref<1x128xi32, #tpu.memory_space<vmem>>
        %dma_start3A_826 = tpu.memref_squeeze %dma_start3A_825 : memref<1x128xi32, #tpu.memory_space<vmem>> -> memref<128xi32, #tpu.memory_space<vmem>>
        %dma_start3A_827 = arith.constant 0 : i32
        %dma_start3A_828 = tpu.memref_slice %arg7[%dma_start3A_827] : memref<10240xf32, #tpu.memory_space<vmem_shared>> -> memref<10240xf32, #tpu.memory_space<vmem_shared>>
        %dma_start3A_829 = tpu.memref_slice %arg12[%dma_start3A_823] : memref<12x!tpu.dma_semaphore, #tpu.memory_space<semaphore_mem>> -> memref<1x!tpu.dma_semaphore, #tpu.memory_space<semaphore_mem>>
        %dma_start3A_830 = tpu.memref_squeeze %dma_start3A_829 : memref<1x!tpu.dma_semaphore, #tpu.memory_space<semaphore_mem>> -> memref<!tpu.dma_semaphore, #tpu.memory_space<semaphore_mem>>
        tpu.enqueue_indirect_dma source(%arg8 : memref<128xf32, #tpu.memory_space<vmem>>) target(%dma_start3A_828 : memref<10240xf32, #tpu.memory_space<vmem_shared>>) offsets(%dma_start3A_826 : memref<128xi32, #tpu.memory_space<vmem>>) semaphore(%dma_start3A_830 : memref<!tpu.dma_semaphore, #tpu.memory_space<semaphore_mem>>) {add = true}
        %add3A_831 = arith.constant 10 : i32
        %add3A_832 = arith.addi %add3A_570, %add3A_831 : i32
        %mul3A_833 = arith.constant 128 : i32
        %mul3A_834 = arith.muli %add3A_832, %mul3A_833 : i32
        %add3A_835 = arith.addi %mul3A_2, %mul3A_834 : i32
        %dma_wait3A_836 = arith.constant 10 : i32
        %dma_wait3A_837 = arith.constant 10 : i32
        %dma_wait3A_838 = arith.constant 0 : i32
        %dma_wait3A_839 = tpu.memref_slice %arg9[%dma_wait3A_836, %dma_wait3A_838] : memref<12x128xi32, #tpu.memory_space<vmem>> -> memref<1x128xi32, #tpu.memory_space<vmem>>
        %dma_wait3A_840 = tpu.memref_squeeze %dma_wait3A_839 : memref<1x128xi32, #tpu.memory_space<vmem>> -> memref<128xi32, #tpu.memory_space<vmem>>
        %dma_wait3A_841 = tpu.memref_slice %arg2[%add3A_835] : memref<320000xi32, #tpu.memory_space<hbm>> -> memref<128xi32, #tpu.memory_space<hbm>>
        %dma_wait3A_842 = tpu.memref_slice %arg11[%dma_wait3A_837] : memref<12x!tpu.dma_semaphore, #tpu.memory_space<semaphore_mem>> -> memref<1x!tpu.dma_semaphore, #tpu.memory_space<semaphore_mem>>
        %dma_wait3A_843 = tpu.memref_squeeze %dma_wait3A_842 : memref<1x!tpu.dma_semaphore, #tpu.memory_space<semaphore_mem>> -> memref<!tpu.dma_semaphore, #tpu.memory_space<semaphore_mem>>
        %dma_wait3A_844 = arith.constant 0 : i32
        %dma_wait3A_845 = tpu.memref_slice %arg9[%dma_wait3A_836, %dma_wait3A_844] : memref<12x128xi32, #tpu.memory_space<vmem>> -> memref<1x128xi32, #tpu.memory_space<vmem>>
        %dma_wait3A_846 = tpu.memref_squeeze %dma_wait3A_845 : memref<1x128xi32, #tpu.memory_space<vmem>> -> memref<128xi32, #tpu.memory_space<vmem>>
        %dma_wait3A_847 = tpu.memref_slice %arg2[%add3A_835] : memref<320000xi32, #tpu.memory_space<hbm>> -> memref<128xi32, #tpu.memory_space<hbm>>
        tpu.wait_dma2 semaphore(%dma_wait3A_843 : memref<!tpu.dma_semaphore, #tpu.memory_space<semaphore_mem>>) src(%dma_wait3A_847 : memref<128xi32, #tpu.memory_space<hbm>>) dst(%dma_wait3A_846 : memref<128xi32, #tpu.memory_space<vmem>>)
        %dma_start3A_848 = arith.constant 10 : i32
        %dma_start3A_849 = arith.constant 10 : i32
        %dma_start3A_850 = arith.constant 0 : i32
        %dma_start3A_851 = tpu.memref_slice %arg9[%dma_start3A_848, %dma_start3A_850] : memref<12x128xi32, #tpu.memory_space<vmem>> -> memref<1x128xi32, #tpu.memory_space<vmem>>
        %dma_start3A_852 = tpu.memref_squeeze %dma_start3A_851 : memref<1x128xi32, #tpu.memory_space<vmem>> -> memref<128xi32, #tpu.memory_space<vmem>>
        %dma_start3A_853 = arith.constant 0 : i32
        %dma_start3A_854 = tpu.memref_slice %arg7[%dma_start3A_853] : memref<10240xf32, #tpu.memory_space<vmem_shared>> -> memref<10240xf32, #tpu.memory_space<vmem_shared>>
        %dma_start3A_855 = tpu.memref_slice %arg12[%dma_start3A_849] : memref<12x!tpu.dma_semaphore, #tpu.memory_space<semaphore_mem>> -> memref<1x!tpu.dma_semaphore, #tpu.memory_space<semaphore_mem>>
        %dma_start3A_856 = tpu.memref_squeeze %dma_start3A_855 : memref<1x!tpu.dma_semaphore, #tpu.memory_space<semaphore_mem>> -> memref<!tpu.dma_semaphore, #tpu.memory_space<semaphore_mem>>
        tpu.enqueue_indirect_dma source(%arg8 : memref<128xf32, #tpu.memory_space<vmem>>) target(%dma_start3A_854 : memref<10240xf32, #tpu.memory_space<vmem_shared>>) offsets(%dma_start3A_852 : memref<128xi32, #tpu.memory_space<vmem>>) semaphore(%dma_start3A_856 : memref<!tpu.dma_semaphore, #tpu.memory_space<semaphore_mem>>) {add = true}
        %add3A_857 = arith.constant 11 : i32
        %add3A_858 = arith.addi %add3A_570, %add3A_857 : i32
        %mul3A_859 = arith.constant 128 : i32
        %mul3A_860 = arith.muli %add3A_858, %mul3A_859 : i32
        %add3A_861 = arith.addi %mul3A_2, %mul3A_860 : i32
        %dma_wait3A_862 = arith.constant 11 : i32
        %dma_wait3A_863 = arith.constant 11 : i32
        %dma_wait3A_864 = arith.constant 0 : i32
        %dma_wait3A_865 = tpu.memref_slice %arg9[%dma_wait3A_862, %dma_wait3A_864] : memref<12x128xi32, #tpu.memory_space<vmem>> -> memref<1x128xi32, #tpu.memory_space<vmem>>
        %dma_wait3A_866 = tpu.memref_squeeze %dma_wait3A_865 : memref<1x128xi32, #tpu.memory_space<vmem>> -> memref<128xi32, #tpu.memory_space<vmem>>
        %dma_wait3A_867 = tpu.memref_slice %arg2[%add3A_861] : memref<320000xi32, #tpu.memory_space<hbm>> -> memref<128xi32, #tpu.memory_space<hbm>>
        %dma_wait3A_868 = tpu.memref_slice %arg11[%dma_wait3A_863] : memref<12x!tpu.dma_semaphore, #tpu.memory_space<semaphore_mem>> -> memref<1x!tpu.dma_semaphore, #tpu.memory_space<semaphore_mem>>
        %dma_wait3A_869 = tpu.memref_squeeze %dma_wait3A_868 : memref<1x!tpu.dma_semaphore, #tpu.memory_space<semaphore_mem>> -> memref<!tpu.dma_semaphore, #tpu.memory_space<semaphore_mem>>
        %dma_wait3A_870 = arith.constant 0 : i32
        %dma_wait3A_871 = tpu.memref_slice %arg9[%dma_wait3A_862, %dma_wait3A_870] : memref<12x128xi32, #tpu.memory_space<vmem>> -> memref<1x128xi32, #tpu.memory_space<vmem>>
        %dma_wait3A_872 = tpu.memref_squeeze %dma_wait3A_871 : memref<1x128xi32, #tpu.memory_space<vmem>> -> memref<128xi32, #tpu.memory_space<vmem>>
        %dma_wait3A_873 = tpu.memref_slice %arg2[%add3A_861] : memref<320000xi32, #tpu.memory_space<hbm>> -> memref<128xi32, #tpu.memory_space<hbm>>
        tpu.wait_dma2 semaphore(%dma_wait3A_869 : memref<!tpu.dma_semaphore, #tpu.memory_space<semaphore_mem>>) src(%dma_wait3A_873 : memref<128xi32, #tpu.memory_space<hbm>>) dst(%dma_wait3A_872 : memref<128xi32, #tpu.memory_space<vmem>>)
        %dma_start3A_874 = arith.constant 11 : i32
        %dma_start3A_875 = arith.constant 11 : i32
        %dma_start3A_876 = arith.constant 0 : i32
        %dma_start3A_877 = tpu.memref_slice %arg9[%dma_start3A_874, %dma_start3A_876] : memref<12x128xi32, #tpu.memory_space<vmem>> -> memref<1x128xi32, #tpu.memory_space<vmem>>
        %dma_start3A_878 = tpu.memref_squeeze %dma_start3A_877 : memref<1x128xi32, #tpu.memory_space<vmem>> -> memref<128xi32, #tpu.memory_space<vmem>>
        %dma_start3A_879 = arith.constant 0 : i32
        %dma_start3A_880 = tpu.memref_slice %arg7[%dma_start3A_879] : memref<10240xf32, #tpu.memory_space<vmem_shared>> -> memref<10240xf32, #tpu.memory_space<vmem_shared>>
        %dma_start3A_881 = tpu.memref_slice %arg12[%dma_start3A_875] : memref<12x!tpu.dma_semaphore, #tpu.memory_space<semaphore_mem>> -> memref<1x!tpu.dma_semaphore, #tpu.memory_space<semaphore_mem>>
        %dma_start3A_882 = tpu.memref_squeeze %dma_start3A_881 : memref<1x!tpu.dma_semaphore, #tpu.memory_space<semaphore_mem>> -> memref<!tpu.dma_semaphore, #tpu.memory_space<semaphore_mem>>
        tpu.enqueue_indirect_dma source(%arg8 : memref<128xf32, #tpu.memory_space<vmem>>) target(%dma_start3A_880 : memref<10240xf32, #tpu.memory_space<vmem_shared>>) offsets(%dma_start3A_878 : memref<128xi32, #tpu.memory_space<vmem>>) semaphore(%dma_start3A_882 : memref<!tpu.dma_semaphore, #tpu.memory_space<semaphore_mem>>) {add = true}
        %dma_wait3A_883 = arith.constant 0 : i32
        %dma_wait3A_884 = arith.constant 0 : i32
        %dma_wait3A_885 = arith.constant 0 : i32
        %dma_wait3A_886 = tpu.memref_slice %arg9[%dma_wait3A_883, %dma_wait3A_885] : memref<12x128xi32, #tpu.memory_space<vmem>> -> memref<1x128xi32, #tpu.memory_space<vmem>>
        %dma_wait3A_887 = tpu.memref_squeeze %dma_wait3A_886 : memref<1x128xi32, #tpu.memory_space<vmem>> -> memref<128xi32, #tpu.memory_space<vmem>>
        %dma_wait3A_888 = arith.constant 0 : i32
        %dma_wait3A_889 = tpu.memref_slice %arg7[%dma_wait3A_888] : memref<10240xf32, #tpu.memory_space<vmem_shared>> -> memref<10240xf32, #tpu.memory_space<vmem_shared>>
        %dma_wait3A_890 = tpu.memref_slice %arg12[%dma_wait3A_884] : memref<12x!tpu.dma_semaphore, #tpu.memory_space<semaphore_mem>> -> memref<1x!tpu.dma_semaphore, #tpu.memory_space<semaphore_mem>>
        %dma_wait3A_891 = tpu.memref_squeeze %dma_wait3A_890 : memref<1x!tpu.dma_semaphore, #tpu.memory_space<semaphore_mem>> -> memref<!tpu.dma_semaphore, #tpu.memory_space<semaphore_mem>>
        tpu.wait_indirect_dma semaphore(%dma_wait3A_891 : memref<!tpu.dma_semaphore, #tpu.memory_space<semaphore_mem>>) src(%arg8 : memref<128xf32, #tpu.memory_space<vmem>>) dst(%dma_wait3A_889 : memref<10240xf32, #tpu.memory_space<vmem_shared>>)
        %add3A_892 = arith.constant 0 : i32
        %add3A_893 = arith.addi %add3A_570, %add3A_892 : i32
        %add3A_894 = arith.constant 12 : i32
        %add3A_895 = arith.addi %add3A_893, %add3A_894 : i32
        %mul3A_896 = arith.constant 128 : i32
        %mul3A_897 = arith.muli %add3A_895, %mul3A_896 : i32
        %add3A_898 = arith.addi %mul3A_2, %mul3A_897 : i32
        %dma_start3A_899 = arith.constant 0 : i32
        %dma_start3A_900 = arith.constant 0 : i32
        %dma_start3A_901 = arith.constant 0 : i32
        %dma_start3A_902 = tpu.memref_slice %arg9[%dma_start3A_899, %dma_start3A_901] : memref<12x128xi32, #tpu.memory_space<vmem>> -> memref<1x128xi32, #tpu.memory_space<vmem>>
        %dma_start3A_903 = tpu.memref_squeeze %dma_start3A_902 : memref<1x128xi32, #tpu.memory_space<vmem>> -> memref<128xi32, #tpu.memory_space<vmem>>
        %dma_start3A_904 = tpu.memref_slice %arg2[%add3A_898] : memref<320000xi32, #tpu.memory_space<hbm>> -> memref<128xi32, #tpu.memory_space<hbm>>
        %dma_start3A_905 = tpu.memref_slice %arg11[%dma_start3A_900] : memref<12x!tpu.dma_semaphore, #tpu.memory_space<semaphore_mem>> -> memref<1x!tpu.dma_semaphore, #tpu.memory_space<semaphore_mem>>
        %dma_start3A_906 = tpu.memref_squeeze %dma_start3A_905 : memref<1x!tpu.dma_semaphore, #tpu.memory_space<semaphore_mem>> -> memref<!tpu.dma_semaphore, #tpu.memory_space<semaphore_mem>>
        %dma_start3A_907 = arith.constant 0 : i32
        %dma_start3A_908 = tpu.memref_slice %arg9[%dma_start3A_899, %dma_start3A_907] : memref<12x128xi32, #tpu.memory_space<vmem>> -> memref<1x128xi32, #tpu.memory_space<vmem>>
        %dma_start3A_909 = tpu.memref_squeeze %dma_start3A_908 : memref<1x128xi32, #tpu.memory_space<vmem>> -> memref<128xi32, #tpu.memory_space<vmem>>
        %dma_start3A_910 = tpu.memref_slice %arg2[%add3A_898] : memref<320000xi32, #tpu.memory_space<hbm>> -> memref<128xi32, #tpu.memory_space<hbm>>
        tpu.enqueue_dma source(%dma_start3A_910 : memref<128xi32, #tpu.memory_space<hbm>>) target(%dma_start3A_909 : memref<128xi32, #tpu.memory_space<vmem>>) target_semaphore(%dma_start3A_906 : memref<!tpu.dma_semaphore, #tpu.memory_space<semaphore_mem>>)
        %dma_wait3A_911 = arith.constant 1 : i32
        %dma_wait3A_912 = arith.constant 1 : i32
        %dma_wait3A_913 = arith.constant 0 : i32
        %dma_wait3A_914 = tpu.memref_slice %arg9[%dma_wait3A_911, %dma_wait3A_913] : memref<12x128xi32, #tpu.memory_space<vmem>> -> memref<1x128xi32, #tpu.memory_space<vmem>>
        %dma_wait3A_915 = tpu.memref_squeeze %dma_wait3A_914 : memref<1x128xi32, #tpu.memory_space<vmem>> -> memref<128xi32, #tpu.memory_space<vmem>>
        %dma_wait3A_916 = arith.constant 0 : i32
        %dma_wait3A_917 = tpu.memref_slice %arg7[%dma_wait3A_916] : memref<10240xf32, #tpu.memory_space<vmem_shared>> -> memref<10240xf32, #tpu.memory_space<vmem_shared>>
        %dma_wait3A_918 = tpu.memref_slice %arg12[%dma_wait3A_912] : memref<12x!tpu.dma_semaphore, #tpu.memory_space<semaphore_mem>> -> memref<1x!tpu.dma_semaphore, #tpu.memory_space<semaphore_mem>>
        %dma_wait3A_919 = tpu.memref_squeeze %dma_wait3A_918 : memref<1x!tpu.dma_semaphore, #tpu.memory_space<semaphore_mem>> -> memref<!tpu.dma_semaphore, #tpu.memory_space<semaphore_mem>>
        tpu.wait_indirect_dma semaphore(%dma_wait3A_919 : memref<!tpu.dma_semaphore, #tpu.memory_space<semaphore_mem>>) src(%arg8 : memref<128xf32, #tpu.memory_space<vmem>>) dst(%dma_wait3A_917 : memref<10240xf32, #tpu.memory_space<vmem_shared>>)
        %add3A_920 = arith.constant 1 : i32
        %add3A_921 = arith.addi %add3A_570, %add3A_920 : i32
        %add3A_922 = arith.constant 12 : i32
        %add3A_923 = arith.addi %add3A_921, %add3A_922 : i32
        %mul3A_924 = arith.constant 128 : i32
        %mul3A_925 = arith.muli %add3A_923, %mul3A_924 : i32
        %add3A_926 = arith.addi %mul3A_2, %mul3A_925 : i32
        %dma_start3A_927 = arith.constant 1 : i32
        %dma_start3A_928 = arith.constant 1 : i32
        %dma_start3A_929 = arith.constant 0 : i32
        %dma_start3A_930 = tpu.memref_slice %arg9[%dma_start3A_927, %dma_start3A_929] : memref<12x128xi32, #tpu.memory_space<vmem>> -> memref<1x128xi32, #tpu.memory_space<vmem>>
        %dma_start3A_931 = tpu.memref_squeeze %dma_start3A_930 : memref<1x128xi32, #tpu.memory_space<vmem>> -> memref<128xi32, #tpu.memory_space<vmem>>
        %dma_start3A_932 = tpu.memref_slice %arg2[%add3A_926] : memref<320000xi32, #tpu.memory_space<hbm>> -> memref<128xi32, #tpu.memory_space<hbm>>
        %dma_start3A_933 = tpu.memref_slice %arg11[%dma_start3A_928] : memref<12x!tpu.dma_semaphore, #tpu.memory_space<semaphore_mem>> -> memref<1x!tpu.dma_semaphore, #tpu.memory_space<semaphore_mem>>
        %dma_start3A_934 = tpu.memref_squeeze %dma_start3A_933 : memref<1x!tpu.dma_semaphore, #tpu.memory_space<semaphore_mem>> -> memref<!tpu.dma_semaphore, #tpu.memory_space<semaphore_mem>>
        %dma_start3A_935 = arith.constant 0 : i32
        %dma_start3A_936 = tpu.memref_slice %arg9[%dma_start3A_927, %dma_start3A_935] : memref<12x128xi32, #tpu.memory_space<vmem>> -> memref<1x128xi32, #tpu.memory_space<vmem>>
        %dma_start3A_937 = tpu.memref_squeeze %dma_start3A_936 : memref<1x128xi32, #tpu.memory_space<vmem>> -> memref<128xi32, #tpu.memory_space<vmem>>
        %dma_start3A_938 = tpu.memref_slice %arg2[%add3A_926] : memref<320000xi32, #tpu.memory_space<hbm>> -> memref<128xi32, #tpu.memory_space<hbm>>
        tpu.enqueue_dma source(%dma_start3A_938 : memref<128xi32, #tpu.memory_space<hbm>>) target(%dma_start3A_937 : memref<128xi32, #tpu.memory_space<vmem>>) target_semaphore(%dma_start3A_934 : memref<!tpu.dma_semaphore, #tpu.memory_space<semaphore_mem>>)
        %dma_wait3A_939 = arith.constant 2 : i32
        %dma_wait3A_940 = arith.constant 2 : i32
        %dma_wait3A_941 = arith.constant 0 : i32
        %dma_wait3A_942 = tpu.memref_slice %arg9[%dma_wait3A_939, %dma_wait3A_941] : memref<12x128xi32, #tpu.memory_space<vmem>> -> memref<1x128xi32, #tpu.memory_space<vmem>>
        %dma_wait3A_943 = tpu.memref_squeeze %dma_wait3A_942 : memref<1x128xi32, #tpu.memory_space<vmem>> -> memref<128xi32, #tpu.memory_space<vmem>>
        %dma_wait3A_944 = arith.constant 0 : i32
        %dma_wait3A_945 = tpu.memref_slice %arg7[%dma_wait3A_944] : memref<10240xf32, #tpu.memory_space<vmem_shared>> -> memref<10240xf32, #tpu.memory_space<vmem_shared>>
        %dma_wait3A_946 = tpu.memref_slice %arg12[%dma_wait3A_940] : memref<12x!tpu.dma_semaphore, #tpu.memory_space<semaphore_mem>> -> memref<1x!tpu.dma_semaphore, #tpu.memory_space<semaphore_mem>>
        %dma_wait3A_947 = tpu.memref_squeeze %dma_wait3A_946 : memref<1x!tpu.dma_semaphore, #tpu.memory_space<semaphore_mem>> -> memref<!tpu.dma_semaphore, #tpu.memory_space<semaphore_mem>>
        tpu.wait_indirect_dma semaphore(%dma_wait3A_947 : memref<!tpu.dma_semaphore, #tpu.memory_space<semaphore_mem>>) src(%arg8 : memref<128xf32, #tpu.memory_space<vmem>>) dst(%dma_wait3A_945 : memref<10240xf32, #tpu.memory_space<vmem_shared>>)
        %add3A_948 = arith.constant 2 : i32
        %add3A_949 = arith.addi %add3A_570, %add3A_948 : i32
        %add3A_950 = arith.constant 12 : i32
        %add3A_951 = arith.addi %add3A_949, %add3A_950 : i32
        %mul3A_952 = arith.constant 128 : i32
        %mul3A_953 = arith.muli %add3A_951, %mul3A_952 : i32
        %add3A_954 = arith.addi %mul3A_2, %mul3A_953 : i32
        %dma_start3A_955 = arith.constant 2 : i32
        %dma_start3A_956 = arith.constant 2 : i32
        %dma_start3A_957 = arith.constant 0 : i32
        %dma_start3A_958 = tpu.memref_slice %arg9[%dma_start3A_955, %dma_start3A_957] : memref<12x128xi32, #tpu.memory_space<vmem>> -> memref<1x128xi32, #tpu.memory_space<vmem>>
        %dma_start3A_959 = tpu.memref_squeeze %dma_start3A_958 : memref<1x128xi32, #tpu.memory_space<vmem>> -> memref<128xi32, #tpu.memory_space<vmem>>
        %dma_start3A_960 = tpu.memref_slice %arg2[%add3A_954] : memref<320000xi32, #tpu.memory_space<hbm>> -> memref<128xi32, #tpu.memory_space<hbm>>
        %dma_start3A_961 = tpu.memref_slice %arg11[%dma_start3A_956] : memref<12x!tpu.dma_semaphore, #tpu.memory_space<semaphore_mem>> -> memref<1x!tpu.dma_semaphore, #tpu.memory_space<semaphore_mem>>
        %dma_start3A_962 = tpu.memref_squeeze %dma_start3A_961 : memref<1x!tpu.dma_semaphore, #tpu.memory_space<semaphore_mem>> -> memref<!tpu.dma_semaphore, #tpu.memory_space<semaphore_mem>>
        %dma_start3A_963 = arith.constant 0 : i32
        %dma_start3A_964 = tpu.memref_slice %arg9[%dma_start3A_955, %dma_start3A_963] : memref<12x128xi32, #tpu.memory_space<vmem>> -> memref<1x128xi32, #tpu.memory_space<vmem>>
        %dma_start3A_965 = tpu.memref_squeeze %dma_start3A_964 : memref<1x128xi32, #tpu.memory_space<vmem>> -> memref<128xi32, #tpu.memory_space<vmem>>
        %dma_start3A_966 = tpu.memref_slice %arg2[%add3A_954] : memref<320000xi32, #tpu.memory_space<hbm>> -> memref<128xi32, #tpu.memory_space<hbm>>
        tpu.enqueue_dma source(%dma_start3A_966 : memref<128xi32, #tpu.memory_space<hbm>>) target(%dma_start3A_965 : memref<128xi32, #tpu.memory_space<vmem>>) target_semaphore(%dma_start3A_962 : memref<!tpu.dma_semaphore, #tpu.memory_space<semaphore_mem>>)
        %dma_wait3A_967 = arith.constant 3 : i32
        %dma_wait3A_968 = arith.constant 3 : i32
        %dma_wait3A_969 = arith.constant 0 : i32
        %dma_wait3A_970 = tpu.memref_slice %arg9[%dma_wait3A_967, %dma_wait3A_969] : memref<12x128xi32, #tpu.memory_space<vmem>> -> memref<1x128xi32, #tpu.memory_space<vmem>>
        %dma_wait3A_971 = tpu.memref_squeeze %dma_wait3A_970 : memref<1x128xi32, #tpu.memory_space<vmem>> -> memref<128xi32, #tpu.memory_space<vmem>>
        %dma_wait3A_972 = arith.constant 0 : i32
        %dma_wait3A_973 = tpu.memref_slice %arg7[%dma_wait3A_972] : memref<10240xf32, #tpu.memory_space<vmem_shared>> -> memref<10240xf32, #tpu.memory_space<vmem_shared>>
        %dma_wait3A_974 = tpu.memref_slice %arg12[%dma_wait3A_968] : memref<12x!tpu.dma_semaphore, #tpu.memory_space<semaphore_mem>> -> memref<1x!tpu.dma_semaphore, #tpu.memory_space<semaphore_mem>>
        %dma_wait3A_975 = tpu.memref_squeeze %dma_wait3A_974 : memref<1x!tpu.dma_semaphore, #tpu.memory_space<semaphore_mem>> -> memref<!tpu.dma_semaphore, #tpu.memory_space<semaphore_mem>>
        tpu.wait_indirect_dma semaphore(%dma_wait3A_975 : memref<!tpu.dma_semaphore, #tpu.memory_space<semaphore_mem>>) src(%arg8 : memref<128xf32, #tpu.memory_space<vmem>>) dst(%dma_wait3A_973 : memref<10240xf32, #tpu.memory_space<vmem_shared>>)
        %add3A_976 = arith.constant 3 : i32
        %add3A_977 = arith.addi %add3A_570, %add3A_976 : i32
        %add3A_978 = arith.constant 12 : i32
        %add3A_979 = arith.addi %add3A_977, %add3A_978 : i32
        %mul3A_980 = arith.constant 128 : i32
        %mul3A_981 = arith.muli %add3A_979, %mul3A_980 : i32
        %add3A_982 = arith.addi %mul3A_2, %mul3A_981 : i32
        %dma_start3A_983 = arith.constant 3 : i32
        %dma_start3A_984 = arith.constant 3 : i32
        %dma_start3A_985 = arith.constant 0 : i32
        %dma_start3A_986 = tpu.memref_slice %arg9[%dma_start3A_983, %dma_start3A_985] : memref<12x128xi32, #tpu.memory_space<vmem>> -> memref<1x128xi32, #tpu.memory_space<vmem>>
        %dma_start3A_987 = tpu.memref_squeeze %dma_start3A_986 : memref<1x128xi32, #tpu.memory_space<vmem>> -> memref<128xi32, #tpu.memory_space<vmem>>
        %dma_start3A_988 = tpu.memref_slice %arg2[%add3A_982] : memref<320000xi32, #tpu.memory_space<hbm>> -> memref<128xi32, #tpu.memory_space<hbm>>
        %dma_start3A_989 = tpu.memref_slice %arg11[%dma_start3A_984] : memref<12x!tpu.dma_semaphore, #tpu.memory_space<semaphore_mem>> -> memref<1x!tpu.dma_semaphore, #tpu.memory_space<semaphore_mem>>
        %dma_start3A_990 = tpu.memref_squeeze %dma_start3A_989 : memref<1x!tpu.dma_semaphore, #tpu.memory_space<semaphore_mem>> -> memref<!tpu.dma_semaphore, #tpu.memory_space<semaphore_mem>>
        %dma_start3A_991 = arith.constant 0 : i32
        %dma_start3A_992 = tpu.memref_slice %arg9[%dma_start3A_983, %dma_start3A_991] : memref<12x128xi32, #tpu.memory_space<vmem>> -> memref<1x128xi32, #tpu.memory_space<vmem>>
        %dma_start3A_993 = tpu.memref_squeeze %dma_start3A_992 : memref<1x128xi32, #tpu.memory_space<vmem>> -> memref<128xi32, #tpu.memory_space<vmem>>
        %dma_start3A_994 = tpu.memref_slice %arg2[%add3A_982] : memref<320000xi32, #tpu.memory_space<hbm>> -> memref<128xi32, #tpu.memory_space<hbm>>
        tpu.enqueue_dma source(%dma_start3A_994 : memref<128xi32, #tpu.memory_space<hbm>>) target(%dma_start3A_993 : memref<128xi32, #tpu.memory_space<vmem>>) target_semaphore(%dma_start3A_990 : memref<!tpu.dma_semaphore, #tpu.memory_space<semaphore_mem>>)
        %dma_wait3A_995 = arith.constant 4 : i32
        %dma_wait3A_996 = arith.constant 4 : i32
        %dma_wait3A_997 = arith.constant 0 : i32
        %dma_wait3A_998 = tpu.memref_slice %arg9[%dma_wait3A_995, %dma_wait3A_997] : memref<12x128xi32, #tpu.memory_space<vmem>> -> memref<1x128xi32, #tpu.memory_space<vmem>>
        %dma_wait3A_999 = tpu.memref_squeeze %dma_wait3A_998 : memref<1x128xi32, #tpu.memory_space<vmem>> -> memref<128xi32, #tpu.memory_space<vmem>>
        %dma_wait3A_1000 = arith.constant 0 : i32
        %dma_wait3A_1001 = tpu.memref_slice %arg7[%dma_wait3A_1000] : memref<10240xf32, #tpu.memory_space<vmem_shared>> -> memref<10240xf32, #tpu.memory_space<vmem_shared>>
        %dma_wait3A_1002 = tpu.memref_slice %arg12[%dma_wait3A_996] : memref<12x!tpu.dma_semaphore, #tpu.memory_space<semaphore_mem>> -> memref<1x!tpu.dma_semaphore, #tpu.memory_space<semaphore_mem>>
        %dma_wait3A_1003 = tpu.memref_squeeze %dma_wait3A_1002 : memref<1x!tpu.dma_semaphore, #tpu.memory_space<semaphore_mem>> -> memref<!tpu.dma_semaphore, #tpu.memory_space<semaphore_mem>>
        tpu.wait_indirect_dma semaphore(%dma_wait3A_1003 : memref<!tpu.dma_semaphore, #tpu.memory_space<semaphore_mem>>) src(%arg8 : memref<128xf32, #tpu.memory_space<vmem>>) dst(%dma_wait3A_1001 : memref<10240xf32, #tpu.memory_space<vmem_shared>>)
        %add3A_1004 = arith.constant 4 : i32
        %add3A_1005 = arith.addi %add3A_570, %add3A_1004 : i32
        %add3A_1006 = arith.constant 12 : i32
        %add3A_1007 = arith.addi %add3A_1005, %add3A_1006 : i32
        %mul3A_1008 = arith.constant 128 : i32
        %mul3A_1009 = arith.muli %add3A_1007, %mul3A_1008 : i32
        %add3A_1010 = arith.addi %mul3A_2, %mul3A_1009 : i32
        %dma_start3A_1011 = arith.constant 4 : i32
        %dma_start3A_1012 = arith.constant 4 : i32
        %dma_start3A_1013 = arith.constant 0 : i32
        %dma_start3A_1014 = tpu.memref_slice %arg9[%dma_start3A_1011, %dma_start3A_1013] : memref<12x128xi32, #tpu.memory_space<vmem>> -> memref<1x128xi32, #tpu.memory_space<vmem>>
        %dma_start3A_1015 = tpu.memref_squeeze %dma_start3A_1014 : memref<1x128xi32, #tpu.memory_space<vmem>> -> memref<128xi32, #tpu.memory_space<vmem>>
        %dma_start3A_1016 = tpu.memref_slice %arg2[%add3A_1010] : memref<320000xi32, #tpu.memory_space<hbm>> -> memref<128xi32, #tpu.memory_space<hbm>>
        %dma_start3A_1017 = tpu.memref_slice %arg11[%dma_start3A_1012] : memref<12x!tpu.dma_semaphore, #tpu.memory_space<semaphore_mem>> -> memref<1x!tpu.dma_semaphore, #tpu.memory_space<semaphore_mem>>
        %dma_start3A_1018 = tpu.memref_squeeze %dma_start3A_1017 : memref<1x!tpu.dma_semaphore, #tpu.memory_space<semaphore_mem>> -> memref<!tpu.dma_semaphore, #tpu.memory_space<semaphore_mem>>
        %dma_start3A_1019 = arith.constant 0 : i32
        %dma_start3A_1020 = tpu.memref_slice %arg9[%dma_start3A_1011, %dma_start3A_1019] : memref<12x128xi32, #tpu.memory_space<vmem>> -> memref<1x128xi32, #tpu.memory_space<vmem>>
        %dma_start3A_1021 = tpu.memref_squeeze %dma_start3A_1020 : memref<1x128xi32, #tpu.memory_space<vmem>> -> memref<128xi32, #tpu.memory_space<vmem>>
        %dma_start3A_1022 = tpu.memref_slice %arg2[%add3A_1010] : memref<320000xi32, #tpu.memory_space<hbm>> -> memref<128xi32, #tpu.memory_space<hbm>>
        tpu.enqueue_dma source(%dma_start3A_1022 : memref<128xi32, #tpu.memory_space<hbm>>) target(%dma_start3A_1021 : memref<128xi32, #tpu.memory_space<vmem>>) target_semaphore(%dma_start3A_1018 : memref<!tpu.dma_semaphore, #tpu.memory_space<semaphore_mem>>)
        %dma_wait3A_1023 = arith.constant 5 : i32
        %dma_wait3A_1024 = arith.constant 5 : i32
        %dma_wait3A_1025 = arith.constant 0 : i32
        %dma_wait3A_1026 = tpu.memref_slice %arg9[%dma_wait3A_1023, %dma_wait3A_1025] : memref<12x128xi32, #tpu.memory_space<vmem>> -> memref<1x128xi32, #tpu.memory_space<vmem>>
        %dma_wait3A_1027 = tpu.memref_squeeze %dma_wait3A_1026 : memref<1x128xi32, #tpu.memory_space<vmem>> -> memref<128xi32, #tpu.memory_space<vmem>>
        %dma_wait3A_1028 = arith.constant 0 : i32
        %dma_wait3A_1029 = tpu.memref_slice %arg7[%dma_wait3A_1028] : memref<10240xf32, #tpu.memory_space<vmem_shared>> -> memref<10240xf32, #tpu.memory_space<vmem_shared>>
        %dma_wait3A_1030 = tpu.memref_slice %arg12[%dma_wait3A_1024] : memref<12x!tpu.dma_semaphore, #tpu.memory_space<semaphore_mem>> -> memref<1x!tpu.dma_semaphore, #tpu.memory_space<semaphore_mem>>
        %dma_wait3A_1031 = tpu.memref_squeeze %dma_wait3A_1030 : memref<1x!tpu.dma_semaphore, #tpu.memory_space<semaphore_mem>> -> memref<!tpu.dma_semaphore, #tpu.memory_space<semaphore_mem>>
        tpu.wait_indirect_dma semaphore(%dma_wait3A_1031 : memref<!tpu.dma_semaphore, #tpu.memory_space<semaphore_mem>>) src(%arg8 : memref<128xf32, #tpu.memory_space<vmem>>) dst(%dma_wait3A_1029 : memref<10240xf32, #tpu.memory_space<vmem_shared>>)
        %add3A_1032 = arith.constant 5 : i32
        %add3A_1033 = arith.addi %add3A_570, %add3A_1032 : i32
        %add3A_1034 = arith.constant 12 : i32
        %add3A_1035 = arith.addi %add3A_1033, %add3A_1034 : i32
        %mul3A_1036 = arith.constant 128 : i32
        %mul3A_1037 = arith.muli %add3A_1035, %mul3A_1036 : i32
        %add3A_1038 = arith.addi %mul3A_2, %mul3A_1037 : i32
        %dma_start3A_1039 = arith.constant 5 : i32
        %dma_start3A_1040 = arith.constant 5 : i32
        %dma_start3A_1041 = arith.constant 0 : i32
        %dma_start3A_1042 = tpu.memref_slice %arg9[%dma_start3A_1039, %dma_start3A_1041] : memref<12x128xi32, #tpu.memory_space<vmem>> -> memref<1x128xi32, #tpu.memory_space<vmem>>
        %dma_start3A_1043 = tpu.memref_squeeze %dma_start3A_1042 : memref<1x128xi32, #tpu.memory_space<vmem>> -> memref<128xi32, #tpu.memory_space<vmem>>
        %dma_start3A_1044 = tpu.memref_slice %arg2[%add3A_1038] : memref<320000xi32, #tpu.memory_space<hbm>> -> memref<128xi32, #tpu.memory_space<hbm>>
        %dma_start3A_1045 = tpu.memref_slice %arg11[%dma_start3A_1040] : memref<12x!tpu.dma_semaphore, #tpu.memory_space<semaphore_mem>> -> memref<1x!tpu.dma_semaphore, #tpu.memory_space<semaphore_mem>>
        %dma_start3A_1046 = tpu.memref_squeeze %dma_start3A_1045 : memref<1x!tpu.dma_semaphore, #tpu.memory_space<semaphore_mem>> -> memref<!tpu.dma_semaphore, #tpu.memory_space<semaphore_mem>>
        %dma_start3A_1047 = arith.constant 0 : i32
        %dma_start3A_1048 = tpu.memref_slice %arg9[%dma_start3A_1039, %dma_start3A_1047] : memref<12x128xi32, #tpu.memory_space<vmem>> -> memref<1x128xi32, #tpu.memory_space<vmem>>
        %dma_start3A_1049 = tpu.memref_squeeze %dma_start3A_1048 : memref<1x128xi32, #tpu.memory_space<vmem>> -> memref<128xi32, #tpu.memory_space<vmem>>
        %dma_start3A_1050 = tpu.memref_slice %arg2[%add3A_1038] : memref<320000xi32, #tpu.memory_space<hbm>> -> memref<128xi32, #tpu.memory_space<hbm>>
        tpu.enqueue_dma source(%dma_start3A_1050 : memref<128xi32, #tpu.memory_space<hbm>>) target(%dma_start3A_1049 : memref<128xi32, #tpu.memory_space<vmem>>) target_semaphore(%dma_start3A_1046 : memref<!tpu.dma_semaphore, #tpu.memory_space<semaphore_mem>>)
        %dma_wait3A_1051 = arith.constant 6 : i32
        %dma_wait3A_1052 = arith.constant 6 : i32
        %dma_wait3A_1053 = arith.constant 0 : i32
        %dma_wait3A_1054 = tpu.memref_slice %arg9[%dma_wait3A_1051, %dma_wait3A_1053] : memref<12x128xi32, #tpu.memory_space<vmem>> -> memref<1x128xi32, #tpu.memory_space<vmem>>
        %dma_wait3A_1055 = tpu.memref_squeeze %dma_wait3A_1054 : memref<1x128xi32, #tpu.memory_space<vmem>> -> memref<128xi32, #tpu.memory_space<vmem>>
        %dma_wait3A_1056 = arith.constant 0 : i32
        %dma_wait3A_1057 = tpu.memref_slice %arg7[%dma_wait3A_1056] : memref<10240xf32, #tpu.memory_space<vmem_shared>> -> memref<10240xf32, #tpu.memory_space<vmem_shared>>
        %dma_wait3A_1058 = tpu.memref_slice %arg12[%dma_wait3A_1052] : memref<12x!tpu.dma_semaphore, #tpu.memory_space<semaphore_mem>> -> memref<1x!tpu.dma_semaphore, #tpu.memory_space<semaphore_mem>>
        %dma_wait3A_1059 = tpu.memref_squeeze %dma_wait3A_1058 : memref<1x!tpu.dma_semaphore, #tpu.memory_space<semaphore_mem>> -> memref<!tpu.dma_semaphore, #tpu.memory_space<semaphore_mem>>
        tpu.wait_indirect_dma semaphore(%dma_wait3A_1059 : memref<!tpu.dma_semaphore, #tpu.memory_space<semaphore_mem>>) src(%arg8 : memref<128xf32, #tpu.memory_space<vmem>>) dst(%dma_wait3A_1057 : memref<10240xf32, #tpu.memory_space<vmem_shared>>)
        %add3A_1060 = arith.constant 6 : i32
        %add3A_1061 = arith.addi %add3A_570, %add3A_1060 : i32
        %add3A_1062 = arith.constant 12 : i32
        %add3A_1063 = arith.addi %add3A_1061, %add3A_1062 : i32
        %mul3A_1064 = arith.constant 128 : i32
        %mul3A_1065 = arith.muli %add3A_1063, %mul3A_1064 : i32
        %add3A_1066 = arith.addi %mul3A_2, %mul3A_1065 : i32
        %dma_start3A_1067 = arith.constant 6 : i32
        %dma_start3A_1068 = arith.constant 6 : i32
        %dma_start3A_1069 = arith.constant 0 : i32
        %dma_start3A_1070 = tpu.memref_slice %arg9[%dma_start3A_1067, %dma_start3A_1069] : memref<12x128xi32, #tpu.memory_space<vmem>> -> memref<1x128xi32, #tpu.memory_space<vmem>>
        %dma_start3A_1071 = tpu.memref_squeeze %dma_start3A_1070 : memref<1x128xi32, #tpu.memory_space<vmem>> -> memref<128xi32, #tpu.memory_space<vmem>>
        %dma_start3A_1072 = tpu.memref_slice %arg2[%add3A_1066] : memref<320000xi32, #tpu.memory_space<hbm>> -> memref<128xi32, #tpu.memory_space<hbm>>
        %dma_start3A_1073 = tpu.memref_slice %arg11[%dma_start3A_1068] : memref<12x!tpu.dma_semaphore, #tpu.memory_space<semaphore_mem>> -> memref<1x!tpu.dma_semaphore, #tpu.memory_space<semaphore_mem>>
        %dma_start3A_1074 = tpu.memref_squeeze %dma_start3A_1073 : memref<1x!tpu.dma_semaphore, #tpu.memory_space<semaphore_mem>> -> memref<!tpu.dma_semaphore, #tpu.memory_space<semaphore_mem>>
        %dma_start3A_1075 = arith.constant 0 : i32
        %dma_start3A_1076 = tpu.memref_slice %arg9[%dma_start3A_1067, %dma_start3A_1075] : memref<12x128xi32, #tpu.memory_space<vmem>> -> memref<1x128xi32, #tpu.memory_space<vmem>>
        %dma_start3A_1077 = tpu.memref_squeeze %dma_start3A_1076 : memref<1x128xi32, #tpu.memory_space<vmem>> -> memref<128xi32, #tpu.memory_space<vmem>>
        %dma_start3A_1078 = tpu.memref_slice %arg2[%add3A_1066] : memref<320000xi32, #tpu.memory_space<hbm>> -> memref<128xi32, #tpu.memory_space<hbm>>
        tpu.enqueue_dma source(%dma_start3A_1078 : memref<128xi32, #tpu.memory_space<hbm>>) target(%dma_start3A_1077 : memref<128xi32, #tpu.memory_space<vmem>>) target_semaphore(%dma_start3A_1074 : memref<!tpu.dma_semaphore, #tpu.memory_space<semaphore_mem>>)
        %dma_wait3A_1079 = arith.constant 7 : i32
        %dma_wait3A_1080 = arith.constant 7 : i32
        %dma_wait3A_1081 = arith.constant 0 : i32
        %dma_wait3A_1082 = tpu.memref_slice %arg9[%dma_wait3A_1079, %dma_wait3A_1081] : memref<12x128xi32, #tpu.memory_space<vmem>> -> memref<1x128xi32, #tpu.memory_space<vmem>>
        %dma_wait3A_1083 = tpu.memref_squeeze %dma_wait3A_1082 : memref<1x128xi32, #tpu.memory_space<vmem>> -> memref<128xi32, #tpu.memory_space<vmem>>
        %dma_wait3A_1084 = arith.constant 0 : i32
        %dma_wait3A_1085 = tpu.memref_slice %arg7[%dma_wait3A_1084] : memref<10240xf32, #tpu.memory_space<vmem_shared>> -> memref<10240xf32, #tpu.memory_space<vmem_shared>>
        %dma_wait3A_1086 = tpu.memref_slice %arg12[%dma_wait3A_1080] : memref<12x!tpu.dma_semaphore, #tpu.memory_space<semaphore_mem>> -> memref<1x!tpu.dma_semaphore, #tpu.memory_space<semaphore_mem>>
        %dma_wait3A_1087 = tpu.memref_squeeze %dma_wait3A_1086 : memref<1x!tpu.dma_semaphore, #tpu.memory_space<semaphore_mem>> -> memref<!tpu.dma_semaphore, #tpu.memory_space<semaphore_mem>>
        tpu.wait_indirect_dma semaphore(%dma_wait3A_1087 : memref<!tpu.dma_semaphore, #tpu.memory_space<semaphore_mem>>) src(%arg8 : memref<128xf32, #tpu.memory_space<vmem>>) dst(%dma_wait3A_1085 : memref<10240xf32, #tpu.memory_space<vmem_shared>>)
        %add3A_1088 = arith.constant 7 : i32
        %add3A_1089 = arith.addi %add3A_570, %add3A_1088 : i32
        %add3A_1090 = arith.constant 12 : i32
        %add3A_1091 = arith.addi %add3A_1089, %add3A_1090 : i32
        %mul3A_1092 = arith.constant 128 : i32
        %mul3A_1093 = arith.muli %add3A_1091, %mul3A_1092 : i32
        %add3A_1094 = arith.addi %mul3A_2, %mul3A_1093 : i32
        %dma_start3A_1095 = arith.constant 7 : i32
        %dma_start3A_1096 = arith.constant 7 : i32
        %dma_start3A_1097 = arith.constant 0 : i32
        %dma_start3A_1098 = tpu.memref_slice %arg9[%dma_start3A_1095, %dma_start3A_1097] : memref<12x128xi32, #tpu.memory_space<vmem>> -> memref<1x128xi32, #tpu.memory_space<vmem>>
        %dma_start3A_1099 = tpu.memref_squeeze %dma_start3A_1098 : memref<1x128xi32, #tpu.memory_space<vmem>> -> memref<128xi32, #tpu.memory_space<vmem>>
        %dma_start3A_1100 = tpu.memref_slice %arg2[%add3A_1094] : memref<320000xi32, #tpu.memory_space<hbm>> -> memref<128xi32, #tpu.memory_space<hbm>>
        %dma_start3A_1101 = tpu.memref_slice %arg11[%dma_start3A_1096] : memref<12x!tpu.dma_semaphore, #tpu.memory_space<semaphore_mem>> -> memref<1x!tpu.dma_semaphore, #tpu.memory_space<semaphore_mem>>
        %dma_start3A_1102 = tpu.memref_squeeze %dma_start3A_1101 : memref<1x!tpu.dma_semaphore, #tpu.memory_space<semaphore_mem>> -> memref<!tpu.dma_semaphore, #tpu.memory_space<semaphore_mem>>
        %dma_start3A_1103 = arith.constant 0 : i32
        %dma_start3A_1104 = tpu.memref_slice %arg9[%dma_start3A_1095, %dma_start3A_1103] : memref<12x128xi32, #tpu.memory_space<vmem>> -> memref<1x128xi32, #tpu.memory_space<vmem>>
        %dma_start3A_1105 = tpu.memref_squeeze %dma_start3A_1104 : memref<1x128xi32, #tpu.memory_space<vmem>> -> memref<128xi32, #tpu.memory_space<vmem>>
        %dma_start3A_1106 = tpu.memref_slice %arg2[%add3A_1094] : memref<320000xi32, #tpu.memory_space<hbm>> -> memref<128xi32, #tpu.memory_space<hbm>>
        tpu.enqueue_dma source(%dma_start3A_1106 : memref<128xi32, #tpu.memory_space<hbm>>) target(%dma_start3A_1105 : memref<128xi32, #tpu.memory_space<vmem>>) target_semaphore(%dma_start3A_1102 : memref<!tpu.dma_semaphore, #tpu.memory_space<semaphore_mem>>)
        %dma_wait3A_1107 = arith.constant 8 : i32
        %dma_wait3A_1108 = arith.constant 8 : i32
        %dma_wait3A_1109 = arith.constant 0 : i32
        %dma_wait3A_1110 = tpu.memref_slice %arg9[%dma_wait3A_1107, %dma_wait3A_1109] : memref<12x128xi32, #tpu.memory_space<vmem>> -> memref<1x128xi32, #tpu.memory_space<vmem>>
        %dma_wait3A_1111 = tpu.memref_squeeze %dma_wait3A_1110 : memref<1x128xi32, #tpu.memory_space<vmem>> -> memref<128xi32, #tpu.memory_space<vmem>>
        %dma_wait3A_1112 = arith.constant 0 : i32
        %dma_wait3A_1113 = tpu.memref_slice %arg7[%dma_wait3A_1112] : memref<10240xf32, #tpu.memory_space<vmem_shared>> -> memref<10240xf32, #tpu.memory_space<vmem_shared>>
        %dma_wait3A_1114 = tpu.memref_slice %arg12[%dma_wait3A_1108] : memref<12x!tpu.dma_semaphore, #tpu.memory_space<semaphore_mem>> -> memref<1x!tpu.dma_semaphore, #tpu.memory_space<semaphore_mem>>
        %dma_wait3A_1115 = tpu.memref_squeeze %dma_wait3A_1114 : memref<1x!tpu.dma_semaphore, #tpu.memory_space<semaphore_mem>> -> memref<!tpu.dma_semaphore, #tpu.memory_space<semaphore_mem>>
        tpu.wait_indirect_dma semaphore(%dma_wait3A_1115 : memref<!tpu.dma_semaphore, #tpu.memory_space<semaphore_mem>>) src(%arg8 : memref<128xf32, #tpu.memory_space<vmem>>) dst(%dma_wait3A_1113 : memref<10240xf32, #tpu.memory_space<vmem_shared>>)
        %add3A_1116 = arith.constant 8 : i32
        %add3A_1117 = arith.addi %add3A_570, %add3A_1116 : i32
        %add3A_1118 = arith.constant 12 : i32
        %add3A_1119 = arith.addi %add3A_1117, %add3A_1118 : i32
        %mul3A_1120 = arith.constant 128 : i32
        %mul3A_1121 = arith.muli %add3A_1119, %mul3A_1120 : i32
        %add3A_1122 = arith.addi %mul3A_2, %mul3A_1121 : i32
        %dma_start3A_1123 = arith.constant 8 : i32
        %dma_start3A_1124 = arith.constant 8 : i32
        %dma_start3A_1125 = arith.constant 0 : i32
        %dma_start3A_1126 = tpu.memref_slice %arg9[%dma_start3A_1123, %dma_start3A_1125] : memref<12x128xi32, #tpu.memory_space<vmem>> -> memref<1x128xi32, #tpu.memory_space<vmem>>
        %dma_start3A_1127 = tpu.memref_squeeze %dma_start3A_1126 : memref<1x128xi32, #tpu.memory_space<vmem>> -> memref<128xi32, #tpu.memory_space<vmem>>
        %dma_start3A_1128 = tpu.memref_slice %arg2[%add3A_1122] : memref<320000xi32, #tpu.memory_space<hbm>> -> memref<128xi32, #tpu.memory_space<hbm>>
        %dma_start3A_1129 = tpu.memref_slice %arg11[%dma_start3A_1124] : memref<12x!tpu.dma_semaphore, #tpu.memory_space<semaphore_mem>> -> memref<1x!tpu.dma_semaphore, #tpu.memory_space<semaphore_mem>>
        %dma_start3A_1130 = tpu.memref_squeeze %dma_start3A_1129 : memref<1x!tpu.dma_semaphore, #tpu.memory_space<semaphore_mem>> -> memref<!tpu.dma_semaphore, #tpu.memory_space<semaphore_mem>>
        %dma_start3A_1131 = arith.constant 0 : i32
        %dma_start3A_1132 = tpu.memref_slice %arg9[%dma_start3A_1123, %dma_start3A_1131] : memref<12x128xi32, #tpu.memory_space<vmem>> -> memref<1x128xi32, #tpu.memory_space<vmem>>
        %dma_start3A_1133 = tpu.memref_squeeze %dma_start3A_1132 : memref<1x128xi32, #tpu.memory_space<vmem>> -> memref<128xi32, #tpu.memory_space<vmem>>
        %dma_start3A_1134 = tpu.memref_slice %arg2[%add3A_1122] : memref<320000xi32, #tpu.memory_space<hbm>> -> memref<128xi32, #tpu.memory_space<hbm>>
        tpu.enqueue_dma source(%dma_start3A_1134 : memref<128xi32, #tpu.memory_space<hbm>>) target(%dma_start3A_1133 : memref<128xi32, #tpu.memory_space<vmem>>) target_semaphore(%dma_start3A_1130 : memref<!tpu.dma_semaphore, #tpu.memory_space<semaphore_mem>>)
        %dma_wait3A_1135 = arith.constant 9 : i32
        %dma_wait3A_1136 = arith.constant 9 : i32
        %dma_wait3A_1137 = arith.constant 0 : i32
        %dma_wait3A_1138 = tpu.memref_slice %arg9[%dma_wait3A_1135, %dma_wait3A_1137] : memref<12x128xi32, #tpu.memory_space<vmem>> -> memref<1x128xi32, #tpu.memory_space<vmem>>
        %dma_wait3A_1139 = tpu.memref_squeeze %dma_wait3A_1138 : memref<1x128xi32, #tpu.memory_space<vmem>> -> memref<128xi32, #tpu.memory_space<vmem>>
        %dma_wait3A_1140 = arith.constant 0 : i32
        %dma_wait3A_1141 = tpu.memref_slice %arg7[%dma_wait3A_1140] : memref<10240xf32, #tpu.memory_space<vmem_shared>> -> memref<10240xf32, #tpu.memory_space<vmem_shared>>
        %dma_wait3A_1142 = tpu.memref_slice %arg12[%dma_wait3A_1136] : memref<12x!tpu.dma_semaphore, #tpu.memory_space<semaphore_mem>> -> memref<1x!tpu.dma_semaphore, #tpu.memory_space<semaphore_mem>>
        %dma_wait3A_1143 = tpu.memref_squeeze %dma_wait3A_1142 : memref<1x!tpu.dma_semaphore, #tpu.memory_space<semaphore_mem>> -> memref<!tpu.dma_semaphore, #tpu.memory_space<semaphore_mem>>
        tpu.wait_indirect_dma semaphore(%dma_wait3A_1143 : memref<!tpu.dma_semaphore, #tpu.memory_space<semaphore_mem>>) src(%arg8 : memref<128xf32, #tpu.memory_space<vmem>>) dst(%dma_wait3A_1141 : memref<10240xf32, #tpu.memory_space<vmem_shared>>)
        %add3A_1144 = arith.constant 9 : i32
        %add3A_1145 = arith.addi %add3A_570, %add3A_1144 : i32
        %add3A_1146 = arith.constant 12 : i32
        %add3A_1147 = arith.addi %add3A_1145, %add3A_1146 : i32
        %mul3A_1148 = arith.constant 128 : i32
        %mul3A_1149 = arith.muli %add3A_1147, %mul3A_1148 : i32
        %add3A_1150 = arith.addi %mul3A_2, %mul3A_1149 : i32
        %dma_start3A_1151 = arith.constant 9 : i32
        %dma_start3A_1152 = arith.constant 9 : i32
        %dma_start3A_1153 = arith.constant 0 : i32
        %dma_start3A_1154 = tpu.memref_slice %arg9[%dma_start3A_1151, %dma_start3A_1153] : memref<12x128xi32, #tpu.memory_space<vmem>> -> memref<1x128xi32, #tpu.memory_space<vmem>>
        %dma_start3A_1155 = tpu.memref_squeeze %dma_start3A_1154 : memref<1x128xi32, #tpu.memory_space<vmem>> -> memref<128xi32, #tpu.memory_space<vmem>>
        %dma_start3A_1156 = tpu.memref_slice %arg2[%add3A_1150] : memref<320000xi32, #tpu.memory_space<hbm>> -> memref<128xi32, #tpu.memory_space<hbm>>
        %dma_start3A_1157 = tpu.memref_slice %arg11[%dma_start3A_1152] : memref<12x!tpu.dma_semaphore, #tpu.memory_space<semaphore_mem>> -> memref<1x!tpu.dma_semaphore, #tpu.memory_space<semaphore_mem>>
        %dma_start3A_1158 = tpu.memref_squeeze %dma_start3A_1157 : memref<1x!tpu.dma_semaphore, #tpu.memory_space<semaphore_mem>> -> memref<!tpu.dma_semaphore, #tpu.memory_space<semaphore_mem>>
        %dma_start3A_1159 = arith.constant 0 : i32
        %dma_start3A_1160 = tpu.memref_slice %arg9[%dma_start3A_1151, %dma_start3A_1159] : memref<12x128xi32, #tpu.memory_space<vmem>> -> memref<1x128xi32, #tpu.memory_space<vmem>>
        %dma_start3A_1161 = tpu.memref_squeeze %dma_start3A_1160 : memref<1x128xi32, #tpu.memory_space<vmem>> -> memref<128xi32, #tpu.memory_space<vmem>>
        %dma_start3A_1162 = tpu.memref_slice %arg2[%add3A_1150] : memref<320000xi32, #tpu.memory_space<hbm>> -> memref<128xi32, #tpu.memory_space<hbm>>
        tpu.enqueue_dma source(%dma_start3A_1162 : memref<128xi32, #tpu.memory_space<hbm>>) target(%dma_start3A_1161 : memref<128xi32, #tpu.memory_space<vmem>>) target_semaphore(%dma_start3A_1158 : memref<!tpu.dma_semaphore, #tpu.memory_space<semaphore_mem>>)
        %dma_wait3A_1163 = arith.constant 10 : i32
        %dma_wait3A_1164 = arith.constant 10 : i32
        %dma_wait3A_1165 = arith.constant 0 : i32
        %dma_wait3A_1166 = tpu.memref_slice %arg9[%dma_wait3A_1163, %dma_wait3A_1165] : memref<12x128xi32, #tpu.memory_space<vmem>> -> memref<1x128xi32, #tpu.memory_space<vmem>>
        %dma_wait3A_1167 = tpu.memref_squeeze %dma_wait3A_1166 : memref<1x128xi32, #tpu.memory_space<vmem>> -> memref<128xi32, #tpu.memory_space<vmem>>
        %dma_wait3A_1168 = arith.constant 0 : i32
        %dma_wait3A_1169 = tpu.memref_slice %arg7[%dma_wait3A_1168] : memref<10240xf32, #tpu.memory_space<vmem_shared>> -> memref<10240xf32, #tpu.memory_space<vmem_shared>>
        %dma_wait3A_1170 = tpu.memref_slice %arg12[%dma_wait3A_1164] : memref<12x!tpu.dma_semaphore, #tpu.memory_space<semaphore_mem>> -> memref<1x!tpu.dma_semaphore, #tpu.memory_space<semaphore_mem>>
        %dma_wait3A_1171 = tpu.memref_squeeze %dma_wait3A_1170 : memref<1x!tpu.dma_semaphore, #tpu.memory_space<semaphore_mem>> -> memref<!tpu.dma_semaphore, #tpu.memory_space<semaphore_mem>>
        tpu.wait_indirect_dma semaphore(%dma_wait3A_1171 : memref<!tpu.dma_semaphore, #tpu.memory_space<semaphore_mem>>) src(%arg8 : memref<128xf32, #tpu.memory_space<vmem>>) dst(%dma_wait3A_1169 : memref<10240xf32, #tpu.memory_space<vmem_shared>>)
        %add3A_1172 = arith.constant 10 : i32
        %add3A_1173 = arith.addi %add3A_570, %add3A_1172 : i32
        %add3A_1174 = arith.constant 12 : i32
        %add3A_1175 = arith.addi %add3A_1173, %add3A_1174 : i32
        %mul3A_1176 = arith.constant 128 : i32
        %mul3A_1177 = arith.muli %add3A_1175, %mul3A_1176 : i32
        %add3A_1178 = arith.addi %mul3A_2, %mul3A_1177 : i32
        %dma_start3A_1179 = arith.constant 10 : i32
        %dma_start3A_1180 = arith.constant 10 : i32
        %dma_start3A_1181 = arith.constant 0 : i32
        %dma_start3A_1182 = tpu.memref_slice %arg9[%dma_start3A_1179, %dma_start3A_1181] : memref<12x128xi32, #tpu.memory_space<vmem>> -> memref<1x128xi32, #tpu.memory_space<vmem>>
        %dma_start3A_1183 = tpu.memref_squeeze %dma_start3A_1182 : memref<1x128xi32, #tpu.memory_space<vmem>> -> memref<128xi32, #tpu.memory_space<vmem>>
        %dma_start3A_1184 = tpu.memref_slice %arg2[%add3A_1178] : memref<320000xi32, #tpu.memory_space<hbm>> -> memref<128xi32, #tpu.memory_space<hbm>>
        %dma_start3A_1185 = tpu.memref_slice %arg11[%dma_start3A_1180] : memref<12x!tpu.dma_semaphore, #tpu.memory_space<semaphore_mem>> -> memref<1x!tpu.dma_semaphore, #tpu.memory_space<semaphore_mem>>
        %dma_start3A_1186 = tpu.memref_squeeze %dma_start3A_1185 : memref<1x!tpu.dma_semaphore, #tpu.memory_space<semaphore_mem>> -> memref<!tpu.dma_semaphore, #tpu.memory_space<semaphore_mem>>
        %dma_start3A_1187 = arith.constant 0 : i32
        %dma_start3A_1188 = tpu.memref_slice %arg9[%dma_start3A_1179, %dma_start3A_1187] : memref<12x128xi32, #tpu.memory_space<vmem>> -> memref<1x128xi32, #tpu.memory_space<vmem>>
        %dma_start3A_1189 = tpu.memref_squeeze %dma_start3A_1188 : memref<1x128xi32, #tpu.memory_space<vmem>> -> memref<128xi32, #tpu.memory_space<vmem>>
        %dma_start3A_1190 = tpu.memref_slice %arg2[%add3A_1178] : memref<320000xi32, #tpu.memory_space<hbm>> -> memref<128xi32, #tpu.memory_space<hbm>>
        tpu.enqueue_dma source(%dma_start3A_1190 : memref<128xi32, #tpu.memory_space<hbm>>) target(%dma_start3A_1189 : memref<128xi32, #tpu.memory_space<vmem>>) target_semaphore(%dma_start3A_1186 : memref<!tpu.dma_semaphore, #tpu.memory_space<semaphore_mem>>)
        %dma_wait3A_1191 = arith.constant 11 : i32
        %dma_wait3A_1192 = arith.constant 11 : i32
        %dma_wait3A_1193 = arith.constant 0 : i32
        %dma_wait3A_1194 = tpu.memref_slice %arg9[%dma_wait3A_1191, %dma_wait3A_1193] : memref<12x128xi32, #tpu.memory_space<vmem>> -> memref<1x128xi32, #tpu.memory_space<vmem>>
        %dma_wait3A_1195 = tpu.memref_squeeze %dma_wait3A_1194 : memref<1x128xi32, #tpu.memory_space<vmem>> -> memref<128xi32, #tpu.memory_space<vmem>>
        %dma_wait3A_1196 = arith.constant 0 : i32
        %dma_wait3A_1197 = tpu.memref_slice %arg7[%dma_wait3A_1196] : memref<10240xf32, #tpu.memory_space<vmem_shared>> -> memref<10240xf32, #tpu.memory_space<vmem_shared>>
        %dma_wait3A_1198 = tpu.memref_slice %arg12[%dma_wait3A_1192] : memref<12x!tpu.dma_semaphore, #tpu.memory_space<semaphore_mem>> -> memref<1x!tpu.dma_semaphore, #tpu.memory_space<semaphore_mem>>
        %dma_wait3A_1199 = tpu.memref_squeeze %dma_wait3A_1198 : memref<1x!tpu.dma_semaphore, #tpu.memory_space<semaphore_mem>> -> memref<!tpu.dma_semaphore, #tpu.memory_space<semaphore_mem>>
        tpu.wait_indirect_dma semaphore(%dma_wait3A_1199 : memref<!tpu.dma_semaphore, #tpu.memory_space<semaphore_mem>>) src(%arg8 : memref<128xf32, #tpu.memory_space<vmem>>) dst(%dma_wait3A_1197 : memref<10240xf32, #tpu.memory_space<vmem_shared>>)
        %add3A_1200 = arith.constant 11 : i32
        %add3A_1201 = arith.addi %add3A_570, %add3A_1200 : i32
        %add3A_1202 = arith.constant 12 : i32
        %add3A_1203 = arith.addi %add3A_1201, %add3A_1202 : i32
        %mul3A_1204 = arith.constant 128 : i32
        %mul3A_1205 = arith.muli %add3A_1203, %mul3A_1204 : i32
        %add3A_1206 = arith.addi %mul3A_2, %mul3A_1205 : i32
        %dma_start3A_1207 = arith.constant 11 : i32
        %dma_start3A_1208 = arith.constant 11 : i32
        %dma_start3A_1209 = arith.constant 0 : i32
        %dma_start3A_1210 = tpu.memref_slice %arg9[%dma_start3A_1207, %dma_start3A_1209] : memref<12x128xi32, #tpu.memory_space<vmem>> -> memref<1x128xi32, #tpu.memory_space<vmem>>
        %dma_start3A_1211 = tpu.memref_squeeze %dma_start3A_1210 : memref<1x128xi32, #tpu.memory_space<vmem>> -> memref<128xi32, #tpu.memory_space<vmem>>
        %dma_start3A_1212 = tpu.memref_slice %arg2[%add3A_1206] : memref<320000xi32, #tpu.memory_space<hbm>> -> memref<128xi32, #tpu.memory_space<hbm>>
        %dma_start3A_1213 = tpu.memref_slice %arg11[%dma_start3A_1208] : memref<12x!tpu.dma_semaphore, #tpu.memory_space<semaphore_mem>> -> memref<1x!tpu.dma_semaphore, #tpu.memory_space<semaphore_mem>>
        %dma_start3A_1214 = tpu.memref_squeeze %dma_start3A_1213 : memref<1x!tpu.dma_semaphore, #tpu.memory_space<semaphore_mem>> -> memref<!tpu.dma_semaphore, #tpu.memory_space<semaphore_mem>>
        %dma_start3A_1215 = arith.constant 0 : i32
        %dma_start3A_1216 = tpu.memref_slice %arg9[%dma_start3A_1207, %dma_start3A_1215] : memref<12x128xi32, #tpu.memory_space<vmem>> -> memref<1x128xi32, #tpu.memory_space<vmem>>
        %dma_start3A_1217 = tpu.memref_squeeze %dma_start3A_1216 : memref<1x128xi32, #tpu.memory_space<vmem>> -> memref<128xi32, #tpu.memory_space<vmem>>
        %dma_start3A_1218 = tpu.memref_slice %arg2[%add3A_1206] : memref<320000xi32, #tpu.memory_space<hbm>> -> memref<128xi32, #tpu.memory_space<hbm>>
        tpu.enqueue_dma source(%dma_start3A_1218 : memref<128xi32, #tpu.memory_space<hbm>>) target(%dma_start3A_1217 : memref<128xi32, #tpu.memory_space<vmem>>) target_semaphore(%dma_start3A_1214 : memref<!tpu.dma_semaphore, #tpu.memory_space<semaphore_mem>>)
      }
      %scan3A_180 = arith.constant 12 : i32
      %add3A_181 = arith.constant 18432 : i32
      %add3A_182 = arith.addi %mul3A_2, %add3A_181 : i32
      %dma_wait3A = arith.constant 0 : i32
      %dma_wait3A_183 = arith.constant 0 : i32
      %dma_wait3A_184 = arith.constant 0 : i32
      %dma_wait3A_185 = tpu.memref_slice %arg9[%dma_wait3A, %dma_wait3A_184] : memref<12x128xi32, #tpu.memory_space<vmem>> -> memref<1x128xi32, #tpu.memory_space<vmem>>
      %dma_wait3A_186 = tpu.memref_squeeze %dma_wait3A_185 : memref<1x128xi32, #tpu.memory_space<vmem>> -> memref<128xi32, #tpu.memory_space<vmem>>
      %dma_wait3A_187 = tpu.memref_slice %arg2[%add3A_182] : memref<320000xi32, #tpu.memory_space<hbm>> -> memref<128xi32, #tpu.memory_space<hbm>>
      %dma_wait3A_188 = tpu.memref_slice %arg11[%dma_wait3A_183] : memref<12x!tpu.dma_semaphore, #tpu.memory_space<semaphore_mem>> -> memref<1x!tpu.dma_semaphore, #tpu.memory_space<semaphore_mem>>
      %dma_wait3A_189 = tpu.memref_squeeze %dma_wait3A_188 : memref<1x!tpu.dma_semaphore, #tpu.memory_space<semaphore_mem>> -> memref<!tpu.dma_semaphore, #tpu.memory_space<semaphore_mem>>
      %dma_wait3A_190 = arith.constant 0 : i32
      %dma_wait3A_191 = tpu.memref_slice %arg9[%dma_wait3A, %dma_wait3A_190] : memref<12x128xi32, #tpu.memory_space<vmem>> -> memref<1x128xi32, #tpu.memory_space<vmem>>
      %dma_wait3A_192 = tpu.memref_squeeze %dma_wait3A_191 : memref<1x128xi32, #tpu.memory_space<vmem>> -> memref<128xi32, #tpu.memory_space<vmem>>
      %dma_wait3A_193 = tpu.memref_slice %arg2[%add3A_182] : memref<320000xi32, #tpu.memory_space<hbm>> -> memref<128xi32, #tpu.memory_space<hbm>>
      tpu.wait_dma2 semaphore(%dma_wait3A_189 : memref<!tpu.dma_semaphore, #tpu.memory_space<semaphore_mem>>) src(%dma_wait3A_193 : memref<128xi32, #tpu.memory_space<hbm>>) dst(%dma_wait3A_192 : memref<128xi32, #tpu.memory_space<vmem>>)
      %dma_start3A_194 = arith.constant 0 : i32
      %dma_start3A_195 = arith.constant 0 : i32
      %dma_start3A_196 = arith.constant 0 : i32
      %dma_start3A_197 = tpu.memref_slice %arg9[%dma_start3A_194, %dma_start3A_196] : memref<12x128xi32, #tpu.memory_space<vmem>> -> memref<1x128xi32, #tpu.memory_space<vmem>>
      %dma_start3A_198 = tpu.memref_squeeze %dma_start3A_197 : memref<1x128xi32, #tpu.memory_space<vmem>> -> memref<128xi32, #tpu.memory_space<vmem>>
      %dma_start3A_199 = arith.constant 0 : i32
      %dma_start3A_200 = tpu.memref_slice %arg7[%dma_start3A_199] : memref<10240xf32, #tpu.memory_space<vmem_shared>> -> memref<10240xf32, #tpu.memory_space<vmem_shared>>
      %dma_start3A_201 = tpu.memref_slice %arg12[%dma_start3A_195] : memref<12x!tpu.dma_semaphore, #tpu.memory_space<semaphore_mem>> -> memref<1x!tpu.dma_semaphore, #tpu.memory_space<semaphore_mem>>
      %dma_start3A_202 = tpu.memref_squeeze %dma_start3A_201 : memref<1x!tpu.dma_semaphore, #tpu.memory_space<semaphore_mem>> -> memref<!tpu.dma_semaphore, #tpu.memory_space<semaphore_mem>>
      tpu.enqueue_indirect_dma source(%arg8 : memref<128xf32, #tpu.memory_space<vmem>>) target(%dma_start3A_200 : memref<10240xf32, #tpu.memory_space<vmem_shared>>) offsets(%dma_start3A_198 : memref<128xi32, #tpu.memory_space<vmem>>) semaphore(%dma_start3A_202 : memref<!tpu.dma_semaphore, #tpu.memory_space<semaphore_mem>>) {add = true}
      %add3A_203 = arith.constant 18560 : i32
      %add3A_204 = arith.addi %mul3A_2, %add3A_203 : i32
      %dma_wait3A_205 = arith.constant 1 : i32
      %dma_wait3A_206 = arith.constant 1 : i32
      %dma_wait3A_207 = arith.constant 0 : i32
      %dma_wait3A_208 = tpu.memref_slice %arg9[%dma_wait3A_205, %dma_wait3A_207] : memref<12x128xi32, #tpu.memory_space<vmem>> -> memref<1x128xi32, #tpu.memory_space<vmem>>
      %dma_wait3A_209 = tpu.memref_squeeze %dma_wait3A_208 : memref<1x128xi32, #tpu.memory_space<vmem>> -> memref<128xi32, #tpu.memory_space<vmem>>
      %dma_wait3A_210 = tpu.memref_slice %arg2[%add3A_204] : memref<320000xi32, #tpu.memory_space<hbm>> -> memref<128xi32, #tpu.memory_space<hbm>>
      %dma_wait3A_211 = tpu.memref_slice %arg11[%dma_wait3A_206] : memref<12x!tpu.dma_semaphore, #tpu.memory_space<semaphore_mem>> -> memref<1x!tpu.dma_semaphore, #tpu.memory_space<semaphore_mem>>
      %dma_wait3A_212 = tpu.memref_squeeze %dma_wait3A_211 : memref<1x!tpu.dma_semaphore, #tpu.memory_space<semaphore_mem>> -> memref<!tpu.dma_semaphore, #tpu.memory_space<semaphore_mem>>
      %dma_wait3A_213 = arith.constant 0 : i32
      %dma_wait3A_214 = tpu.memref_slice %arg9[%dma_wait3A_205, %dma_wait3A_213] : memref<12x128xi32, #tpu.memory_space<vmem>> -> memref<1x128xi32, #tpu.memory_space<vmem>>
      %dma_wait3A_215 = tpu.memref_squeeze %dma_wait3A_214 : memref<1x128xi32, #tpu.memory_space<vmem>> -> memref<128xi32, #tpu.memory_space<vmem>>
      %dma_wait3A_216 = tpu.memref_slice %arg2[%add3A_204] : memref<320000xi32, #tpu.memory_space<hbm>> -> memref<128xi32, #tpu.memory_space<hbm>>
      tpu.wait_dma2 semaphore(%dma_wait3A_212 : memref<!tpu.dma_semaphore, #tpu.memory_space<semaphore_mem>>) src(%dma_wait3A_216 : memref<128xi32, #tpu.memory_space<hbm>>) dst(%dma_wait3A_215 : memref<128xi32, #tpu.memory_space<vmem>>)
      %dma_start3A_217 = arith.constant 1 : i32
      %dma_start3A_218 = arith.constant 1 : i32
      %dma_start3A_219 = arith.constant 0 : i32
      %dma_start3A_220 = tpu.memref_slice %arg9[%dma_start3A_217, %dma_start3A_219] : memref<12x128xi32, #tpu.memory_space<vmem>> -> memref<1x128xi32, #tpu.memory_space<vmem>>
      %dma_start3A_221 = tpu.memref_squeeze %dma_start3A_220 : memref<1x128xi32, #tpu.memory_space<vmem>> -> memref<128xi32, #tpu.memory_space<vmem>>
      %dma_start3A_222 = arith.constant 0 : i32
      %dma_start3A_223 = tpu.memref_slice %arg7[%dma_start3A_222] : memref<10240xf32, #tpu.memory_space<vmem_shared>> -> memref<10240xf32, #tpu.memory_space<vmem_shared>>
      %dma_start3A_224 = tpu.memref_slice %arg12[%dma_start3A_218] : memref<12x!tpu.dma_semaphore, #tpu.memory_space<semaphore_mem>> -> memref<1x!tpu.dma_semaphore, #tpu.memory_space<semaphore_mem>>
      %dma_start3A_225 = tpu.memref_squeeze %dma_start3A_224 : memref<1x!tpu.dma_semaphore, #tpu.memory_space<semaphore_mem>> -> memref<!tpu.dma_semaphore, #tpu.memory_space<semaphore_mem>>
      tpu.enqueue_indirect_dma source(%arg8 : memref<128xf32, #tpu.memory_space<vmem>>) target(%dma_start3A_223 : memref<10240xf32, #tpu.memory_space<vmem_shared>>) offsets(%dma_start3A_221 : memref<128xi32, #tpu.memory_space<vmem>>) semaphore(%dma_start3A_225 : memref<!tpu.dma_semaphore, #tpu.memory_space<semaphore_mem>>) {add = true}
      %add3A_226 = arith.constant 18688 : i32
      %add3A_227 = arith.addi %mul3A_2, %add3A_226 : i32
      %dma_wait3A_228 = arith.constant 2 : i32
      %dma_wait3A_229 = arith.constant 2 : i32
      %dma_wait3A_230 = arith.constant 0 : i32
      %dma_wait3A_231 = tpu.memref_slice %arg9[%dma_wait3A_228, %dma_wait3A_230] : memref<12x128xi32, #tpu.memory_space<vmem>> -> memref<1x128xi32, #tpu.memory_space<vmem>>
      %dma_wait3A_232 = tpu.memref_squeeze %dma_wait3A_231 : memref<1x128xi32, #tpu.memory_space<vmem>> -> memref<128xi32, #tpu.memory_space<vmem>>
      %dma_wait3A_233 = tpu.memref_slice %arg2[%add3A_227] : memref<320000xi32, #tpu.memory_space<hbm>> -> memref<128xi32, #tpu.memory_space<hbm>>
      %dma_wait3A_234 = tpu.memref_slice %arg11[%dma_wait3A_229] : memref<12x!tpu.dma_semaphore, #tpu.memory_space<semaphore_mem>> -> memref<1x!tpu.dma_semaphore, #tpu.memory_space<semaphore_mem>>
      %dma_wait3A_235 = tpu.memref_squeeze %dma_wait3A_234 : memref<1x!tpu.dma_semaphore, #tpu.memory_space<semaphore_mem>> -> memref<!tpu.dma_semaphore, #tpu.memory_space<semaphore_mem>>
      %dma_wait3A_236 = arith.constant 0 : i32
      %dma_wait3A_237 = tpu.memref_slice %arg9[%dma_wait3A_228, %dma_wait3A_236] : memref<12x128xi32, #tpu.memory_space<vmem>> -> memref<1x128xi32, #tpu.memory_space<vmem>>
      %dma_wait3A_238 = tpu.memref_squeeze %dma_wait3A_237 : memref<1x128xi32, #tpu.memory_space<vmem>> -> memref<128xi32, #tpu.memory_space<vmem>>
      %dma_wait3A_239 = tpu.memref_slice %arg2[%add3A_227] : memref<320000xi32, #tpu.memory_space<hbm>> -> memref<128xi32, #tpu.memory_space<hbm>>
      tpu.wait_dma2 semaphore(%dma_wait3A_235 : memref<!tpu.dma_semaphore, #tpu.memory_space<semaphore_mem>>) src(%dma_wait3A_239 : memref<128xi32, #tpu.memory_space<hbm>>) dst(%dma_wait3A_238 : memref<128xi32, #tpu.memory_space<vmem>>)
      %dma_start3A_240 = arith.constant 2 : i32
      %dma_start3A_241 = arith.constant 2 : i32
      %dma_start3A_242 = arith.constant 0 : i32
      %dma_start3A_243 = tpu.memref_slice %arg9[%dma_start3A_240, %dma_start3A_242] : memref<12x128xi32, #tpu.memory_space<vmem>> -> memref<1x128xi32, #tpu.memory_space<vmem>>
      %dma_start3A_244 = tpu.memref_squeeze %dma_start3A_243 : memref<1x128xi32, #tpu.memory_space<vmem>> -> memref<128xi32, #tpu.memory_space<vmem>>
      %dma_start3A_245 = arith.constant 0 : i32
      %dma_start3A_246 = tpu.memref_slice %arg7[%dma_start3A_245] : memref<10240xf32, #tpu.memory_space<vmem_shared>> -> memref<10240xf32, #tpu.memory_space<vmem_shared>>
      %dma_start3A_247 = tpu.memref_slice %arg12[%dma_start3A_241] : memref<12x!tpu.dma_semaphore, #tpu.memory_space<semaphore_mem>> -> memref<1x!tpu.dma_semaphore, #tpu.memory_space<semaphore_mem>>
      %dma_start3A_248 = tpu.memref_squeeze %dma_start3A_247 : memref<1x!tpu.dma_semaphore, #tpu.memory_space<semaphore_mem>> -> memref<!tpu.dma_semaphore, #tpu.memory_space<semaphore_mem>>
      tpu.enqueue_indirect_dma source(%arg8 : memref<128xf32, #tpu.memory_space<vmem>>) target(%dma_start3A_246 : memref<10240xf32, #tpu.memory_space<vmem_shared>>) offsets(%dma_start3A_244 : memref<128xi32, #tpu.memory_space<vmem>>) semaphore(%dma_start3A_248 : memref<!tpu.dma_semaphore, #tpu.memory_space<semaphore_mem>>) {add = true}
      %add3A_249 = arith.constant 18816 : i32
      %add3A_250 = arith.addi %mul3A_2, %add3A_249 : i32
      %dma_wait3A_251 = arith.constant 3 : i32
      %dma_wait3A_252 = arith.constant 3 : i32
      %dma_wait3A_253 = arith.constant 0 : i32
      %dma_wait3A_254 = tpu.memref_slice %arg9[%dma_wait3A_251, %dma_wait3A_253] : memref<12x128xi32, #tpu.memory_space<vmem>> -> memref<1x128xi32, #tpu.memory_space<vmem>>
      %dma_wait3A_255 = tpu.memref_squeeze %dma_wait3A_254 : memref<1x128xi32, #tpu.memory_space<vmem>> -> memref<128xi32, #tpu.memory_space<vmem>>
      %dma_wait3A_256 = tpu.memref_slice %arg2[%add3A_250] : memref<320000xi32, #tpu.memory_space<hbm>> -> memref<128xi32, #tpu.memory_space<hbm>>
      %dma_wait3A_257 = tpu.memref_slice %arg11[%dma_wait3A_252] : memref<12x!tpu.dma_semaphore, #tpu.memory_space<semaphore_mem>> -> memref<1x!tpu.dma_semaphore, #tpu.memory_space<semaphore_mem>>
      %dma_wait3A_258 = tpu.memref_squeeze %dma_wait3A_257 : memref<1x!tpu.dma_semaphore, #tpu.memory_space<semaphore_mem>> -> memref<!tpu.dma_semaphore, #tpu.memory_space<semaphore_mem>>
      %dma_wait3A_259 = arith.constant 0 : i32
      %dma_wait3A_260 = tpu.memref_slice %arg9[%dma_wait3A_251, %dma_wait3A_259] : memref<12x128xi32, #tpu.memory_space<vmem>> -> memref<1x128xi32, #tpu.memory_space<vmem>>
      %dma_wait3A_261 = tpu.memref_squeeze %dma_wait3A_260 : memref<1x128xi32, #tpu.memory_space<vmem>> -> memref<128xi32, #tpu.memory_space<vmem>>
      %dma_wait3A_262 = tpu.memref_slice %arg2[%add3A_250] : memref<320000xi32, #tpu.memory_space<hbm>> -> memref<128xi32, #tpu.memory_space<hbm>>
      tpu.wait_dma2 semaphore(%dma_wait3A_258 : memref<!tpu.dma_semaphore, #tpu.memory_space<semaphore_mem>>) src(%dma_wait3A_262 : memref<128xi32, #tpu.memory_space<hbm>>) dst(%dma_wait3A_261 : memref<128xi32, #tpu.memory_space<vmem>>)
      %dma_start3A_263 = arith.constant 3 : i32
      %dma_start3A_264 = arith.constant 3 : i32
      %dma_start3A_265 = arith.constant 0 : i32
      %dma_start3A_266 = tpu.memref_slice %arg9[%dma_start3A_263, %dma_start3A_265] : memref<12x128xi32, #tpu.memory_space<vmem>> -> memref<1x128xi32, #tpu.memory_space<vmem>>
      %dma_start3A_267 = tpu.memref_squeeze %dma_start3A_266 : memref<1x128xi32, #tpu.memory_space<vmem>> -> memref<128xi32, #tpu.memory_space<vmem>>
      %dma_start3A_268 = arith.constant 0 : i32
      %dma_start3A_269 = tpu.memref_slice %arg7[%dma_start3A_268] : memref<10240xf32, #tpu.memory_space<vmem_shared>> -> memref<10240xf32, #tpu.memory_space<vmem_shared>>
      %dma_start3A_270 = tpu.memref_slice %arg12[%dma_start3A_264] : memref<12x!tpu.dma_semaphore, #tpu.memory_space<semaphore_mem>> -> memref<1x!tpu.dma_semaphore, #tpu.memory_space<semaphore_mem>>
      %dma_start3A_271 = tpu.memref_squeeze %dma_start3A_270 : memref<1x!tpu.dma_semaphore, #tpu.memory_space<semaphore_mem>> -> memref<!tpu.dma_semaphore, #tpu.memory_space<semaphore_mem>>
      tpu.enqueue_indirect_dma source(%arg8 : memref<128xf32, #tpu.memory_space<vmem>>) target(%dma_start3A_269 : memref<10240xf32, #tpu.memory_space<vmem_shared>>) offsets(%dma_start3A_267 : memref<128xi32, #tpu.memory_space<vmem>>) semaphore(%dma_start3A_271 : memref<!tpu.dma_semaphore, #tpu.memory_space<semaphore_mem>>) {add = true}
      %add3A_272 = arith.constant 18944 : i32
      %add3A_273 = arith.addi %mul3A_2, %add3A_272 : i32
      %dma_wait3A_274 = arith.constant 4 : i32
      %dma_wait3A_275 = arith.constant 4 : i32
      %dma_wait3A_276 = arith.constant 0 : i32
      %dma_wait3A_277 = tpu.memref_slice %arg9[%dma_wait3A_274, %dma_wait3A_276] : memref<12x128xi32, #tpu.memory_space<vmem>> -> memref<1x128xi32, #tpu.memory_space<vmem>>
      %dma_wait3A_278 = tpu.memref_squeeze %dma_wait3A_277 : memref<1x128xi32, #tpu.memory_space<vmem>> -> memref<128xi32, #tpu.memory_space<vmem>>
      %dma_wait3A_279 = tpu.memref_slice %arg2[%add3A_273] : memref<320000xi32, #tpu.memory_space<hbm>> -> memref<128xi32, #tpu.memory_space<hbm>>
      %dma_wait3A_280 = tpu.memref_slice %arg11[%dma_wait3A_275] : memref<12x!tpu.dma_semaphore, #tpu.memory_space<semaphore_mem>> -> memref<1x!tpu.dma_semaphore, #tpu.memory_space<semaphore_mem>>
      %dma_wait3A_281 = tpu.memref_squeeze %dma_wait3A_280 : memref<1x!tpu.dma_semaphore, #tpu.memory_space<semaphore_mem>> -> memref<!tpu.dma_semaphore, #tpu.memory_space<semaphore_mem>>
      %dma_wait3A_282 = arith.constant 0 : i32
      %dma_wait3A_283 = tpu.memref_slice %arg9[%dma_wait3A_274, %dma_wait3A_282] : memref<12x128xi32, #tpu.memory_space<vmem>> -> memref<1x128xi32, #tpu.memory_space<vmem>>
      %dma_wait3A_284 = tpu.memref_squeeze %dma_wait3A_283 : memref<1x128xi32, #tpu.memory_space<vmem>> -> memref<128xi32, #tpu.memory_space<vmem>>
      %dma_wait3A_285 = tpu.memref_slice %arg2[%add3A_273] : memref<320000xi32, #tpu.memory_space<hbm>> -> memref<128xi32, #tpu.memory_space<hbm>>
      tpu.wait_dma2 semaphore(%dma_wait3A_281 : memref<!tpu.dma_semaphore, #tpu.memory_space<semaphore_mem>>) src(%dma_wait3A_285 : memref<128xi32, #tpu.memory_space<hbm>>) dst(%dma_wait3A_284 : memref<128xi32, #tpu.memory_space<vmem>>)
      %dma_start3A_286 = arith.constant 4 : i32
      %dma_start3A_287 = arith.constant 4 : i32
      %dma_start3A_288 = arith.constant 0 : i32
      %dma_start3A_289 = tpu.memref_slice %arg9[%dma_start3A_286, %dma_start3A_288] : memref<12x128xi32, #tpu.memory_space<vmem>> -> memref<1x128xi32, #tpu.memory_space<vmem>>
      %dma_start3A_290 = tpu.memref_squeeze %dma_start3A_289 : memref<1x128xi32, #tpu.memory_space<vmem>> -> memref<128xi32, #tpu.memory_space<vmem>>
      %dma_start3A_291 = arith.constant 0 : i32
      %dma_start3A_292 = tpu.memref_slice %arg7[%dma_start3A_291] : memref<10240xf32, #tpu.memory_space<vmem_shared>> -> memref<10240xf32, #tpu.memory_space<vmem_shared>>
      %dma_start3A_293 = tpu.memref_slice %arg12[%dma_start3A_287] : memref<12x!tpu.dma_semaphore, #tpu.memory_space<semaphore_mem>> -> memref<1x!tpu.dma_semaphore, #tpu.memory_space<semaphore_mem>>
      %dma_start3A_294 = tpu.memref_squeeze %dma_start3A_293 : memref<1x!tpu.dma_semaphore, #tpu.memory_space<semaphore_mem>> -> memref<!tpu.dma_semaphore, #tpu.memory_space<semaphore_mem>>
      tpu.enqueue_indirect_dma source(%arg8 : memref<128xf32, #tpu.memory_space<vmem>>) target(%dma_start3A_292 : memref<10240xf32, #tpu.memory_space<vmem_shared>>) offsets(%dma_start3A_290 : memref<128xi32, #tpu.memory_space<vmem>>) semaphore(%dma_start3A_294 : memref<!tpu.dma_semaphore, #tpu.memory_space<semaphore_mem>>) {add = true}
      %add3A_295 = arith.constant 19072 : i32
      %add3A_296 = arith.addi %mul3A_2, %add3A_295 : i32
      %dma_wait3A_297 = arith.constant 5 : i32
      %dma_wait3A_298 = arith.constant 5 : i32
      %dma_wait3A_299 = arith.constant 0 : i32
      %dma_wait3A_300 = tpu.memref_slice %arg9[%dma_wait3A_297, %dma_wait3A_299] : memref<12x128xi32, #tpu.memory_space<vmem>> -> memref<1x128xi32, #tpu.memory_space<vmem>>
      %dma_wait3A_301 = tpu.memref_squeeze %dma_wait3A_300 : memref<1x128xi32, #tpu.memory_space<vmem>> -> memref<128xi32, #tpu.memory_space<vmem>>
      %dma_wait3A_302 = tpu.memref_slice %arg2[%add3A_296] : memref<320000xi32, #tpu.memory_space<hbm>> -> memref<128xi32, #tpu.memory_space<hbm>>
      %dma_wait3A_303 = tpu.memref_slice %arg11[%dma_wait3A_298] : memref<12x!tpu.dma_semaphore, #tpu.memory_space<semaphore_mem>> -> memref<1x!tpu.dma_semaphore, #tpu.memory_space<semaphore_mem>>
      %dma_wait3A_304 = tpu.memref_squeeze %dma_wait3A_303 : memref<1x!tpu.dma_semaphore, #tpu.memory_space<semaphore_mem>> -> memref<!tpu.dma_semaphore, #tpu.memory_space<semaphore_mem>>
      %dma_wait3A_305 = arith.constant 0 : i32
      %dma_wait3A_306 = tpu.memref_slice %arg9[%dma_wait3A_297, %dma_wait3A_305] : memref<12x128xi32, #tpu.memory_space<vmem>> -> memref<1x128xi32, #tpu.memory_space<vmem>>
      %dma_wait3A_307 = tpu.memref_squeeze %dma_wait3A_306 : memref<1x128xi32, #tpu.memory_space<vmem>> -> memref<128xi32, #tpu.memory_space<vmem>>
      %dma_wait3A_308 = tpu.memref_slice %arg2[%add3A_296] : memref<320000xi32, #tpu.memory_space<hbm>> -> memref<128xi32, #tpu.memory_space<hbm>>
      tpu.wait_dma2 semaphore(%dma_wait3A_304 : memref<!tpu.dma_semaphore, #tpu.memory_space<semaphore_mem>>) src(%dma_wait3A_308 : memref<128xi32, #tpu.memory_space<hbm>>) dst(%dma_wait3A_307 : memref<128xi32, #tpu.memory_space<vmem>>)
      %dma_start3A_309 = arith.constant 5 : i32
      %dma_start3A_310 = arith.constant 5 : i32
      %dma_start3A_311 = arith.constant 0 : i32
      %dma_start3A_312 = tpu.memref_slice %arg9[%dma_start3A_309, %dma_start3A_311] : memref<12x128xi32, #tpu.memory_space<vmem>> -> memref<1x128xi32, #tpu.memory_space<vmem>>
      %dma_start3A_313 = tpu.memref_squeeze %dma_start3A_312 : memref<1x128xi32, #tpu.memory_space<vmem>> -> memref<128xi32, #tpu.memory_space<vmem>>
      %dma_start3A_314 = arith.constant 0 : i32
      %dma_start3A_315 = tpu.memref_slice %arg7[%dma_start3A_314] : memref<10240xf32, #tpu.memory_space<vmem_shared>> -> memref<10240xf32, #tpu.memory_space<vmem_shared>>
      %dma_start3A_316 = tpu.memref_slice %arg12[%dma_start3A_310] : memref<12x!tpu.dma_semaphore, #tpu.memory_space<semaphore_mem>> -> memref<1x!tpu.dma_semaphore, #tpu.memory_space<semaphore_mem>>
      %dma_start3A_317 = tpu.memref_squeeze %dma_start3A_316 : memref<1x!tpu.dma_semaphore, #tpu.memory_space<semaphore_mem>> -> memref<!tpu.dma_semaphore, #tpu.memory_space<semaphore_mem>>
      tpu.enqueue_indirect_dma source(%arg8 : memref<128xf32, #tpu.memory_space<vmem>>) target(%dma_start3A_315 : memref<10240xf32, #tpu.memory_space<vmem_shared>>) offsets(%dma_start3A_313 : memref<128xi32, #tpu.memory_space<vmem>>) semaphore(%dma_start3A_317 : memref<!tpu.dma_semaphore, #tpu.memory_space<semaphore_mem>>) {add = true}
      %add3A_318 = arith.constant 19200 : i32
      %add3A_319 = arith.addi %mul3A_2, %add3A_318 : i32
      %dma_wait3A_320 = arith.constant 6 : i32
      %dma_wait3A_321 = arith.constant 6 : i32
      %dma_wait3A_322 = arith.constant 0 : i32
      %dma_wait3A_323 = tpu.memref_slice %arg9[%dma_wait3A_320, %dma_wait3A_322] : memref<12x128xi32, #tpu.memory_space<vmem>> -> memref<1x128xi32, #tpu.memory_space<vmem>>
      %dma_wait3A_324 = tpu.memref_squeeze %dma_wait3A_323 : memref<1x128xi32, #tpu.memory_space<vmem>> -> memref<128xi32, #tpu.memory_space<vmem>>
      %dma_wait3A_325 = tpu.memref_slice %arg2[%add3A_319] : memref<320000xi32, #tpu.memory_space<hbm>> -> memref<128xi32, #tpu.memory_space<hbm>>
      %dma_wait3A_326 = tpu.memref_slice %arg11[%dma_wait3A_321] : memref<12x!tpu.dma_semaphore, #tpu.memory_space<semaphore_mem>> -> memref<1x!tpu.dma_semaphore, #tpu.memory_space<semaphore_mem>>
      %dma_wait3A_327 = tpu.memref_squeeze %dma_wait3A_326 : memref<1x!tpu.dma_semaphore, #tpu.memory_space<semaphore_mem>> -> memref<!tpu.dma_semaphore, #tpu.memory_space<semaphore_mem>>
      %dma_wait3A_328 = arith.constant 0 : i32
      %dma_wait3A_329 = tpu.memref_slice %arg9[%dma_wait3A_320, %dma_wait3A_328] : memref<12x128xi32, #tpu.memory_space<vmem>> -> memref<1x128xi32, #tpu.memory_space<vmem>>
      %dma_wait3A_330 = tpu.memref_squeeze %dma_wait3A_329 : memref<1x128xi32, #tpu.memory_space<vmem>> -> memref<128xi32, #tpu.memory_space<vmem>>
      %dma_wait3A_331 = tpu.memref_slice %arg2[%add3A_319] : memref<320000xi32, #tpu.memory_space<hbm>> -> memref<128xi32, #tpu.memory_space<hbm>>
      tpu.wait_dma2 semaphore(%dma_wait3A_327 : memref<!tpu.dma_semaphore, #tpu.memory_space<semaphore_mem>>) src(%dma_wait3A_331 : memref<128xi32, #tpu.memory_space<hbm>>) dst(%dma_wait3A_330 : memref<128xi32, #tpu.memory_space<vmem>>)
      %dma_start3A_332 = arith.constant 6 : i32
      %dma_start3A_333 = arith.constant 6 : i32
      %dma_start3A_334 = arith.constant 0 : i32
      %dma_start3A_335 = tpu.memref_slice %arg9[%dma_start3A_332, %dma_start3A_334] : memref<12x128xi32, #tpu.memory_space<vmem>> -> memref<1x128xi32, #tpu.memory_space<vmem>>
      %dma_start3A_336 = tpu.memref_squeeze %dma_start3A_335 : memref<1x128xi32, #tpu.memory_space<vmem>> -> memref<128xi32, #tpu.memory_space<vmem>>
      %dma_start3A_337 = arith.constant 0 : i32
      %dma_start3A_338 = tpu.memref_slice %arg7[%dma_start3A_337] : memref<10240xf32, #tpu.memory_space<vmem_shared>> -> memref<10240xf32, #tpu.memory_space<vmem_shared>>
      %dma_start3A_339 = tpu.memref_slice %arg12[%dma_start3A_333] : memref<12x!tpu.dma_semaphore, #tpu.memory_space<semaphore_mem>> -> memref<1x!tpu.dma_semaphore, #tpu.memory_space<semaphore_mem>>
      %dma_start3A_340 = tpu.memref_squeeze %dma_start3A_339 : memref<1x!tpu.dma_semaphore, #tpu.memory_space<semaphore_mem>> -> memref<!tpu.dma_semaphore, #tpu.memory_space<semaphore_mem>>
      tpu.enqueue_indirect_dma source(%arg8 : memref<128xf32, #tpu.memory_space<vmem>>) target(%dma_start3A_338 : memref<10240xf32, #tpu.memory_space<vmem_shared>>) offsets(%dma_start3A_336 : memref<128xi32, #tpu.memory_space<vmem>>) semaphore(%dma_start3A_340 : memref<!tpu.dma_semaphore, #tpu.memory_space<semaphore_mem>>) {add = true}
      %add3A_341 = arith.constant 19328 : i32
      %add3A_342 = arith.addi %mul3A_2, %add3A_341 : i32
      %dma_wait3A_343 = arith.constant 7 : i32
      %dma_wait3A_344 = arith.constant 7 : i32
      %dma_wait3A_345 = arith.constant 0 : i32
      %dma_wait3A_346 = tpu.memref_slice %arg9[%dma_wait3A_343, %dma_wait3A_345] : memref<12x128xi32, #tpu.memory_space<vmem>> -> memref<1x128xi32, #tpu.memory_space<vmem>>
      %dma_wait3A_347 = tpu.memref_squeeze %dma_wait3A_346 : memref<1x128xi32, #tpu.memory_space<vmem>> -> memref<128xi32, #tpu.memory_space<vmem>>
      %dma_wait3A_348 = tpu.memref_slice %arg2[%add3A_342] : memref<320000xi32, #tpu.memory_space<hbm>> -> memref<128xi32, #tpu.memory_space<hbm>>
      %dma_wait3A_349 = tpu.memref_slice %arg11[%dma_wait3A_344] : memref<12x!tpu.dma_semaphore, #tpu.memory_space<semaphore_mem>> -> memref<1x!tpu.dma_semaphore, #tpu.memory_space<semaphore_mem>>
      %dma_wait3A_350 = tpu.memref_squeeze %dma_wait3A_349 : memref<1x!tpu.dma_semaphore, #tpu.memory_space<semaphore_mem>> -> memref<!tpu.dma_semaphore, #tpu.memory_space<semaphore_mem>>
      %dma_wait3A_351 = arith.constant 0 : i32
      %dma_wait3A_352 = tpu.memref_slice %arg9[%dma_wait3A_343, %dma_wait3A_351] : memref<12x128xi32, #tpu.memory_space<vmem>> -> memref<1x128xi32, #tpu.memory_space<vmem>>
      %dma_wait3A_353 = tpu.memref_squeeze %dma_wait3A_352 : memref<1x128xi32, #tpu.memory_space<vmem>> -> memref<128xi32, #tpu.memory_space<vmem>>
      %dma_wait3A_354 = tpu.memref_slice %arg2[%add3A_342] : memref<320000xi32, #tpu.memory_space<hbm>> -> memref<128xi32, #tpu.memory_space<hbm>>
      tpu.wait_dma2 semaphore(%dma_wait3A_350 : memref<!tpu.dma_semaphore, #tpu.memory_space<semaphore_mem>>) src(%dma_wait3A_354 : memref<128xi32, #tpu.memory_space<hbm>>) dst(%dma_wait3A_353 : memref<128xi32, #tpu.memory_space<vmem>>)
      %dma_start3A_355 = arith.constant 7 : i32
      %dma_start3A_356 = arith.constant 7 : i32
      %dma_start3A_357 = arith.constant 0 : i32
      %dma_start3A_358 = tpu.memref_slice %arg9[%dma_start3A_355, %dma_start3A_357] : memref<12x128xi32, #tpu.memory_space<vmem>> -> memref<1x128xi32, #tpu.memory_space<vmem>>
      %dma_start3A_359 = tpu.memref_squeeze %dma_start3A_358 : memref<1x128xi32, #tpu.memory_space<vmem>> -> memref<128xi32, #tpu.memory_space<vmem>>
      %dma_start3A_360 = arith.constant 0 : i32
      %dma_start3A_361 = tpu.memref_slice %arg7[%dma_start3A_360] : memref<10240xf32, #tpu.memory_space<vmem_shared>> -> memref<10240xf32, #tpu.memory_space<vmem_shared>>
      %dma_start3A_362 = tpu.memref_slice %arg12[%dma_start3A_356] : memref<12x!tpu.dma_semaphore, #tpu.memory_space<semaphore_mem>> -> memref<1x!tpu.dma_semaphore, #tpu.memory_space<semaphore_mem>>
      %dma_start3A_363 = tpu.memref_squeeze %dma_start3A_362 : memref<1x!tpu.dma_semaphore, #tpu.memory_space<semaphore_mem>> -> memref<!tpu.dma_semaphore, #tpu.memory_space<semaphore_mem>>
      tpu.enqueue_indirect_dma source(%arg8 : memref<128xf32, #tpu.memory_space<vmem>>) target(%dma_start3A_361 : memref<10240xf32, #tpu.memory_space<vmem_shared>>) offsets(%dma_start3A_359 : memref<128xi32, #tpu.memory_space<vmem>>) semaphore(%dma_start3A_363 : memref<!tpu.dma_semaphore, #tpu.memory_space<semaphore_mem>>) {add = true}
      %add3A_364 = arith.constant 19456 : i32
      %add3A_365 = arith.addi %mul3A_2, %add3A_364 : i32
      %dma_wait3A_366 = arith.constant 8 : i32
      %dma_wait3A_367 = arith.constant 8 : i32
      %dma_wait3A_368 = arith.constant 0 : i32
      %dma_wait3A_369 = tpu.memref_slice %arg9[%dma_wait3A_366, %dma_wait3A_368] : memref<12x128xi32, #tpu.memory_space<vmem>> -> memref<1x128xi32, #tpu.memory_space<vmem>>
      %dma_wait3A_370 = tpu.memref_squeeze %dma_wait3A_369 : memref<1x128xi32, #tpu.memory_space<vmem>> -> memref<128xi32, #tpu.memory_space<vmem>>
      %dma_wait3A_371 = tpu.memref_slice %arg2[%add3A_365] : memref<320000xi32, #tpu.memory_space<hbm>> -> memref<128xi32, #tpu.memory_space<hbm>>
      %dma_wait3A_372 = tpu.memref_slice %arg11[%dma_wait3A_367] : memref<12x!tpu.dma_semaphore, #tpu.memory_space<semaphore_mem>> -> memref<1x!tpu.dma_semaphore, #tpu.memory_space<semaphore_mem>>
      %dma_wait3A_373 = tpu.memref_squeeze %dma_wait3A_372 : memref<1x!tpu.dma_semaphore, #tpu.memory_space<semaphore_mem>> -> memref<!tpu.dma_semaphore, #tpu.memory_space<semaphore_mem>>
      %dma_wait3A_374 = arith.constant 0 : i32
      %dma_wait3A_375 = tpu.memref_slice %arg9[%dma_wait3A_366, %dma_wait3A_374] : memref<12x128xi32, #tpu.memory_space<vmem>> -> memref<1x128xi32, #tpu.memory_space<vmem>>
      %dma_wait3A_376 = tpu.memref_squeeze %dma_wait3A_375 : memref<1x128xi32, #tpu.memory_space<vmem>> -> memref<128xi32, #tpu.memory_space<vmem>>
      %dma_wait3A_377 = tpu.memref_slice %arg2[%add3A_365] : memref<320000xi32, #tpu.memory_space<hbm>> -> memref<128xi32, #tpu.memory_space<hbm>>
      tpu.wait_dma2 semaphore(%dma_wait3A_373 : memref<!tpu.dma_semaphore, #tpu.memory_space<semaphore_mem>>) src(%dma_wait3A_377 : memref<128xi32, #tpu.memory_space<hbm>>) dst(%dma_wait3A_376 : memref<128xi32, #tpu.memory_space<vmem>>)
      %dma_start3A_378 = arith.constant 8 : i32
      %dma_start3A_379 = arith.constant 8 : i32
      %dma_start3A_380 = arith.constant 0 : i32
      %dma_start3A_381 = tpu.memref_slice %arg9[%dma_start3A_378, %dma_start3A_380] : memref<12x128xi32, #tpu.memory_space<vmem>> -> memref<1x128xi32, #tpu.memory_space<vmem>>
      %dma_start3A_382 = tpu.memref_squeeze %dma_start3A_381 : memref<1x128xi32, #tpu.memory_space<vmem>> -> memref<128xi32, #tpu.memory_space<vmem>>
      %dma_start3A_383 = arith.constant 0 : i32
      %dma_start3A_384 = tpu.memref_slice %arg7[%dma_start3A_383] : memref<10240xf32, #tpu.memory_space<vmem_shared>> -> memref<10240xf32, #tpu.memory_space<vmem_shared>>
      %dma_start3A_385 = tpu.memref_slice %arg12[%dma_start3A_379] : memref<12x!tpu.dma_semaphore, #tpu.memory_space<semaphore_mem>> -> memref<1x!tpu.dma_semaphore, #tpu.memory_space<semaphore_mem>>
      %dma_start3A_386 = tpu.memref_squeeze %dma_start3A_385 : memref<1x!tpu.dma_semaphore, #tpu.memory_space<semaphore_mem>> -> memref<!tpu.dma_semaphore, #tpu.memory_space<semaphore_mem>>
      tpu.enqueue_indirect_dma source(%arg8 : memref<128xf32, #tpu.memory_space<vmem>>) target(%dma_start3A_384 : memref<10240xf32, #tpu.memory_space<vmem_shared>>) offsets(%dma_start3A_382 : memref<128xi32, #tpu.memory_space<vmem>>) semaphore(%dma_start3A_386 : memref<!tpu.dma_semaphore, #tpu.memory_space<semaphore_mem>>) {add = true}
      %add3A_387 = arith.constant 19584 : i32
      %add3A_388 = arith.addi %mul3A_2, %add3A_387 : i32
      %dma_wait3A_389 = arith.constant 9 : i32
      %dma_wait3A_390 = arith.constant 9 : i32
      %dma_wait3A_391 = arith.constant 0 : i32
      %dma_wait3A_392 = tpu.memref_slice %arg9[%dma_wait3A_389, %dma_wait3A_391] : memref<12x128xi32, #tpu.memory_space<vmem>> -> memref<1x128xi32, #tpu.memory_space<vmem>>
      %dma_wait3A_393 = tpu.memref_squeeze %dma_wait3A_392 : memref<1x128xi32, #tpu.memory_space<vmem>> -> memref<128xi32, #tpu.memory_space<vmem>>
      %dma_wait3A_394 = tpu.memref_slice %arg2[%add3A_388] : memref<320000xi32, #tpu.memory_space<hbm>> -> memref<128xi32, #tpu.memory_space<hbm>>
      %dma_wait3A_395 = tpu.memref_slice %arg11[%dma_wait3A_390] : memref<12x!tpu.dma_semaphore, #tpu.memory_space<semaphore_mem>> -> memref<1x!tpu.dma_semaphore, #tpu.memory_space<semaphore_mem>>
      %dma_wait3A_396 = tpu.memref_squeeze %dma_wait3A_395 : memref<1x!tpu.dma_semaphore, #tpu.memory_space<semaphore_mem>> -> memref<!tpu.dma_semaphore, #tpu.memory_space<semaphore_mem>>
      %dma_wait3A_397 = arith.constant 0 : i32
      %dma_wait3A_398 = tpu.memref_slice %arg9[%dma_wait3A_389, %dma_wait3A_397] : memref<12x128xi32, #tpu.memory_space<vmem>> -> memref<1x128xi32, #tpu.memory_space<vmem>>
      %dma_wait3A_399 = tpu.memref_squeeze %dma_wait3A_398 : memref<1x128xi32, #tpu.memory_space<vmem>> -> memref<128xi32, #tpu.memory_space<vmem>>
      %dma_wait3A_400 = tpu.memref_slice %arg2[%add3A_388] : memref<320000xi32, #tpu.memory_space<hbm>> -> memref<128xi32, #tpu.memory_space<hbm>>
      tpu.wait_dma2 semaphore(%dma_wait3A_396 : memref<!tpu.dma_semaphore, #tpu.memory_space<semaphore_mem>>) src(%dma_wait3A_400 : memref<128xi32, #tpu.memory_space<hbm>>) dst(%dma_wait3A_399 : memref<128xi32, #tpu.memory_space<vmem>>)
      %dma_start3A_401 = arith.constant 9 : i32
      %dma_start3A_402 = arith.constant 9 : i32
      %dma_start3A_403 = arith.constant 0 : i32
      %dma_start3A_404 = tpu.memref_slice %arg9[%dma_start3A_401, %dma_start3A_403] : memref<12x128xi32, #tpu.memory_space<vmem>> -> memref<1x128xi32, #tpu.memory_space<vmem>>
      %dma_start3A_405 = tpu.memref_squeeze %dma_start3A_404 : memref<1x128xi32, #tpu.memory_space<vmem>> -> memref<128xi32, #tpu.memory_space<vmem>>
      %dma_start3A_406 = arith.constant 0 : i32
      %dma_start3A_407 = tpu.memref_slice %arg7[%dma_start3A_406] : memref<10240xf32, #tpu.memory_space<vmem_shared>> -> memref<10240xf32, #tpu.memory_space<vmem_shared>>
      %dma_start3A_408 = tpu.memref_slice %arg12[%dma_start3A_402] : memref<12x!tpu.dma_semaphore, #tpu.memory_space<semaphore_mem>> -> memref<1x!tpu.dma_semaphore, #tpu.memory_space<semaphore_mem>>
      %dma_start3A_409 = tpu.memref_squeeze %dma_start3A_408 : memref<1x!tpu.dma_semaphore, #tpu.memory_space<semaphore_mem>> -> memref<!tpu.dma_semaphore, #tpu.memory_space<semaphore_mem>>
      tpu.enqueue_indirect_dma source(%arg8 : memref<128xf32, #tpu.memory_space<vmem>>) target(%dma_start3A_407 : memref<10240xf32, #tpu.memory_space<vmem_shared>>) offsets(%dma_start3A_405 : memref<128xi32, #tpu.memory_space<vmem>>) semaphore(%dma_start3A_409 : memref<!tpu.dma_semaphore, #tpu.memory_space<semaphore_mem>>) {add = true}
      %add3A_410 = arith.constant 19712 : i32
      %add3A_411 = arith.addi %mul3A_2, %add3A_410 : i32
      %dma_wait3A_412 = arith.constant 10 : i32
      %dma_wait3A_413 = arith.constant 10 : i32
      %dma_wait3A_414 = arith.constant 0 : i32
      %dma_wait3A_415 = tpu.memref_slice %arg9[%dma_wait3A_412, %dma_wait3A_414] : memref<12x128xi32, #tpu.memory_space<vmem>> -> memref<1x128xi32, #tpu.memory_space<vmem>>
      %dma_wait3A_416 = tpu.memref_squeeze %dma_wait3A_415 : memref<1x128xi32, #tpu.memory_space<vmem>> -> memref<128xi32, #tpu.memory_space<vmem>>
      %dma_wait3A_417 = tpu.memref_slice %arg2[%add3A_411] : memref<320000xi32, #tpu.memory_space<hbm>> -> memref<128xi32, #tpu.memory_space<hbm>>
      %dma_wait3A_418 = tpu.memref_slice %arg11[%dma_wait3A_413] : memref<12x!tpu.dma_semaphore, #tpu.memory_space<semaphore_mem>> -> memref<1x!tpu.dma_semaphore, #tpu.memory_space<semaphore_mem>>
      %dma_wait3A_419 = tpu.memref_squeeze %dma_wait3A_418 : memref<1x!tpu.dma_semaphore, #tpu.memory_space<semaphore_mem>> -> memref<!tpu.dma_semaphore, #tpu.memory_space<semaphore_mem>>
      %dma_wait3A_420 = arith.constant 0 : i32
      %dma_wait3A_421 = tpu.memref_slice %arg9[%dma_wait3A_412, %dma_wait3A_420] : memref<12x128xi32, #tpu.memory_space<vmem>> -> memref<1x128xi32, #tpu.memory_space<vmem>>
      %dma_wait3A_422 = tpu.memref_squeeze %dma_wait3A_421 : memref<1x128xi32, #tpu.memory_space<vmem>> -> memref<128xi32, #tpu.memory_space<vmem>>
      %dma_wait3A_423 = tpu.memref_slice %arg2[%add3A_411] : memref<320000xi32, #tpu.memory_space<hbm>> -> memref<128xi32, #tpu.memory_space<hbm>>
      tpu.wait_dma2 semaphore(%dma_wait3A_419 : memref<!tpu.dma_semaphore, #tpu.memory_space<semaphore_mem>>) src(%dma_wait3A_423 : memref<128xi32, #tpu.memory_space<hbm>>) dst(%dma_wait3A_422 : memref<128xi32, #tpu.memory_space<vmem>>)
      %dma_start3A_424 = arith.constant 10 : i32
      %dma_start3A_425 = arith.constant 10 : i32
      %dma_start3A_426 = arith.constant 0 : i32
      %dma_start3A_427 = tpu.memref_slice %arg9[%dma_start3A_424, %dma_start3A_426] : memref<12x128xi32, #tpu.memory_space<vmem>> -> memref<1x128xi32, #tpu.memory_space<vmem>>
      %dma_start3A_428 = tpu.memref_squeeze %dma_start3A_427 : memref<1x128xi32, #tpu.memory_space<vmem>> -> memref<128xi32, #tpu.memory_space<vmem>>
      %dma_start3A_429 = arith.constant 0 : i32
      %dma_start3A_430 = tpu.memref_slice %arg7[%dma_start3A_429] : memref<10240xf32, #tpu.memory_space<vmem_shared>> -> memref<10240xf32, #tpu.memory_space<vmem_shared>>
      %dma_start3A_431 = tpu.memref_slice %arg12[%dma_start3A_425] : memref<12x!tpu.dma_semaphore, #tpu.memory_space<semaphore_mem>> -> memref<1x!tpu.dma_semaphore, #tpu.memory_space<semaphore_mem>>
      %dma_start3A_432 = tpu.memref_squeeze %dma_start3A_431 : memref<1x!tpu.dma_semaphore, #tpu.memory_space<semaphore_mem>> -> memref<!tpu.dma_semaphore, #tpu.memory_space<semaphore_mem>>
      tpu.enqueue_indirect_dma source(%arg8 : memref<128xf32, #tpu.memory_space<vmem>>) target(%dma_start3A_430 : memref<10240xf32, #tpu.memory_space<vmem_shared>>) offsets(%dma_start3A_428 : memref<128xi32, #tpu.memory_space<vmem>>) semaphore(%dma_start3A_432 : memref<!tpu.dma_semaphore, #tpu.memory_space<semaphore_mem>>) {add = true}
      %add3A_433 = arith.constant 19840 : i32
      %add3A_434 = arith.addi %mul3A_2, %add3A_433 : i32
      %dma_wait3A_435 = arith.constant 11 : i32
      %dma_wait3A_436 = arith.constant 11 : i32
      %dma_wait3A_437 = arith.constant 0 : i32
      %dma_wait3A_438 = tpu.memref_slice %arg9[%dma_wait3A_435, %dma_wait3A_437] : memref<12x128xi32, #tpu.memory_space<vmem>> -> memref<1x128xi32, #tpu.memory_space<vmem>>
      %dma_wait3A_439 = tpu.memref_squeeze %dma_wait3A_438 : memref<1x128xi32, #tpu.memory_space<vmem>> -> memref<128xi32, #tpu.memory_space<vmem>>
      %dma_wait3A_440 = tpu.memref_slice %arg2[%add3A_434] : memref<320000xi32, #tpu.memory_space<hbm>> -> memref<128xi32, #tpu.memory_space<hbm>>
      %dma_wait3A_441 = tpu.memref_slice %arg11[%dma_wait3A_436] : memref<12x!tpu.dma_semaphore, #tpu.memory_space<semaphore_mem>> -> memref<1x!tpu.dma_semaphore, #tpu.memory_space<semaphore_mem>>
      %dma_wait3A_442 = tpu.memref_squeeze %dma_wait3A_441 : memref<1x!tpu.dma_semaphore, #tpu.memory_space<semaphore_mem>> -> memref<!tpu.dma_semaphore, #tpu.memory_space<semaphore_mem>>
      %dma_wait3A_443 = arith.constant 0 : i32
      %dma_wait3A_444 = tpu.memref_slice %arg9[%dma_wait3A_435, %dma_wait3A_443] : memref<12x128xi32, #tpu.memory_space<vmem>> -> memref<1x128xi32, #tpu.memory_space<vmem>>
      %dma_wait3A_445 = tpu.memref_squeeze %dma_wait3A_444 : memref<1x128xi32, #tpu.memory_space<vmem>> -> memref<128xi32, #tpu.memory_space<vmem>>
      %dma_wait3A_446 = tpu.memref_slice %arg2[%add3A_434] : memref<320000xi32, #tpu.memory_space<hbm>> -> memref<128xi32, #tpu.memory_space<hbm>>
      tpu.wait_dma2 semaphore(%dma_wait3A_442 : memref<!tpu.dma_semaphore, #tpu.memory_space<semaphore_mem>>) src(%dma_wait3A_446 : memref<128xi32, #tpu.memory_space<hbm>>) dst(%dma_wait3A_445 : memref<128xi32, #tpu.memory_space<vmem>>)
      %dma_start3A_447 = arith.constant 11 : i32
      %dma_start3A_448 = arith.constant 11 : i32
      %dma_start3A_449 = arith.constant 0 : i32
      %dma_start3A_450 = tpu.memref_slice %arg9[%dma_start3A_447, %dma_start3A_449] : memref<12x128xi32, #tpu.memory_space<vmem>> -> memref<1x128xi32, #tpu.memory_space<vmem>>
      %dma_start3A_451 = tpu.memref_squeeze %dma_start3A_450 : memref<1x128xi32, #tpu.memory_space<vmem>> -> memref<128xi32, #tpu.memory_space<vmem>>
      %dma_start3A_452 = arith.constant 0 : i32
      %dma_start3A_453 = tpu.memref_slice %arg7[%dma_start3A_452] : memref<10240xf32, #tpu.memory_space<vmem_shared>> -> memref<10240xf32, #tpu.memory_space<vmem_shared>>
      %dma_start3A_454 = tpu.memref_slice %arg12[%dma_start3A_448] : memref<12x!tpu.dma_semaphore, #tpu.memory_space<semaphore_mem>> -> memref<1x!tpu.dma_semaphore, #tpu.memory_space<semaphore_mem>>
      %dma_start3A_455 = tpu.memref_squeeze %dma_start3A_454 : memref<1x!tpu.dma_semaphore, #tpu.memory_space<semaphore_mem>> -> memref<!tpu.dma_semaphore, #tpu.memory_space<semaphore_mem>>
      tpu.enqueue_indirect_dma source(%arg8 : memref<128xf32, #tpu.memory_space<vmem>>) target(%dma_start3A_453 : memref<10240xf32, #tpu.memory_space<vmem_shared>>) offsets(%dma_start3A_451 : memref<128xi32, #tpu.memory_space<vmem>>) semaphore(%dma_start3A_455 : memref<!tpu.dma_semaphore, #tpu.memory_space<semaphore_mem>>) {add = true}
      %dma_wait3A_456 = arith.constant 0 : i32
      %dma_wait3A_457 = arith.constant 0 : i32
      %dma_wait3A_458 = arith.constant 0 : i32
      %dma_wait3A_459 = tpu.memref_slice %arg9[%dma_wait3A_456, %dma_wait3A_458] : memref<12x128xi32, #tpu.memory_space<vmem>> -> memref<1x128xi32, #tpu.memory_space<vmem>>
      %dma_wait3A_460 = tpu.memref_squeeze %dma_wait3A_459 : memref<1x128xi32, #tpu.memory_space<vmem>> -> memref<128xi32, #tpu.memory_space<vmem>>
      %dma_wait3A_461 = arith.constant 0 : i32
      %dma_wait3A_462 = tpu.memref_slice %arg7[%dma_wait3A_461] : memref<10240xf32, #tpu.memory_space<vmem_shared>> -> memref<10240xf32, #tpu.memory_space<vmem_shared>>
      %dma_wait3A_463 = tpu.memref_slice %arg12[%dma_wait3A_457] : memref<12x!tpu.dma_semaphore, #tpu.memory_space<semaphore_mem>> -> memref<1x!tpu.dma_semaphore, #tpu.memory_space<semaphore_mem>>
      %dma_wait3A_464 = tpu.memref_squeeze %dma_wait3A_463 : memref<1x!tpu.dma_semaphore, #tpu.memory_space<semaphore_mem>> -> memref<!tpu.dma_semaphore, #tpu.memory_space<semaphore_mem>>
      tpu.wait_indirect_dma semaphore(%dma_wait3A_464 : memref<!tpu.dma_semaphore, #tpu.memory_space<semaphore_mem>>) src(%arg8 : memref<128xf32, #tpu.memory_space<vmem>>) dst(%dma_wait3A_462 : memref<10240xf32, #tpu.memory_space<vmem_shared>>)
      %dma_wait3A_465 = arith.constant 1 : i32
      %dma_wait3A_466 = arith.constant 1 : i32
      %dma_wait3A_467 = arith.constant 0 : i32
      %dma_wait3A_468 = tpu.memref_slice %arg9[%dma_wait3A_465, %dma_wait3A_467] : memref<12x128xi32, #tpu.memory_space<vmem>> -> memref<1x128xi32, #tpu.memory_space<vmem>>
      %dma_wait3A_469 = tpu.memref_squeeze %dma_wait3A_468 : memref<1x128xi32, #tpu.memory_space<vmem>> -> memref<128xi32, #tpu.memory_space<vmem>>
      %dma_wait3A_470 = arith.constant 0 : i32
      %dma_wait3A_471 = tpu.memref_slice %arg7[%dma_wait3A_470] : memref<10240xf32, #tpu.memory_space<vmem_shared>> -> memref<10240xf32, #tpu.memory_space<vmem_shared>>
      %dma_wait3A_472 = tpu.memref_slice %arg12[%dma_wait3A_466] : memref<12x!tpu.dma_semaphore, #tpu.memory_space<semaphore_mem>> -> memref<1x!tpu.dma_semaphore, #tpu.memory_space<semaphore_mem>>
      %dma_wait3A_473 = tpu.memref_squeeze %dma_wait3A_472 : memref<1x!tpu.dma_semaphore, #tpu.memory_space<semaphore_mem>> -> memref<!tpu.dma_semaphore, #tpu.memory_space<semaphore_mem>>
      tpu.wait_indirect_dma semaphore(%dma_wait3A_473 : memref<!tpu.dma_semaphore, #tpu.memory_space<semaphore_mem>>) src(%arg8 : memref<128xf32, #tpu.memory_space<vmem>>) dst(%dma_wait3A_471 : memref<10240xf32, #tpu.memory_space<vmem_shared>>)
      %dma_wait3A_474 = arith.constant 2 : i32
      %dma_wait3A_475 = arith.constant 2 : i32
      %dma_wait3A_476 = arith.constant 0 : i32
      %dma_wait3A_477 = tpu.memref_slice %arg9[%dma_wait3A_474, %dma_wait3A_476] : memref<12x128xi32, #tpu.memory_space<vmem>> -> memref<1x128xi32, #tpu.memory_space<vmem>>
      %dma_wait3A_478 = tpu.memref_squeeze %dma_wait3A_477 : memref<1x128xi32, #tpu.memory_space<vmem>> -> memref<128xi32, #tpu.memory_space<vmem>>
      %dma_wait3A_479 = arith.constant 0 : i32
      %dma_wait3A_480 = tpu.memref_slice %arg7[%dma_wait3A_479] : memref<10240xf32, #tpu.memory_space<vmem_shared>> -> memref<10240xf32, #tpu.memory_space<vmem_shared>>
      %dma_wait3A_481 = tpu.memref_slice %arg12[%dma_wait3A_475] : memref<12x!tpu.dma_semaphore, #tpu.memory_space<semaphore_mem>> -> memref<1x!tpu.dma_semaphore, #tpu.memory_space<semaphore_mem>>
      %dma_wait3A_482 = tpu.memref_squeeze %dma_wait3A_481 : memref<1x!tpu.dma_semaphore, #tpu.memory_space<semaphore_mem>> -> memref<!tpu.dma_semaphore, #tpu.memory_space<semaphore_mem>>
      tpu.wait_indirect_dma semaphore(%dma_wait3A_482 : memref<!tpu.dma_semaphore, #tpu.memory_space<semaphore_mem>>) src(%arg8 : memref<128xf32, #tpu.memory_space<vmem>>) dst(%dma_wait3A_480 : memref<10240xf32, #tpu.memory_space<vmem_shared>>)
      %dma_wait3A_483 = arith.constant 3 : i32
      %dma_wait3A_484 = arith.constant 3 : i32
      %dma_wait3A_485 = arith.constant 0 : i32
      %dma_wait3A_486 = tpu.memref_slice %arg9[%dma_wait3A_483, %dma_wait3A_485] : memref<12x128xi32, #tpu.memory_space<vmem>> -> memref<1x128xi32, #tpu.memory_space<vmem>>
      %dma_wait3A_487 = tpu.memref_squeeze %dma_wait3A_486 : memref<1x128xi32, #tpu.memory_space<vmem>> -> memref<128xi32, #tpu.memory_space<vmem>>
      %dma_wait3A_488 = arith.constant 0 : i32
      %dma_wait3A_489 = tpu.memref_slice %arg7[%dma_wait3A_488] : memref<10240xf32, #tpu.memory_space<vmem_shared>> -> memref<10240xf32, #tpu.memory_space<vmem_shared>>
      %dma_wait3A_490 = tpu.memref_slice %arg12[%dma_wait3A_484] : memref<12x!tpu.dma_semaphore, #tpu.memory_space<semaphore_mem>> -> memref<1x!tpu.dma_semaphore, #tpu.memory_space<semaphore_mem>>
      %dma_wait3A_491 = tpu.memref_squeeze %dma_wait3A_490 : memref<1x!tpu.dma_semaphore, #tpu.memory_space<semaphore_mem>> -> memref<!tpu.dma_semaphore, #tpu.memory_space<semaphore_mem>>
      tpu.wait_indirect_dma semaphore(%dma_wait3A_491 : memref<!tpu.dma_semaphore, #tpu.memory_space<semaphore_mem>>) src(%arg8 : memref<128xf32, #tpu.memory_space<vmem>>) dst(%dma_wait3A_489 : memref<10240xf32, #tpu.memory_space<vmem_shared>>)
      %dma_wait3A_492 = arith.constant 4 : i32
      %dma_wait3A_493 = arith.constant 4 : i32
      %dma_wait3A_494 = arith.constant 0 : i32
      %dma_wait3A_495 = tpu.memref_slice %arg9[%dma_wait3A_492, %dma_wait3A_494] : memref<12x128xi32, #tpu.memory_space<vmem>> -> memref<1x128xi32, #tpu.memory_space<vmem>>
      %dma_wait3A_496 = tpu.memref_squeeze %dma_wait3A_495 : memref<1x128xi32, #tpu.memory_space<vmem>> -> memref<128xi32, #tpu.memory_space<vmem>>
      %dma_wait3A_497 = arith.constant 0 : i32
      %dma_wait3A_498 = tpu.memref_slice %arg7[%dma_wait3A_497] : memref<10240xf32, #tpu.memory_space<vmem_shared>> -> memref<10240xf32, #tpu.memory_space<vmem_shared>>
      %dma_wait3A_499 = tpu.memref_slice %arg12[%dma_wait3A_493] : memref<12x!tpu.dma_semaphore, #tpu.memory_space<semaphore_mem>> -> memref<1x!tpu.dma_semaphore, #tpu.memory_space<semaphore_mem>>
      %dma_wait3A_500 = tpu.memref_squeeze %dma_wait3A_499 : memref<1x!tpu.dma_semaphore, #tpu.memory_space<semaphore_mem>> -> memref<!tpu.dma_semaphore, #tpu.memory_space<semaphore_mem>>
      tpu.wait_indirect_dma semaphore(%dma_wait3A_500 : memref<!tpu.dma_semaphore, #tpu.memory_space<semaphore_mem>>) src(%arg8 : memref<128xf32, #tpu.memory_space<vmem>>) dst(%dma_wait3A_498 : memref<10240xf32, #tpu.memory_space<vmem_shared>>)
      %dma_wait3A_501 = arith.constant 5 : i32
      %dma_wait3A_502 = arith.constant 5 : i32
      %dma_wait3A_503 = arith.constant 0 : i32
      %dma_wait3A_504 = tpu.memref_slice %arg9[%dma_wait3A_501, %dma_wait3A_503] : memref<12x128xi32, #tpu.memory_space<vmem>> -> memref<1x128xi32, #tpu.memory_space<vmem>>
      %dma_wait3A_505 = tpu.memref_squeeze %dma_wait3A_504 : memref<1x128xi32, #tpu.memory_space<vmem>> -> memref<128xi32, #tpu.memory_space<vmem>>
      %dma_wait3A_506 = arith.constant 0 : i32
      %dma_wait3A_507 = tpu.memref_slice %arg7[%dma_wait3A_506] : memref<10240xf32, #tpu.memory_space<vmem_shared>> -> memref<10240xf32, #tpu.memory_space<vmem_shared>>
      %dma_wait3A_508 = tpu.memref_slice %arg12[%dma_wait3A_502] : memref<12x!tpu.dma_semaphore, #tpu.memory_space<semaphore_mem>> -> memref<1x!tpu.dma_semaphore, #tpu.memory_space<semaphore_mem>>
      %dma_wait3A_509 = tpu.memref_squeeze %dma_wait3A_508 : memref<1x!tpu.dma_semaphore, #tpu.memory_space<semaphore_mem>> -> memref<!tpu.dma_semaphore, #tpu.memory_space<semaphore_mem>>
      tpu.wait_indirect_dma semaphore(%dma_wait3A_509 : memref<!tpu.dma_semaphore, #tpu.memory_space<semaphore_mem>>) src(%arg8 : memref<128xf32, #tpu.memory_space<vmem>>) dst(%dma_wait3A_507 : memref<10240xf32, #tpu.memory_space<vmem_shared>>)
      %dma_wait3A_510 = arith.constant 6 : i32
      %dma_wait3A_511 = arith.constant 6 : i32
      %dma_wait3A_512 = arith.constant 0 : i32
      %dma_wait3A_513 = tpu.memref_slice %arg9[%dma_wait3A_510, %dma_wait3A_512] : memref<12x128xi32, #tpu.memory_space<vmem>> -> memref<1x128xi32, #tpu.memory_space<vmem>>
      %dma_wait3A_514 = tpu.memref_squeeze %dma_wait3A_513 : memref<1x128xi32, #tpu.memory_space<vmem>> -> memref<128xi32, #tpu.memory_space<vmem>>
      %dma_wait3A_515 = arith.constant 0 : i32
      %dma_wait3A_516 = tpu.memref_slice %arg7[%dma_wait3A_515] : memref<10240xf32, #tpu.memory_space<vmem_shared>> -> memref<10240xf32, #tpu.memory_space<vmem_shared>>
      %dma_wait3A_517 = tpu.memref_slice %arg12[%dma_wait3A_511] : memref<12x!tpu.dma_semaphore, #tpu.memory_space<semaphore_mem>> -> memref<1x!tpu.dma_semaphore, #tpu.memory_space<semaphore_mem>>
      %dma_wait3A_518 = tpu.memref_squeeze %dma_wait3A_517 : memref<1x!tpu.dma_semaphore, #tpu.memory_space<semaphore_mem>> -> memref<!tpu.dma_semaphore, #tpu.memory_space<semaphore_mem>>
      tpu.wait_indirect_dma semaphore(%dma_wait3A_518 : memref<!tpu.dma_semaphore, #tpu.memory_space<semaphore_mem>>) src(%arg8 : memref<128xf32, #tpu.memory_space<vmem>>) dst(%dma_wait3A_516 : memref<10240xf32, #tpu.memory_space<vmem_shared>>)
      %dma_wait3A_519 = arith.constant 7 : i32
      %dma_wait3A_520 = arith.constant 7 : i32
      %dma_wait3A_521 = arith.constant 0 : i32
      %dma_wait3A_522 = tpu.memref_slice %arg9[%dma_wait3A_519, %dma_wait3A_521] : memref<12x128xi32, #tpu.memory_space<vmem>> -> memref<1x128xi32, #tpu.memory_space<vmem>>
      %dma_wait3A_523 = tpu.memref_squeeze %dma_wait3A_522 : memref<1x128xi32, #tpu.memory_space<vmem>> -> memref<128xi32, #tpu.memory_space<vmem>>
      %dma_wait3A_524 = arith.constant 0 : i32
      %dma_wait3A_525 = tpu.memref_slice %arg7[%dma_wait3A_524] : memref<10240xf32, #tpu.memory_space<vmem_shared>> -> memref<10240xf32, #tpu.memory_space<vmem_shared>>
      %dma_wait3A_526 = tpu.memref_slice %arg12[%dma_wait3A_520] : memref<12x!tpu.dma_semaphore, #tpu.memory_space<semaphore_mem>> -> memref<1x!tpu.dma_semaphore, #tpu.memory_space<semaphore_mem>>
      %dma_wait3A_527 = tpu.memref_squeeze %dma_wait3A_526 : memref<1x!tpu.dma_semaphore, #tpu.memory_space<semaphore_mem>> -> memref<!tpu.dma_semaphore, #tpu.memory_space<semaphore_mem>>
      tpu.wait_indirect_dma semaphore(%dma_wait3A_527 : memref<!tpu.dma_semaphore, #tpu.memory_space<semaphore_mem>>) src(%arg8 : memref<128xf32, #tpu.memory_space<vmem>>) dst(%dma_wait3A_525 : memref<10240xf32, #tpu.memory_space<vmem_shared>>)
      %dma_wait3A_528 = arith.constant 8 : i32
      %dma_wait3A_529 = arith.constant 8 : i32
      %dma_wait3A_530 = arith.constant 0 : i32
      %dma_wait3A_531 = tpu.memref_slice %arg9[%dma_wait3A_528, %dma_wait3A_530] : memref<12x128xi32, #tpu.memory_space<vmem>> -> memref<1x128xi32, #tpu.memory_space<vmem>>
      %dma_wait3A_532 = tpu.memref_squeeze %dma_wait3A_531 : memref<1x128xi32, #tpu.memory_space<vmem>> -> memref<128xi32, #tpu.memory_space<vmem>>
      %dma_wait3A_533 = arith.constant 0 : i32
      %dma_wait3A_534 = tpu.memref_slice %arg7[%dma_wait3A_533] : memref<10240xf32, #tpu.memory_space<vmem_shared>> -> memref<10240xf32, #tpu.memory_space<vmem_shared>>
      %dma_wait3A_535 = tpu.memref_slice %arg12[%dma_wait3A_529] : memref<12x!tpu.dma_semaphore, #tpu.memory_space<semaphore_mem>> -> memref<1x!tpu.dma_semaphore, #tpu.memory_space<semaphore_mem>>
      %dma_wait3A_536 = tpu.memref_squeeze %dma_wait3A_535 : memref<1x!tpu.dma_semaphore, #tpu.memory_space<semaphore_mem>> -> memref<!tpu.dma_semaphore, #tpu.memory_space<semaphore_mem>>
      tpu.wait_indirect_dma semaphore(%dma_wait3A_536 : memref<!tpu.dma_semaphore, #tpu.memory_space<semaphore_mem>>) src(%arg8 : memref<128xf32, #tpu.memory_space<vmem>>) dst(%dma_wait3A_534 : memref<10240xf32, #tpu.memory_space<vmem_shared>>)
      %dma_wait3A_537 = arith.constant 9 : i32
      %dma_wait3A_538 = arith.constant 9 : i32
      %dma_wait3A_539 = arith.constant 0 : i32
      %dma_wait3A_540 = tpu.memref_slice %arg9[%dma_wait3A_537, %dma_wait3A_539] : memref<12x128xi32, #tpu.memory_space<vmem>> -> memref<1x128xi32, #tpu.memory_space<vmem>>
      %dma_wait3A_541 = tpu.memref_squeeze %dma_wait3A_540 : memref<1x128xi32, #tpu.memory_space<vmem>> -> memref<128xi32, #tpu.memory_space<vmem>>
      %dma_wait3A_542 = arith.constant 0 : i32
      %dma_wait3A_543 = tpu.memref_slice %arg7[%dma_wait3A_542] : memref<10240xf32, #tpu.memory_space<vmem_shared>> -> memref<10240xf32, #tpu.memory_space<vmem_shared>>
      %dma_wait3A_544 = tpu.memref_slice %arg12[%dma_wait3A_538] : memref<12x!tpu.dma_semaphore, #tpu.memory_space<semaphore_mem>> -> memref<1x!tpu.dma_semaphore, #tpu.memory_space<semaphore_mem>>
      %dma_wait3A_545 = tpu.memref_squeeze %dma_wait3A_544 : memref<1x!tpu.dma_semaphore, #tpu.memory_space<semaphore_mem>> -> memref<!tpu.dma_semaphore, #tpu.memory_space<semaphore_mem>>
      tpu.wait_indirect_dma semaphore(%dma_wait3A_545 : memref<!tpu.dma_semaphore, #tpu.memory_space<semaphore_mem>>) src(%arg8 : memref<128xf32, #tpu.memory_space<vmem>>) dst(%dma_wait3A_543 : memref<10240xf32, #tpu.memory_space<vmem_shared>>)
      %dma_wait3A_546 = arith.constant 10 : i32
      %dma_wait3A_547 = arith.constant 10 : i32
      %dma_wait3A_548 = arith.constant 0 : i32
      %dma_wait3A_549 = tpu.memref_slice %arg9[%dma_wait3A_546, %dma_wait3A_548] : memref<12x128xi32, #tpu.memory_space<vmem>> -> memref<1x128xi32, #tpu.memory_space<vmem>>
      %dma_wait3A_550 = tpu.memref_squeeze %dma_wait3A_549 : memref<1x128xi32, #tpu.memory_space<vmem>> -> memref<128xi32, #tpu.memory_space<vmem>>
      %dma_wait3A_551 = arith.constant 0 : i32
      %dma_wait3A_552 = tpu.memref_slice %arg7[%dma_wait3A_551] : memref<10240xf32, #tpu.memory_space<vmem_shared>> -> memref<10240xf32, #tpu.memory_space<vmem_shared>>
      %dma_wait3A_553 = tpu.memref_slice %arg12[%dma_wait3A_547] : memref<12x!tpu.dma_semaphore, #tpu.memory_space<semaphore_mem>> -> memref<1x!tpu.dma_semaphore, #tpu.memory_space<semaphore_mem>>
      %dma_wait3A_554 = tpu.memref_squeeze %dma_wait3A_553 : memref<1x!tpu.dma_semaphore, #tpu.memory_space<semaphore_mem>> -> memref<!tpu.dma_semaphore, #tpu.memory_space<semaphore_mem>>
      tpu.wait_indirect_dma semaphore(%dma_wait3A_554 : memref<!tpu.dma_semaphore, #tpu.memory_space<semaphore_mem>>) src(%arg8 : memref<128xf32, #tpu.memory_space<vmem>>) dst(%dma_wait3A_552 : memref<10240xf32, #tpu.memory_space<vmem_shared>>)
      %dma_wait3A_555 = arith.constant 11 : i32
      %dma_wait3A_556 = arith.constant 11 : i32
      %dma_wait3A_557 = arith.constant 0 : i32
      %dma_wait3A_558 = tpu.memref_slice %arg9[%dma_wait3A_555, %dma_wait3A_557] : memref<12x128xi32, #tpu.memory_space<vmem>> -> memref<1x128xi32, #tpu.memory_space<vmem>>
      %dma_wait3A_559 = tpu.memref_squeeze %dma_wait3A_558 : memref<1x128xi32, #tpu.memory_space<vmem>> -> memref<128xi32, #tpu.memory_space<vmem>>
      %dma_wait3A_560 = arith.constant 0 : i32
      %dma_wait3A_561 = tpu.memref_slice %arg7[%dma_wait3A_560] : memref<10240xf32, #tpu.memory_space<vmem_shared>> -> memref<10240xf32, #tpu.memory_space<vmem_shared>>
      %dma_wait3A_562 = tpu.memref_slice %arg12[%dma_wait3A_556] : memref<12x!tpu.dma_semaphore, #tpu.memory_space<semaphore_mem>> -> memref<1x!tpu.dma_semaphore, #tpu.memory_space<semaphore_mem>>
      %dma_wait3A_563 = tpu.memref_squeeze %dma_wait3A_562 : memref<1x!tpu.dma_semaphore, #tpu.memory_space<semaphore_mem>> -> memref<!tpu.dma_semaphore, #tpu.memory_space<semaphore_mem>>
      tpu.wait_indirect_dma semaphore(%dma_wait3A_563 : memref<!tpu.dma_semaphore, #tpu.memory_space<semaphore_mem>>) src(%arg8 : memref<128xf32, #tpu.memory_space<vmem>>) dst(%dma_wait3A_561 : memref<10240xf32, #tpu.memory_space<vmem_shared>>)
      %add3A_564 = arith.constant 19968 : i32
      %add3A_565 = arith.addi %mul3A_2, %add3A_564 : i32
      "tpu.region"() ({
        %run_scoped3A = tpu.sem_alloc : memref<!tpu.dma_semaphore, #tpu.memory_space<semaphore_mem>>
        %dma_start3A_566 = tpu.memref_slice %arg2[%add3A_565] : memref<320000xi32, #tpu.memory_space<hbm>> -> memref<32xi32, #tpu.memory_space<hbm>>
        %dma_start3A_567 = tpu.memref_slice %arg2[%add3A_565] : memref<320000xi32, #tpu.memory_space<hbm>> -> memref<32xi32, #tpu.memory_space<hbm>>
        tpu.enqueue_dma source(%dma_start3A_567 : memref<32xi32, #tpu.memory_space<hbm>>) target(%arg10 : memref<32xi32, #tpu.memory_space<vmem>>) target_semaphore(%run_scoped3A : memref<!tpu.dma_semaphore, #tpu.memory_space<semaphore_mem>>)
        %dma_wait3A_568 = tpu.memref_slice %arg2[%add3A_565] : memref<320000xi32, #tpu.memory_space<hbm>> -> memref<32xi32, #tpu.memory_space<hbm>>
        %dma_wait3A_569 = tpu.memref_slice %arg2[%add3A_565] : memref<320000xi32, #tpu.memory_space<hbm>> -> memref<32xi32, #tpu.memory_space<hbm>>
        tpu.wait_dma2 semaphore(%run_scoped3A : memref<!tpu.dma_semaphore, #tpu.memory_space<semaphore_mem>>) src(%dma_wait3A_569 : memref<32xi32, #tpu.memory_space<hbm>>) dst(%arg10 : memref<32xi32, #tpu.memory_space<vmem>>)
        tpu.yield
      }) : () -> ()
      "tpu.region"() ({
        %run_scoped3A = tpu.sem_alloc : memref<!tpu.dma_semaphore, #tpu.memory_space<semaphore_mem>>
        %dma_start3A_566 = arith.constant 0 : i32
        %dma_start3A_567 = tpu.memref_slice %arg8[%dma_start3A_566] : memref<128xf32, #tpu.memory_space<vmem>> -> memref<32xf32, #tpu.memory_space<vmem>>
        %dma_start3A_568 = arith.constant 0 : i32
        %dma_start3A_569 = tpu.memref_slice %arg7[%dma_start3A_568] : memref<10240xf32, #tpu.memory_space<vmem_shared>> -> memref<10240xf32, #tpu.memory_space<vmem_shared>>
        tpu.enqueue_indirect_dma source(%dma_start3A_567 : memref<32xf32, #tpu.memory_space<vmem>>) target(%dma_start3A_569 : memref<10240xf32, #tpu.memory_space<vmem_shared>>) offsets(%arg10 : memref<32xi32, #tpu.memory_space<vmem>>) semaphore(%run_scoped3A : memref<!tpu.dma_semaphore, #tpu.memory_space<semaphore_mem>>) {add = true}
        %dma_wait3A_570 = arith.constant 0 : i32
        %dma_wait3A_571 = tpu.memref_slice %arg8[%dma_wait3A_570] : memref<128xf32, #tpu.memory_space<vmem>> -> memref<32xf32, #tpu.memory_space<vmem>>
        %dma_wait3A_572 = arith.constant 0 : i32
        %dma_wait3A_573 = tpu.memref_slice %arg7[%dma_wait3A_572] : memref<10240xf32, #tpu.memory_space<vmem_shared>> -> memref<10240xf32, #tpu.memory_space<vmem_shared>>
        tpu.wait_indirect_dma semaphore(%run_scoped3A : memref<!tpu.dma_semaphore, #tpu.memory_space<semaphore_mem>>) src(%dma_wait3A_571 : memref<32xf32, #tpu.memory_space<vmem>>) dst(%dma_wait3A_573 : memref<10240xf32, #tpu.memory_space<vmem_shared>>)
        tpu.yield
      }) : () -> ()
    } else {
    }
    %eq3A_5 = arith.constant 1 : i32
    %eq3A_6 = arith.cmpi eq, %arg0, %eq3A_5 : i32
    %convert_element_type3A_7 = arith.extui %eq3A_6 : i1 to i32
    %cond3A_8 = arith.constant 0 : i32
    %cond3A_9 = arith.cmpi ne, %convert_element_type3A_7, %cond3A_8 : i32
    scf.if %cond3A_9 {
      %add3A = arith.constant 0 : i32
      %add3A_11 = arith.addi %mul3A_2, %add3A : i32
      %dma_start3A = arith.constant 0 : i32
      %dma_start3A_12 = arith.constant 0 : i32
      %dma_start3A_13 = arith.constant 0 : i32
      %dma_start3A_14 = tpu.memref_slice %arg9[%dma_start3A, %dma_start3A_13] : memref<12x128xi32, #tpu.memory_space<vmem>> -> memref<1x128xi32, #tpu.memory_space<vmem>>
      %dma_start3A_15 = tpu.memref_squeeze %dma_start3A_14 : memref<1x128xi32, #tpu.memory_space<vmem>> -> memref<128xi32, #tpu.memory_space<vmem>>
      %dma_start3A_16 = tpu.memref_slice %arg3[%add3A_11] : memref<320000xi32, #tpu.memory_space<hbm>> -> memref<128xi32, #tpu.memory_space<hbm>>
      %dma_start3A_17 = tpu.memref_slice %arg11[%dma_start3A_12] : memref<12x!tpu.dma_semaphore, #tpu.memory_space<semaphore_mem>> -> memref<1x!tpu.dma_semaphore, #tpu.memory_space<semaphore_mem>>
      %dma_start3A_18 = tpu.memref_squeeze %dma_start3A_17 : memref<1x!tpu.dma_semaphore, #tpu.memory_space<semaphore_mem>> -> memref<!tpu.dma_semaphore, #tpu.memory_space<semaphore_mem>>
      %dma_start3A_19 = arith.constant 0 : i32
      %dma_start3A_20 = tpu.memref_slice %arg9[%dma_start3A, %dma_start3A_19] : memref<12x128xi32, #tpu.memory_space<vmem>> -> memref<1x128xi32, #tpu.memory_space<vmem>>
      %dma_start3A_21 = tpu.memref_squeeze %dma_start3A_20 : memref<1x128xi32, #tpu.memory_space<vmem>> -> memref<128xi32, #tpu.memory_space<vmem>>
      %dma_start3A_22 = tpu.memref_slice %arg3[%add3A_11] : memref<320000xi32, #tpu.memory_space<hbm>> -> memref<128xi32, #tpu.memory_space<hbm>>
      tpu.enqueue_dma source(%dma_start3A_22 : memref<128xi32, #tpu.memory_space<hbm>>) target(%dma_start3A_21 : memref<128xi32, #tpu.memory_space<vmem>>) target_semaphore(%dma_start3A_18 : memref<!tpu.dma_semaphore, #tpu.memory_space<semaphore_mem>>)
      %add3A_23 = arith.constant 128 : i32
      %add3A_24 = arith.addi %mul3A_2, %add3A_23 : i32
      %dma_start3A_25 = arith.constant 1 : i32
      %dma_start3A_26 = arith.constant 1 : i32
      %dma_start3A_27 = arith.constant 0 : i32
      %dma_start3A_28 = tpu.memref_slice %arg9[%dma_start3A_25, %dma_start3A_27] : memref<12x128xi32, #tpu.memory_space<vmem>> -> memref<1x128xi32, #tpu.memory_space<vmem>>
      %dma_start3A_29 = tpu.memref_squeeze %dma_start3A_28 : memref<1x128xi32, #tpu.memory_space<vmem>> -> memref<128xi32, #tpu.memory_space<vmem>>
      %dma_start3A_30 = tpu.memref_slice %arg3[%add3A_24] : memref<320000xi32, #tpu.memory_space<hbm>> -> memref<128xi32, #tpu.memory_space<hbm>>
      %dma_start3A_31 = tpu.memref_slice %arg11[%dma_start3A_26] : memref<12x!tpu.dma_semaphore, #tpu.memory_space<semaphore_mem>> -> memref<1x!tpu.dma_semaphore, #tpu.memory_space<semaphore_mem>>
      %dma_start3A_32 = tpu.memref_squeeze %dma_start3A_31 : memref<1x!tpu.dma_semaphore, #tpu.memory_space<semaphore_mem>> -> memref<!tpu.dma_semaphore, #tpu.memory_space<semaphore_mem>>
      %dma_start3A_33 = arith.constant 0 : i32
      %dma_start3A_34 = tpu.memref_slice %arg9[%dma_start3A_25, %dma_start3A_33] : memref<12x128xi32, #tpu.memory_space<vmem>> -> memref<1x128xi32, #tpu.memory_space<vmem>>
      %dma_start3A_35 = tpu.memref_squeeze %dma_start3A_34 : memref<1x128xi32, #tpu.memory_space<vmem>> -> memref<128xi32, #tpu.memory_space<vmem>>
      %dma_start3A_36 = tpu.memref_slice %arg3[%add3A_24] : memref<320000xi32, #tpu.memory_space<hbm>> -> memref<128xi32, #tpu.memory_space<hbm>>
      tpu.enqueue_dma source(%dma_start3A_36 : memref<128xi32, #tpu.memory_space<hbm>>) target(%dma_start3A_35 : memref<128xi32, #tpu.memory_space<vmem>>) target_semaphore(%dma_start3A_32 : memref<!tpu.dma_semaphore, #tpu.memory_space<semaphore_mem>>)
      %add3A_37 = arith.constant 256 : i32
      %add3A_38 = arith.addi %mul3A_2, %add3A_37 : i32
      %dma_start3A_39 = arith.constant 2 : i32
      %dma_start3A_40 = arith.constant 2 : i32
      %dma_start3A_41 = arith.constant 0 : i32
      %dma_start3A_42 = tpu.memref_slice %arg9[%dma_start3A_39, %dma_start3A_41] : memref<12x128xi32, #tpu.memory_space<vmem>> -> memref<1x128xi32, #tpu.memory_space<vmem>>
      %dma_start3A_43 = tpu.memref_squeeze %dma_start3A_42 : memref<1x128xi32, #tpu.memory_space<vmem>> -> memref<128xi32, #tpu.memory_space<vmem>>
      %dma_start3A_44 = tpu.memref_slice %arg3[%add3A_38] : memref<320000xi32, #tpu.memory_space<hbm>> -> memref<128xi32, #tpu.memory_space<hbm>>
      %dma_start3A_45 = tpu.memref_slice %arg11[%dma_start3A_40] : memref<12x!tpu.dma_semaphore, #tpu.memory_space<semaphore_mem>> -> memref<1x!tpu.dma_semaphore, #tpu.memory_space<semaphore_mem>>
      %dma_start3A_46 = tpu.memref_squeeze %dma_start3A_45 : memref<1x!tpu.dma_semaphore, #tpu.memory_space<semaphore_mem>> -> memref<!tpu.dma_semaphore, #tpu.memory_space<semaphore_mem>>
      %dma_start3A_47 = arith.constant 0 : i32
      %dma_start3A_48 = tpu.memref_slice %arg9[%dma_start3A_39, %dma_start3A_47] : memref<12x128xi32, #tpu.memory_space<vmem>> -> memref<1x128xi32, #tpu.memory_space<vmem>>
      %dma_start3A_49 = tpu.memref_squeeze %dma_start3A_48 : memref<1x128xi32, #tpu.memory_space<vmem>> -> memref<128xi32, #tpu.memory_space<vmem>>
      %dma_start3A_50 = tpu.memref_slice %arg3[%add3A_38] : memref<320000xi32, #tpu.memory_space<hbm>> -> memref<128xi32, #tpu.memory_space<hbm>>
      tpu.enqueue_dma source(%dma_start3A_50 : memref<128xi32, #tpu.memory_space<hbm>>) target(%dma_start3A_49 : memref<128xi32, #tpu.memory_space<vmem>>) target_semaphore(%dma_start3A_46 : memref<!tpu.dma_semaphore, #tpu.memory_space<semaphore_mem>>)
      %add3A_51 = arith.constant 384 : i32
      %add3A_52 = arith.addi %mul3A_2, %add3A_51 : i32
      %dma_start3A_53 = arith.constant 3 : i32
      %dma_start3A_54 = arith.constant 3 : i32
      %dma_start3A_55 = arith.constant 0 : i32
      %dma_start3A_56 = tpu.memref_slice %arg9[%dma_start3A_53, %dma_start3A_55] : memref<12x128xi32, #tpu.memory_space<vmem>> -> memref<1x128xi32, #tpu.memory_space<vmem>>
      %dma_start3A_57 = tpu.memref_squeeze %dma_start3A_56 : memref<1x128xi32, #tpu.memory_space<vmem>> -> memref<128xi32, #tpu.memory_space<vmem>>
      %dma_start3A_58 = tpu.memref_slice %arg3[%add3A_52] : memref<320000xi32, #tpu.memory_space<hbm>> -> memref<128xi32, #tpu.memory_space<hbm>>
      %dma_start3A_59 = tpu.memref_slice %arg11[%dma_start3A_54] : memref<12x!tpu.dma_semaphore, #tpu.memory_space<semaphore_mem>> -> memref<1x!tpu.dma_semaphore, #tpu.memory_space<semaphore_mem>>
      %dma_start3A_60 = tpu.memref_squeeze %dma_start3A_59 : memref<1x!tpu.dma_semaphore, #tpu.memory_space<semaphore_mem>> -> memref<!tpu.dma_semaphore, #tpu.memory_space<semaphore_mem>>
      %dma_start3A_61 = arith.constant 0 : i32
      %dma_start3A_62 = tpu.memref_slice %arg9[%dma_start3A_53, %dma_start3A_61] : memref<12x128xi32, #tpu.memory_space<vmem>> -> memref<1x128xi32, #tpu.memory_space<vmem>>
      %dma_start3A_63 = tpu.memref_squeeze %dma_start3A_62 : memref<1x128xi32, #tpu.memory_space<vmem>> -> memref<128xi32, #tpu.memory_space<vmem>>
      %dma_start3A_64 = tpu.memref_slice %arg3[%add3A_52] : memref<320000xi32, #tpu.memory_space<hbm>> -> memref<128xi32, #tpu.memory_space<hbm>>
      tpu.enqueue_dma source(%dma_start3A_64 : memref<128xi32, #tpu.memory_space<hbm>>) target(%dma_start3A_63 : memref<128xi32, #tpu.memory_space<vmem>>) target_semaphore(%dma_start3A_60 : memref<!tpu.dma_semaphore, #tpu.memory_space<semaphore_mem>>)
      %add3A_65 = arith.constant 512 : i32
      %add3A_66 = arith.addi %mul3A_2, %add3A_65 : i32
      %dma_start3A_67 = arith.constant 4 : i32
      %dma_start3A_68 = arith.constant 4 : i32
      %dma_start3A_69 = arith.constant 0 : i32
      %dma_start3A_70 = tpu.memref_slice %arg9[%dma_start3A_67, %dma_start3A_69] : memref<12x128xi32, #tpu.memory_space<vmem>> -> memref<1x128xi32, #tpu.memory_space<vmem>>
      %dma_start3A_71 = tpu.memref_squeeze %dma_start3A_70 : memref<1x128xi32, #tpu.memory_space<vmem>> -> memref<128xi32, #tpu.memory_space<vmem>>
      %dma_start3A_72 = tpu.memref_slice %arg3[%add3A_66] : memref<320000xi32, #tpu.memory_space<hbm>> -> memref<128xi32, #tpu.memory_space<hbm>>
      %dma_start3A_73 = tpu.memref_slice %arg11[%dma_start3A_68] : memref<12x!tpu.dma_semaphore, #tpu.memory_space<semaphore_mem>> -> memref<1x!tpu.dma_semaphore, #tpu.memory_space<semaphore_mem>>
      %dma_start3A_74 = tpu.memref_squeeze %dma_start3A_73 : memref<1x!tpu.dma_semaphore, #tpu.memory_space<semaphore_mem>> -> memref<!tpu.dma_semaphore, #tpu.memory_space<semaphore_mem>>
      %dma_start3A_75 = arith.constant 0 : i32
      %dma_start3A_76 = tpu.memref_slice %arg9[%dma_start3A_67, %dma_start3A_75] : memref<12x128xi32, #tpu.memory_space<vmem>> -> memref<1x128xi32, #tpu.memory_space<vmem>>
      %dma_start3A_77 = tpu.memref_squeeze %dma_start3A_76 : memref<1x128xi32, #tpu.memory_space<vmem>> -> memref<128xi32, #tpu.memory_space<vmem>>
      %dma_start3A_78 = tpu.memref_slice %arg3[%add3A_66] : memref<320000xi32, #tpu.memory_space<hbm>> -> memref<128xi32, #tpu.memory_space<hbm>>
      tpu.enqueue_dma source(%dma_start3A_78 : memref<128xi32, #tpu.memory_space<hbm>>) target(%dma_start3A_77 : memref<128xi32, #tpu.memory_space<vmem>>) target_semaphore(%dma_start3A_74 : memref<!tpu.dma_semaphore, #tpu.memory_space<semaphore_mem>>)
      %add3A_79 = arith.constant 640 : i32
      %add3A_80 = arith.addi %mul3A_2, %add3A_79 : i32
      %dma_start3A_81 = arith.constant 5 : i32
      %dma_start3A_82 = arith.constant 5 : i32
      %dma_start3A_83 = arith.constant 0 : i32
      %dma_start3A_84 = tpu.memref_slice %arg9[%dma_start3A_81, %dma_start3A_83] : memref<12x128xi32, #tpu.memory_space<vmem>> -> memref<1x128xi32, #tpu.memory_space<vmem>>
      %dma_start3A_85 = tpu.memref_squeeze %dma_start3A_84 : memref<1x128xi32, #tpu.memory_space<vmem>> -> memref<128xi32, #tpu.memory_space<vmem>>
      %dma_start3A_86 = tpu.memref_slice %arg3[%add3A_80] : memref<320000xi32, #tpu.memory_space<hbm>> -> memref<128xi32, #tpu.memory_space<hbm>>
      %dma_start3A_87 = tpu.memref_slice %arg11[%dma_start3A_82] : memref<12x!tpu.dma_semaphore, #tpu.memory_space<semaphore_mem>> -> memref<1x!tpu.dma_semaphore, #tpu.memory_space<semaphore_mem>>
      %dma_start3A_88 = tpu.memref_squeeze %dma_start3A_87 : memref<1x!tpu.dma_semaphore, #tpu.memory_space<semaphore_mem>> -> memref<!tpu.dma_semaphore, #tpu.memory_space<semaphore_mem>>
      %dma_start3A_89 = arith.constant 0 : i32
      %dma_start3A_90 = tpu.memref_slice %arg9[%dma_start3A_81, %dma_start3A_89] : memref<12x128xi32, #tpu.memory_space<vmem>> -> memref<1x128xi32, #tpu.memory_space<vmem>>
      %dma_start3A_91 = tpu.memref_squeeze %dma_start3A_90 : memref<1x128xi32, #tpu.memory_space<vmem>> -> memref<128xi32, #tpu.memory_space<vmem>>
      %dma_start3A_92 = tpu.memref_slice %arg3[%add3A_80] : memref<320000xi32, #tpu.memory_space<hbm>> -> memref<128xi32, #tpu.memory_space<hbm>>
      tpu.enqueue_dma source(%dma_start3A_92 : memref<128xi32, #tpu.memory_space<hbm>>) target(%dma_start3A_91 : memref<128xi32, #tpu.memory_space<vmem>>) target_semaphore(%dma_start3A_88 : memref<!tpu.dma_semaphore, #tpu.memory_space<semaphore_mem>>)
      %add3A_93 = arith.constant 768 : i32
      %add3A_94 = arith.addi %mul3A_2, %add3A_93 : i32
      %dma_start3A_95 = arith.constant 6 : i32
      %dma_start3A_96 = arith.constant 6 : i32
      %dma_start3A_97 = arith.constant 0 : i32
      %dma_start3A_98 = tpu.memref_slice %arg9[%dma_start3A_95, %dma_start3A_97] : memref<12x128xi32, #tpu.memory_space<vmem>> -> memref<1x128xi32, #tpu.memory_space<vmem>>
      %dma_start3A_99 = tpu.memref_squeeze %dma_start3A_98 : memref<1x128xi32, #tpu.memory_space<vmem>> -> memref<128xi32, #tpu.memory_space<vmem>>
      %dma_start3A_100 = tpu.memref_slice %arg3[%add3A_94] : memref<320000xi32, #tpu.memory_space<hbm>> -> memref<128xi32, #tpu.memory_space<hbm>>
      %dma_start3A_101 = tpu.memref_slice %arg11[%dma_start3A_96] : memref<12x!tpu.dma_semaphore, #tpu.memory_space<semaphore_mem>> -> memref<1x!tpu.dma_semaphore, #tpu.memory_space<semaphore_mem>>
      %dma_start3A_102 = tpu.memref_squeeze %dma_start3A_101 : memref<1x!tpu.dma_semaphore, #tpu.memory_space<semaphore_mem>> -> memref<!tpu.dma_semaphore, #tpu.memory_space<semaphore_mem>>
      %dma_start3A_103 = arith.constant 0 : i32
      %dma_start3A_104 = tpu.memref_slice %arg9[%dma_start3A_95, %dma_start3A_103] : memref<12x128xi32, #tpu.memory_space<vmem>> -> memref<1x128xi32, #tpu.memory_space<vmem>>
      %dma_start3A_105 = tpu.memref_squeeze %dma_start3A_104 : memref<1x128xi32, #tpu.memory_space<vmem>> -> memref<128xi32, #tpu.memory_space<vmem>>
      %dma_start3A_106 = tpu.memref_slice %arg3[%add3A_94] : memref<320000xi32, #tpu.memory_space<hbm>> -> memref<128xi32, #tpu.memory_space<hbm>>
      tpu.enqueue_dma source(%dma_start3A_106 : memref<128xi32, #tpu.memory_space<hbm>>) target(%dma_start3A_105 : memref<128xi32, #tpu.memory_space<vmem>>) target_semaphore(%dma_start3A_102 : memref<!tpu.dma_semaphore, #tpu.memory_space<semaphore_mem>>)
      %add3A_107 = arith.constant 896 : i32
      %add3A_108 = arith.addi %mul3A_2, %add3A_107 : i32
      %dma_start3A_109 = arith.constant 7 : i32
      %dma_start3A_110 = arith.constant 7 : i32
      %dma_start3A_111 = arith.constant 0 : i32
      %dma_start3A_112 = tpu.memref_slice %arg9[%dma_start3A_109, %dma_start3A_111] : memref<12x128xi32, #tpu.memory_space<vmem>> -> memref<1x128xi32, #tpu.memory_space<vmem>>
      %dma_start3A_113 = tpu.memref_squeeze %dma_start3A_112 : memref<1x128xi32, #tpu.memory_space<vmem>> -> memref<128xi32, #tpu.memory_space<vmem>>
      %dma_start3A_114 = tpu.memref_slice %arg3[%add3A_108] : memref<320000xi32, #tpu.memory_space<hbm>> -> memref<128xi32, #tpu.memory_space<hbm>>
      %dma_start3A_115 = tpu.memref_slice %arg11[%dma_start3A_110] : memref<12x!tpu.dma_semaphore, #tpu.memory_space<semaphore_mem>> -> memref<1x!tpu.dma_semaphore, #tpu.memory_space<semaphore_mem>>
      %dma_start3A_116 = tpu.memref_squeeze %dma_start3A_115 : memref<1x!tpu.dma_semaphore, #tpu.memory_space<semaphore_mem>> -> memref<!tpu.dma_semaphore, #tpu.memory_space<semaphore_mem>>
      %dma_start3A_117 = arith.constant 0 : i32
      %dma_start3A_118 = tpu.memref_slice %arg9[%dma_start3A_109, %dma_start3A_117] : memref<12x128xi32, #tpu.memory_space<vmem>> -> memref<1x128xi32, #tpu.memory_space<vmem>>
      %dma_start3A_119 = tpu.memref_squeeze %dma_start3A_118 : memref<1x128xi32, #tpu.memory_space<vmem>> -> memref<128xi32, #tpu.memory_space<vmem>>
      %dma_start3A_120 = tpu.memref_slice %arg3[%add3A_108] : memref<320000xi32, #tpu.memory_space<hbm>> -> memref<128xi32, #tpu.memory_space<hbm>>
      tpu.enqueue_dma source(%dma_start3A_120 : memref<128xi32, #tpu.memory_space<hbm>>) target(%dma_start3A_119 : memref<128xi32, #tpu.memory_space<vmem>>) target_semaphore(%dma_start3A_116 : memref<!tpu.dma_semaphore, #tpu.memory_space<semaphore_mem>>)
      %add3A_121 = arith.constant 1024 : i32
      %add3A_122 = arith.addi %mul3A_2, %add3A_121 : i32
      %dma_start3A_123 = arith.constant 8 : i32
      %dma_start3A_124 = arith.constant 8 : i32
      %dma_start3A_125 = arith.constant 0 : i32
      %dma_start3A_126 = tpu.memref_slice %arg9[%dma_start3A_123, %dma_start3A_125] : memref<12x128xi32, #tpu.memory_space<vmem>> -> memref<1x128xi32, #tpu.memory_space<vmem>>
      %dma_start3A_127 = tpu.memref_squeeze %dma_start3A_126 : memref<1x128xi32, #tpu.memory_space<vmem>> -> memref<128xi32, #tpu.memory_space<vmem>>
      %dma_start3A_128 = tpu.memref_slice %arg3[%add3A_122] : memref<320000xi32, #tpu.memory_space<hbm>> -> memref<128xi32, #tpu.memory_space<hbm>>
      %dma_start3A_129 = tpu.memref_slice %arg11[%dma_start3A_124] : memref<12x!tpu.dma_semaphore, #tpu.memory_space<semaphore_mem>> -> memref<1x!tpu.dma_semaphore, #tpu.memory_space<semaphore_mem>>
      %dma_start3A_130 = tpu.memref_squeeze %dma_start3A_129 : memref<1x!tpu.dma_semaphore, #tpu.memory_space<semaphore_mem>> -> memref<!tpu.dma_semaphore, #tpu.memory_space<semaphore_mem>>
      %dma_start3A_131 = arith.constant 0 : i32
      %dma_start3A_132 = tpu.memref_slice %arg9[%dma_start3A_123, %dma_start3A_131] : memref<12x128xi32, #tpu.memory_space<vmem>> -> memref<1x128xi32, #tpu.memory_space<vmem>>
      %dma_start3A_133 = tpu.memref_squeeze %dma_start3A_132 : memref<1x128xi32, #tpu.memory_space<vmem>> -> memref<128xi32, #tpu.memory_space<vmem>>
      %dma_start3A_134 = tpu.memref_slice %arg3[%add3A_122] : memref<320000xi32, #tpu.memory_space<hbm>> -> memref<128xi32, #tpu.memory_space<hbm>>
      tpu.enqueue_dma source(%dma_start3A_134 : memref<128xi32, #tpu.memory_space<hbm>>) target(%dma_start3A_133 : memref<128xi32, #tpu.memory_space<vmem>>) target_semaphore(%dma_start3A_130 : memref<!tpu.dma_semaphore, #tpu.memory_space<semaphore_mem>>)
      %add3A_135 = arith.constant 1152 : i32
      %add3A_136 = arith.addi %mul3A_2, %add3A_135 : i32
      %dma_start3A_137 = arith.constant 9 : i32
      %dma_start3A_138 = arith.constant 9 : i32
      %dma_start3A_139 = arith.constant 0 : i32
      %dma_start3A_140 = tpu.memref_slice %arg9[%dma_start3A_137, %dma_start3A_139] : memref<12x128xi32, #tpu.memory_space<vmem>> -> memref<1x128xi32, #tpu.memory_space<vmem>>
      %dma_start3A_141 = tpu.memref_squeeze %dma_start3A_140 : memref<1x128xi32, #tpu.memory_space<vmem>> -> memref<128xi32, #tpu.memory_space<vmem>>
      %dma_start3A_142 = tpu.memref_slice %arg3[%add3A_136] : memref<320000xi32, #tpu.memory_space<hbm>> -> memref<128xi32, #tpu.memory_space<hbm>>
      %dma_start3A_143 = tpu.memref_slice %arg11[%dma_start3A_138] : memref<12x!tpu.dma_semaphore, #tpu.memory_space<semaphore_mem>> -> memref<1x!tpu.dma_semaphore, #tpu.memory_space<semaphore_mem>>
      %dma_start3A_144 = tpu.memref_squeeze %dma_start3A_143 : memref<1x!tpu.dma_semaphore, #tpu.memory_space<semaphore_mem>> -> memref<!tpu.dma_semaphore, #tpu.memory_space<semaphore_mem>>
      %dma_start3A_145 = arith.constant 0 : i32
      %dma_start3A_146 = tpu.memref_slice %arg9[%dma_start3A_137, %dma_start3A_145] : memref<12x128xi32, #tpu.memory_space<vmem>> -> memref<1x128xi32, #tpu.memory_space<vmem>>
      %dma_start3A_147 = tpu.memref_squeeze %dma_start3A_146 : memref<1x128xi32, #tpu.memory_space<vmem>> -> memref<128xi32, #tpu.memory_space<vmem>>
      %dma_start3A_148 = tpu.memref_slice %arg3[%add3A_136] : memref<320000xi32, #tpu.memory_space<hbm>> -> memref<128xi32, #tpu.memory_space<hbm>>
      tpu.enqueue_dma source(%dma_start3A_148 : memref<128xi32, #tpu.memory_space<hbm>>) target(%dma_start3A_147 : memref<128xi32, #tpu.memory_space<vmem>>) target_semaphore(%dma_start3A_144 : memref<!tpu.dma_semaphore, #tpu.memory_space<semaphore_mem>>)
      %add3A_149 = arith.constant 1280 : i32
      %add3A_150 = arith.addi %mul3A_2, %add3A_149 : i32
      %dma_start3A_151 = arith.constant 10 : i32
      %dma_start3A_152 = arith.constant 10 : i32
      %dma_start3A_153 = arith.constant 0 : i32
      %dma_start3A_154 = tpu.memref_slice %arg9[%dma_start3A_151, %dma_start3A_153] : memref<12x128xi32, #tpu.memory_space<vmem>> -> memref<1x128xi32, #tpu.memory_space<vmem>>
      %dma_start3A_155 = tpu.memref_squeeze %dma_start3A_154 : memref<1x128xi32, #tpu.memory_space<vmem>> -> memref<128xi32, #tpu.memory_space<vmem>>
      %dma_start3A_156 = tpu.memref_slice %arg3[%add3A_150] : memref<320000xi32, #tpu.memory_space<hbm>> -> memref<128xi32, #tpu.memory_space<hbm>>
      %dma_start3A_157 = tpu.memref_slice %arg11[%dma_start3A_152] : memref<12x!tpu.dma_semaphore, #tpu.memory_space<semaphore_mem>> -> memref<1x!tpu.dma_semaphore, #tpu.memory_space<semaphore_mem>>
      %dma_start3A_158 = tpu.memref_squeeze %dma_start3A_157 : memref<1x!tpu.dma_semaphore, #tpu.memory_space<semaphore_mem>> -> memref<!tpu.dma_semaphore, #tpu.memory_space<semaphore_mem>>
      %dma_start3A_159 = arith.constant 0 : i32
      %dma_start3A_160 = tpu.memref_slice %arg9[%dma_start3A_151, %dma_start3A_159] : memref<12x128xi32, #tpu.memory_space<vmem>> -> memref<1x128xi32, #tpu.memory_space<vmem>>
      %dma_start3A_161 = tpu.memref_squeeze %dma_start3A_160 : memref<1x128xi32, #tpu.memory_space<vmem>> -> memref<128xi32, #tpu.memory_space<vmem>>
      %dma_start3A_162 = tpu.memref_slice %arg3[%add3A_150] : memref<320000xi32, #tpu.memory_space<hbm>> -> memref<128xi32, #tpu.memory_space<hbm>>
      tpu.enqueue_dma source(%dma_start3A_162 : memref<128xi32, #tpu.memory_space<hbm>>) target(%dma_start3A_161 : memref<128xi32, #tpu.memory_space<vmem>>) target_semaphore(%dma_start3A_158 : memref<!tpu.dma_semaphore, #tpu.memory_space<semaphore_mem>>)
      %add3A_163 = arith.constant 1408 : i32
      %add3A_164 = arith.addi %mul3A_2, %add3A_163 : i32
      %dma_start3A_165 = arith.constant 11 : i32
      %dma_start3A_166 = arith.constant 11 : i32
      %dma_start3A_167 = arith.constant 0 : i32
      %dma_start3A_168 = tpu.memref_slice %arg9[%dma_start3A_165, %dma_start3A_167] : memref<12x128xi32, #tpu.memory_space<vmem>> -> memref<1x128xi32, #tpu.memory_space<vmem>>
      %dma_start3A_169 = tpu.memref_squeeze %dma_start3A_168 : memref<1x128xi32, #tpu.memory_space<vmem>> -> memref<128xi32, #tpu.memory_space<vmem>>
      %dma_start3A_170 = tpu.memref_slice %arg3[%add3A_164] : memref<320000xi32, #tpu.memory_space<hbm>> -> memref<128xi32, #tpu.memory_space<hbm>>
      %dma_start3A_171 = tpu.memref_slice %arg11[%dma_start3A_166] : memref<12x!tpu.dma_semaphore, #tpu.memory_space<semaphore_mem>> -> memref<1x!tpu.dma_semaphore, #tpu.memory_space<semaphore_mem>>
      %dma_start3A_172 = tpu.memref_squeeze %dma_start3A_171 : memref<1x!tpu.dma_semaphore, #tpu.memory_space<semaphore_mem>> -> memref<!tpu.dma_semaphore, #tpu.memory_space<semaphore_mem>>
      %dma_start3A_173 = arith.constant 0 : i32
      %dma_start3A_174 = tpu.memref_slice %arg9[%dma_start3A_165, %dma_start3A_173] : memref<12x128xi32, #tpu.memory_space<vmem>> -> memref<1x128xi32, #tpu.memory_space<vmem>>
      %dma_start3A_175 = tpu.memref_squeeze %dma_start3A_174 : memref<1x128xi32, #tpu.memory_space<vmem>> -> memref<128xi32, #tpu.memory_space<vmem>>
      %dma_start3A_176 = tpu.memref_slice %arg3[%add3A_164] : memref<320000xi32, #tpu.memory_space<hbm>> -> memref<128xi32, #tpu.memory_space<hbm>>
      tpu.enqueue_dma source(%dma_start3A_176 : memref<128xi32, #tpu.memory_space<hbm>>) target(%dma_start3A_175 : memref<128xi32, #tpu.memory_space<vmem>>) target_semaphore(%dma_start3A_172 : memref<!tpu.dma_semaphore, #tpu.memory_space<semaphore_mem>>)
      %scan3A = arith.constant 0 : i32
      %scan3A_177 = arith.constant 12 : i32
      %scan3A_178 = arith.addi %scan3A, %scan3A_177 : i32
      %scan3A_179 = arith.constant 1 : i32
      scf.for %scan3A_566 = %scan3A to %scan3A_178 step %scan3A_179  : i32 {
        %mul3A_567 = arith.constant 12 : i32
        %mul3A_568 = arith.muli %scan3A_566, %mul3A_567 : i32
        %add3A_569 = arith.constant 0 : i32
        %add3A_570 = arith.addi %add3A_569, %mul3A_568 : i32
        %add3A_571 = arith.constant 0 : i32
        %add3A_572 = arith.addi %add3A_570, %add3A_571 : i32
        %mul3A_573 = arith.constant 128 : i32
        %mul3A_574 = arith.muli %add3A_572, %mul3A_573 : i32
        %add3A_575 = arith.addi %mul3A_2, %mul3A_574 : i32
        %dma_wait3A_576 = arith.constant 0 : i32
        %dma_wait3A_577 = arith.constant 0 : i32
        %dma_wait3A_578 = arith.constant 0 : i32
        %dma_wait3A_579 = tpu.memref_slice %arg9[%dma_wait3A_576, %dma_wait3A_578] : memref<12x128xi32, #tpu.memory_space<vmem>> -> memref<1x128xi32, #tpu.memory_space<vmem>>
        %dma_wait3A_580 = tpu.memref_squeeze %dma_wait3A_579 : memref<1x128xi32, #tpu.memory_space<vmem>> -> memref<128xi32, #tpu.memory_space<vmem>>
        %dma_wait3A_581 = tpu.memref_slice %arg3[%add3A_575] : memref<320000xi32, #tpu.memory_space<hbm>> -> memref<128xi32, #tpu.memory_space<hbm>>
        %dma_wait3A_582 = tpu.memref_slice %arg11[%dma_wait3A_577] : memref<12x!tpu.dma_semaphore, #tpu.memory_space<semaphore_mem>> -> memref<1x!tpu.dma_semaphore, #tpu.memory_space<semaphore_mem>>
        %dma_wait3A_583 = tpu.memref_squeeze %dma_wait3A_582 : memref<1x!tpu.dma_semaphore, #tpu.memory_space<semaphore_mem>> -> memref<!tpu.dma_semaphore, #tpu.memory_space<semaphore_mem>>
        %dma_wait3A_584 = arith.constant 0 : i32
        %dma_wait3A_585 = tpu.memref_slice %arg9[%dma_wait3A_576, %dma_wait3A_584] : memref<12x128xi32, #tpu.memory_space<vmem>> -> memref<1x128xi32, #tpu.memory_space<vmem>>
        %dma_wait3A_586 = tpu.memref_squeeze %dma_wait3A_585 : memref<1x128xi32, #tpu.memory_space<vmem>> -> memref<128xi32, #tpu.memory_space<vmem>>
        %dma_wait3A_587 = tpu.memref_slice %arg3[%add3A_575] : memref<320000xi32, #tpu.memory_space<hbm>> -> memref<128xi32, #tpu.memory_space<hbm>>
        tpu.wait_dma2 semaphore(%dma_wait3A_583 : memref<!tpu.dma_semaphore, #tpu.memory_space<semaphore_mem>>) src(%dma_wait3A_587 : memref<128xi32, #tpu.memory_space<hbm>>) dst(%dma_wait3A_586 : memref<128xi32, #tpu.memory_space<vmem>>)
        %dma_start3A_588 = arith.constant 0 : i32
        %dma_start3A_589 = arith.constant 0 : i32
        %dma_start3A_590 = arith.constant 0 : i32
        %dma_start3A_591 = tpu.memref_slice %arg9[%dma_start3A_588, %dma_start3A_590] : memref<12x128xi32, #tpu.memory_space<vmem>> -> memref<1x128xi32, #tpu.memory_space<vmem>>
        %dma_start3A_592 = tpu.memref_squeeze %dma_start3A_591 : memref<1x128xi32, #tpu.memory_space<vmem>> -> memref<128xi32, #tpu.memory_space<vmem>>
        %dma_start3A_593 = arith.constant 0 : i32
        %dma_start3A_594 = tpu.memref_slice %arg7[%dma_start3A_593] : memref<10240xf32, #tpu.memory_space<vmem_shared>> -> memref<10240xf32, #tpu.memory_space<vmem_shared>>
        %dma_start3A_595 = tpu.memref_slice %arg12[%dma_start3A_589] : memref<12x!tpu.dma_semaphore, #tpu.memory_space<semaphore_mem>> -> memref<1x!tpu.dma_semaphore, #tpu.memory_space<semaphore_mem>>
        %dma_start3A_596 = tpu.memref_squeeze %dma_start3A_595 : memref<1x!tpu.dma_semaphore, #tpu.memory_space<semaphore_mem>> -> memref<!tpu.dma_semaphore, #tpu.memory_space<semaphore_mem>>
        tpu.enqueue_indirect_dma source(%arg8 : memref<128xf32, #tpu.memory_space<vmem>>) target(%dma_start3A_594 : memref<10240xf32, #tpu.memory_space<vmem_shared>>) offsets(%dma_start3A_592 : memref<128xi32, #tpu.memory_space<vmem>>) semaphore(%dma_start3A_596 : memref<!tpu.dma_semaphore, #tpu.memory_space<semaphore_mem>>) {add = true}
        %add3A_597 = arith.constant 1 : i32
        %add3A_598 = arith.addi %add3A_570, %add3A_597 : i32
        %mul3A_599 = arith.constant 128 : i32
        %mul3A_600 = arith.muli %add3A_598, %mul3A_599 : i32
        %add3A_601 = arith.addi %mul3A_2, %mul3A_600 : i32
        %dma_wait3A_602 = arith.constant 1 : i32
        %dma_wait3A_603 = arith.constant 1 : i32
        %dma_wait3A_604 = arith.constant 0 : i32
        %dma_wait3A_605 = tpu.memref_slice %arg9[%dma_wait3A_602, %dma_wait3A_604] : memref<12x128xi32, #tpu.memory_space<vmem>> -> memref<1x128xi32, #tpu.memory_space<vmem>>
        %dma_wait3A_606 = tpu.memref_squeeze %dma_wait3A_605 : memref<1x128xi32, #tpu.memory_space<vmem>> -> memref<128xi32, #tpu.memory_space<vmem>>
        %dma_wait3A_607 = tpu.memref_slice %arg3[%add3A_601] : memref<320000xi32, #tpu.memory_space<hbm>> -> memref<128xi32, #tpu.memory_space<hbm>>
        %dma_wait3A_608 = tpu.memref_slice %arg11[%dma_wait3A_603] : memref<12x!tpu.dma_semaphore, #tpu.memory_space<semaphore_mem>> -> memref<1x!tpu.dma_semaphore, #tpu.memory_space<semaphore_mem>>
        %dma_wait3A_609 = tpu.memref_squeeze %dma_wait3A_608 : memref<1x!tpu.dma_semaphore, #tpu.memory_space<semaphore_mem>> -> memref<!tpu.dma_semaphore, #tpu.memory_space<semaphore_mem>>
        %dma_wait3A_610 = arith.constant 0 : i32
        %dma_wait3A_611 = tpu.memref_slice %arg9[%dma_wait3A_602, %dma_wait3A_610] : memref<12x128xi32, #tpu.memory_space<vmem>> -> memref<1x128xi32, #tpu.memory_space<vmem>>
        %dma_wait3A_612 = tpu.memref_squeeze %dma_wait3A_611 : memref<1x128xi32, #tpu.memory_space<vmem>> -> memref<128xi32, #tpu.memory_space<vmem>>
        %dma_wait3A_613 = tpu.memref_slice %arg3[%add3A_601] : memref<320000xi32, #tpu.memory_space<hbm>> -> memref<128xi32, #tpu.memory_space<hbm>>
        tpu.wait_dma2 semaphore(%dma_wait3A_609 : memref<!tpu.dma_semaphore, #tpu.memory_space<semaphore_mem>>) src(%dma_wait3A_613 : memref<128xi32, #tpu.memory_space<hbm>>) dst(%dma_wait3A_612 : memref<128xi32, #tpu.memory_space<vmem>>)
        %dma_start3A_614 = arith.constant 1 : i32
        %dma_start3A_615 = arith.constant 1 : i32
        %dma_start3A_616 = arith.constant 0 : i32
        %dma_start3A_617 = tpu.memref_slice %arg9[%dma_start3A_614, %dma_start3A_616] : memref<12x128xi32, #tpu.memory_space<vmem>> -> memref<1x128xi32, #tpu.memory_space<vmem>>
        %dma_start3A_618 = tpu.memref_squeeze %dma_start3A_617 : memref<1x128xi32, #tpu.memory_space<vmem>> -> memref<128xi32, #tpu.memory_space<vmem>>
        %dma_start3A_619 = arith.constant 0 : i32
        %dma_start3A_620 = tpu.memref_slice %arg7[%dma_start3A_619] : memref<10240xf32, #tpu.memory_space<vmem_shared>> -> memref<10240xf32, #tpu.memory_space<vmem_shared>>
        %dma_start3A_621 = tpu.memref_slice %arg12[%dma_start3A_615] : memref<12x!tpu.dma_semaphore, #tpu.memory_space<semaphore_mem>> -> memref<1x!tpu.dma_semaphore, #tpu.memory_space<semaphore_mem>>
        %dma_start3A_622 = tpu.memref_squeeze %dma_start3A_621 : memref<1x!tpu.dma_semaphore, #tpu.memory_space<semaphore_mem>> -> memref<!tpu.dma_semaphore, #tpu.memory_space<semaphore_mem>>
        tpu.enqueue_indirect_dma source(%arg8 : memref<128xf32, #tpu.memory_space<vmem>>) target(%dma_start3A_620 : memref<10240xf32, #tpu.memory_space<vmem_shared>>) offsets(%dma_start3A_618 : memref<128xi32, #tpu.memory_space<vmem>>) semaphore(%dma_start3A_622 : memref<!tpu.dma_semaphore, #tpu.memory_space<semaphore_mem>>) {add = true}
        %add3A_623 = arith.constant 2 : i32
        %add3A_624 = arith.addi %add3A_570, %add3A_623 : i32
        %mul3A_625 = arith.constant 128 : i32
        %mul3A_626 = arith.muli %add3A_624, %mul3A_625 : i32
        %add3A_627 = arith.addi %mul3A_2, %mul3A_626 : i32
        %dma_wait3A_628 = arith.constant 2 : i32
        %dma_wait3A_629 = arith.constant 2 : i32
        %dma_wait3A_630 = arith.constant 0 : i32
        %dma_wait3A_631 = tpu.memref_slice %arg9[%dma_wait3A_628, %dma_wait3A_630] : memref<12x128xi32, #tpu.memory_space<vmem>> -> memref<1x128xi32, #tpu.memory_space<vmem>>
        %dma_wait3A_632 = tpu.memref_squeeze %dma_wait3A_631 : memref<1x128xi32, #tpu.memory_space<vmem>> -> memref<128xi32, #tpu.memory_space<vmem>>
        %dma_wait3A_633 = tpu.memref_slice %arg3[%add3A_627] : memref<320000xi32, #tpu.memory_space<hbm>> -> memref<128xi32, #tpu.memory_space<hbm>>
        %dma_wait3A_634 = tpu.memref_slice %arg11[%dma_wait3A_629] : memref<12x!tpu.dma_semaphore, #tpu.memory_space<semaphore_mem>> -> memref<1x!tpu.dma_semaphore, #tpu.memory_space<semaphore_mem>>
        %dma_wait3A_635 = tpu.memref_squeeze %dma_wait3A_634 : memref<1x!tpu.dma_semaphore, #tpu.memory_space<semaphore_mem>> -> memref<!tpu.dma_semaphore, #tpu.memory_space<semaphore_mem>>
        %dma_wait3A_636 = arith.constant 0 : i32
        %dma_wait3A_637 = tpu.memref_slice %arg9[%dma_wait3A_628, %dma_wait3A_636] : memref<12x128xi32, #tpu.memory_space<vmem>> -> memref<1x128xi32, #tpu.memory_space<vmem>>
        %dma_wait3A_638 = tpu.memref_squeeze %dma_wait3A_637 : memref<1x128xi32, #tpu.memory_space<vmem>> -> memref<128xi32, #tpu.memory_space<vmem>>
        %dma_wait3A_639 = tpu.memref_slice %arg3[%add3A_627] : memref<320000xi32, #tpu.memory_space<hbm>> -> memref<128xi32, #tpu.memory_space<hbm>>
        tpu.wait_dma2 semaphore(%dma_wait3A_635 : memref<!tpu.dma_semaphore, #tpu.memory_space<semaphore_mem>>) src(%dma_wait3A_639 : memref<128xi32, #tpu.memory_space<hbm>>) dst(%dma_wait3A_638 : memref<128xi32, #tpu.memory_space<vmem>>)
        %dma_start3A_640 = arith.constant 2 : i32
        %dma_start3A_641 = arith.constant 2 : i32
        %dma_start3A_642 = arith.constant 0 : i32
        %dma_start3A_643 = tpu.memref_slice %arg9[%dma_start3A_640, %dma_start3A_642] : memref<12x128xi32, #tpu.memory_space<vmem>> -> memref<1x128xi32, #tpu.memory_space<vmem>>
        %dma_start3A_644 = tpu.memref_squeeze %dma_start3A_643 : memref<1x128xi32, #tpu.memory_space<vmem>> -> memref<128xi32, #tpu.memory_space<vmem>>
        %dma_start3A_645 = arith.constant 0 : i32
        %dma_start3A_646 = tpu.memref_slice %arg7[%dma_start3A_645] : memref<10240xf32, #tpu.memory_space<vmem_shared>> -> memref<10240xf32, #tpu.memory_space<vmem_shared>>
        %dma_start3A_647 = tpu.memref_slice %arg12[%dma_start3A_641] : memref<12x!tpu.dma_semaphore, #tpu.memory_space<semaphore_mem>> -> memref<1x!tpu.dma_semaphore, #tpu.memory_space<semaphore_mem>>
        %dma_start3A_648 = tpu.memref_squeeze %dma_start3A_647 : memref<1x!tpu.dma_semaphore, #tpu.memory_space<semaphore_mem>> -> memref<!tpu.dma_semaphore, #tpu.memory_space<semaphore_mem>>
        tpu.enqueue_indirect_dma source(%arg8 : memref<128xf32, #tpu.memory_space<vmem>>) target(%dma_start3A_646 : memref<10240xf32, #tpu.memory_space<vmem_shared>>) offsets(%dma_start3A_644 : memref<128xi32, #tpu.memory_space<vmem>>) semaphore(%dma_start3A_648 : memref<!tpu.dma_semaphore, #tpu.memory_space<semaphore_mem>>) {add = true}
        %add3A_649 = arith.constant 3 : i32
        %add3A_650 = arith.addi %add3A_570, %add3A_649 : i32
        %mul3A_651 = arith.constant 128 : i32
        %mul3A_652 = arith.muli %add3A_650, %mul3A_651 : i32
        %add3A_653 = arith.addi %mul3A_2, %mul3A_652 : i32
        %dma_wait3A_654 = arith.constant 3 : i32
        %dma_wait3A_655 = arith.constant 3 : i32
        %dma_wait3A_656 = arith.constant 0 : i32
        %dma_wait3A_657 = tpu.memref_slice %arg9[%dma_wait3A_654, %dma_wait3A_656] : memref<12x128xi32, #tpu.memory_space<vmem>> -> memref<1x128xi32, #tpu.memory_space<vmem>>
        %dma_wait3A_658 = tpu.memref_squeeze %dma_wait3A_657 : memref<1x128xi32, #tpu.memory_space<vmem>> -> memref<128xi32, #tpu.memory_space<vmem>>
        %dma_wait3A_659 = tpu.memref_slice %arg3[%add3A_653] : memref<320000xi32, #tpu.memory_space<hbm>> -> memref<128xi32, #tpu.memory_space<hbm>>
        %dma_wait3A_660 = tpu.memref_slice %arg11[%dma_wait3A_655] : memref<12x!tpu.dma_semaphore, #tpu.memory_space<semaphore_mem>> -> memref<1x!tpu.dma_semaphore, #tpu.memory_space<semaphore_mem>>
        %dma_wait3A_661 = tpu.memref_squeeze %dma_wait3A_660 : memref<1x!tpu.dma_semaphore, #tpu.memory_space<semaphore_mem>> -> memref<!tpu.dma_semaphore, #tpu.memory_space<semaphore_mem>>
        %dma_wait3A_662 = arith.constant 0 : i32
        %dma_wait3A_663 = tpu.memref_slice %arg9[%dma_wait3A_654, %dma_wait3A_662] : memref<12x128xi32, #tpu.memory_space<vmem>> -> memref<1x128xi32, #tpu.memory_space<vmem>>
        %dma_wait3A_664 = tpu.memref_squeeze %dma_wait3A_663 : memref<1x128xi32, #tpu.memory_space<vmem>> -> memref<128xi32, #tpu.memory_space<vmem>>
        %dma_wait3A_665 = tpu.memref_slice %arg3[%add3A_653] : memref<320000xi32, #tpu.memory_space<hbm>> -> memref<128xi32, #tpu.memory_space<hbm>>
        tpu.wait_dma2 semaphore(%dma_wait3A_661 : memref<!tpu.dma_semaphore, #tpu.memory_space<semaphore_mem>>) src(%dma_wait3A_665 : memref<128xi32, #tpu.memory_space<hbm>>) dst(%dma_wait3A_664 : memref<128xi32, #tpu.memory_space<vmem>>)
        %dma_start3A_666 = arith.constant 3 : i32
        %dma_start3A_667 = arith.constant 3 : i32
        %dma_start3A_668 = arith.constant 0 : i32
        %dma_start3A_669 = tpu.memref_slice %arg9[%dma_start3A_666, %dma_start3A_668] : memref<12x128xi32, #tpu.memory_space<vmem>> -> memref<1x128xi32, #tpu.memory_space<vmem>>
        %dma_start3A_670 = tpu.memref_squeeze %dma_start3A_669 : memref<1x128xi32, #tpu.memory_space<vmem>> -> memref<128xi32, #tpu.memory_space<vmem>>
        %dma_start3A_671 = arith.constant 0 : i32
        %dma_start3A_672 = tpu.memref_slice %arg7[%dma_start3A_671] : memref<10240xf32, #tpu.memory_space<vmem_shared>> -> memref<10240xf32, #tpu.memory_space<vmem_shared>>
        %dma_start3A_673 = tpu.memref_slice %arg12[%dma_start3A_667] : memref<12x!tpu.dma_semaphore, #tpu.memory_space<semaphore_mem>> -> memref<1x!tpu.dma_semaphore, #tpu.memory_space<semaphore_mem>>
        %dma_start3A_674 = tpu.memref_squeeze %dma_start3A_673 : memref<1x!tpu.dma_semaphore, #tpu.memory_space<semaphore_mem>> -> memref<!tpu.dma_semaphore, #tpu.memory_space<semaphore_mem>>
        tpu.enqueue_indirect_dma source(%arg8 : memref<128xf32, #tpu.memory_space<vmem>>) target(%dma_start3A_672 : memref<10240xf32, #tpu.memory_space<vmem_shared>>) offsets(%dma_start3A_670 : memref<128xi32, #tpu.memory_space<vmem>>) semaphore(%dma_start3A_674 : memref<!tpu.dma_semaphore, #tpu.memory_space<semaphore_mem>>) {add = true}
        %add3A_675 = arith.constant 4 : i32
        %add3A_676 = arith.addi %add3A_570, %add3A_675 : i32
        %mul3A_677 = arith.constant 128 : i32
        %mul3A_678 = arith.muli %add3A_676, %mul3A_677 : i32
        %add3A_679 = arith.addi %mul3A_2, %mul3A_678 : i32
        %dma_wait3A_680 = arith.constant 4 : i32
        %dma_wait3A_681 = arith.constant 4 : i32
        %dma_wait3A_682 = arith.constant 0 : i32
        %dma_wait3A_683 = tpu.memref_slice %arg9[%dma_wait3A_680, %dma_wait3A_682] : memref<12x128xi32, #tpu.memory_space<vmem>> -> memref<1x128xi32, #tpu.memory_space<vmem>>
        %dma_wait3A_684 = tpu.memref_squeeze %dma_wait3A_683 : memref<1x128xi32, #tpu.memory_space<vmem>> -> memref<128xi32, #tpu.memory_space<vmem>>
        %dma_wait3A_685 = tpu.memref_slice %arg3[%add3A_679] : memref<320000xi32, #tpu.memory_space<hbm>> -> memref<128xi32, #tpu.memory_space<hbm>>
        %dma_wait3A_686 = tpu.memref_slice %arg11[%dma_wait3A_681] : memref<12x!tpu.dma_semaphore, #tpu.memory_space<semaphore_mem>> -> memref<1x!tpu.dma_semaphore, #tpu.memory_space<semaphore_mem>>
        %dma_wait3A_687 = tpu.memref_squeeze %dma_wait3A_686 : memref<1x!tpu.dma_semaphore, #tpu.memory_space<semaphore_mem>> -> memref<!tpu.dma_semaphore, #tpu.memory_space<semaphore_mem>>
        %dma_wait3A_688 = arith.constant 0 : i32
        %dma_wait3A_689 = tpu.memref_slice %arg9[%dma_wait3A_680, %dma_wait3A_688] : memref<12x128xi32, #tpu.memory_space<vmem>> -> memref<1x128xi32, #tpu.memory_space<vmem>>
        %dma_wait3A_690 = tpu.memref_squeeze %dma_wait3A_689 : memref<1x128xi32, #tpu.memory_space<vmem>> -> memref<128xi32, #tpu.memory_space<vmem>>
        %dma_wait3A_691 = tpu.memref_slice %arg3[%add3A_679] : memref<320000xi32, #tpu.memory_space<hbm>> -> memref<128xi32, #tpu.memory_space<hbm>>
        tpu.wait_dma2 semaphore(%dma_wait3A_687 : memref<!tpu.dma_semaphore, #tpu.memory_space<semaphore_mem>>) src(%dma_wait3A_691 : memref<128xi32, #tpu.memory_space<hbm>>) dst(%dma_wait3A_690 : memref<128xi32, #tpu.memory_space<vmem>>)
        %dma_start3A_692 = arith.constant 4 : i32
        %dma_start3A_693 = arith.constant 4 : i32
        %dma_start3A_694 = arith.constant 0 : i32
        %dma_start3A_695 = tpu.memref_slice %arg9[%dma_start3A_692, %dma_start3A_694] : memref<12x128xi32, #tpu.memory_space<vmem>> -> memref<1x128xi32, #tpu.memory_space<vmem>>
        %dma_start3A_696 = tpu.memref_squeeze %dma_start3A_695 : memref<1x128xi32, #tpu.memory_space<vmem>> -> memref<128xi32, #tpu.memory_space<vmem>>
        %dma_start3A_697 = arith.constant 0 : i32
        %dma_start3A_698 = tpu.memref_slice %arg7[%dma_start3A_697] : memref<10240xf32, #tpu.memory_space<vmem_shared>> -> memref<10240xf32, #tpu.memory_space<vmem_shared>>
        %dma_start3A_699 = tpu.memref_slice %arg12[%dma_start3A_693] : memref<12x!tpu.dma_semaphore, #tpu.memory_space<semaphore_mem>> -> memref<1x!tpu.dma_semaphore, #tpu.memory_space<semaphore_mem>>
        %dma_start3A_700 = tpu.memref_squeeze %dma_start3A_699 : memref<1x!tpu.dma_semaphore, #tpu.memory_space<semaphore_mem>> -> memref<!tpu.dma_semaphore, #tpu.memory_space<semaphore_mem>>
        tpu.enqueue_indirect_dma source(%arg8 : memref<128xf32, #tpu.memory_space<vmem>>) target(%dma_start3A_698 : memref<10240xf32, #tpu.memory_space<vmem_shared>>) offsets(%dma_start3A_696 : memref<128xi32, #tpu.memory_space<vmem>>) semaphore(%dma_start3A_700 : memref<!tpu.dma_semaphore, #tpu.memory_space<semaphore_mem>>) {add = true}
        %add3A_701 = arith.constant 5 : i32
        %add3A_702 = arith.addi %add3A_570, %add3A_701 : i32
        %mul3A_703 = arith.constant 128 : i32
        %mul3A_704 = arith.muli %add3A_702, %mul3A_703 : i32
        %add3A_705 = arith.addi %mul3A_2, %mul3A_704 : i32
        %dma_wait3A_706 = arith.constant 5 : i32
        %dma_wait3A_707 = arith.constant 5 : i32
        %dma_wait3A_708 = arith.constant 0 : i32
        %dma_wait3A_709 = tpu.memref_slice %arg9[%dma_wait3A_706, %dma_wait3A_708] : memref<12x128xi32, #tpu.memory_space<vmem>> -> memref<1x128xi32, #tpu.memory_space<vmem>>
        %dma_wait3A_710 = tpu.memref_squeeze %dma_wait3A_709 : memref<1x128xi32, #tpu.memory_space<vmem>> -> memref<128xi32, #tpu.memory_space<vmem>>
        %dma_wait3A_711 = tpu.memref_slice %arg3[%add3A_705] : memref<320000xi32, #tpu.memory_space<hbm>> -> memref<128xi32, #tpu.memory_space<hbm>>
        %dma_wait3A_712 = tpu.memref_slice %arg11[%dma_wait3A_707] : memref<12x!tpu.dma_semaphore, #tpu.memory_space<semaphore_mem>> -> memref<1x!tpu.dma_semaphore, #tpu.memory_space<semaphore_mem>>
        %dma_wait3A_713 = tpu.memref_squeeze %dma_wait3A_712 : memref<1x!tpu.dma_semaphore, #tpu.memory_space<semaphore_mem>> -> memref<!tpu.dma_semaphore, #tpu.memory_space<semaphore_mem>>
        %dma_wait3A_714 = arith.constant 0 : i32
        %dma_wait3A_715 = tpu.memref_slice %arg9[%dma_wait3A_706, %dma_wait3A_714] : memref<12x128xi32, #tpu.memory_space<vmem>> -> memref<1x128xi32, #tpu.memory_space<vmem>>
        %dma_wait3A_716 = tpu.memref_squeeze %dma_wait3A_715 : memref<1x128xi32, #tpu.memory_space<vmem>> -> memref<128xi32, #tpu.memory_space<vmem>>
        %dma_wait3A_717 = tpu.memref_slice %arg3[%add3A_705] : memref<320000xi32, #tpu.memory_space<hbm>> -> memref<128xi32, #tpu.memory_space<hbm>>
        tpu.wait_dma2 semaphore(%dma_wait3A_713 : memref<!tpu.dma_semaphore, #tpu.memory_space<semaphore_mem>>) src(%dma_wait3A_717 : memref<128xi32, #tpu.memory_space<hbm>>) dst(%dma_wait3A_716 : memref<128xi32, #tpu.memory_space<vmem>>)
        %dma_start3A_718 = arith.constant 5 : i32
        %dma_start3A_719 = arith.constant 5 : i32
        %dma_start3A_720 = arith.constant 0 : i32
        %dma_start3A_721 = tpu.memref_slice %arg9[%dma_start3A_718, %dma_start3A_720] : memref<12x128xi32, #tpu.memory_space<vmem>> -> memref<1x128xi32, #tpu.memory_space<vmem>>
        %dma_start3A_722 = tpu.memref_squeeze %dma_start3A_721 : memref<1x128xi32, #tpu.memory_space<vmem>> -> memref<128xi32, #tpu.memory_space<vmem>>
        %dma_start3A_723 = arith.constant 0 : i32
        %dma_start3A_724 = tpu.memref_slice %arg7[%dma_start3A_723] : memref<10240xf32, #tpu.memory_space<vmem_shared>> -> memref<10240xf32, #tpu.memory_space<vmem_shared>>
        %dma_start3A_725 = tpu.memref_slice %arg12[%dma_start3A_719] : memref<12x!tpu.dma_semaphore, #tpu.memory_space<semaphore_mem>> -> memref<1x!tpu.dma_semaphore, #tpu.memory_space<semaphore_mem>>
        %dma_start3A_726 = tpu.memref_squeeze %dma_start3A_725 : memref<1x!tpu.dma_semaphore, #tpu.memory_space<semaphore_mem>> -> memref<!tpu.dma_semaphore, #tpu.memory_space<semaphore_mem>>
        tpu.enqueue_indirect_dma source(%arg8 : memref<128xf32, #tpu.memory_space<vmem>>) target(%dma_start3A_724 : memref<10240xf32, #tpu.memory_space<vmem_shared>>) offsets(%dma_start3A_722 : memref<128xi32, #tpu.memory_space<vmem>>) semaphore(%dma_start3A_726 : memref<!tpu.dma_semaphore, #tpu.memory_space<semaphore_mem>>) {add = true}
        %add3A_727 = arith.constant 6 : i32
        %add3A_728 = arith.addi %add3A_570, %add3A_727 : i32
        %mul3A_729 = arith.constant 128 : i32
        %mul3A_730 = arith.muli %add3A_728, %mul3A_729 : i32
        %add3A_731 = arith.addi %mul3A_2, %mul3A_730 : i32
        %dma_wait3A_732 = arith.constant 6 : i32
        %dma_wait3A_733 = arith.constant 6 : i32
        %dma_wait3A_734 = arith.constant 0 : i32
        %dma_wait3A_735 = tpu.memref_slice %arg9[%dma_wait3A_732, %dma_wait3A_734] : memref<12x128xi32, #tpu.memory_space<vmem>> -> memref<1x128xi32, #tpu.memory_space<vmem>>
        %dma_wait3A_736 = tpu.memref_squeeze %dma_wait3A_735 : memref<1x128xi32, #tpu.memory_space<vmem>> -> memref<128xi32, #tpu.memory_space<vmem>>
        %dma_wait3A_737 = tpu.memref_slice %arg3[%add3A_731] : memref<320000xi32, #tpu.memory_space<hbm>> -> memref<128xi32, #tpu.memory_space<hbm>>
        %dma_wait3A_738 = tpu.memref_slice %arg11[%dma_wait3A_733] : memref<12x!tpu.dma_semaphore, #tpu.memory_space<semaphore_mem>> -> memref<1x!tpu.dma_semaphore, #tpu.memory_space<semaphore_mem>>
        %dma_wait3A_739 = tpu.memref_squeeze %dma_wait3A_738 : memref<1x!tpu.dma_semaphore, #tpu.memory_space<semaphore_mem>> -> memref<!tpu.dma_semaphore, #tpu.memory_space<semaphore_mem>>
        %dma_wait3A_740 = arith.constant 0 : i32
        %dma_wait3A_741 = tpu.memref_slice %arg9[%dma_wait3A_732, %dma_wait3A_740] : memref<12x128xi32, #tpu.memory_space<vmem>> -> memref<1x128xi32, #tpu.memory_space<vmem>>
        %dma_wait3A_742 = tpu.memref_squeeze %dma_wait3A_741 : memref<1x128xi32, #tpu.memory_space<vmem>> -> memref<128xi32, #tpu.memory_space<vmem>>
        %dma_wait3A_743 = tpu.memref_slice %arg3[%add3A_731] : memref<320000xi32, #tpu.memory_space<hbm>> -> memref<128xi32, #tpu.memory_space<hbm>>
        tpu.wait_dma2 semaphore(%dma_wait3A_739 : memref<!tpu.dma_semaphore, #tpu.memory_space<semaphore_mem>>) src(%dma_wait3A_743 : memref<128xi32, #tpu.memory_space<hbm>>) dst(%dma_wait3A_742 : memref<128xi32, #tpu.memory_space<vmem>>)
        %dma_start3A_744 = arith.constant 6 : i32
        %dma_start3A_745 = arith.constant 6 : i32
        %dma_start3A_746 = arith.constant 0 : i32
        %dma_start3A_747 = tpu.memref_slice %arg9[%dma_start3A_744, %dma_start3A_746] : memref<12x128xi32, #tpu.memory_space<vmem>> -> memref<1x128xi32, #tpu.memory_space<vmem>>
        %dma_start3A_748 = tpu.memref_squeeze %dma_start3A_747 : memref<1x128xi32, #tpu.memory_space<vmem>> -> memref<128xi32, #tpu.memory_space<vmem>>
        %dma_start3A_749 = arith.constant 0 : i32
        %dma_start3A_750 = tpu.memref_slice %arg7[%dma_start3A_749] : memref<10240xf32, #tpu.memory_space<vmem_shared>> -> memref<10240xf32, #tpu.memory_space<vmem_shared>>
        %dma_start3A_751 = tpu.memref_slice %arg12[%dma_start3A_745] : memref<12x!tpu.dma_semaphore, #tpu.memory_space<semaphore_mem>> -> memref<1x!tpu.dma_semaphore, #tpu.memory_space<semaphore_mem>>
        %dma_start3A_752 = tpu.memref_squeeze %dma_start3A_751 : memref<1x!tpu.dma_semaphore, #tpu.memory_space<semaphore_mem>> -> memref<!tpu.dma_semaphore, #tpu.memory_space<semaphore_mem>>
        tpu.enqueue_indirect_dma source(%arg8 : memref<128xf32, #tpu.memory_space<vmem>>) target(%dma_start3A_750 : memref<10240xf32, #tpu.memory_space<vmem_shared>>) offsets(%dma_start3A_748 : memref<128xi32, #tpu.memory_space<vmem>>) semaphore(%dma_start3A_752 : memref<!tpu.dma_semaphore, #tpu.memory_space<semaphore_mem>>) {add = true}
        %add3A_753 = arith.constant 7 : i32
        %add3A_754 = arith.addi %add3A_570, %add3A_753 : i32
        %mul3A_755 = arith.constant 128 : i32
        %mul3A_756 = arith.muli %add3A_754, %mul3A_755 : i32
        %add3A_757 = arith.addi %mul3A_2, %mul3A_756 : i32
        %dma_wait3A_758 = arith.constant 7 : i32
        %dma_wait3A_759 = arith.constant 7 : i32
        %dma_wait3A_760 = arith.constant 0 : i32
        %dma_wait3A_761 = tpu.memref_slice %arg9[%dma_wait3A_758, %dma_wait3A_760] : memref<12x128xi32, #tpu.memory_space<vmem>> -> memref<1x128xi32, #tpu.memory_space<vmem>>
        %dma_wait3A_762 = tpu.memref_squeeze %dma_wait3A_761 : memref<1x128xi32, #tpu.memory_space<vmem>> -> memref<128xi32, #tpu.memory_space<vmem>>
        %dma_wait3A_763 = tpu.memref_slice %arg3[%add3A_757] : memref<320000xi32, #tpu.memory_space<hbm>> -> memref<128xi32, #tpu.memory_space<hbm>>
        %dma_wait3A_764 = tpu.memref_slice %arg11[%dma_wait3A_759] : memref<12x!tpu.dma_semaphore, #tpu.memory_space<semaphore_mem>> -> memref<1x!tpu.dma_semaphore, #tpu.memory_space<semaphore_mem>>
        %dma_wait3A_765 = tpu.memref_squeeze %dma_wait3A_764 : memref<1x!tpu.dma_semaphore, #tpu.memory_space<semaphore_mem>> -> memref<!tpu.dma_semaphore, #tpu.memory_space<semaphore_mem>>
        %dma_wait3A_766 = arith.constant 0 : i32
        %dma_wait3A_767 = tpu.memref_slice %arg9[%dma_wait3A_758, %dma_wait3A_766] : memref<12x128xi32, #tpu.memory_space<vmem>> -> memref<1x128xi32, #tpu.memory_space<vmem>>
        %dma_wait3A_768 = tpu.memref_squeeze %dma_wait3A_767 : memref<1x128xi32, #tpu.memory_space<vmem>> -> memref<128xi32, #tpu.memory_space<vmem>>
        %dma_wait3A_769 = tpu.memref_slice %arg3[%add3A_757] : memref<320000xi32, #tpu.memory_space<hbm>> -> memref<128xi32, #tpu.memory_space<hbm>>
        tpu.wait_dma2 semaphore(%dma_wait3A_765 : memref<!tpu.dma_semaphore, #tpu.memory_space<semaphore_mem>>) src(%dma_wait3A_769 : memref<128xi32, #tpu.memory_space<hbm>>) dst(%dma_wait3A_768 : memref<128xi32, #tpu.memory_space<vmem>>)
        %dma_start3A_770 = arith.constant 7 : i32
        %dma_start3A_771 = arith.constant 7 : i32
        %dma_start3A_772 = arith.constant 0 : i32
        %dma_start3A_773 = tpu.memref_slice %arg9[%dma_start3A_770, %dma_start3A_772] : memref<12x128xi32, #tpu.memory_space<vmem>> -> memref<1x128xi32, #tpu.memory_space<vmem>>
        %dma_start3A_774 = tpu.memref_squeeze %dma_start3A_773 : memref<1x128xi32, #tpu.memory_space<vmem>> -> memref<128xi32, #tpu.memory_space<vmem>>
        %dma_start3A_775 = arith.constant 0 : i32
        %dma_start3A_776 = tpu.memref_slice %arg7[%dma_start3A_775] : memref<10240xf32, #tpu.memory_space<vmem_shared>> -> memref<10240xf32, #tpu.memory_space<vmem_shared>>
        %dma_start3A_777 = tpu.memref_slice %arg12[%dma_start3A_771] : memref<12x!tpu.dma_semaphore, #tpu.memory_space<semaphore_mem>> -> memref<1x!tpu.dma_semaphore, #tpu.memory_space<semaphore_mem>>
        %dma_start3A_778 = tpu.memref_squeeze %dma_start3A_777 : memref<1x!tpu.dma_semaphore, #tpu.memory_space<semaphore_mem>> -> memref<!tpu.dma_semaphore, #tpu.memory_space<semaphore_mem>>
        tpu.enqueue_indirect_dma source(%arg8 : memref<128xf32, #tpu.memory_space<vmem>>) target(%dma_start3A_776 : memref<10240xf32, #tpu.memory_space<vmem_shared>>) offsets(%dma_start3A_774 : memref<128xi32, #tpu.memory_space<vmem>>) semaphore(%dma_start3A_778 : memref<!tpu.dma_semaphore, #tpu.memory_space<semaphore_mem>>) {add = true}
        %add3A_779 = arith.constant 8 : i32
        %add3A_780 = arith.addi %add3A_570, %add3A_779 : i32
        %mul3A_781 = arith.constant 128 : i32
        %mul3A_782 = arith.muli %add3A_780, %mul3A_781 : i32
        %add3A_783 = arith.addi %mul3A_2, %mul3A_782 : i32
        %dma_wait3A_784 = arith.constant 8 : i32
        %dma_wait3A_785 = arith.constant 8 : i32
        %dma_wait3A_786 = arith.constant 0 : i32
        %dma_wait3A_787 = tpu.memref_slice %arg9[%dma_wait3A_784, %dma_wait3A_786] : memref<12x128xi32, #tpu.memory_space<vmem>> -> memref<1x128xi32, #tpu.memory_space<vmem>>
        %dma_wait3A_788 = tpu.memref_squeeze %dma_wait3A_787 : memref<1x128xi32, #tpu.memory_space<vmem>> -> memref<128xi32, #tpu.memory_space<vmem>>
        %dma_wait3A_789 = tpu.memref_slice %arg3[%add3A_783] : memref<320000xi32, #tpu.memory_space<hbm>> -> memref<128xi32, #tpu.memory_space<hbm>>
        %dma_wait3A_790 = tpu.memref_slice %arg11[%dma_wait3A_785] : memref<12x!tpu.dma_semaphore, #tpu.memory_space<semaphore_mem>> -> memref<1x!tpu.dma_semaphore, #tpu.memory_space<semaphore_mem>>
        %dma_wait3A_791 = tpu.memref_squeeze %dma_wait3A_790 : memref<1x!tpu.dma_semaphore, #tpu.memory_space<semaphore_mem>> -> memref<!tpu.dma_semaphore, #tpu.memory_space<semaphore_mem>>
        %dma_wait3A_792 = arith.constant 0 : i32
        %dma_wait3A_793 = tpu.memref_slice %arg9[%dma_wait3A_784, %dma_wait3A_792] : memref<12x128xi32, #tpu.memory_space<vmem>> -> memref<1x128xi32, #tpu.memory_space<vmem>>
        %dma_wait3A_794 = tpu.memref_squeeze %dma_wait3A_793 : memref<1x128xi32, #tpu.memory_space<vmem>> -> memref<128xi32, #tpu.memory_space<vmem>>
        %dma_wait3A_795 = tpu.memref_slice %arg3[%add3A_783] : memref<320000xi32, #tpu.memory_space<hbm>> -> memref<128xi32, #tpu.memory_space<hbm>>
        tpu.wait_dma2 semaphore(%dma_wait3A_791 : memref<!tpu.dma_semaphore, #tpu.memory_space<semaphore_mem>>) src(%dma_wait3A_795 : memref<128xi32, #tpu.memory_space<hbm>>) dst(%dma_wait3A_794 : memref<128xi32, #tpu.memory_space<vmem>>)
        %dma_start3A_796 = arith.constant 8 : i32
        %dma_start3A_797 = arith.constant 8 : i32
        %dma_start3A_798 = arith.constant 0 : i32
        %dma_start3A_799 = tpu.memref_slice %arg9[%dma_start3A_796, %dma_start3A_798] : memref<12x128xi32, #tpu.memory_space<vmem>> -> memref<1x128xi32, #tpu.memory_space<vmem>>
        %dma_start3A_800 = tpu.memref_squeeze %dma_start3A_799 : memref<1x128xi32, #tpu.memory_space<vmem>> -> memref<128xi32, #tpu.memory_space<vmem>>
        %dma_start3A_801 = arith.constant 0 : i32
        %dma_start3A_802 = tpu.memref_slice %arg7[%dma_start3A_801] : memref<10240xf32, #tpu.memory_space<vmem_shared>> -> memref<10240xf32, #tpu.memory_space<vmem_shared>>
        %dma_start3A_803 = tpu.memref_slice %arg12[%dma_start3A_797] : memref<12x!tpu.dma_semaphore, #tpu.memory_space<semaphore_mem>> -> memref<1x!tpu.dma_semaphore, #tpu.memory_space<semaphore_mem>>
        %dma_start3A_804 = tpu.memref_squeeze %dma_start3A_803 : memref<1x!tpu.dma_semaphore, #tpu.memory_space<semaphore_mem>> -> memref<!tpu.dma_semaphore, #tpu.memory_space<semaphore_mem>>
        tpu.enqueue_indirect_dma source(%arg8 : memref<128xf32, #tpu.memory_space<vmem>>) target(%dma_start3A_802 : memref<10240xf32, #tpu.memory_space<vmem_shared>>) offsets(%dma_start3A_800 : memref<128xi32, #tpu.memory_space<vmem>>) semaphore(%dma_start3A_804 : memref<!tpu.dma_semaphore, #tpu.memory_space<semaphore_mem>>) {add = true}
        %add3A_805 = arith.constant 9 : i32
        %add3A_806 = arith.addi %add3A_570, %add3A_805 : i32
        %mul3A_807 = arith.constant 128 : i32
        %mul3A_808 = arith.muli %add3A_806, %mul3A_807 : i32
        %add3A_809 = arith.addi %mul3A_2, %mul3A_808 : i32
        %dma_wait3A_810 = arith.constant 9 : i32
        %dma_wait3A_811 = arith.constant 9 : i32
        %dma_wait3A_812 = arith.constant 0 : i32
        %dma_wait3A_813 = tpu.memref_slice %arg9[%dma_wait3A_810, %dma_wait3A_812] : memref<12x128xi32, #tpu.memory_space<vmem>> -> memref<1x128xi32, #tpu.memory_space<vmem>>
        %dma_wait3A_814 = tpu.memref_squeeze %dma_wait3A_813 : memref<1x128xi32, #tpu.memory_space<vmem>> -> memref<128xi32, #tpu.memory_space<vmem>>
        %dma_wait3A_815 = tpu.memref_slice %arg3[%add3A_809] : memref<320000xi32, #tpu.memory_space<hbm>> -> memref<128xi32, #tpu.memory_space<hbm>>
        %dma_wait3A_816 = tpu.memref_slice %arg11[%dma_wait3A_811] : memref<12x!tpu.dma_semaphore, #tpu.memory_space<semaphore_mem>> -> memref<1x!tpu.dma_semaphore, #tpu.memory_space<semaphore_mem>>
        %dma_wait3A_817 = tpu.memref_squeeze %dma_wait3A_816 : memref<1x!tpu.dma_semaphore, #tpu.memory_space<semaphore_mem>> -> memref<!tpu.dma_semaphore, #tpu.memory_space<semaphore_mem>>
        %dma_wait3A_818 = arith.constant 0 : i32
        %dma_wait3A_819 = tpu.memref_slice %arg9[%dma_wait3A_810, %dma_wait3A_818] : memref<12x128xi32, #tpu.memory_space<vmem>> -> memref<1x128xi32, #tpu.memory_space<vmem>>
        %dma_wait3A_820 = tpu.memref_squeeze %dma_wait3A_819 : memref<1x128xi32, #tpu.memory_space<vmem>> -> memref<128xi32, #tpu.memory_space<vmem>>
        %dma_wait3A_821 = tpu.memref_slice %arg3[%add3A_809] : memref<320000xi32, #tpu.memory_space<hbm>> -> memref<128xi32, #tpu.memory_space<hbm>>
        tpu.wait_dma2 semaphore(%dma_wait3A_817 : memref<!tpu.dma_semaphore, #tpu.memory_space<semaphore_mem>>) src(%dma_wait3A_821 : memref<128xi32, #tpu.memory_space<hbm>>) dst(%dma_wait3A_820 : memref<128xi32, #tpu.memory_space<vmem>>)
        %dma_start3A_822 = arith.constant 9 : i32
        %dma_start3A_823 = arith.constant 9 : i32
        %dma_start3A_824 = arith.constant 0 : i32
        %dma_start3A_825 = tpu.memref_slice %arg9[%dma_start3A_822, %dma_start3A_824] : memref<12x128xi32, #tpu.memory_space<vmem>> -> memref<1x128xi32, #tpu.memory_space<vmem>>
        %dma_start3A_826 = tpu.memref_squeeze %dma_start3A_825 : memref<1x128xi32, #tpu.memory_space<vmem>> -> memref<128xi32, #tpu.memory_space<vmem>>
        %dma_start3A_827 = arith.constant 0 : i32
        %dma_start3A_828 = tpu.memref_slice %arg7[%dma_start3A_827] : memref<10240xf32, #tpu.memory_space<vmem_shared>> -> memref<10240xf32, #tpu.memory_space<vmem_shared>>
        %dma_start3A_829 = tpu.memref_slice %arg12[%dma_start3A_823] : memref<12x!tpu.dma_semaphore, #tpu.memory_space<semaphore_mem>> -> memref<1x!tpu.dma_semaphore, #tpu.memory_space<semaphore_mem>>
        %dma_start3A_830 = tpu.memref_squeeze %dma_start3A_829 : memref<1x!tpu.dma_semaphore, #tpu.memory_space<semaphore_mem>> -> memref<!tpu.dma_semaphore, #tpu.memory_space<semaphore_mem>>
        tpu.enqueue_indirect_dma source(%arg8 : memref<128xf32, #tpu.memory_space<vmem>>) target(%dma_start3A_828 : memref<10240xf32, #tpu.memory_space<vmem_shared>>) offsets(%dma_start3A_826 : memref<128xi32, #tpu.memory_space<vmem>>) semaphore(%dma_start3A_830 : memref<!tpu.dma_semaphore, #tpu.memory_space<semaphore_mem>>) {add = true}
        %add3A_831 = arith.constant 10 : i32
        %add3A_832 = arith.addi %add3A_570, %add3A_831 : i32
        %mul3A_833 = arith.constant 128 : i32
        %mul3A_834 = arith.muli %add3A_832, %mul3A_833 : i32
        %add3A_835 = arith.addi %mul3A_2, %mul3A_834 : i32
        %dma_wait3A_836 = arith.constant 10 : i32
        %dma_wait3A_837 = arith.constant 10 : i32
        %dma_wait3A_838 = arith.constant 0 : i32
        %dma_wait3A_839 = tpu.memref_slice %arg9[%dma_wait3A_836, %dma_wait3A_838] : memref<12x128xi32, #tpu.memory_space<vmem>> -> memref<1x128xi32, #tpu.memory_space<vmem>>
        %dma_wait3A_840 = tpu.memref_squeeze %dma_wait3A_839 : memref<1x128xi32, #tpu.memory_space<vmem>> -> memref<128xi32, #tpu.memory_space<vmem>>
        %dma_wait3A_841 = tpu.memref_slice %arg3[%add3A_835] : memref<320000xi32, #tpu.memory_space<hbm>> -> memref<128xi32, #tpu.memory_space<hbm>>
        %dma_wait3A_842 = tpu.memref_slice %arg11[%dma_wait3A_837] : memref<12x!tpu.dma_semaphore, #tpu.memory_space<semaphore_mem>> -> memref<1x!tpu.dma_semaphore, #tpu.memory_space<semaphore_mem>>
        %dma_wait3A_843 = tpu.memref_squeeze %dma_wait3A_842 : memref<1x!tpu.dma_semaphore, #tpu.memory_space<semaphore_mem>> -> memref<!tpu.dma_semaphore, #tpu.memory_space<semaphore_mem>>
        %dma_wait3A_844 = arith.constant 0 : i32
        %dma_wait3A_845 = tpu.memref_slice %arg9[%dma_wait3A_836, %dma_wait3A_844] : memref<12x128xi32, #tpu.memory_space<vmem>> -> memref<1x128xi32, #tpu.memory_space<vmem>>
        %dma_wait3A_846 = tpu.memref_squeeze %dma_wait3A_845 : memref<1x128xi32, #tpu.memory_space<vmem>> -> memref<128xi32, #tpu.memory_space<vmem>>
        %dma_wait3A_847 = tpu.memref_slice %arg3[%add3A_835] : memref<320000xi32, #tpu.memory_space<hbm>> -> memref<128xi32, #tpu.memory_space<hbm>>
        tpu.wait_dma2 semaphore(%dma_wait3A_843 : memref<!tpu.dma_semaphore, #tpu.memory_space<semaphore_mem>>) src(%dma_wait3A_847 : memref<128xi32, #tpu.memory_space<hbm>>) dst(%dma_wait3A_846 : memref<128xi32, #tpu.memory_space<vmem>>)
        %dma_start3A_848 = arith.constant 10 : i32
        %dma_start3A_849 = arith.constant 10 : i32
        %dma_start3A_850 = arith.constant 0 : i32
        %dma_start3A_851 = tpu.memref_slice %arg9[%dma_start3A_848, %dma_start3A_850] : memref<12x128xi32, #tpu.memory_space<vmem>> -> memref<1x128xi32, #tpu.memory_space<vmem>>
        %dma_start3A_852 = tpu.memref_squeeze %dma_start3A_851 : memref<1x128xi32, #tpu.memory_space<vmem>> -> memref<128xi32, #tpu.memory_space<vmem>>
        %dma_start3A_853 = arith.constant 0 : i32
        %dma_start3A_854 = tpu.memref_slice %arg7[%dma_start3A_853] : memref<10240xf32, #tpu.memory_space<vmem_shared>> -> memref<10240xf32, #tpu.memory_space<vmem_shared>>
        %dma_start3A_855 = tpu.memref_slice %arg12[%dma_start3A_849] : memref<12x!tpu.dma_semaphore, #tpu.memory_space<semaphore_mem>> -> memref<1x!tpu.dma_semaphore, #tpu.memory_space<semaphore_mem>>
        %dma_start3A_856 = tpu.memref_squeeze %dma_start3A_855 : memref<1x!tpu.dma_semaphore, #tpu.memory_space<semaphore_mem>> -> memref<!tpu.dma_semaphore, #tpu.memory_space<semaphore_mem>>
        tpu.enqueue_indirect_dma source(%arg8 : memref<128xf32, #tpu.memory_space<vmem>>) target(%dma_start3A_854 : memref<10240xf32, #tpu.memory_space<vmem_shared>>) offsets(%dma_start3A_852 : memref<128xi32, #tpu.memory_space<vmem>>) semaphore(%dma_start3A_856 : memref<!tpu.dma_semaphore, #tpu.memory_space<semaphore_mem>>) {add = true}
        %add3A_857 = arith.constant 11 : i32
        %add3A_858 = arith.addi %add3A_570, %add3A_857 : i32
        %mul3A_859 = arith.constant 128 : i32
        %mul3A_860 = arith.muli %add3A_858, %mul3A_859 : i32
        %add3A_861 = arith.addi %mul3A_2, %mul3A_860 : i32
        %dma_wait3A_862 = arith.constant 11 : i32
        %dma_wait3A_863 = arith.constant 11 : i32
        %dma_wait3A_864 = arith.constant 0 : i32
        %dma_wait3A_865 = tpu.memref_slice %arg9[%dma_wait3A_862, %dma_wait3A_864] : memref<12x128xi32, #tpu.memory_space<vmem>> -> memref<1x128xi32, #tpu.memory_space<vmem>>
        %dma_wait3A_866 = tpu.memref_squeeze %dma_wait3A_865 : memref<1x128xi32, #tpu.memory_space<vmem>> -> memref<128xi32, #tpu.memory_space<vmem>>
        %dma_wait3A_867 = tpu.memref_slice %arg3[%add3A_861] : memref<320000xi32, #tpu.memory_space<hbm>> -> memref<128xi32, #tpu.memory_space<hbm>>
        %dma_wait3A_868 = tpu.memref_slice %arg11[%dma_wait3A_863] : memref<12x!tpu.dma_semaphore, #tpu.memory_space<semaphore_mem>> -> memref<1x!tpu.dma_semaphore, #tpu.memory_space<semaphore_mem>>
        %dma_wait3A_869 = tpu.memref_squeeze %dma_wait3A_868 : memref<1x!tpu.dma_semaphore, #tpu.memory_space<semaphore_mem>> -> memref<!tpu.dma_semaphore, #tpu.memory_space<semaphore_mem>>
        %dma_wait3A_870 = arith.constant 0 : i32
        %dma_wait3A_871 = tpu.memref_slice %arg9[%dma_wait3A_862, %dma_wait3A_870] : memref<12x128xi32, #tpu.memory_space<vmem>> -> memref<1x128xi32, #tpu.memory_space<vmem>>
        %dma_wait3A_872 = tpu.memref_squeeze %dma_wait3A_871 : memref<1x128xi32, #tpu.memory_space<vmem>> -> memref<128xi32, #tpu.memory_space<vmem>>
        %dma_wait3A_873 = tpu.memref_slice %arg3[%add3A_861] : memref<320000xi32, #tpu.memory_space<hbm>> -> memref<128xi32, #tpu.memory_space<hbm>>
        tpu.wait_dma2 semaphore(%dma_wait3A_869 : memref<!tpu.dma_semaphore, #tpu.memory_space<semaphore_mem>>) src(%dma_wait3A_873 : memref<128xi32, #tpu.memory_space<hbm>>) dst(%dma_wait3A_872 : memref<128xi32, #tpu.memory_space<vmem>>)
        %dma_start3A_874 = arith.constant 11 : i32
        %dma_start3A_875 = arith.constant 11 : i32
        %dma_start3A_876 = arith.constant 0 : i32
        %dma_start3A_877 = tpu.memref_slice %arg9[%dma_start3A_874, %dma_start3A_876] : memref<12x128xi32, #tpu.memory_space<vmem>> -> memref<1x128xi32, #tpu.memory_space<vmem>>
        %dma_start3A_878 = tpu.memref_squeeze %dma_start3A_877 : memref<1x128xi32, #tpu.memory_space<vmem>> -> memref<128xi32, #tpu.memory_space<vmem>>
        %dma_start3A_879 = arith.constant 0 : i32
        %dma_start3A_880 = tpu.memref_slice %arg7[%dma_start3A_879] : memref<10240xf32, #tpu.memory_space<vmem_shared>> -> memref<10240xf32, #tpu.memory_space<vmem_shared>>
        %dma_start3A_881 = tpu.memref_slice %arg12[%dma_start3A_875] : memref<12x!tpu.dma_semaphore, #tpu.memory_space<semaphore_mem>> -> memref<1x!tpu.dma_semaphore, #tpu.memory_space<semaphore_mem>>
        %dma_start3A_882 = tpu.memref_squeeze %dma_start3A_881 : memref<1x!tpu.dma_semaphore, #tpu.memory_space<semaphore_mem>> -> memref<!tpu.dma_semaphore, #tpu.memory_space<semaphore_mem>>
        tpu.enqueue_indirect_dma source(%arg8 : memref<128xf32, #tpu.memory_space<vmem>>) target(%dma_start3A_880 : memref<10240xf32, #tpu.memory_space<vmem_shared>>) offsets(%dma_start3A_878 : memref<128xi32, #tpu.memory_space<vmem>>) semaphore(%dma_start3A_882 : memref<!tpu.dma_semaphore, #tpu.memory_space<semaphore_mem>>) {add = true}
        %dma_wait3A_883 = arith.constant 0 : i32
        %dma_wait3A_884 = arith.constant 0 : i32
        %dma_wait3A_885 = arith.constant 0 : i32
        %dma_wait3A_886 = tpu.memref_slice %arg9[%dma_wait3A_883, %dma_wait3A_885] : memref<12x128xi32, #tpu.memory_space<vmem>> -> memref<1x128xi32, #tpu.memory_space<vmem>>
        %dma_wait3A_887 = tpu.memref_squeeze %dma_wait3A_886 : memref<1x128xi32, #tpu.memory_space<vmem>> -> memref<128xi32, #tpu.memory_space<vmem>>
        %dma_wait3A_888 = arith.constant 0 : i32
        %dma_wait3A_889 = tpu.memref_slice %arg7[%dma_wait3A_888] : memref<10240xf32, #tpu.memory_space<vmem_shared>> -> memref<10240xf32, #tpu.memory_space<vmem_shared>>
        %dma_wait3A_890 = tpu.memref_slice %arg12[%dma_wait3A_884] : memref<12x!tpu.dma_semaphore, #tpu.memory_space<semaphore_mem>> -> memref<1x!tpu.dma_semaphore, #tpu.memory_space<semaphore_mem>>
        %dma_wait3A_891 = tpu.memref_squeeze %dma_wait3A_890 : memref<1x!tpu.dma_semaphore, #tpu.memory_space<semaphore_mem>> -> memref<!tpu.dma_semaphore, #tpu.memory_space<semaphore_mem>>
        tpu.wait_indirect_dma semaphore(%dma_wait3A_891 : memref<!tpu.dma_semaphore, #tpu.memory_space<semaphore_mem>>) src(%arg8 : memref<128xf32, #tpu.memory_space<vmem>>) dst(%dma_wait3A_889 : memref<10240xf32, #tpu.memory_space<vmem_shared>>)
        %add3A_892 = arith.constant 0 : i32
        %add3A_893 = arith.addi %add3A_570, %add3A_892 : i32
        %add3A_894 = arith.constant 12 : i32
        %add3A_895 = arith.addi %add3A_893, %add3A_894 : i32
        %mul3A_896 = arith.constant 128 : i32
        %mul3A_897 = arith.muli %add3A_895, %mul3A_896 : i32
        %add3A_898 = arith.addi %mul3A_2, %mul3A_897 : i32
        %dma_start3A_899 = arith.constant 0 : i32
        %dma_start3A_900 = arith.constant 0 : i32
        %dma_start3A_901 = arith.constant 0 : i32
        %dma_start3A_902 = tpu.memref_slice %arg9[%dma_start3A_899, %dma_start3A_901] : memref<12x128xi32, #tpu.memory_space<vmem>> -> memref<1x128xi32, #tpu.memory_space<vmem>>
        %dma_start3A_903 = tpu.memref_squeeze %dma_start3A_902 : memref<1x128xi32, #tpu.memory_space<vmem>> -> memref<128xi32, #tpu.memory_space<vmem>>
        %dma_start3A_904 = tpu.memref_slice %arg3[%add3A_898] : memref<320000xi32, #tpu.memory_space<hbm>> -> memref<128xi32, #tpu.memory_space<hbm>>
        %dma_start3A_905 = tpu.memref_slice %arg11[%dma_start3A_900] : memref<12x!tpu.dma_semaphore, #tpu.memory_space<semaphore_mem>> -> memref<1x!tpu.dma_semaphore, #tpu.memory_space<semaphore_mem>>
        %dma_start3A_906 = tpu.memref_squeeze %dma_start3A_905 : memref<1x!tpu.dma_semaphore, #tpu.memory_space<semaphore_mem>> -> memref<!tpu.dma_semaphore, #tpu.memory_space<semaphore_mem>>
        %dma_start3A_907 = arith.constant 0 : i32
        %dma_start3A_908 = tpu.memref_slice %arg9[%dma_start3A_899, %dma_start3A_907] : memref<12x128xi32, #tpu.memory_space<vmem>> -> memref<1x128xi32, #tpu.memory_space<vmem>>
        %dma_start3A_909 = tpu.memref_squeeze %dma_start3A_908 : memref<1x128xi32, #tpu.memory_space<vmem>> -> memref<128xi32, #tpu.memory_space<vmem>>
        %dma_start3A_910 = tpu.memref_slice %arg3[%add3A_898] : memref<320000xi32, #tpu.memory_space<hbm>> -> memref<128xi32, #tpu.memory_space<hbm>>
        tpu.enqueue_dma source(%dma_start3A_910 : memref<128xi32, #tpu.memory_space<hbm>>) target(%dma_start3A_909 : memref<128xi32, #tpu.memory_space<vmem>>) target_semaphore(%dma_start3A_906 : memref<!tpu.dma_semaphore, #tpu.memory_space<semaphore_mem>>)
        %dma_wait3A_911 = arith.constant 1 : i32
        %dma_wait3A_912 = arith.constant 1 : i32
        %dma_wait3A_913 = arith.constant 0 : i32
        %dma_wait3A_914 = tpu.memref_slice %arg9[%dma_wait3A_911, %dma_wait3A_913] : memref<12x128xi32, #tpu.memory_space<vmem>> -> memref<1x128xi32, #tpu.memory_space<vmem>>
        %dma_wait3A_915 = tpu.memref_squeeze %dma_wait3A_914 : memref<1x128xi32, #tpu.memory_space<vmem>> -> memref<128xi32, #tpu.memory_space<vmem>>
        %dma_wait3A_916 = arith.constant 0 : i32
        %dma_wait3A_917 = tpu.memref_slice %arg7[%dma_wait3A_916] : memref<10240xf32, #tpu.memory_space<vmem_shared>> -> memref<10240xf32, #tpu.memory_space<vmem_shared>>
        %dma_wait3A_918 = tpu.memref_slice %arg12[%dma_wait3A_912] : memref<12x!tpu.dma_semaphore, #tpu.memory_space<semaphore_mem>> -> memref<1x!tpu.dma_semaphore, #tpu.memory_space<semaphore_mem>>
        %dma_wait3A_919 = tpu.memref_squeeze %dma_wait3A_918 : memref<1x!tpu.dma_semaphore, #tpu.memory_space<semaphore_mem>> -> memref<!tpu.dma_semaphore, #tpu.memory_space<semaphore_mem>>
        tpu.wait_indirect_dma semaphore(%dma_wait3A_919 : memref<!tpu.dma_semaphore, #tpu.memory_space<semaphore_mem>>) src(%arg8 : memref<128xf32, #tpu.memory_space<vmem>>) dst(%dma_wait3A_917 : memref<10240xf32, #tpu.memory_space<vmem_shared>>)
        %add3A_920 = arith.constant 1 : i32
        %add3A_921 = arith.addi %add3A_570, %add3A_920 : i32
        %add3A_922 = arith.constant 12 : i32
        %add3A_923 = arith.addi %add3A_921, %add3A_922 : i32
        %mul3A_924 = arith.constant 128 : i32
        %mul3A_925 = arith.muli %add3A_923, %mul3A_924 : i32
        %add3A_926 = arith.addi %mul3A_2, %mul3A_925 : i32
        %dma_start3A_927 = arith.constant 1 : i32
        %dma_start3A_928 = arith.constant 1 : i32
        %dma_start3A_929 = arith.constant 0 : i32
        %dma_start3A_930 = tpu.memref_slice %arg9[%dma_start3A_927, %dma_start3A_929] : memref<12x128xi32, #tpu.memory_space<vmem>> -> memref<1x128xi32, #tpu.memory_space<vmem>>
        %dma_start3A_931 = tpu.memref_squeeze %dma_start3A_930 : memref<1x128xi32, #tpu.memory_space<vmem>> -> memref<128xi32, #tpu.memory_space<vmem>>
        %dma_start3A_932 = tpu.memref_slice %arg3[%add3A_926] : memref<320000xi32, #tpu.memory_space<hbm>> -> memref<128xi32, #tpu.memory_space<hbm>>
        %dma_start3A_933 = tpu.memref_slice %arg11[%dma_start3A_928] : memref<12x!tpu.dma_semaphore, #tpu.memory_space<semaphore_mem>> -> memref<1x!tpu.dma_semaphore, #tpu.memory_space<semaphore_mem>>
        %dma_start3A_934 = tpu.memref_squeeze %dma_start3A_933 : memref<1x!tpu.dma_semaphore, #tpu.memory_space<semaphore_mem>> -> memref<!tpu.dma_semaphore, #tpu.memory_space<semaphore_mem>>
        %dma_start3A_935 = arith.constant 0 : i32
        %dma_start3A_936 = tpu.memref_slice %arg9[%dma_start3A_927, %dma_start3A_935] : memref<12x128xi32, #tpu.memory_space<vmem>> -> memref<1x128xi32, #tpu.memory_space<vmem>>
        %dma_start3A_937 = tpu.memref_squeeze %dma_start3A_936 : memref<1x128xi32, #tpu.memory_space<vmem>> -> memref<128xi32, #tpu.memory_space<vmem>>
        %dma_start3A_938 = tpu.memref_slice %arg3[%add3A_926] : memref<320000xi32, #tpu.memory_space<hbm>> -> memref<128xi32, #tpu.memory_space<hbm>>
        tpu.enqueue_dma source(%dma_start3A_938 : memref<128xi32, #tpu.memory_space<hbm>>) target(%dma_start3A_937 : memref<128xi32, #tpu.memory_space<vmem>>) target_semaphore(%dma_start3A_934 : memref<!tpu.dma_semaphore, #tpu.memory_space<semaphore_mem>>)
        %dma_wait3A_939 = arith.constant 2 : i32
        %dma_wait3A_940 = arith.constant 2 : i32
        %dma_wait3A_941 = arith.constant 0 : i32
        %dma_wait3A_942 = tpu.memref_slice %arg9[%dma_wait3A_939, %dma_wait3A_941] : memref<12x128xi32, #tpu.memory_space<vmem>> -> memref<1x128xi32, #tpu.memory_space<vmem>>
        %dma_wait3A_943 = tpu.memref_squeeze %dma_wait3A_942 : memref<1x128xi32, #tpu.memory_space<vmem>> -> memref<128xi32, #tpu.memory_space<vmem>>
        %dma_wait3A_944 = arith.constant 0 : i32
        %dma_wait3A_945 = tpu.memref_slice %arg7[%dma_wait3A_944] : memref<10240xf32, #tpu.memory_space<vmem_shared>> -> memref<10240xf32, #tpu.memory_space<vmem_shared>>
        %dma_wait3A_946 = tpu.memref_slice %arg12[%dma_wait3A_940] : memref<12x!tpu.dma_semaphore, #tpu.memory_space<semaphore_mem>> -> memref<1x!tpu.dma_semaphore, #tpu.memory_space<semaphore_mem>>
        %dma_wait3A_947 = tpu.memref_squeeze %dma_wait3A_946 : memref<1x!tpu.dma_semaphore, #tpu.memory_space<semaphore_mem>> -> memref<!tpu.dma_semaphore, #tpu.memory_space<semaphore_mem>>
        tpu.wait_indirect_dma semaphore(%dma_wait3A_947 : memref<!tpu.dma_semaphore, #tpu.memory_space<semaphore_mem>>) src(%arg8 : memref<128xf32, #tpu.memory_space<vmem>>) dst(%dma_wait3A_945 : memref<10240xf32, #tpu.memory_space<vmem_shared>>)
        %add3A_948 = arith.constant 2 : i32
        %add3A_949 = arith.addi %add3A_570, %add3A_948 : i32
        %add3A_950 = arith.constant 12 : i32
        %add3A_951 = arith.addi %add3A_949, %add3A_950 : i32
        %mul3A_952 = arith.constant 128 : i32
        %mul3A_953 = arith.muli %add3A_951, %mul3A_952 : i32
        %add3A_954 = arith.addi %mul3A_2, %mul3A_953 : i32
        %dma_start3A_955 = arith.constant 2 : i32
        %dma_start3A_956 = arith.constant 2 : i32
        %dma_start3A_957 = arith.constant 0 : i32
        %dma_start3A_958 = tpu.memref_slice %arg9[%dma_start3A_955, %dma_start3A_957] : memref<12x128xi32, #tpu.memory_space<vmem>> -> memref<1x128xi32, #tpu.memory_space<vmem>>
        %dma_start3A_959 = tpu.memref_squeeze %dma_start3A_958 : memref<1x128xi32, #tpu.memory_space<vmem>> -> memref<128xi32, #tpu.memory_space<vmem>>
        %dma_start3A_960 = tpu.memref_slice %arg3[%add3A_954] : memref<320000xi32, #tpu.memory_space<hbm>> -> memref<128xi32, #tpu.memory_space<hbm>>
        %dma_start3A_961 = tpu.memref_slice %arg11[%dma_start3A_956] : memref<12x!tpu.dma_semaphore, #tpu.memory_space<semaphore_mem>> -> memref<1x!tpu.dma_semaphore, #tpu.memory_space<semaphore_mem>>
        %dma_start3A_962 = tpu.memref_squeeze %dma_start3A_961 : memref<1x!tpu.dma_semaphore, #tpu.memory_space<semaphore_mem>> -> memref<!tpu.dma_semaphore, #tpu.memory_space<semaphore_mem>>
        %dma_start3A_963 = arith.constant 0 : i32
        %dma_start3A_964 = tpu.memref_slice %arg9[%dma_start3A_955, %dma_start3A_963] : memref<12x128xi32, #tpu.memory_space<vmem>> -> memref<1x128xi32, #tpu.memory_space<vmem>>
        %dma_start3A_965 = tpu.memref_squeeze %dma_start3A_964 : memref<1x128xi32, #tpu.memory_space<vmem>> -> memref<128xi32, #tpu.memory_space<vmem>>
        %dma_start3A_966 = tpu.memref_slice %arg3[%add3A_954] : memref<320000xi32, #tpu.memory_space<hbm>> -> memref<128xi32, #tpu.memory_space<hbm>>
        tpu.enqueue_dma source(%dma_start3A_966 : memref<128xi32, #tpu.memory_space<hbm>>) target(%dma_start3A_965 : memref<128xi32, #tpu.memory_space<vmem>>) target_semaphore(%dma_start3A_962 : memref<!tpu.dma_semaphore, #tpu.memory_space<semaphore_mem>>)
        %dma_wait3A_967 = arith.constant 3 : i32
        %dma_wait3A_968 = arith.constant 3 : i32
        %dma_wait3A_969 = arith.constant 0 : i32
        %dma_wait3A_970 = tpu.memref_slice %arg9[%dma_wait3A_967, %dma_wait3A_969] : memref<12x128xi32, #tpu.memory_space<vmem>> -> memref<1x128xi32, #tpu.memory_space<vmem>>
        %dma_wait3A_971 = tpu.memref_squeeze %dma_wait3A_970 : memref<1x128xi32, #tpu.memory_space<vmem>> -> memref<128xi32, #tpu.memory_space<vmem>>
        %dma_wait3A_972 = arith.constant 0 : i32
        %dma_wait3A_973 = tpu.memref_slice %arg7[%dma_wait3A_972] : memref<10240xf32, #tpu.memory_space<vmem_shared>> -> memref<10240xf32, #tpu.memory_space<vmem_shared>>
        %dma_wait3A_974 = tpu.memref_slice %arg12[%dma_wait3A_968] : memref<12x!tpu.dma_semaphore, #tpu.memory_space<semaphore_mem>> -> memref<1x!tpu.dma_semaphore, #tpu.memory_space<semaphore_mem>>
        %dma_wait3A_975 = tpu.memref_squeeze %dma_wait3A_974 : memref<1x!tpu.dma_semaphore, #tpu.memory_space<semaphore_mem>> -> memref<!tpu.dma_semaphore, #tpu.memory_space<semaphore_mem>>
        tpu.wait_indirect_dma semaphore(%dma_wait3A_975 : memref<!tpu.dma_semaphore, #tpu.memory_space<semaphore_mem>>) src(%arg8 : memref<128xf32, #tpu.memory_space<vmem>>) dst(%dma_wait3A_973 : memref<10240xf32, #tpu.memory_space<vmem_shared>>)
        %add3A_976 = arith.constant 3 : i32
        %add3A_977 = arith.addi %add3A_570, %add3A_976 : i32
        %add3A_978 = arith.constant 12 : i32
        %add3A_979 = arith.addi %add3A_977, %add3A_978 : i32
        %mul3A_980 = arith.constant 128 : i32
        %mul3A_981 = arith.muli %add3A_979, %mul3A_980 : i32
        %add3A_982 = arith.addi %mul3A_2, %mul3A_981 : i32
        %dma_start3A_983 = arith.constant 3 : i32
        %dma_start3A_984 = arith.constant 3 : i32
        %dma_start3A_985 = arith.constant 0 : i32
        %dma_start3A_986 = tpu.memref_slice %arg9[%dma_start3A_983, %dma_start3A_985] : memref<12x128xi32, #tpu.memory_space<vmem>> -> memref<1x128xi32, #tpu.memory_space<vmem>>
        %dma_start3A_987 = tpu.memref_squeeze %dma_start3A_986 : memref<1x128xi32, #tpu.memory_space<vmem>> -> memref<128xi32, #tpu.memory_space<vmem>>
        %dma_start3A_988 = tpu.memref_slice %arg3[%add3A_982] : memref<320000xi32, #tpu.memory_space<hbm>> -> memref<128xi32, #tpu.memory_space<hbm>>
        %dma_start3A_989 = tpu.memref_slice %arg11[%dma_start3A_984] : memref<12x!tpu.dma_semaphore, #tpu.memory_space<semaphore_mem>> -> memref<1x!tpu.dma_semaphore, #tpu.memory_space<semaphore_mem>>
        %dma_start3A_990 = tpu.memref_squeeze %dma_start3A_989 : memref<1x!tpu.dma_semaphore, #tpu.memory_space<semaphore_mem>> -> memref<!tpu.dma_semaphore, #tpu.memory_space<semaphore_mem>>
        %dma_start3A_991 = arith.constant 0 : i32
        %dma_start3A_992 = tpu.memref_slice %arg9[%dma_start3A_983, %dma_start3A_991] : memref<12x128xi32, #tpu.memory_space<vmem>> -> memref<1x128xi32, #tpu.memory_space<vmem>>
        %dma_start3A_993 = tpu.memref_squeeze %dma_start3A_992 : memref<1x128xi32, #tpu.memory_space<vmem>> -> memref<128xi32, #tpu.memory_space<vmem>>
        %dma_start3A_994 = tpu.memref_slice %arg3[%add3A_982] : memref<320000xi32, #tpu.memory_space<hbm>> -> memref<128xi32, #tpu.memory_space<hbm>>
        tpu.enqueue_dma source(%dma_start3A_994 : memref<128xi32, #tpu.memory_space<hbm>>) target(%dma_start3A_993 : memref<128xi32, #tpu.memory_space<vmem>>) target_semaphore(%dma_start3A_990 : memref<!tpu.dma_semaphore, #tpu.memory_space<semaphore_mem>>)
        %dma_wait3A_995 = arith.constant 4 : i32
        %dma_wait3A_996 = arith.constant 4 : i32
        %dma_wait3A_997 = arith.constant 0 : i32
        %dma_wait3A_998 = tpu.memref_slice %arg9[%dma_wait3A_995, %dma_wait3A_997] : memref<12x128xi32, #tpu.memory_space<vmem>> -> memref<1x128xi32, #tpu.memory_space<vmem>>
        %dma_wait3A_999 = tpu.memref_squeeze %dma_wait3A_998 : memref<1x128xi32, #tpu.memory_space<vmem>> -> memref<128xi32, #tpu.memory_space<vmem>>
        %dma_wait3A_1000 = arith.constant 0 : i32
        %dma_wait3A_1001 = tpu.memref_slice %arg7[%dma_wait3A_1000] : memref<10240xf32, #tpu.memory_space<vmem_shared>> -> memref<10240xf32, #tpu.memory_space<vmem_shared>>
        %dma_wait3A_1002 = tpu.memref_slice %arg12[%dma_wait3A_996] : memref<12x!tpu.dma_semaphore, #tpu.memory_space<semaphore_mem>> -> memref<1x!tpu.dma_semaphore, #tpu.memory_space<semaphore_mem>>
        %dma_wait3A_1003 = tpu.memref_squeeze %dma_wait3A_1002 : memref<1x!tpu.dma_semaphore, #tpu.memory_space<semaphore_mem>> -> memref<!tpu.dma_semaphore, #tpu.memory_space<semaphore_mem>>
        tpu.wait_indirect_dma semaphore(%dma_wait3A_1003 : memref<!tpu.dma_semaphore, #tpu.memory_space<semaphore_mem>>) src(%arg8 : memref<128xf32, #tpu.memory_space<vmem>>) dst(%dma_wait3A_1001 : memref<10240xf32, #tpu.memory_space<vmem_shared>>)
        %add3A_1004 = arith.constant 4 : i32
        %add3A_1005 = arith.addi %add3A_570, %add3A_1004 : i32
        %add3A_1006 = arith.constant 12 : i32
        %add3A_1007 = arith.addi %add3A_1005, %add3A_1006 : i32
        %mul3A_1008 = arith.constant 128 : i32
        %mul3A_1009 = arith.muli %add3A_1007, %mul3A_1008 : i32
        %add3A_1010 = arith.addi %mul3A_2, %mul3A_1009 : i32
        %dma_start3A_1011 = arith.constant 4 : i32
        %dma_start3A_1012 = arith.constant 4 : i32
        %dma_start3A_1013 = arith.constant 0 : i32
        %dma_start3A_1014 = tpu.memref_slice %arg9[%dma_start3A_1011, %dma_start3A_1013] : memref<12x128xi32, #tpu.memory_space<vmem>> -> memref<1x128xi32, #tpu.memory_space<vmem>>
        %dma_start3A_1015 = tpu.memref_squeeze %dma_start3A_1014 : memref<1x128xi32, #tpu.memory_space<vmem>> -> memref<128xi32, #tpu.memory_space<vmem>>
        %dma_start3A_1016 = tpu.memref_slice %arg3[%add3A_1010] : memref<320000xi32, #tpu.memory_space<hbm>> -> memref<128xi32, #tpu.memory_space<hbm>>
        %dma_start3A_1017 = tpu.memref_slice %arg11[%dma_start3A_1012] : memref<12x!tpu.dma_semaphore, #tpu.memory_space<semaphore_mem>> -> memref<1x!tpu.dma_semaphore, #tpu.memory_space<semaphore_mem>>
        %dma_start3A_1018 = tpu.memref_squeeze %dma_start3A_1017 : memref<1x!tpu.dma_semaphore, #tpu.memory_space<semaphore_mem>> -> memref<!tpu.dma_semaphore, #tpu.memory_space<semaphore_mem>>
        %dma_start3A_1019 = arith.constant 0 : i32
        %dma_start3A_1020 = tpu.memref_slice %arg9[%dma_start3A_1011, %dma_start3A_1019] : memref<12x128xi32, #tpu.memory_space<vmem>> -> memref<1x128xi32, #tpu.memory_space<vmem>>
        %dma_start3A_1021 = tpu.memref_squeeze %dma_start3A_1020 : memref<1x128xi32, #tpu.memory_space<vmem>> -> memref<128xi32, #tpu.memory_space<vmem>>
        %dma_start3A_1022 = tpu.memref_slice %arg3[%add3A_1010] : memref<320000xi32, #tpu.memory_space<hbm>> -> memref<128xi32, #tpu.memory_space<hbm>>
        tpu.enqueue_dma source(%dma_start3A_1022 : memref<128xi32, #tpu.memory_space<hbm>>) target(%dma_start3A_1021 : memref<128xi32, #tpu.memory_space<vmem>>) target_semaphore(%dma_start3A_1018 : memref<!tpu.dma_semaphore, #tpu.memory_space<semaphore_mem>>)
        %dma_wait3A_1023 = arith.constant 5 : i32
        %dma_wait3A_1024 = arith.constant 5 : i32
        %dma_wait3A_1025 = arith.constant 0 : i32
        %dma_wait3A_1026 = tpu.memref_slice %arg9[%dma_wait3A_1023, %dma_wait3A_1025] : memref<12x128xi32, #tpu.memory_space<vmem>> -> memref<1x128xi32, #tpu.memory_space<vmem>>
        %dma_wait3A_1027 = tpu.memref_squeeze %dma_wait3A_1026 : memref<1x128xi32, #tpu.memory_space<vmem>> -> memref<128xi32, #tpu.memory_space<vmem>>
        %dma_wait3A_1028 = arith.constant 0 : i32
        %dma_wait3A_1029 = tpu.memref_slice %arg7[%dma_wait3A_1028] : memref<10240xf32, #tpu.memory_space<vmem_shared>> -> memref<10240xf32, #tpu.memory_space<vmem_shared>>
        %dma_wait3A_1030 = tpu.memref_slice %arg12[%dma_wait3A_1024] : memref<12x!tpu.dma_semaphore, #tpu.memory_space<semaphore_mem>> -> memref<1x!tpu.dma_semaphore, #tpu.memory_space<semaphore_mem>>
        %dma_wait3A_1031 = tpu.memref_squeeze %dma_wait3A_1030 : memref<1x!tpu.dma_semaphore, #tpu.memory_space<semaphore_mem>> -> memref<!tpu.dma_semaphore, #tpu.memory_space<semaphore_mem>>
        tpu.wait_indirect_dma semaphore(%dma_wait3A_1031 : memref<!tpu.dma_semaphore, #tpu.memory_space<semaphore_mem>>) src(%arg8 : memref<128xf32, #tpu.memory_space<vmem>>) dst(%dma_wait3A_1029 : memref<10240xf32, #tpu.memory_space<vmem_shared>>)
        %add3A_1032 = arith.constant 5 : i32
        %add3A_1033 = arith.addi %add3A_570, %add3A_1032 : i32
        %add3A_1034 = arith.constant 12 : i32
        %add3A_1035 = arith.addi %add3A_1033, %add3A_1034 : i32
        %mul3A_1036 = arith.constant 128 : i32
        %mul3A_1037 = arith.muli %add3A_1035, %mul3A_1036 : i32
        %add3A_1038 = arith.addi %mul3A_2, %mul3A_1037 : i32
        %dma_start3A_1039 = arith.constant 5 : i32
        %dma_start3A_1040 = arith.constant 5 : i32
        %dma_start3A_1041 = arith.constant 0 : i32
        %dma_start3A_1042 = tpu.memref_slice %arg9[%dma_start3A_1039, %dma_start3A_1041] : memref<12x128xi32, #tpu.memory_space<vmem>> -> memref<1x128xi32, #tpu.memory_space<vmem>>
        %dma_start3A_1043 = tpu.memref_squeeze %dma_start3A_1042 : memref<1x128xi32, #tpu.memory_space<vmem>> -> memref<128xi32, #tpu.memory_space<vmem>>
        %dma_start3A_1044 = tpu.memref_slice %arg3[%add3A_1038] : memref<320000xi32, #tpu.memory_space<hbm>> -> memref<128xi32, #tpu.memory_space<hbm>>
        %dma_start3A_1045 = tpu.memref_slice %arg11[%dma_start3A_1040] : memref<12x!tpu.dma_semaphore, #tpu.memory_space<semaphore_mem>> -> memref<1x!tpu.dma_semaphore, #tpu.memory_space<semaphore_mem>>
        %dma_start3A_1046 = tpu.memref_squeeze %dma_start3A_1045 : memref<1x!tpu.dma_semaphore, #tpu.memory_space<semaphore_mem>> -> memref<!tpu.dma_semaphore, #tpu.memory_space<semaphore_mem>>
        %dma_start3A_1047 = arith.constant 0 : i32
        %dma_start3A_1048 = tpu.memref_slice %arg9[%dma_start3A_1039, %dma_start3A_1047] : memref<12x128xi32, #tpu.memory_space<vmem>> -> memref<1x128xi32, #tpu.memory_space<vmem>>
        %dma_start3A_1049 = tpu.memref_squeeze %dma_start3A_1048 : memref<1x128xi32, #tpu.memory_space<vmem>> -> memref<128xi32, #tpu.memory_space<vmem>>
        %dma_start3A_1050 = tpu.memref_slice %arg3[%add3A_1038] : memref<320000xi32, #tpu.memory_space<hbm>> -> memref<128xi32, #tpu.memory_space<hbm>>
        tpu.enqueue_dma source(%dma_start3A_1050 : memref<128xi32, #tpu.memory_space<hbm>>) target(%dma_start3A_1049 : memref<128xi32, #tpu.memory_space<vmem>>) target_semaphore(%dma_start3A_1046 : memref<!tpu.dma_semaphore, #tpu.memory_space<semaphore_mem>>)
        %dma_wait3A_1051 = arith.constant 6 : i32
        %dma_wait3A_1052 = arith.constant 6 : i32
        %dma_wait3A_1053 = arith.constant 0 : i32
        %dma_wait3A_1054 = tpu.memref_slice %arg9[%dma_wait3A_1051, %dma_wait3A_1053] : memref<12x128xi32, #tpu.memory_space<vmem>> -> memref<1x128xi32, #tpu.memory_space<vmem>>
        %dma_wait3A_1055 = tpu.memref_squeeze %dma_wait3A_1054 : memref<1x128xi32, #tpu.memory_space<vmem>> -> memref<128xi32, #tpu.memory_space<vmem>>
        %dma_wait3A_1056 = arith.constant 0 : i32
        %dma_wait3A_1057 = tpu.memref_slice %arg7[%dma_wait3A_1056] : memref<10240xf32, #tpu.memory_space<vmem_shared>> -> memref<10240xf32, #tpu.memory_space<vmem_shared>>
        %dma_wait3A_1058 = tpu.memref_slice %arg12[%dma_wait3A_1052] : memref<12x!tpu.dma_semaphore, #tpu.memory_space<semaphore_mem>> -> memref<1x!tpu.dma_semaphore, #tpu.memory_space<semaphore_mem>>
        %dma_wait3A_1059 = tpu.memref_squeeze %dma_wait3A_1058 : memref<1x!tpu.dma_semaphore, #tpu.memory_space<semaphore_mem>> -> memref<!tpu.dma_semaphore, #tpu.memory_space<semaphore_mem>>
        tpu.wait_indirect_dma semaphore(%dma_wait3A_1059 : memref<!tpu.dma_semaphore, #tpu.memory_space<semaphore_mem>>) src(%arg8 : memref<128xf32, #tpu.memory_space<vmem>>) dst(%dma_wait3A_1057 : memref<10240xf32, #tpu.memory_space<vmem_shared>>)
        %add3A_1060 = arith.constant 6 : i32
        %add3A_1061 = arith.addi %add3A_570, %add3A_1060 : i32
        %add3A_1062 = arith.constant 12 : i32
        %add3A_1063 = arith.addi %add3A_1061, %add3A_1062 : i32
        %mul3A_1064 = arith.constant 128 : i32
        %mul3A_1065 = arith.muli %add3A_1063, %mul3A_1064 : i32
        %add3A_1066 = arith.addi %mul3A_2, %mul3A_1065 : i32
        %dma_start3A_1067 = arith.constant 6 : i32
        %dma_start3A_1068 = arith.constant 6 : i32
        %dma_start3A_1069 = arith.constant 0 : i32
        %dma_start3A_1070 = tpu.memref_slice %arg9[%dma_start3A_1067, %dma_start3A_1069] : memref<12x128xi32, #tpu.memory_space<vmem>> -> memref<1x128xi32, #tpu.memory_space<vmem>>
        %dma_start3A_1071 = tpu.memref_squeeze %dma_start3A_1070 : memref<1x128xi32, #tpu.memory_space<vmem>> -> memref<128xi32, #tpu.memory_space<vmem>>
        %dma_start3A_1072 = tpu.memref_slice %arg3[%add3A_1066] : memref<320000xi32, #tpu.memory_space<hbm>> -> memref<128xi32, #tpu.memory_space<hbm>>
        %dma_start3A_1073 = tpu.memref_slice %arg11[%dma_start3A_1068] : memref<12x!tpu.dma_semaphore, #tpu.memory_space<semaphore_mem>> -> memref<1x!tpu.dma_semaphore, #tpu.memory_space<semaphore_mem>>
        %dma_start3A_1074 = tpu.memref_squeeze %dma_start3A_1073 : memref<1x!tpu.dma_semaphore, #tpu.memory_space<semaphore_mem>> -> memref<!tpu.dma_semaphore, #tpu.memory_space<semaphore_mem>>
        %dma_start3A_1075 = arith.constant 0 : i32
        %dma_start3A_1076 = tpu.memref_slice %arg9[%dma_start3A_1067, %dma_start3A_1075] : memref<12x128xi32, #tpu.memory_space<vmem>> -> memref<1x128xi32, #tpu.memory_space<vmem>>
        %dma_start3A_1077 = tpu.memref_squeeze %dma_start3A_1076 : memref<1x128xi32, #tpu.memory_space<vmem>> -> memref<128xi32, #tpu.memory_space<vmem>>
        %dma_start3A_1078 = tpu.memref_slice %arg3[%add3A_1066] : memref<320000xi32, #tpu.memory_space<hbm>> -> memref<128xi32, #tpu.memory_space<hbm>>
        tpu.enqueue_dma source(%dma_start3A_1078 : memref<128xi32, #tpu.memory_space<hbm>>) target(%dma_start3A_1077 : memref<128xi32, #tpu.memory_space<vmem>>) target_semaphore(%dma_start3A_1074 : memref<!tpu.dma_semaphore, #tpu.memory_space<semaphore_mem>>)
        %dma_wait3A_1079 = arith.constant 7 : i32
        %dma_wait3A_1080 = arith.constant 7 : i32
        %dma_wait3A_1081 = arith.constant 0 : i32
        %dma_wait3A_1082 = tpu.memref_slice %arg9[%dma_wait3A_1079, %dma_wait3A_1081] : memref<12x128xi32, #tpu.memory_space<vmem>> -> memref<1x128xi32, #tpu.memory_space<vmem>>
        %dma_wait3A_1083 = tpu.memref_squeeze %dma_wait3A_1082 : memref<1x128xi32, #tpu.memory_space<vmem>> -> memref<128xi32, #tpu.memory_space<vmem>>
        %dma_wait3A_1084 = arith.constant 0 : i32
        %dma_wait3A_1085 = tpu.memref_slice %arg7[%dma_wait3A_1084] : memref<10240xf32, #tpu.memory_space<vmem_shared>> -> memref<10240xf32, #tpu.memory_space<vmem_shared>>
        %dma_wait3A_1086 = tpu.memref_slice %arg12[%dma_wait3A_1080] : memref<12x!tpu.dma_semaphore, #tpu.memory_space<semaphore_mem>> -> memref<1x!tpu.dma_semaphore, #tpu.memory_space<semaphore_mem>>
        %dma_wait3A_1087 = tpu.memref_squeeze %dma_wait3A_1086 : memref<1x!tpu.dma_semaphore, #tpu.memory_space<semaphore_mem>> -> memref<!tpu.dma_semaphore, #tpu.memory_space<semaphore_mem>>
        tpu.wait_indirect_dma semaphore(%dma_wait3A_1087 : memref<!tpu.dma_semaphore, #tpu.memory_space<semaphore_mem>>) src(%arg8 : memref<128xf32, #tpu.memory_space<vmem>>) dst(%dma_wait3A_1085 : memref<10240xf32, #tpu.memory_space<vmem_shared>>)
        %add3A_1088 = arith.constant 7 : i32
        %add3A_1089 = arith.addi %add3A_570, %add3A_1088 : i32
        %add3A_1090 = arith.constant 12 : i32
        %add3A_1091 = arith.addi %add3A_1089, %add3A_1090 : i32
        %mul3A_1092 = arith.constant 128 : i32
        %mul3A_1093 = arith.muli %add3A_1091, %mul3A_1092 : i32
        %add3A_1094 = arith.addi %mul3A_2, %mul3A_1093 : i32
        %dma_start3A_1095 = arith.constant 7 : i32
        %dma_start3A_1096 = arith.constant 7 : i32
        %dma_start3A_1097 = arith.constant 0 : i32
        %dma_start3A_1098 = tpu.memref_slice %arg9[%dma_start3A_1095, %dma_start3A_1097] : memref<12x128xi32, #tpu.memory_space<vmem>> -> memref<1x128xi32, #tpu.memory_space<vmem>>
        %dma_start3A_1099 = tpu.memref_squeeze %dma_start3A_1098 : memref<1x128xi32, #tpu.memory_space<vmem>> -> memref<128xi32, #tpu.memory_space<vmem>>
        %dma_start3A_1100 = tpu.memref_slice %arg3[%add3A_1094] : memref<320000xi32, #tpu.memory_space<hbm>> -> memref<128xi32, #tpu.memory_space<hbm>>
        %dma_start3A_1101 = tpu.memref_slice %arg11[%dma_start3A_1096] : memref<12x!tpu.dma_semaphore, #tpu.memory_space<semaphore_mem>> -> memref<1x!tpu.dma_semaphore, #tpu.memory_space<semaphore_mem>>
        %dma_start3A_1102 = tpu.memref_squeeze %dma_start3A_1101 : memref<1x!tpu.dma_semaphore, #tpu.memory_space<semaphore_mem>> -> memref<!tpu.dma_semaphore, #tpu.memory_space<semaphore_mem>>
        %dma_start3A_1103 = arith.constant 0 : i32
        %dma_start3A_1104 = tpu.memref_slice %arg9[%dma_start3A_1095, %dma_start3A_1103] : memref<12x128xi32, #tpu.memory_space<vmem>> -> memref<1x128xi32, #tpu.memory_space<vmem>>
        %dma_start3A_1105 = tpu.memref_squeeze %dma_start3A_1104 : memref<1x128xi32, #tpu.memory_space<vmem>> -> memref<128xi32, #tpu.memory_space<vmem>>
        %dma_start3A_1106 = tpu.memref_slice %arg3[%add3A_1094] : memref<320000xi32, #tpu.memory_space<hbm>> -> memref<128xi32, #tpu.memory_space<hbm>>
        tpu.enqueue_dma source(%dma_start3A_1106 : memref<128xi32, #tpu.memory_space<hbm>>) target(%dma_start3A_1105 : memref<128xi32, #tpu.memory_space<vmem>>) target_semaphore(%dma_start3A_1102 : memref<!tpu.dma_semaphore, #tpu.memory_space<semaphore_mem>>)
        %dma_wait3A_1107 = arith.constant 8 : i32
        %dma_wait3A_1108 = arith.constant 8 : i32
        %dma_wait3A_1109 = arith.constant 0 : i32
        %dma_wait3A_1110 = tpu.memref_slice %arg9[%dma_wait3A_1107, %dma_wait3A_1109] : memref<12x128xi32, #tpu.memory_space<vmem>> -> memref<1x128xi32, #tpu.memory_space<vmem>>
        %dma_wait3A_1111 = tpu.memref_squeeze %dma_wait3A_1110 : memref<1x128xi32, #tpu.memory_space<vmem>> -> memref<128xi32, #tpu.memory_space<vmem>>
        %dma_wait3A_1112 = arith.constant 0 : i32
        %dma_wait3A_1113 = tpu.memref_slice %arg7[%dma_wait3A_1112] : memref<10240xf32, #tpu.memory_space<vmem_shared>> -> memref<10240xf32, #tpu.memory_space<vmem_shared>>
        %dma_wait3A_1114 = tpu.memref_slice %arg12[%dma_wait3A_1108] : memref<12x!tpu.dma_semaphore, #tpu.memory_space<semaphore_mem>> -> memref<1x!tpu.dma_semaphore, #tpu.memory_space<semaphore_mem>>
        %dma_wait3A_1115 = tpu.memref_squeeze %dma_wait3A_1114 : memref<1x!tpu.dma_semaphore, #tpu.memory_space<semaphore_mem>> -> memref<!tpu.dma_semaphore, #tpu.memory_space<semaphore_mem>>
        tpu.wait_indirect_dma semaphore(%dma_wait3A_1115 : memref<!tpu.dma_semaphore, #tpu.memory_space<semaphore_mem>>) src(%arg8 : memref<128xf32, #tpu.memory_space<vmem>>) dst(%dma_wait3A_1113 : memref<10240xf32, #tpu.memory_space<vmem_shared>>)
        %add3A_1116 = arith.constant 8 : i32
        %add3A_1117 = arith.addi %add3A_570, %add3A_1116 : i32
        %add3A_1118 = arith.constant 12 : i32
        %add3A_1119 = arith.addi %add3A_1117, %add3A_1118 : i32
        %mul3A_1120 = arith.constant 128 : i32
        %mul3A_1121 = arith.muli %add3A_1119, %mul3A_1120 : i32
        %add3A_1122 = arith.addi %mul3A_2, %mul3A_1121 : i32
        %dma_start3A_1123 = arith.constant 8 : i32
        %dma_start3A_1124 = arith.constant 8 : i32
        %dma_start3A_1125 = arith.constant 0 : i32
        %dma_start3A_1126 = tpu.memref_slice %arg9[%dma_start3A_1123, %dma_start3A_1125] : memref<12x128xi32, #tpu.memory_space<vmem>> -> memref<1x128xi32, #tpu.memory_space<vmem>>
        %dma_start3A_1127 = tpu.memref_squeeze %dma_start3A_1126 : memref<1x128xi32, #tpu.memory_space<vmem>> -> memref<128xi32, #tpu.memory_space<vmem>>
        %dma_start3A_1128 = tpu.memref_slice %arg3[%add3A_1122] : memref<320000xi32, #tpu.memory_space<hbm>> -> memref<128xi32, #tpu.memory_space<hbm>>
        %dma_start3A_1129 = tpu.memref_slice %arg11[%dma_start3A_1124] : memref<12x!tpu.dma_semaphore, #tpu.memory_space<semaphore_mem>> -> memref<1x!tpu.dma_semaphore, #tpu.memory_space<semaphore_mem>>
        %dma_start3A_1130 = tpu.memref_squeeze %dma_start3A_1129 : memref<1x!tpu.dma_semaphore, #tpu.memory_space<semaphore_mem>> -> memref<!tpu.dma_semaphore, #tpu.memory_space<semaphore_mem>>
        %dma_start3A_1131 = arith.constant 0 : i32
        %dma_start3A_1132 = tpu.memref_slice %arg9[%dma_start3A_1123, %dma_start3A_1131] : memref<12x128xi32, #tpu.memory_space<vmem>> -> memref<1x128xi32, #tpu.memory_space<vmem>>
        %dma_start3A_1133 = tpu.memref_squeeze %dma_start3A_1132 : memref<1x128xi32, #tpu.memory_space<vmem>> -> memref<128xi32, #tpu.memory_space<vmem>>
        %dma_start3A_1134 = tpu.memref_slice %arg3[%add3A_1122] : memref<320000xi32, #tpu.memory_space<hbm>> -> memref<128xi32, #tpu.memory_space<hbm>>
        tpu.enqueue_dma source(%dma_start3A_1134 : memref<128xi32, #tpu.memory_space<hbm>>) target(%dma_start3A_1133 : memref<128xi32, #tpu.memory_space<vmem>>) target_semaphore(%dma_start3A_1130 : memref<!tpu.dma_semaphore, #tpu.memory_space<semaphore_mem>>)
        %dma_wait3A_1135 = arith.constant 9 : i32
        %dma_wait3A_1136 = arith.constant 9 : i32
        %dma_wait3A_1137 = arith.constant 0 : i32
        %dma_wait3A_1138 = tpu.memref_slice %arg9[%dma_wait3A_1135, %dma_wait3A_1137] : memref<12x128xi32, #tpu.memory_space<vmem>> -> memref<1x128xi32, #tpu.memory_space<vmem>>
        %dma_wait3A_1139 = tpu.memref_squeeze %dma_wait3A_1138 : memref<1x128xi32, #tpu.memory_space<vmem>> -> memref<128xi32, #tpu.memory_space<vmem>>
        %dma_wait3A_1140 = arith.constant 0 : i32
        %dma_wait3A_1141 = tpu.memref_slice %arg7[%dma_wait3A_1140] : memref<10240xf32, #tpu.memory_space<vmem_shared>> -> memref<10240xf32, #tpu.memory_space<vmem_shared>>
        %dma_wait3A_1142 = tpu.memref_slice %arg12[%dma_wait3A_1136] : memref<12x!tpu.dma_semaphore, #tpu.memory_space<semaphore_mem>> -> memref<1x!tpu.dma_semaphore, #tpu.memory_space<semaphore_mem>>
        %dma_wait3A_1143 = tpu.memref_squeeze %dma_wait3A_1142 : memref<1x!tpu.dma_semaphore, #tpu.memory_space<semaphore_mem>> -> memref<!tpu.dma_semaphore, #tpu.memory_space<semaphore_mem>>
        tpu.wait_indirect_dma semaphore(%dma_wait3A_1143 : memref<!tpu.dma_semaphore, #tpu.memory_space<semaphore_mem>>) src(%arg8 : memref<128xf32, #tpu.memory_space<vmem>>) dst(%dma_wait3A_1141 : memref<10240xf32, #tpu.memory_space<vmem_shared>>)
        %add3A_1144 = arith.constant 9 : i32
        %add3A_1145 = arith.addi %add3A_570, %add3A_1144 : i32
        %add3A_1146 = arith.constant 12 : i32
        %add3A_1147 = arith.addi %add3A_1145, %add3A_1146 : i32
        %mul3A_1148 = arith.constant 128 : i32
        %mul3A_1149 = arith.muli %add3A_1147, %mul3A_1148 : i32
        %add3A_1150 = arith.addi %mul3A_2, %mul3A_1149 : i32
        %dma_start3A_1151 = arith.constant 9 : i32
        %dma_start3A_1152 = arith.constant 9 : i32
        %dma_start3A_1153 = arith.constant 0 : i32
        %dma_start3A_1154 = tpu.memref_slice %arg9[%dma_start3A_1151, %dma_start3A_1153] : memref<12x128xi32, #tpu.memory_space<vmem>> -> memref<1x128xi32, #tpu.memory_space<vmem>>
        %dma_start3A_1155 = tpu.memref_squeeze %dma_start3A_1154 : memref<1x128xi32, #tpu.memory_space<vmem>> -> memref<128xi32, #tpu.memory_space<vmem>>
        %dma_start3A_1156 = tpu.memref_slice %arg3[%add3A_1150] : memref<320000xi32, #tpu.memory_space<hbm>> -> memref<128xi32, #tpu.memory_space<hbm>>
        %dma_start3A_1157 = tpu.memref_slice %arg11[%dma_start3A_1152] : memref<12x!tpu.dma_semaphore, #tpu.memory_space<semaphore_mem>> -> memref<1x!tpu.dma_semaphore, #tpu.memory_space<semaphore_mem>>
        %dma_start3A_1158 = tpu.memref_squeeze %dma_start3A_1157 : memref<1x!tpu.dma_semaphore, #tpu.memory_space<semaphore_mem>> -> memref<!tpu.dma_semaphore, #tpu.memory_space<semaphore_mem>>
        %dma_start3A_1159 = arith.constant 0 : i32
        %dma_start3A_1160 = tpu.memref_slice %arg9[%dma_start3A_1151, %dma_start3A_1159] : memref<12x128xi32, #tpu.memory_space<vmem>> -> memref<1x128xi32, #tpu.memory_space<vmem>>
        %dma_start3A_1161 = tpu.memref_squeeze %dma_start3A_1160 : memref<1x128xi32, #tpu.memory_space<vmem>> -> memref<128xi32, #tpu.memory_space<vmem>>
        %dma_start3A_1162 = tpu.memref_slice %arg3[%add3A_1150] : memref<320000xi32, #tpu.memory_space<hbm>> -> memref<128xi32, #tpu.memory_space<hbm>>
        tpu.enqueue_dma source(%dma_start3A_1162 : memref<128xi32, #tpu.memory_space<hbm>>) target(%dma_start3A_1161 : memref<128xi32, #tpu.memory_space<vmem>>) target_semaphore(%dma_start3A_1158 : memref<!tpu.dma_semaphore, #tpu.memory_space<semaphore_mem>>)
        %dma_wait3A_1163 = arith.constant 10 : i32
        %dma_wait3A_1164 = arith.constant 10 : i32
        %dma_wait3A_1165 = arith.constant 0 : i32
        %dma_wait3A_1166 = tpu.memref_slice %arg9[%dma_wait3A_1163, %dma_wait3A_1165] : memref<12x128xi32, #tpu.memory_space<vmem>> -> memref<1x128xi32, #tpu.memory_space<vmem>>
        %dma_wait3A_1167 = tpu.memref_squeeze %dma_wait3A_1166 : memref<1x128xi32, #tpu.memory_space<vmem>> -> memref<128xi32, #tpu.memory_space<vmem>>
        %dma_wait3A_1168 = arith.constant 0 : i32
        %dma_wait3A_1169 = tpu.memref_slice %arg7[%dma_wait3A_1168] : memref<10240xf32, #tpu.memory_space<vmem_shared>> -> memref<10240xf32, #tpu.memory_space<vmem_shared>>
        %dma_wait3A_1170 = tpu.memref_slice %arg12[%dma_wait3A_1164] : memref<12x!tpu.dma_semaphore, #tpu.memory_space<semaphore_mem>> -> memref<1x!tpu.dma_semaphore, #tpu.memory_space<semaphore_mem>>
        %dma_wait3A_1171 = tpu.memref_squeeze %dma_wait3A_1170 : memref<1x!tpu.dma_semaphore, #tpu.memory_space<semaphore_mem>> -> memref<!tpu.dma_semaphore, #tpu.memory_space<semaphore_mem>>
        tpu.wait_indirect_dma semaphore(%dma_wait3A_1171 : memref<!tpu.dma_semaphore, #tpu.memory_space<semaphore_mem>>) src(%arg8 : memref<128xf32, #tpu.memory_space<vmem>>) dst(%dma_wait3A_1169 : memref<10240xf32, #tpu.memory_space<vmem_shared>>)
        %add3A_1172 = arith.constant 10 : i32
        %add3A_1173 = arith.addi %add3A_570, %add3A_1172 : i32
        %add3A_1174 = arith.constant 12 : i32
        %add3A_1175 = arith.addi %add3A_1173, %add3A_1174 : i32
        %mul3A_1176 = arith.constant 128 : i32
        %mul3A_1177 = arith.muli %add3A_1175, %mul3A_1176 : i32
        %add3A_1178 = arith.addi %mul3A_2, %mul3A_1177 : i32
        %dma_start3A_1179 = arith.constant 10 : i32
        %dma_start3A_1180 = arith.constant 10 : i32
        %dma_start3A_1181 = arith.constant 0 : i32
        %dma_start3A_1182 = tpu.memref_slice %arg9[%dma_start3A_1179, %dma_start3A_1181] : memref<12x128xi32, #tpu.memory_space<vmem>> -> memref<1x128xi32, #tpu.memory_space<vmem>>
        %dma_start3A_1183 = tpu.memref_squeeze %dma_start3A_1182 : memref<1x128xi32, #tpu.memory_space<vmem>> -> memref<128xi32, #tpu.memory_space<vmem>>
        %dma_start3A_1184 = tpu.memref_slice %arg3[%add3A_1178] : memref<320000xi32, #tpu.memory_space<hbm>> -> memref<128xi32, #tpu.memory_space<hbm>>
        %dma_start3A_1185 = tpu.memref_slice %arg11[%dma_start3A_1180] : memref<12x!tpu.dma_semaphore, #tpu.memory_space<semaphore_mem>> -> memref<1x!tpu.dma_semaphore, #tpu.memory_space<semaphore_mem>>
        %dma_start3A_1186 = tpu.memref_squeeze %dma_start3A_1185 : memref<1x!tpu.dma_semaphore, #tpu.memory_space<semaphore_mem>> -> memref<!tpu.dma_semaphore, #tpu.memory_space<semaphore_mem>>
        %dma_start3A_1187 = arith.constant 0 : i32
        %dma_start3A_1188 = tpu.memref_slice %arg9[%dma_start3A_1179, %dma_start3A_1187] : memref<12x128xi32, #tpu.memory_space<vmem>> -> memref<1x128xi32, #tpu.memory_space<vmem>>
        %dma_start3A_1189 = tpu.memref_squeeze %dma_start3A_1188 : memref<1x128xi32, #tpu.memory_space<vmem>> -> memref<128xi32, #tpu.memory_space<vmem>>
        %dma_start3A_1190 = tpu.memref_slice %arg3[%add3A_1178] : memref<320000xi32, #tpu.memory_space<hbm>> -> memref<128xi32, #tpu.memory_space<hbm>>
        tpu.enqueue_dma source(%dma_start3A_1190 : memref<128xi32, #tpu.memory_space<hbm>>) target(%dma_start3A_1189 : memref<128xi32, #tpu.memory_space<vmem>>) target_semaphore(%dma_start3A_1186 : memref<!tpu.dma_semaphore, #tpu.memory_space<semaphore_mem>>)
        %dma_wait3A_1191 = arith.constant 11 : i32
        %dma_wait3A_1192 = arith.constant 11 : i32
        %dma_wait3A_1193 = arith.constant 0 : i32
        %dma_wait3A_1194 = tpu.memref_slice %arg9[%dma_wait3A_1191, %dma_wait3A_1193] : memref<12x128xi32, #tpu.memory_space<vmem>> -> memref<1x128xi32, #tpu.memory_space<vmem>>
        %dma_wait3A_1195 = tpu.memref_squeeze %dma_wait3A_1194 : memref<1x128xi32, #tpu.memory_space<vmem>> -> memref<128xi32, #tpu.memory_space<vmem>>
        %dma_wait3A_1196 = arith.constant 0 : i32
        %dma_wait3A_1197 = tpu.memref_slice %arg7[%dma_wait3A_1196] : memref<10240xf32, #tpu.memory_space<vmem_shared>> -> memref<10240xf32, #tpu.memory_space<vmem_shared>>
        %dma_wait3A_1198 = tpu.memref_slice %arg12[%dma_wait3A_1192] : memref<12x!tpu.dma_semaphore, #tpu.memory_space<semaphore_mem>> -> memref<1x!tpu.dma_semaphore, #tpu.memory_space<semaphore_mem>>
        %dma_wait3A_1199 = tpu.memref_squeeze %dma_wait3A_1198 : memref<1x!tpu.dma_semaphore, #tpu.memory_space<semaphore_mem>> -> memref<!tpu.dma_semaphore, #tpu.memory_space<semaphore_mem>>
        tpu.wait_indirect_dma semaphore(%dma_wait3A_1199 : memref<!tpu.dma_semaphore, #tpu.memory_space<semaphore_mem>>) src(%arg8 : memref<128xf32, #tpu.memory_space<vmem>>) dst(%dma_wait3A_1197 : memref<10240xf32, #tpu.memory_space<vmem_shared>>)
        %add3A_1200 = arith.constant 11 : i32
        %add3A_1201 = arith.addi %add3A_570, %add3A_1200 : i32
        %add3A_1202 = arith.constant 12 : i32
        %add3A_1203 = arith.addi %add3A_1201, %add3A_1202 : i32
        %mul3A_1204 = arith.constant 128 : i32
        %mul3A_1205 = arith.muli %add3A_1203, %mul3A_1204 : i32
        %add3A_1206 = arith.addi %mul3A_2, %mul3A_1205 : i32
        %dma_start3A_1207 = arith.constant 11 : i32
        %dma_start3A_1208 = arith.constant 11 : i32
        %dma_start3A_1209 = arith.constant 0 : i32
        %dma_start3A_1210 = tpu.memref_slice %arg9[%dma_start3A_1207, %dma_start3A_1209] : memref<12x128xi32, #tpu.memory_space<vmem>> -> memref<1x128xi32, #tpu.memory_space<vmem>>
        %dma_start3A_1211 = tpu.memref_squeeze %dma_start3A_1210 : memref<1x128xi32, #tpu.memory_space<vmem>> -> memref<128xi32, #tpu.memory_space<vmem>>
        %dma_start3A_1212 = tpu.memref_slice %arg3[%add3A_1206] : memref<320000xi32, #tpu.memory_space<hbm>> -> memref<128xi32, #tpu.memory_space<hbm>>
        %dma_start3A_1213 = tpu.memref_slice %arg11[%dma_start3A_1208] : memref<12x!tpu.dma_semaphore, #tpu.memory_space<semaphore_mem>> -> memref<1x!tpu.dma_semaphore, #tpu.memory_space<semaphore_mem>>
        %dma_start3A_1214 = tpu.memref_squeeze %dma_start3A_1213 : memref<1x!tpu.dma_semaphore, #tpu.memory_space<semaphore_mem>> -> memref<!tpu.dma_semaphore, #tpu.memory_space<semaphore_mem>>
        %dma_start3A_1215 = arith.constant 0 : i32
        %dma_start3A_1216 = tpu.memref_slice %arg9[%dma_start3A_1207, %dma_start3A_1215] : memref<12x128xi32, #tpu.memory_space<vmem>> -> memref<1x128xi32, #tpu.memory_space<vmem>>
        %dma_start3A_1217 = tpu.memref_squeeze %dma_start3A_1216 : memref<1x128xi32, #tpu.memory_space<vmem>> -> memref<128xi32, #tpu.memory_space<vmem>>
        %dma_start3A_1218 = tpu.memref_slice %arg3[%add3A_1206] : memref<320000xi32, #tpu.memory_space<hbm>> -> memref<128xi32, #tpu.memory_space<hbm>>
        tpu.enqueue_dma source(%dma_start3A_1218 : memref<128xi32, #tpu.memory_space<hbm>>) target(%dma_start3A_1217 : memref<128xi32, #tpu.memory_space<vmem>>) target_semaphore(%dma_start3A_1214 : memref<!tpu.dma_semaphore, #tpu.memory_space<semaphore_mem>>)
      }
      %scan3A_180 = arith.constant 12 : i32
      %add3A_181 = arith.constant 18432 : i32
      %add3A_182 = arith.addi %mul3A_2, %add3A_181 : i32
      %dma_wait3A = arith.constant 0 : i32
      %dma_wait3A_183 = arith.constant 0 : i32
      %dma_wait3A_184 = arith.constant 0 : i32
      %dma_wait3A_185 = tpu.memref_slice %arg9[%dma_wait3A, %dma_wait3A_184] : memref<12x128xi32, #tpu.memory_space<vmem>> -> memref<1x128xi32, #tpu.memory_space<vmem>>
      %dma_wait3A_186 = tpu.memref_squeeze %dma_wait3A_185 : memref<1x128xi32, #tpu.memory_space<vmem>> -> memref<128xi32, #tpu.memory_space<vmem>>
      %dma_wait3A_187 = tpu.memref_slice %arg3[%add3A_182] : memref<320000xi32, #tpu.memory_space<hbm>> -> memref<128xi32, #tpu.memory_space<hbm>>
      %dma_wait3A_188 = tpu.memref_slice %arg11[%dma_wait3A_183] : memref<12x!tpu.dma_semaphore, #tpu.memory_space<semaphore_mem>> -> memref<1x!tpu.dma_semaphore, #tpu.memory_space<semaphore_mem>>
      %dma_wait3A_189 = tpu.memref_squeeze %dma_wait3A_188 : memref<1x!tpu.dma_semaphore, #tpu.memory_space<semaphore_mem>> -> memref<!tpu.dma_semaphore, #tpu.memory_space<semaphore_mem>>
      %dma_wait3A_190 = arith.constant 0 : i32
      %dma_wait3A_191 = tpu.memref_slice %arg9[%dma_wait3A, %dma_wait3A_190] : memref<12x128xi32, #tpu.memory_space<vmem>> -> memref<1x128xi32, #tpu.memory_space<vmem>>
      %dma_wait3A_192 = tpu.memref_squeeze %dma_wait3A_191 : memref<1x128xi32, #tpu.memory_space<vmem>> -> memref<128xi32, #tpu.memory_space<vmem>>
      %dma_wait3A_193 = tpu.memref_slice %arg3[%add3A_182] : memref<320000xi32, #tpu.memory_space<hbm>> -> memref<128xi32, #tpu.memory_space<hbm>>
      tpu.wait_dma2 semaphore(%dma_wait3A_189 : memref<!tpu.dma_semaphore, #tpu.memory_space<semaphore_mem>>) src(%dma_wait3A_193 : memref<128xi32, #tpu.memory_space<hbm>>) dst(%dma_wait3A_192 : memref<128xi32, #tpu.memory_space<vmem>>)
      %dma_start3A_194 = arith.constant 0 : i32
      %dma_start3A_195 = arith.constant 0 : i32
      %dma_start3A_196 = arith.constant 0 : i32
      %dma_start3A_197 = tpu.memref_slice %arg9[%dma_start3A_194, %dma_start3A_196] : memref<12x128xi32, #tpu.memory_space<vmem>> -> memref<1x128xi32, #tpu.memory_space<vmem>>
      %dma_start3A_198 = tpu.memref_squeeze %dma_start3A_197 : memref<1x128xi32, #tpu.memory_space<vmem>> -> memref<128xi32, #tpu.memory_space<vmem>>
      %dma_start3A_199 = arith.constant 0 : i32
      %dma_start3A_200 = tpu.memref_slice %arg7[%dma_start3A_199] : memref<10240xf32, #tpu.memory_space<vmem_shared>> -> memref<10240xf32, #tpu.memory_space<vmem_shared>>
      %dma_start3A_201 = tpu.memref_slice %arg12[%dma_start3A_195] : memref<12x!tpu.dma_semaphore, #tpu.memory_space<semaphore_mem>> -> memref<1x!tpu.dma_semaphore, #tpu.memory_space<semaphore_mem>>
      %dma_start3A_202 = tpu.memref_squeeze %dma_start3A_201 : memref<1x!tpu.dma_semaphore, #tpu.memory_space<semaphore_mem>> -> memref<!tpu.dma_semaphore, #tpu.memory_space<semaphore_mem>>
      tpu.enqueue_indirect_dma source(%arg8 : memref<128xf32, #tpu.memory_space<vmem>>) target(%dma_start3A_200 : memref<10240xf32, #tpu.memory_space<vmem_shared>>) offsets(%dma_start3A_198 : memref<128xi32, #tpu.memory_space<vmem>>) semaphore(%dma_start3A_202 : memref<!tpu.dma_semaphore, #tpu.memory_space<semaphore_mem>>) {add = true}
      %add3A_203 = arith.constant 18560 : i32
      %add3A_204 = arith.addi %mul3A_2, %add3A_203 : i32
      %dma_wait3A_205 = arith.constant 1 : i32
      %dma_wait3A_206 = arith.constant 1 : i32
      %dma_wait3A_207 = arith.constant 0 : i32
      %dma_wait3A_208 = tpu.memref_slice %arg9[%dma_wait3A_205, %dma_wait3A_207] : memref<12x128xi32, #tpu.memory_space<vmem>> -> memref<1x128xi32, #tpu.memory_space<vmem>>
      %dma_wait3A_209 = tpu.memref_squeeze %dma_wait3A_208 : memref<1x128xi32, #tpu.memory_space<vmem>> -> memref<128xi32, #tpu.memory_space<vmem>>
      %dma_wait3A_210 = tpu.memref_slice %arg3[%add3A_204] : memref<320000xi32, #tpu.memory_space<hbm>> -> memref<128xi32, #tpu.memory_space<hbm>>
      %dma_wait3A_211 = tpu.memref_slice %arg11[%dma_wait3A_206] : memref<12x!tpu.dma_semaphore, #tpu.memory_space<semaphore_mem>> -> memref<1x!tpu.dma_semaphore, #tpu.memory_space<semaphore_mem>>
      %dma_wait3A_212 = tpu.memref_squeeze %dma_wait3A_211 : memref<1x!tpu.dma_semaphore, #tpu.memory_space<semaphore_mem>> -> memref<!tpu.dma_semaphore, #tpu.memory_space<semaphore_mem>>
      %dma_wait3A_213 = arith.constant 0 : i32
      %dma_wait3A_214 = tpu.memref_slice %arg9[%dma_wait3A_205, %dma_wait3A_213] : memref<12x128xi32, #tpu.memory_space<vmem>> -> memref<1x128xi32, #tpu.memory_space<vmem>>
      %dma_wait3A_215 = tpu.memref_squeeze %dma_wait3A_214 : memref<1x128xi32, #tpu.memory_space<vmem>> -> memref<128xi32, #tpu.memory_space<vmem>>
      %dma_wait3A_216 = tpu.memref_slice %arg3[%add3A_204] : memref<320000xi32, #tpu.memory_space<hbm>> -> memref<128xi32, #tpu.memory_space<hbm>>
      tpu.wait_dma2 semaphore(%dma_wait3A_212 : memref<!tpu.dma_semaphore, #tpu.memory_space<semaphore_mem>>) src(%dma_wait3A_216 : memref<128xi32, #tpu.memory_space<hbm>>) dst(%dma_wait3A_215 : memref<128xi32, #tpu.memory_space<vmem>>)
      %dma_start3A_217 = arith.constant 1 : i32
      %dma_start3A_218 = arith.constant 1 : i32
      %dma_start3A_219 = arith.constant 0 : i32
      %dma_start3A_220 = tpu.memref_slice %arg9[%dma_start3A_217, %dma_start3A_219] : memref<12x128xi32, #tpu.memory_space<vmem>> -> memref<1x128xi32, #tpu.memory_space<vmem>>
      %dma_start3A_221 = tpu.memref_squeeze %dma_start3A_220 : memref<1x128xi32, #tpu.memory_space<vmem>> -> memref<128xi32, #tpu.memory_space<vmem>>
      %dma_start3A_222 = arith.constant 0 : i32
      %dma_start3A_223 = tpu.memref_slice %arg7[%dma_start3A_222] : memref<10240xf32, #tpu.memory_space<vmem_shared>> -> memref<10240xf32, #tpu.memory_space<vmem_shared>>
      %dma_start3A_224 = tpu.memref_slice %arg12[%dma_start3A_218] : memref<12x!tpu.dma_semaphore, #tpu.memory_space<semaphore_mem>> -> memref<1x!tpu.dma_semaphore, #tpu.memory_space<semaphore_mem>>
      %dma_start3A_225 = tpu.memref_squeeze %dma_start3A_224 : memref<1x!tpu.dma_semaphore, #tpu.memory_space<semaphore_mem>> -> memref<!tpu.dma_semaphore, #tpu.memory_space<semaphore_mem>>
      tpu.enqueue_indirect_dma source(%arg8 : memref<128xf32, #tpu.memory_space<vmem>>) target(%dma_start3A_223 : memref<10240xf32, #tpu.memory_space<vmem_shared>>) offsets(%dma_start3A_221 : memref<128xi32, #tpu.memory_space<vmem>>) semaphore(%dma_start3A_225 : memref<!tpu.dma_semaphore, #tpu.memory_space<semaphore_mem>>) {add = true}
      %add3A_226 = arith.constant 18688 : i32
      %add3A_227 = arith.addi %mul3A_2, %add3A_226 : i32
      %dma_wait3A_228 = arith.constant 2 : i32
      %dma_wait3A_229 = arith.constant 2 : i32
      %dma_wait3A_230 = arith.constant 0 : i32
      %dma_wait3A_231 = tpu.memref_slice %arg9[%dma_wait3A_228, %dma_wait3A_230] : memref<12x128xi32, #tpu.memory_space<vmem>> -> memref<1x128xi32, #tpu.memory_space<vmem>>
      %dma_wait3A_232 = tpu.memref_squeeze %dma_wait3A_231 : memref<1x128xi32, #tpu.memory_space<vmem>> -> memref<128xi32, #tpu.memory_space<vmem>>
      %dma_wait3A_233 = tpu.memref_slice %arg3[%add3A_227] : memref<320000xi32, #tpu.memory_space<hbm>> -> memref<128xi32, #tpu.memory_space<hbm>>
      %dma_wait3A_234 = tpu.memref_slice %arg11[%dma_wait3A_229] : memref<12x!tpu.dma_semaphore, #tpu.memory_space<semaphore_mem>> -> memref<1x!tpu.dma_semaphore, #tpu.memory_space<semaphore_mem>>
      %dma_wait3A_235 = tpu.memref_squeeze %dma_wait3A_234 : memref<1x!tpu.dma_semaphore, #tpu.memory_space<semaphore_mem>> -> memref<!tpu.dma_semaphore, #tpu.memory_space<semaphore_mem>>
      %dma_wait3A_236 = arith.constant 0 : i32
      %dma_wait3A_237 = tpu.memref_slice %arg9[%dma_wait3A_228, %dma_wait3A_236] : memref<12x128xi32, #tpu.memory_space<vmem>> -> memref<1x128xi32, #tpu.memory_space<vmem>>
      %dma_wait3A_238 = tpu.memref_squeeze %dma_wait3A_237 : memref<1x128xi32, #tpu.memory_space<vmem>> -> memref<128xi32, #tpu.memory_space<vmem>>
      %dma_wait3A_239 = tpu.memref_slice %arg3[%add3A_227] : memref<320000xi32, #tpu.memory_space<hbm>> -> memref<128xi32, #tpu.memory_space<hbm>>
      tpu.wait_dma2 semaphore(%dma_wait3A_235 : memref<!tpu.dma_semaphore, #tpu.memory_space<semaphore_mem>>) src(%dma_wait3A_239 : memref<128xi32, #tpu.memory_space<hbm>>) dst(%dma_wait3A_238 : memref<128xi32, #tpu.memory_space<vmem>>)
      %dma_start3A_240 = arith.constant 2 : i32
      %dma_start3A_241 = arith.constant 2 : i32
      %dma_start3A_242 = arith.constant 0 : i32
      %dma_start3A_243 = tpu.memref_slice %arg9[%dma_start3A_240, %dma_start3A_242] : memref<12x128xi32, #tpu.memory_space<vmem>> -> memref<1x128xi32, #tpu.memory_space<vmem>>
      %dma_start3A_244 = tpu.memref_squeeze %dma_start3A_243 : memref<1x128xi32, #tpu.memory_space<vmem>> -> memref<128xi32, #tpu.memory_space<vmem>>
      %dma_start3A_245 = arith.constant 0 : i32
      %dma_start3A_246 = tpu.memref_slice %arg7[%dma_start3A_245] : memref<10240xf32, #tpu.memory_space<vmem_shared>> -> memref<10240xf32, #tpu.memory_space<vmem_shared>>
      %dma_start3A_247 = tpu.memref_slice %arg12[%dma_start3A_241] : memref<12x!tpu.dma_semaphore, #tpu.memory_space<semaphore_mem>> -> memref<1x!tpu.dma_semaphore, #tpu.memory_space<semaphore_mem>>
      %dma_start3A_248 = tpu.memref_squeeze %dma_start3A_247 : memref<1x!tpu.dma_semaphore, #tpu.memory_space<semaphore_mem>> -> memref<!tpu.dma_semaphore, #tpu.memory_space<semaphore_mem>>
      tpu.enqueue_indirect_dma source(%arg8 : memref<128xf32, #tpu.memory_space<vmem>>) target(%dma_start3A_246 : memref<10240xf32, #tpu.memory_space<vmem_shared>>) offsets(%dma_start3A_244 : memref<128xi32, #tpu.memory_space<vmem>>) semaphore(%dma_start3A_248 : memref<!tpu.dma_semaphore, #tpu.memory_space<semaphore_mem>>) {add = true}
      %add3A_249 = arith.constant 18816 : i32
      %add3A_250 = arith.addi %mul3A_2, %add3A_249 : i32
      %dma_wait3A_251 = arith.constant 3 : i32
      %dma_wait3A_252 = arith.constant 3 : i32
      %dma_wait3A_253 = arith.constant 0 : i32
      %dma_wait3A_254 = tpu.memref_slice %arg9[%dma_wait3A_251, %dma_wait3A_253] : memref<12x128xi32, #tpu.memory_space<vmem>> -> memref<1x128xi32, #tpu.memory_space<vmem>>
      %dma_wait3A_255 = tpu.memref_squeeze %dma_wait3A_254 : memref<1x128xi32, #tpu.memory_space<vmem>> -> memref<128xi32, #tpu.memory_space<vmem>>
      %dma_wait3A_256 = tpu.memref_slice %arg3[%add3A_250] : memref<320000xi32, #tpu.memory_space<hbm>> -> memref<128xi32, #tpu.memory_space<hbm>>
      %dma_wait3A_257 = tpu.memref_slice %arg11[%dma_wait3A_252] : memref<12x!tpu.dma_semaphore, #tpu.memory_space<semaphore_mem>> -> memref<1x!tpu.dma_semaphore, #tpu.memory_space<semaphore_mem>>
      %dma_wait3A_258 = tpu.memref_squeeze %dma_wait3A_257 : memref<1x!tpu.dma_semaphore, #tpu.memory_space<semaphore_mem>> -> memref<!tpu.dma_semaphore, #tpu.memory_space<semaphore_mem>>
      %dma_wait3A_259 = arith.constant 0 : i32
      %dma_wait3A_260 = tpu.memref_slice %arg9[%dma_wait3A_251, %dma_wait3A_259] : memref<12x128xi32, #tpu.memory_space<vmem>> -> memref<1x128xi32, #tpu.memory_space<vmem>>
      %dma_wait3A_261 = tpu.memref_squeeze %dma_wait3A_260 : memref<1x128xi32, #tpu.memory_space<vmem>> -> memref<128xi32, #tpu.memory_space<vmem>>
      %dma_wait3A_262 = tpu.memref_slice %arg3[%add3A_250] : memref<320000xi32, #tpu.memory_space<hbm>> -> memref<128xi32, #tpu.memory_space<hbm>>
      tpu.wait_dma2 semaphore(%dma_wait3A_258 : memref<!tpu.dma_semaphore, #tpu.memory_space<semaphore_mem>>) src(%dma_wait3A_262 : memref<128xi32, #tpu.memory_space<hbm>>) dst(%dma_wait3A_261 : memref<128xi32, #tpu.memory_space<vmem>>)
      %dma_start3A_263 = arith.constant 3 : i32
      %dma_start3A_264 = arith.constant 3 : i32
      %dma_start3A_265 = arith.constant 0 : i32
      %dma_start3A_266 = tpu.memref_slice %arg9[%dma_start3A_263, %dma_start3A_265] : memref<12x128xi32, #tpu.memory_space<vmem>> -> memref<1x128xi32, #tpu.memory_space<vmem>>
      %dma_start3A_267 = tpu.memref_squeeze %dma_start3A_266 : memref<1x128xi32, #tpu.memory_space<vmem>> -> memref<128xi32, #tpu.memory_space<vmem>>
      %dma_start3A_268 = arith.constant 0 : i32
      %dma_start3A_269 = tpu.memref_slice %arg7[%dma_start3A_268] : memref<10240xf32, #tpu.memory_space<vmem_shared>> -> memref<10240xf32, #tpu.memory_space<vmem_shared>>
      %dma_start3A_270 = tpu.memref_slice %arg12[%dma_start3A_264] : memref<12x!tpu.dma_semaphore, #tpu.memory_space<semaphore_mem>> -> memref<1x!tpu.dma_semaphore, #tpu.memory_space<semaphore_mem>>
      %dma_start3A_271 = tpu.memref_squeeze %dma_start3A_270 : memref<1x!tpu.dma_semaphore, #tpu.memory_space<semaphore_mem>> -> memref<!tpu.dma_semaphore, #tpu.memory_space<semaphore_mem>>
      tpu.enqueue_indirect_dma source(%arg8 : memref<128xf32, #tpu.memory_space<vmem>>) target(%dma_start3A_269 : memref<10240xf32, #tpu.memory_space<vmem_shared>>) offsets(%dma_start3A_267 : memref<128xi32, #tpu.memory_space<vmem>>) semaphore(%dma_start3A_271 : memref<!tpu.dma_semaphore, #tpu.memory_space<semaphore_mem>>) {add = true}
      %add3A_272 = arith.constant 18944 : i32
      %add3A_273 = arith.addi %mul3A_2, %add3A_272 : i32
      %dma_wait3A_274 = arith.constant 4 : i32
      %dma_wait3A_275 = arith.constant 4 : i32
      %dma_wait3A_276 = arith.constant 0 : i32
      %dma_wait3A_277 = tpu.memref_slice %arg9[%dma_wait3A_274, %dma_wait3A_276] : memref<12x128xi32, #tpu.memory_space<vmem>> -> memref<1x128xi32, #tpu.memory_space<vmem>>
      %dma_wait3A_278 = tpu.memref_squeeze %dma_wait3A_277 : memref<1x128xi32, #tpu.memory_space<vmem>> -> memref<128xi32, #tpu.memory_space<vmem>>
      %dma_wait3A_279 = tpu.memref_slice %arg3[%add3A_273] : memref<320000xi32, #tpu.memory_space<hbm>> -> memref<128xi32, #tpu.memory_space<hbm>>
      %dma_wait3A_280 = tpu.memref_slice %arg11[%dma_wait3A_275] : memref<12x!tpu.dma_semaphore, #tpu.memory_space<semaphore_mem>> -> memref<1x!tpu.dma_semaphore, #tpu.memory_space<semaphore_mem>>
      %dma_wait3A_281 = tpu.memref_squeeze %dma_wait3A_280 : memref<1x!tpu.dma_semaphore, #tpu.memory_space<semaphore_mem>> -> memref<!tpu.dma_semaphore, #tpu.memory_space<semaphore_mem>>
      %dma_wait3A_282 = arith.constant 0 : i32
      %dma_wait3A_283 = tpu.memref_slice %arg9[%dma_wait3A_274, %dma_wait3A_282] : memref<12x128xi32, #tpu.memory_space<vmem>> -> memref<1x128xi32, #tpu.memory_space<vmem>>
      %dma_wait3A_284 = tpu.memref_squeeze %dma_wait3A_283 : memref<1x128xi32, #tpu.memory_space<vmem>> -> memref<128xi32, #tpu.memory_space<vmem>>
      %dma_wait3A_285 = tpu.memref_slice %arg3[%add3A_273] : memref<320000xi32, #tpu.memory_space<hbm>> -> memref<128xi32, #tpu.memory_space<hbm>>
      tpu.wait_dma2 semaphore(%dma_wait3A_281 : memref<!tpu.dma_semaphore, #tpu.memory_space<semaphore_mem>>) src(%dma_wait3A_285 : memref<128xi32, #tpu.memory_space<hbm>>) dst(%dma_wait3A_284 : memref<128xi32, #tpu.memory_space<vmem>>)
      %dma_start3A_286 = arith.constant 4 : i32
      %dma_start3A_287 = arith.constant 4 : i32
      %dma_start3A_288 = arith.constant 0 : i32
      %dma_start3A_289 = tpu.memref_slice %arg9[%dma_start3A_286, %dma_start3A_288] : memref<12x128xi32, #tpu.memory_space<vmem>> -> memref<1x128xi32, #tpu.memory_space<vmem>>
      %dma_start3A_290 = tpu.memref_squeeze %dma_start3A_289 : memref<1x128xi32, #tpu.memory_space<vmem>> -> memref<128xi32, #tpu.memory_space<vmem>>
      %dma_start3A_291 = arith.constant 0 : i32
      %dma_start3A_292 = tpu.memref_slice %arg7[%dma_start3A_291] : memref<10240xf32, #tpu.memory_space<vmem_shared>> -> memref<10240xf32, #tpu.memory_space<vmem_shared>>
      %dma_start3A_293 = tpu.memref_slice %arg12[%dma_start3A_287] : memref<12x!tpu.dma_semaphore, #tpu.memory_space<semaphore_mem>> -> memref<1x!tpu.dma_semaphore, #tpu.memory_space<semaphore_mem>>
      %dma_start3A_294 = tpu.memref_squeeze %dma_start3A_293 : memref<1x!tpu.dma_semaphore, #tpu.memory_space<semaphore_mem>> -> memref<!tpu.dma_semaphore, #tpu.memory_space<semaphore_mem>>
      tpu.enqueue_indirect_dma source(%arg8 : memref<128xf32, #tpu.memory_space<vmem>>) target(%dma_start3A_292 : memref<10240xf32, #tpu.memory_space<vmem_shared>>) offsets(%dma_start3A_290 : memref<128xi32, #tpu.memory_space<vmem>>) semaphore(%dma_start3A_294 : memref<!tpu.dma_semaphore, #tpu.memory_space<semaphore_mem>>) {add = true}
      %add3A_295 = arith.constant 19072 : i32
      %add3A_296 = arith.addi %mul3A_2, %add3A_295 : i32
      %dma_wait3A_297 = arith.constant 5 : i32
      %dma_wait3A_298 = arith.constant 5 : i32
      %dma_wait3A_299 = arith.constant 0 : i32
      %dma_wait3A_300 = tpu.memref_slice %arg9[%dma_wait3A_297, %dma_wait3A_299] : memref<12x128xi32, #tpu.memory_space<vmem>> -> memref<1x128xi32, #tpu.memory_space<vmem>>
      %dma_wait3A_301 = tpu.memref_squeeze %dma_wait3A_300 : memref<1x128xi32, #tpu.memory_space<vmem>> -> memref<128xi32, #tpu.memory_space<vmem>>
      %dma_wait3A_302 = tpu.memref_slice %arg3[%add3A_296] : memref<320000xi32, #tpu.memory_space<hbm>> -> memref<128xi32, #tpu.memory_space<hbm>>
      %dma_wait3A_303 = tpu.memref_slice %arg11[%dma_wait3A_298] : memref<12x!tpu.dma_semaphore, #tpu.memory_space<semaphore_mem>> -> memref<1x!tpu.dma_semaphore, #tpu.memory_space<semaphore_mem>>
      %dma_wait3A_304 = tpu.memref_squeeze %dma_wait3A_303 : memref<1x!tpu.dma_semaphore, #tpu.memory_space<semaphore_mem>> -> memref<!tpu.dma_semaphore, #tpu.memory_space<semaphore_mem>>
      %dma_wait3A_305 = arith.constant 0 : i32
      %dma_wait3A_306 = tpu.memref_slice %arg9[%dma_wait3A_297, %dma_wait3A_305] : memref<12x128xi32, #tpu.memory_space<vmem>> -> memref<1x128xi32, #tpu.memory_space<vmem>>
      %dma_wait3A_307 = tpu.memref_squeeze %dma_wait3A_306 : memref<1x128xi32, #tpu.memory_space<vmem>> -> memref<128xi32, #tpu.memory_space<vmem>>
      %dma_wait3A_308 = tpu.memref_slice %arg3[%add3A_296] : memref<320000xi32, #tpu.memory_space<hbm>> -> memref<128xi32, #tpu.memory_space<hbm>>
      tpu.wait_dma2 semaphore(%dma_wait3A_304 : memref<!tpu.dma_semaphore, #tpu.memory_space<semaphore_mem>>) src(%dma_wait3A_308 : memref<128xi32, #tpu.memory_space<hbm>>) dst(%dma_wait3A_307 : memref<128xi32, #tpu.memory_space<vmem>>)
      %dma_start3A_309 = arith.constant 5 : i32
      %dma_start3A_310 = arith.constant 5 : i32
      %dma_start3A_311 = arith.constant 0 : i32
      %dma_start3A_312 = tpu.memref_slice %arg9[%dma_start3A_309, %dma_start3A_311] : memref<12x128xi32, #tpu.memory_space<vmem>> -> memref<1x128xi32, #tpu.memory_space<vmem>>
      %dma_start3A_313 = tpu.memref_squeeze %dma_start3A_312 : memref<1x128xi32, #tpu.memory_space<vmem>> -> memref<128xi32, #tpu.memory_space<vmem>>
      %dma_start3A_314 = arith.constant 0 : i32
      %dma_start3A_315 = tpu.memref_slice %arg7[%dma_start3A_314] : memref<10240xf32, #tpu.memory_space<vmem_shared>> -> memref<10240xf32, #tpu.memory_space<vmem_shared>>
      %dma_start3A_316 = tpu.memref_slice %arg12[%dma_start3A_310] : memref<12x!tpu.dma_semaphore, #tpu.memory_space<semaphore_mem>> -> memref<1x!tpu.dma_semaphore, #tpu.memory_space<semaphore_mem>>
      %dma_start3A_317 = tpu.memref_squeeze %dma_start3A_316 : memref<1x!tpu.dma_semaphore, #tpu.memory_space<semaphore_mem>> -> memref<!tpu.dma_semaphore, #tpu.memory_space<semaphore_mem>>
      tpu.enqueue_indirect_dma source(%arg8 : memref<128xf32, #tpu.memory_space<vmem>>) target(%dma_start3A_315 : memref<10240xf32, #tpu.memory_space<vmem_shared>>) offsets(%dma_start3A_313 : memref<128xi32, #tpu.memory_space<vmem>>) semaphore(%dma_start3A_317 : memref<!tpu.dma_semaphore, #tpu.memory_space<semaphore_mem>>) {add = true}
      %add3A_318 = arith.constant 19200 : i32
      %add3A_319 = arith.addi %mul3A_2, %add3A_318 : i32
      %dma_wait3A_320 = arith.constant 6 : i32
      %dma_wait3A_321 = arith.constant 6 : i32
      %dma_wait3A_322 = arith.constant 0 : i32
      %dma_wait3A_323 = tpu.memref_slice %arg9[%dma_wait3A_320, %dma_wait3A_322] : memref<12x128xi32, #tpu.memory_space<vmem>> -> memref<1x128xi32, #tpu.memory_space<vmem>>
      %dma_wait3A_324 = tpu.memref_squeeze %dma_wait3A_323 : memref<1x128xi32, #tpu.memory_space<vmem>> -> memref<128xi32, #tpu.memory_space<vmem>>
      %dma_wait3A_325 = tpu.memref_slice %arg3[%add3A_319] : memref<320000xi32, #tpu.memory_space<hbm>> -> memref<128xi32, #tpu.memory_space<hbm>>
      %dma_wait3A_326 = tpu.memref_slice %arg11[%dma_wait3A_321] : memref<12x!tpu.dma_semaphore, #tpu.memory_space<semaphore_mem>> -> memref<1x!tpu.dma_semaphore, #tpu.memory_space<semaphore_mem>>
      %dma_wait3A_327 = tpu.memref_squeeze %dma_wait3A_326 : memref<1x!tpu.dma_semaphore, #tpu.memory_space<semaphore_mem>> -> memref<!tpu.dma_semaphore, #tpu.memory_space<semaphore_mem>>
      %dma_wait3A_328 = arith.constant 0 : i32
      %dma_wait3A_329 = tpu.memref_slice %arg9[%dma_wait3A_320, %dma_wait3A_328] : memref<12x128xi32, #tpu.memory_space<vmem>> -> memref<1x128xi32, #tpu.memory_space<vmem>>
      %dma_wait3A_330 = tpu.memref_squeeze %dma_wait3A_329 : memref<1x128xi32, #tpu.memory_space<vmem>> -> memref<128xi32, #tpu.memory_space<vmem>>
      %dma_wait3A_331 = tpu.memref_slice %arg3[%add3A_319] : memref<320000xi32, #tpu.memory_space<hbm>> -> memref<128xi32, #tpu.memory_space<hbm>>
      tpu.wait_dma2 semaphore(%dma_wait3A_327 : memref<!tpu.dma_semaphore, #tpu.memory_space<semaphore_mem>>) src(%dma_wait3A_331 : memref<128xi32, #tpu.memory_space<hbm>>) dst(%dma_wait3A_330 : memref<128xi32, #tpu.memory_space<vmem>>)
      %dma_start3A_332 = arith.constant 6 : i32
      %dma_start3A_333 = arith.constant 6 : i32
      %dma_start3A_334 = arith.constant 0 : i32
      %dma_start3A_335 = tpu.memref_slice %arg9[%dma_start3A_332, %dma_start3A_334] : memref<12x128xi32, #tpu.memory_space<vmem>> -> memref<1x128xi32, #tpu.memory_space<vmem>>
      %dma_start3A_336 = tpu.memref_squeeze %dma_start3A_335 : memref<1x128xi32, #tpu.memory_space<vmem>> -> memref<128xi32, #tpu.memory_space<vmem>>
      %dma_start3A_337 = arith.constant 0 : i32
      %dma_start3A_338 = tpu.memref_slice %arg7[%dma_start3A_337] : memref<10240xf32, #tpu.memory_space<vmem_shared>> -> memref<10240xf32, #tpu.memory_space<vmem_shared>>
      %dma_start3A_339 = tpu.memref_slice %arg12[%dma_start3A_333] : memref<12x!tpu.dma_semaphore, #tpu.memory_space<semaphore_mem>> -> memref<1x!tpu.dma_semaphore, #tpu.memory_space<semaphore_mem>>
      %dma_start3A_340 = tpu.memref_squeeze %dma_start3A_339 : memref<1x!tpu.dma_semaphore, #tpu.memory_space<semaphore_mem>> -> memref<!tpu.dma_semaphore, #tpu.memory_space<semaphore_mem>>
      tpu.enqueue_indirect_dma source(%arg8 : memref<128xf32, #tpu.memory_space<vmem>>) target(%dma_start3A_338 : memref<10240xf32, #tpu.memory_space<vmem_shared>>) offsets(%dma_start3A_336 : memref<128xi32, #tpu.memory_space<vmem>>) semaphore(%dma_start3A_340 : memref<!tpu.dma_semaphore, #tpu.memory_space<semaphore_mem>>) {add = true}
      %add3A_341 = arith.constant 19328 : i32
      %add3A_342 = arith.addi %mul3A_2, %add3A_341 : i32
      %dma_wait3A_343 = arith.constant 7 : i32
      %dma_wait3A_344 = arith.constant 7 : i32
      %dma_wait3A_345 = arith.constant 0 : i32
      %dma_wait3A_346 = tpu.memref_slice %arg9[%dma_wait3A_343, %dma_wait3A_345] : memref<12x128xi32, #tpu.memory_space<vmem>> -> memref<1x128xi32, #tpu.memory_space<vmem>>
      %dma_wait3A_347 = tpu.memref_squeeze %dma_wait3A_346 : memref<1x128xi32, #tpu.memory_space<vmem>> -> memref<128xi32, #tpu.memory_space<vmem>>
      %dma_wait3A_348 = tpu.memref_slice %arg3[%add3A_342] : memref<320000xi32, #tpu.memory_space<hbm>> -> memref<128xi32, #tpu.memory_space<hbm>>
      %dma_wait3A_349 = tpu.memref_slice %arg11[%dma_wait3A_344] : memref<12x!tpu.dma_semaphore, #tpu.memory_space<semaphore_mem>> -> memref<1x!tpu.dma_semaphore, #tpu.memory_space<semaphore_mem>>
      %dma_wait3A_350 = tpu.memref_squeeze %dma_wait3A_349 : memref<1x!tpu.dma_semaphore, #tpu.memory_space<semaphore_mem>> -> memref<!tpu.dma_semaphore, #tpu.memory_space<semaphore_mem>>
      %dma_wait3A_351 = arith.constant 0 : i32
      %dma_wait3A_352 = tpu.memref_slice %arg9[%dma_wait3A_343, %dma_wait3A_351] : memref<12x128xi32, #tpu.memory_space<vmem>> -> memref<1x128xi32, #tpu.memory_space<vmem>>
      %dma_wait3A_353 = tpu.memref_squeeze %dma_wait3A_352 : memref<1x128xi32, #tpu.memory_space<vmem>> -> memref<128xi32, #tpu.memory_space<vmem>>
      %dma_wait3A_354 = tpu.memref_slice %arg3[%add3A_342] : memref<320000xi32, #tpu.memory_space<hbm>> -> memref<128xi32, #tpu.memory_space<hbm>>
      tpu.wait_dma2 semaphore(%dma_wait3A_350 : memref<!tpu.dma_semaphore, #tpu.memory_space<semaphore_mem>>) src(%dma_wait3A_354 : memref<128xi32, #tpu.memory_space<hbm>>) dst(%dma_wait3A_353 : memref<128xi32, #tpu.memory_space<vmem>>)
      %dma_start3A_355 = arith.constant 7 : i32
      %dma_start3A_356 = arith.constant 7 : i32
      %dma_start3A_357 = arith.constant 0 : i32
      %dma_start3A_358 = tpu.memref_slice %arg9[%dma_start3A_355, %dma_start3A_357] : memref<12x128xi32, #tpu.memory_space<vmem>> -> memref<1x128xi32, #tpu.memory_space<vmem>>
      %dma_start3A_359 = tpu.memref_squeeze %dma_start3A_358 : memref<1x128xi32, #tpu.memory_space<vmem>> -> memref<128xi32, #tpu.memory_space<vmem>>
      %dma_start3A_360 = arith.constant 0 : i32
      %dma_start3A_361 = tpu.memref_slice %arg7[%dma_start3A_360] : memref<10240xf32, #tpu.memory_space<vmem_shared>> -> memref<10240xf32, #tpu.memory_space<vmem_shared>>
      %dma_start3A_362 = tpu.memref_slice %arg12[%dma_start3A_356] : memref<12x!tpu.dma_semaphore, #tpu.memory_space<semaphore_mem>> -> memref<1x!tpu.dma_semaphore, #tpu.memory_space<semaphore_mem>>
      %dma_start3A_363 = tpu.memref_squeeze %dma_start3A_362 : memref<1x!tpu.dma_semaphore, #tpu.memory_space<semaphore_mem>> -> memref<!tpu.dma_semaphore, #tpu.memory_space<semaphore_mem>>
      tpu.enqueue_indirect_dma source(%arg8 : memref<128xf32, #tpu.memory_space<vmem>>) target(%dma_start3A_361 : memref<10240xf32, #tpu.memory_space<vmem_shared>>) offsets(%dma_start3A_359 : memref<128xi32, #tpu.memory_space<vmem>>) semaphore(%dma_start3A_363 : memref<!tpu.dma_semaphore, #tpu.memory_space<semaphore_mem>>) {add = true}
      %add3A_364 = arith.constant 19456 : i32
      %add3A_365 = arith.addi %mul3A_2, %add3A_364 : i32
      %dma_wait3A_366 = arith.constant 8 : i32
      %dma_wait3A_367 = arith.constant 8 : i32
      %dma_wait3A_368 = arith.constant 0 : i32
      %dma_wait3A_369 = tpu.memref_slice %arg9[%dma_wait3A_366, %dma_wait3A_368] : memref<12x128xi32, #tpu.memory_space<vmem>> -> memref<1x128xi32, #tpu.memory_space<vmem>>
      %dma_wait3A_370 = tpu.memref_squeeze %dma_wait3A_369 : memref<1x128xi32, #tpu.memory_space<vmem>> -> memref<128xi32, #tpu.memory_space<vmem>>
      %dma_wait3A_371 = tpu.memref_slice %arg3[%add3A_365] : memref<320000xi32, #tpu.memory_space<hbm>> -> memref<128xi32, #tpu.memory_space<hbm>>
      %dma_wait3A_372 = tpu.memref_slice %arg11[%dma_wait3A_367] : memref<12x!tpu.dma_semaphore, #tpu.memory_space<semaphore_mem>> -> memref<1x!tpu.dma_semaphore, #tpu.memory_space<semaphore_mem>>
      %dma_wait3A_373 = tpu.memref_squeeze %dma_wait3A_372 : memref<1x!tpu.dma_semaphore, #tpu.memory_space<semaphore_mem>> -> memref<!tpu.dma_semaphore, #tpu.memory_space<semaphore_mem>>
      %dma_wait3A_374 = arith.constant 0 : i32
      %dma_wait3A_375 = tpu.memref_slice %arg9[%dma_wait3A_366, %dma_wait3A_374] : memref<12x128xi32, #tpu.memory_space<vmem>> -> memref<1x128xi32, #tpu.memory_space<vmem>>
      %dma_wait3A_376 = tpu.memref_squeeze %dma_wait3A_375 : memref<1x128xi32, #tpu.memory_space<vmem>> -> memref<128xi32, #tpu.memory_space<vmem>>
      %dma_wait3A_377 = tpu.memref_slice %arg3[%add3A_365] : memref<320000xi32, #tpu.memory_space<hbm>> -> memref<128xi32, #tpu.memory_space<hbm>>
      tpu.wait_dma2 semaphore(%dma_wait3A_373 : memref<!tpu.dma_semaphore, #tpu.memory_space<semaphore_mem>>) src(%dma_wait3A_377 : memref<128xi32, #tpu.memory_space<hbm>>) dst(%dma_wait3A_376 : memref<128xi32, #tpu.memory_space<vmem>>)
      %dma_start3A_378 = arith.constant 8 : i32
      %dma_start3A_379 = arith.constant 8 : i32
      %dma_start3A_380 = arith.constant 0 : i32
      %dma_start3A_381 = tpu.memref_slice %arg9[%dma_start3A_378, %dma_start3A_380] : memref<12x128xi32, #tpu.memory_space<vmem>> -> memref<1x128xi32, #tpu.memory_space<vmem>>
      %dma_start3A_382 = tpu.memref_squeeze %dma_start3A_381 : memref<1x128xi32, #tpu.memory_space<vmem>> -> memref<128xi32, #tpu.memory_space<vmem>>
      %dma_start3A_383 = arith.constant 0 : i32
      %dma_start3A_384 = tpu.memref_slice %arg7[%dma_start3A_383] : memref<10240xf32, #tpu.memory_space<vmem_shared>> -> memref<10240xf32, #tpu.memory_space<vmem_shared>>
      %dma_start3A_385 = tpu.memref_slice %arg12[%dma_start3A_379] : memref<12x!tpu.dma_semaphore, #tpu.memory_space<semaphore_mem>> -> memref<1x!tpu.dma_semaphore, #tpu.memory_space<semaphore_mem>>
      %dma_start3A_386 = tpu.memref_squeeze %dma_start3A_385 : memref<1x!tpu.dma_semaphore, #tpu.memory_space<semaphore_mem>> -> memref<!tpu.dma_semaphore, #tpu.memory_space<semaphore_mem>>
      tpu.enqueue_indirect_dma source(%arg8 : memref<128xf32, #tpu.memory_space<vmem>>) target(%dma_start3A_384 : memref<10240xf32, #tpu.memory_space<vmem_shared>>) offsets(%dma_start3A_382 : memref<128xi32, #tpu.memory_space<vmem>>) semaphore(%dma_start3A_386 : memref<!tpu.dma_semaphore, #tpu.memory_space<semaphore_mem>>) {add = true}
      %add3A_387 = arith.constant 19584 : i32
      %add3A_388 = arith.addi %mul3A_2, %add3A_387 : i32
      %dma_wait3A_389 = arith.constant 9 : i32
      %dma_wait3A_390 = arith.constant 9 : i32
      %dma_wait3A_391 = arith.constant 0 : i32
      %dma_wait3A_392 = tpu.memref_slice %arg9[%dma_wait3A_389, %dma_wait3A_391] : memref<12x128xi32, #tpu.memory_space<vmem>> -> memref<1x128xi32, #tpu.memory_space<vmem>>
      %dma_wait3A_393 = tpu.memref_squeeze %dma_wait3A_392 : memref<1x128xi32, #tpu.memory_space<vmem>> -> memref<128xi32, #tpu.memory_space<vmem>>
      %dma_wait3A_394 = tpu.memref_slice %arg3[%add3A_388] : memref<320000xi32, #tpu.memory_space<hbm>> -> memref<128xi32, #tpu.memory_space<hbm>>
      %dma_wait3A_395 = tpu.memref_slice %arg11[%dma_wait3A_390] : memref<12x!tpu.dma_semaphore, #tpu.memory_space<semaphore_mem>> -> memref<1x!tpu.dma_semaphore, #tpu.memory_space<semaphore_mem>>
      %dma_wait3A_396 = tpu.memref_squeeze %dma_wait3A_395 : memref<1x!tpu.dma_semaphore, #tpu.memory_space<semaphore_mem>> -> memref<!tpu.dma_semaphore, #tpu.memory_space<semaphore_mem>>
      %dma_wait3A_397 = arith.constant 0 : i32
      %dma_wait3A_398 = tpu.memref_slice %arg9[%dma_wait3A_389, %dma_wait3A_397] : memref<12x128xi32, #tpu.memory_space<vmem>> -> memref<1x128xi32, #tpu.memory_space<vmem>>
      %dma_wait3A_399 = tpu.memref_squeeze %dma_wait3A_398 : memref<1x128xi32, #tpu.memory_space<vmem>> -> memref<128xi32, #tpu.memory_space<vmem>>
      %dma_wait3A_400 = tpu.memref_slice %arg3[%add3A_388] : memref<320000xi32, #tpu.memory_space<hbm>> -> memref<128xi32, #tpu.memory_space<hbm>>
      tpu.wait_dma2 semaphore(%dma_wait3A_396 : memref<!tpu.dma_semaphore, #tpu.memory_space<semaphore_mem>>) src(%dma_wait3A_400 : memref<128xi32, #tpu.memory_space<hbm>>) dst(%dma_wait3A_399 : memref<128xi32, #tpu.memory_space<vmem>>)
      %dma_start3A_401 = arith.constant 9 : i32
      %dma_start3A_402 = arith.constant 9 : i32
      %dma_start3A_403 = arith.constant 0 : i32
      %dma_start3A_404 = tpu.memref_slice %arg9[%dma_start3A_401, %dma_start3A_403] : memref<12x128xi32, #tpu.memory_space<vmem>> -> memref<1x128xi32, #tpu.memory_space<vmem>>
      %dma_start3A_405 = tpu.memref_squeeze %dma_start3A_404 : memref<1x128xi32, #tpu.memory_space<vmem>> -> memref<128xi32, #tpu.memory_space<vmem>>
      %dma_start3A_406 = arith.constant 0 : i32
      %dma_start3A_407 = tpu.memref_slice %arg7[%dma_start3A_406] : memref<10240xf32, #tpu.memory_space<vmem_shared>> -> memref<10240xf32, #tpu.memory_space<vmem_shared>>
      %dma_start3A_408 = tpu.memref_slice %arg12[%dma_start3A_402] : memref<12x!tpu.dma_semaphore, #tpu.memory_space<semaphore_mem>> -> memref<1x!tpu.dma_semaphore, #tpu.memory_space<semaphore_mem>>
      %dma_start3A_409 = tpu.memref_squeeze %dma_start3A_408 : memref<1x!tpu.dma_semaphore, #tpu.memory_space<semaphore_mem>> -> memref<!tpu.dma_semaphore, #tpu.memory_space<semaphore_mem>>
      tpu.enqueue_indirect_dma source(%arg8 : memref<128xf32, #tpu.memory_space<vmem>>) target(%dma_start3A_407 : memref<10240xf32, #tpu.memory_space<vmem_shared>>) offsets(%dma_start3A_405 : memref<128xi32, #tpu.memory_space<vmem>>) semaphore(%dma_start3A_409 : memref<!tpu.dma_semaphore, #tpu.memory_space<semaphore_mem>>) {add = true}
      %add3A_410 = arith.constant 19712 : i32
      %add3A_411 = arith.addi %mul3A_2, %add3A_410 : i32
      %dma_wait3A_412 = arith.constant 10 : i32
      %dma_wait3A_413 = arith.constant 10 : i32
      %dma_wait3A_414 = arith.constant 0 : i32
      %dma_wait3A_415 = tpu.memref_slice %arg9[%dma_wait3A_412, %dma_wait3A_414] : memref<12x128xi32, #tpu.memory_space<vmem>> -> memref<1x128xi32, #tpu.memory_space<vmem>>
      %dma_wait3A_416 = tpu.memref_squeeze %dma_wait3A_415 : memref<1x128xi32, #tpu.memory_space<vmem>> -> memref<128xi32, #tpu.memory_space<vmem>>
      %dma_wait3A_417 = tpu.memref_slice %arg3[%add3A_411] : memref<320000xi32, #tpu.memory_space<hbm>> -> memref<128xi32, #tpu.memory_space<hbm>>
      %dma_wait3A_418 = tpu.memref_slice %arg11[%dma_wait3A_413] : memref<12x!tpu.dma_semaphore, #tpu.memory_space<semaphore_mem>> -> memref<1x!tpu.dma_semaphore, #tpu.memory_space<semaphore_mem>>
      %dma_wait3A_419 = tpu.memref_squeeze %dma_wait3A_418 : memref<1x!tpu.dma_semaphore, #tpu.memory_space<semaphore_mem>> -> memref<!tpu.dma_semaphore, #tpu.memory_space<semaphore_mem>>
      %dma_wait3A_420 = arith.constant 0 : i32
      %dma_wait3A_421 = tpu.memref_slice %arg9[%dma_wait3A_412, %dma_wait3A_420] : memref<12x128xi32, #tpu.memory_space<vmem>> -> memref<1x128xi32, #tpu.memory_space<vmem>>
      %dma_wait3A_422 = tpu.memref_squeeze %dma_wait3A_421 : memref<1x128xi32, #tpu.memory_space<vmem>> -> memref<128xi32, #tpu.memory_space<vmem>>
      %dma_wait3A_423 = tpu.memref_slice %arg3[%add3A_411] : memref<320000xi32, #tpu.memory_space<hbm>> -> memref<128xi32, #tpu.memory_space<hbm>>
      tpu.wait_dma2 semaphore(%dma_wait3A_419 : memref<!tpu.dma_semaphore, #tpu.memory_space<semaphore_mem>>) src(%dma_wait3A_423 : memref<128xi32, #tpu.memory_space<hbm>>) dst(%dma_wait3A_422 : memref<128xi32, #tpu.memory_space<vmem>>)
      %dma_start3A_424 = arith.constant 10 : i32
      %dma_start3A_425 = arith.constant 10 : i32
      %dma_start3A_426 = arith.constant 0 : i32
      %dma_start3A_427 = tpu.memref_slice %arg9[%dma_start3A_424, %dma_start3A_426] : memref<12x128xi32, #tpu.memory_space<vmem>> -> memref<1x128xi32, #tpu.memory_space<vmem>>
      %dma_start3A_428 = tpu.memref_squeeze %dma_start3A_427 : memref<1x128xi32, #tpu.memory_space<vmem>> -> memref<128xi32, #tpu.memory_space<vmem>>
      %dma_start3A_429 = arith.constant 0 : i32
      %dma_start3A_430 = tpu.memref_slice %arg7[%dma_start3A_429] : memref<10240xf32, #tpu.memory_space<vmem_shared>> -> memref<10240xf32, #tpu.memory_space<vmem_shared>>
      %dma_start3A_431 = tpu.memref_slice %arg12[%dma_start3A_425] : memref<12x!tpu.dma_semaphore, #tpu.memory_space<semaphore_mem>> -> memref<1x!tpu.dma_semaphore, #tpu.memory_space<semaphore_mem>>
      %dma_start3A_432 = tpu.memref_squeeze %dma_start3A_431 : memref<1x!tpu.dma_semaphore, #tpu.memory_space<semaphore_mem>> -> memref<!tpu.dma_semaphore, #tpu.memory_space<semaphore_mem>>
      tpu.enqueue_indirect_dma source(%arg8 : memref<128xf32, #tpu.memory_space<vmem>>) target(%dma_start3A_430 : memref<10240xf32, #tpu.memory_space<vmem_shared>>) offsets(%dma_start3A_428 : memref<128xi32, #tpu.memory_space<vmem>>) semaphore(%dma_start3A_432 : memref<!tpu.dma_semaphore, #tpu.memory_space<semaphore_mem>>) {add = true}
      %add3A_433 = arith.constant 19840 : i32
      %add3A_434 = arith.addi %mul3A_2, %add3A_433 : i32
      %dma_wait3A_435 = arith.constant 11 : i32
      %dma_wait3A_436 = arith.constant 11 : i32
      %dma_wait3A_437 = arith.constant 0 : i32
      %dma_wait3A_438 = tpu.memref_slice %arg9[%dma_wait3A_435, %dma_wait3A_437] : memref<12x128xi32, #tpu.memory_space<vmem>> -> memref<1x128xi32, #tpu.memory_space<vmem>>
      %dma_wait3A_439 = tpu.memref_squeeze %dma_wait3A_438 : memref<1x128xi32, #tpu.memory_space<vmem>> -> memref<128xi32, #tpu.memory_space<vmem>>
      %dma_wait3A_440 = tpu.memref_slice %arg3[%add3A_434] : memref<320000xi32, #tpu.memory_space<hbm>> -> memref<128xi32, #tpu.memory_space<hbm>>
      %dma_wait3A_441 = tpu.memref_slice %arg11[%dma_wait3A_436] : memref<12x!tpu.dma_semaphore, #tpu.memory_space<semaphore_mem>> -> memref<1x!tpu.dma_semaphore, #tpu.memory_space<semaphore_mem>>
      %dma_wait3A_442 = tpu.memref_squeeze %dma_wait3A_441 : memref<1x!tpu.dma_semaphore, #tpu.memory_space<semaphore_mem>> -> memref<!tpu.dma_semaphore, #tpu.memory_space<semaphore_mem>>
      %dma_wait3A_443 = arith.constant 0 : i32
      %dma_wait3A_444 = tpu.memref_slice %arg9[%dma_wait3A_435, %dma_wait3A_443] : memref<12x128xi32, #tpu.memory_space<vmem>> -> memref<1x128xi32, #tpu.memory_space<vmem>>
      %dma_wait3A_445 = tpu.memref_squeeze %dma_wait3A_444 : memref<1x128xi32, #tpu.memory_space<vmem>> -> memref<128xi32, #tpu.memory_space<vmem>>
      %dma_wait3A_446 = tpu.memref_slice %arg3[%add3A_434] : memref<320000xi32, #tpu.memory_space<hbm>> -> memref<128xi32, #tpu.memory_space<hbm>>
      tpu.wait_dma2 semaphore(%dma_wait3A_442 : memref<!tpu.dma_semaphore, #tpu.memory_space<semaphore_mem>>) src(%dma_wait3A_446 : memref<128xi32, #tpu.memory_space<hbm>>) dst(%dma_wait3A_445 : memref<128xi32, #tpu.memory_space<vmem>>)
      %dma_start3A_447 = arith.constant 11 : i32
      %dma_start3A_448 = arith.constant 11 : i32
      %dma_start3A_449 = arith.constant 0 : i32
      %dma_start3A_450 = tpu.memref_slice %arg9[%dma_start3A_447, %dma_start3A_449] : memref<12x128xi32, #tpu.memory_space<vmem>> -> memref<1x128xi32, #tpu.memory_space<vmem>>
      %dma_start3A_451 = tpu.memref_squeeze %dma_start3A_450 : memref<1x128xi32, #tpu.memory_space<vmem>> -> memref<128xi32, #tpu.memory_space<vmem>>
      %dma_start3A_452 = arith.constant 0 : i32
      %dma_start3A_453 = tpu.memref_slice %arg7[%dma_start3A_452] : memref<10240xf32, #tpu.memory_space<vmem_shared>> -> memref<10240xf32, #tpu.memory_space<vmem_shared>>
      %dma_start3A_454 = tpu.memref_slice %arg12[%dma_start3A_448] : memref<12x!tpu.dma_semaphore, #tpu.memory_space<semaphore_mem>> -> memref<1x!tpu.dma_semaphore, #tpu.memory_space<semaphore_mem>>
      %dma_start3A_455 = tpu.memref_squeeze %dma_start3A_454 : memref<1x!tpu.dma_semaphore, #tpu.memory_space<semaphore_mem>> -> memref<!tpu.dma_semaphore, #tpu.memory_space<semaphore_mem>>
      tpu.enqueue_indirect_dma source(%arg8 : memref<128xf32, #tpu.memory_space<vmem>>) target(%dma_start3A_453 : memref<10240xf32, #tpu.memory_space<vmem_shared>>) offsets(%dma_start3A_451 : memref<128xi32, #tpu.memory_space<vmem>>) semaphore(%dma_start3A_455 : memref<!tpu.dma_semaphore, #tpu.memory_space<semaphore_mem>>) {add = true}
      %dma_wait3A_456 = arith.constant 0 : i32
      %dma_wait3A_457 = arith.constant 0 : i32
      %dma_wait3A_458 = arith.constant 0 : i32
      %dma_wait3A_459 = tpu.memref_slice %arg9[%dma_wait3A_456, %dma_wait3A_458] : memref<12x128xi32, #tpu.memory_space<vmem>> -> memref<1x128xi32, #tpu.memory_space<vmem>>
      %dma_wait3A_460 = tpu.memref_squeeze %dma_wait3A_459 : memref<1x128xi32, #tpu.memory_space<vmem>> -> memref<128xi32, #tpu.memory_space<vmem>>
      %dma_wait3A_461 = arith.constant 0 : i32
      %dma_wait3A_462 = tpu.memref_slice %arg7[%dma_wait3A_461] : memref<10240xf32, #tpu.memory_space<vmem_shared>> -> memref<10240xf32, #tpu.memory_space<vmem_shared>>
      %dma_wait3A_463 = tpu.memref_slice %arg12[%dma_wait3A_457] : memref<12x!tpu.dma_semaphore, #tpu.memory_space<semaphore_mem>> -> memref<1x!tpu.dma_semaphore, #tpu.memory_space<semaphore_mem>>
      %dma_wait3A_464 = tpu.memref_squeeze %dma_wait3A_463 : memref<1x!tpu.dma_semaphore, #tpu.memory_space<semaphore_mem>> -> memref<!tpu.dma_semaphore, #tpu.memory_space<semaphore_mem>>
      tpu.wait_indirect_dma semaphore(%dma_wait3A_464 : memref<!tpu.dma_semaphore, #tpu.memory_space<semaphore_mem>>) src(%arg8 : memref<128xf32, #tpu.memory_space<vmem>>) dst(%dma_wait3A_462 : memref<10240xf32, #tpu.memory_space<vmem_shared>>)
      %dma_wait3A_465 = arith.constant 1 : i32
      %dma_wait3A_466 = arith.constant 1 : i32
      %dma_wait3A_467 = arith.constant 0 : i32
      %dma_wait3A_468 = tpu.memref_slice %arg9[%dma_wait3A_465, %dma_wait3A_467] : memref<12x128xi32, #tpu.memory_space<vmem>> -> memref<1x128xi32, #tpu.memory_space<vmem>>
      %dma_wait3A_469 = tpu.memref_squeeze %dma_wait3A_468 : memref<1x128xi32, #tpu.memory_space<vmem>> -> memref<128xi32, #tpu.memory_space<vmem>>
      %dma_wait3A_470 = arith.constant 0 : i32
      %dma_wait3A_471 = tpu.memref_slice %arg7[%dma_wait3A_470] : memref<10240xf32, #tpu.memory_space<vmem_shared>> -> memref<10240xf32, #tpu.memory_space<vmem_shared>>
      %dma_wait3A_472 = tpu.memref_slice %arg12[%dma_wait3A_466] : memref<12x!tpu.dma_semaphore, #tpu.memory_space<semaphore_mem>> -> memref<1x!tpu.dma_semaphore, #tpu.memory_space<semaphore_mem>>
      %dma_wait3A_473 = tpu.memref_squeeze %dma_wait3A_472 : memref<1x!tpu.dma_semaphore, #tpu.memory_space<semaphore_mem>> -> memref<!tpu.dma_semaphore, #tpu.memory_space<semaphore_mem>>
      tpu.wait_indirect_dma semaphore(%dma_wait3A_473 : memref<!tpu.dma_semaphore, #tpu.memory_space<semaphore_mem>>) src(%arg8 : memref<128xf32, #tpu.memory_space<vmem>>) dst(%dma_wait3A_471 : memref<10240xf32, #tpu.memory_space<vmem_shared>>)
      %dma_wait3A_474 = arith.constant 2 : i32
      %dma_wait3A_475 = arith.constant 2 : i32
      %dma_wait3A_476 = arith.constant 0 : i32
      %dma_wait3A_477 = tpu.memref_slice %arg9[%dma_wait3A_474, %dma_wait3A_476] : memref<12x128xi32, #tpu.memory_space<vmem>> -> memref<1x128xi32, #tpu.memory_space<vmem>>
      %dma_wait3A_478 = tpu.memref_squeeze %dma_wait3A_477 : memref<1x128xi32, #tpu.memory_space<vmem>> -> memref<128xi32, #tpu.memory_space<vmem>>
      %dma_wait3A_479 = arith.constant 0 : i32
      %dma_wait3A_480 = tpu.memref_slice %arg7[%dma_wait3A_479] : memref<10240xf32, #tpu.memory_space<vmem_shared>> -> memref<10240xf32, #tpu.memory_space<vmem_shared>>
      %dma_wait3A_481 = tpu.memref_slice %arg12[%dma_wait3A_475] : memref<12x!tpu.dma_semaphore, #tpu.memory_space<semaphore_mem>> -> memref<1x!tpu.dma_semaphore, #tpu.memory_space<semaphore_mem>>
      %dma_wait3A_482 = tpu.memref_squeeze %dma_wait3A_481 : memref<1x!tpu.dma_semaphore, #tpu.memory_space<semaphore_mem>> -> memref<!tpu.dma_semaphore, #tpu.memory_space<semaphore_mem>>
      tpu.wait_indirect_dma semaphore(%dma_wait3A_482 : memref<!tpu.dma_semaphore, #tpu.memory_space<semaphore_mem>>) src(%arg8 : memref<128xf32, #tpu.memory_space<vmem>>) dst(%dma_wait3A_480 : memref<10240xf32, #tpu.memory_space<vmem_shared>>)
      %dma_wait3A_483 = arith.constant 3 : i32
      %dma_wait3A_484 = arith.constant 3 : i32
      %dma_wait3A_485 = arith.constant 0 : i32
      %dma_wait3A_486 = tpu.memref_slice %arg9[%dma_wait3A_483, %dma_wait3A_485] : memref<12x128xi32, #tpu.memory_space<vmem>> -> memref<1x128xi32, #tpu.memory_space<vmem>>
      %dma_wait3A_487 = tpu.memref_squeeze %dma_wait3A_486 : memref<1x128xi32, #tpu.memory_space<vmem>> -> memref<128xi32, #tpu.memory_space<vmem>>
      %dma_wait3A_488 = arith.constant 0 : i32
      %dma_wait3A_489 = tpu.memref_slice %arg7[%dma_wait3A_488] : memref<10240xf32, #tpu.memory_space<vmem_shared>> -> memref<10240xf32, #tpu.memory_space<vmem_shared>>
      %dma_wait3A_490 = tpu.memref_slice %arg12[%dma_wait3A_484] : memref<12x!tpu.dma_semaphore, #tpu.memory_space<semaphore_mem>> -> memref<1x!tpu.dma_semaphore, #tpu.memory_space<semaphore_mem>>
      %dma_wait3A_491 = tpu.memref_squeeze %dma_wait3A_490 : memref<1x!tpu.dma_semaphore, #tpu.memory_space<semaphore_mem>> -> memref<!tpu.dma_semaphore, #tpu.memory_space<semaphore_mem>>
      tpu.wait_indirect_dma semaphore(%dma_wait3A_491 : memref<!tpu.dma_semaphore, #tpu.memory_space<semaphore_mem>>) src(%arg8 : memref<128xf32, #tpu.memory_space<vmem>>) dst(%dma_wait3A_489 : memref<10240xf32, #tpu.memory_space<vmem_shared>>)
      %dma_wait3A_492 = arith.constant 4 : i32
      %dma_wait3A_493 = arith.constant 4 : i32
      %dma_wait3A_494 = arith.constant 0 : i32
      %dma_wait3A_495 = tpu.memref_slice %arg9[%dma_wait3A_492, %dma_wait3A_494] : memref<12x128xi32, #tpu.memory_space<vmem>> -> memref<1x128xi32, #tpu.memory_space<vmem>>
      %dma_wait3A_496 = tpu.memref_squeeze %dma_wait3A_495 : memref<1x128xi32, #tpu.memory_space<vmem>> -> memref<128xi32, #tpu.memory_space<vmem>>
      %dma_wait3A_497 = arith.constant 0 : i32
      %dma_wait3A_498 = tpu.memref_slice %arg7[%dma_wait3A_497] : memref<10240xf32, #tpu.memory_space<vmem_shared>> -> memref<10240xf32, #tpu.memory_space<vmem_shared>>
      %dma_wait3A_499 = tpu.memref_slice %arg12[%dma_wait3A_493] : memref<12x!tpu.dma_semaphore, #tpu.memory_space<semaphore_mem>> -> memref<1x!tpu.dma_semaphore, #tpu.memory_space<semaphore_mem>>
      %dma_wait3A_500 = tpu.memref_squeeze %dma_wait3A_499 : memref<1x!tpu.dma_semaphore, #tpu.memory_space<semaphore_mem>> -> memref<!tpu.dma_semaphore, #tpu.memory_space<semaphore_mem>>
      tpu.wait_indirect_dma semaphore(%dma_wait3A_500 : memref<!tpu.dma_semaphore, #tpu.memory_space<semaphore_mem>>) src(%arg8 : memref<128xf32, #tpu.memory_space<vmem>>) dst(%dma_wait3A_498 : memref<10240xf32, #tpu.memory_space<vmem_shared>>)
      %dma_wait3A_501 = arith.constant 5 : i32
      %dma_wait3A_502 = arith.constant 5 : i32
      %dma_wait3A_503 = arith.constant 0 : i32
      %dma_wait3A_504 = tpu.memref_slice %arg9[%dma_wait3A_501, %dma_wait3A_503] : memref<12x128xi32, #tpu.memory_space<vmem>> -> memref<1x128xi32, #tpu.memory_space<vmem>>
      %dma_wait3A_505 = tpu.memref_squeeze %dma_wait3A_504 : memref<1x128xi32, #tpu.memory_space<vmem>> -> memref<128xi32, #tpu.memory_space<vmem>>
      %dma_wait3A_506 = arith.constant 0 : i32
      %dma_wait3A_507 = tpu.memref_slice %arg7[%dma_wait3A_506] : memref<10240xf32, #tpu.memory_space<vmem_shared>> -> memref<10240xf32, #tpu.memory_space<vmem_shared>>
      %dma_wait3A_508 = tpu.memref_slice %arg12[%dma_wait3A_502] : memref<12x!tpu.dma_semaphore, #tpu.memory_space<semaphore_mem>> -> memref<1x!tpu.dma_semaphore, #tpu.memory_space<semaphore_mem>>
      %dma_wait3A_509 = tpu.memref_squeeze %dma_wait3A_508 : memref<1x!tpu.dma_semaphore, #tpu.memory_space<semaphore_mem>> -> memref<!tpu.dma_semaphore, #tpu.memory_space<semaphore_mem>>
      tpu.wait_indirect_dma semaphore(%dma_wait3A_509 : memref<!tpu.dma_semaphore, #tpu.memory_space<semaphore_mem>>) src(%arg8 : memref<128xf32, #tpu.memory_space<vmem>>) dst(%dma_wait3A_507 : memref<10240xf32, #tpu.memory_space<vmem_shared>>)
      %dma_wait3A_510 = arith.constant 6 : i32
      %dma_wait3A_511 = arith.constant 6 : i32
      %dma_wait3A_512 = arith.constant 0 : i32
      %dma_wait3A_513 = tpu.memref_slice %arg9[%dma_wait3A_510, %dma_wait3A_512] : memref<12x128xi32, #tpu.memory_space<vmem>> -> memref<1x128xi32, #tpu.memory_space<vmem>>
      %dma_wait3A_514 = tpu.memref_squeeze %dma_wait3A_513 : memref<1x128xi32, #tpu.memory_space<vmem>> -> memref<128xi32, #tpu.memory_space<vmem>>
      %dma_wait3A_515 = arith.constant 0 : i32
      %dma_wait3A_516 = tpu.memref_slice %arg7[%dma_wait3A_515] : memref<10240xf32, #tpu.memory_space<vmem_shared>> -> memref<10240xf32, #tpu.memory_space<vmem_shared>>
      %dma_wait3A_517 = tpu.memref_slice %arg12[%dma_wait3A_511] : memref<12x!tpu.dma_semaphore, #tpu.memory_space<semaphore_mem>> -> memref<1x!tpu.dma_semaphore, #tpu.memory_space<semaphore_mem>>
      %dma_wait3A_518 = tpu.memref_squeeze %dma_wait3A_517 : memref<1x!tpu.dma_semaphore, #tpu.memory_space<semaphore_mem>> -> memref<!tpu.dma_semaphore, #tpu.memory_space<semaphore_mem>>
      tpu.wait_indirect_dma semaphore(%dma_wait3A_518 : memref<!tpu.dma_semaphore, #tpu.memory_space<semaphore_mem>>) src(%arg8 : memref<128xf32, #tpu.memory_space<vmem>>) dst(%dma_wait3A_516 : memref<10240xf32, #tpu.memory_space<vmem_shared>>)
      %dma_wait3A_519 = arith.constant 7 : i32
      %dma_wait3A_520 = arith.constant 7 : i32
      %dma_wait3A_521 = arith.constant 0 : i32
      %dma_wait3A_522 = tpu.memref_slice %arg9[%dma_wait3A_519, %dma_wait3A_521] : memref<12x128xi32, #tpu.memory_space<vmem>> -> memref<1x128xi32, #tpu.memory_space<vmem>>
      %dma_wait3A_523 = tpu.memref_squeeze %dma_wait3A_522 : memref<1x128xi32, #tpu.memory_space<vmem>> -> memref<128xi32, #tpu.memory_space<vmem>>
      %dma_wait3A_524 = arith.constant 0 : i32
      %dma_wait3A_525 = tpu.memref_slice %arg7[%dma_wait3A_524] : memref<10240xf32, #tpu.memory_space<vmem_shared>> -> memref<10240xf32, #tpu.memory_space<vmem_shared>>
      %dma_wait3A_526 = tpu.memref_slice %arg12[%dma_wait3A_520] : memref<12x!tpu.dma_semaphore, #tpu.memory_space<semaphore_mem>> -> memref<1x!tpu.dma_semaphore, #tpu.memory_space<semaphore_mem>>
      %dma_wait3A_527 = tpu.memref_squeeze %dma_wait3A_526 : memref<1x!tpu.dma_semaphore, #tpu.memory_space<semaphore_mem>> -> memref<!tpu.dma_semaphore, #tpu.memory_space<semaphore_mem>>
      tpu.wait_indirect_dma semaphore(%dma_wait3A_527 : memref<!tpu.dma_semaphore, #tpu.memory_space<semaphore_mem>>) src(%arg8 : memref<128xf32, #tpu.memory_space<vmem>>) dst(%dma_wait3A_525 : memref<10240xf32, #tpu.memory_space<vmem_shared>>)
      %dma_wait3A_528 = arith.constant 8 : i32
      %dma_wait3A_529 = arith.constant 8 : i32
      %dma_wait3A_530 = arith.constant 0 : i32
      %dma_wait3A_531 = tpu.memref_slice %arg9[%dma_wait3A_528, %dma_wait3A_530] : memref<12x128xi32, #tpu.memory_space<vmem>> -> memref<1x128xi32, #tpu.memory_space<vmem>>
      %dma_wait3A_532 = tpu.memref_squeeze %dma_wait3A_531 : memref<1x128xi32, #tpu.memory_space<vmem>> -> memref<128xi32, #tpu.memory_space<vmem>>
      %dma_wait3A_533 = arith.constant 0 : i32
      %dma_wait3A_534 = tpu.memref_slice %arg7[%dma_wait3A_533] : memref<10240xf32, #tpu.memory_space<vmem_shared>> -> memref<10240xf32, #tpu.memory_space<vmem_shared>>
      %dma_wait3A_535 = tpu.memref_slice %arg12[%dma_wait3A_529] : memref<12x!tpu.dma_semaphore, #tpu.memory_space<semaphore_mem>> -> memref<1x!tpu.dma_semaphore, #tpu.memory_space<semaphore_mem>>
      %dma_wait3A_536 = tpu.memref_squeeze %dma_wait3A_535 : memref<1x!tpu.dma_semaphore, #tpu.memory_space<semaphore_mem>> -> memref<!tpu.dma_semaphore, #tpu.memory_space<semaphore_mem>>
      tpu.wait_indirect_dma semaphore(%dma_wait3A_536 : memref<!tpu.dma_semaphore, #tpu.memory_space<semaphore_mem>>) src(%arg8 : memref<128xf32, #tpu.memory_space<vmem>>) dst(%dma_wait3A_534 : memref<10240xf32, #tpu.memory_space<vmem_shared>>)
      %dma_wait3A_537 = arith.constant 9 : i32
      %dma_wait3A_538 = arith.constant 9 : i32
      %dma_wait3A_539 = arith.constant 0 : i32
      %dma_wait3A_540 = tpu.memref_slice %arg9[%dma_wait3A_537, %dma_wait3A_539] : memref<12x128xi32, #tpu.memory_space<vmem>> -> memref<1x128xi32, #tpu.memory_space<vmem>>
      %dma_wait3A_541 = tpu.memref_squeeze %dma_wait3A_540 : memref<1x128xi32, #tpu.memory_space<vmem>> -> memref<128xi32, #tpu.memory_space<vmem>>
      %dma_wait3A_542 = arith.constant 0 : i32
      %dma_wait3A_543 = tpu.memref_slice %arg7[%dma_wait3A_542] : memref<10240xf32, #tpu.memory_space<vmem_shared>> -> memref<10240xf32, #tpu.memory_space<vmem_shared>>
      %dma_wait3A_544 = tpu.memref_slice %arg12[%dma_wait3A_538] : memref<12x!tpu.dma_semaphore, #tpu.memory_space<semaphore_mem>> -> memref<1x!tpu.dma_semaphore, #tpu.memory_space<semaphore_mem>>
      %dma_wait3A_545 = tpu.memref_squeeze %dma_wait3A_544 : memref<1x!tpu.dma_semaphore, #tpu.memory_space<semaphore_mem>> -> memref<!tpu.dma_semaphore, #tpu.memory_space<semaphore_mem>>
      tpu.wait_indirect_dma semaphore(%dma_wait3A_545 : memref<!tpu.dma_semaphore, #tpu.memory_space<semaphore_mem>>) src(%arg8 : memref<128xf32, #tpu.memory_space<vmem>>) dst(%dma_wait3A_543 : memref<10240xf32, #tpu.memory_space<vmem_shared>>)
      %dma_wait3A_546 = arith.constant 10 : i32
      %dma_wait3A_547 = arith.constant 10 : i32
      %dma_wait3A_548 = arith.constant 0 : i32
      %dma_wait3A_549 = tpu.memref_slice %arg9[%dma_wait3A_546, %dma_wait3A_548] : memref<12x128xi32, #tpu.memory_space<vmem>> -> memref<1x128xi32, #tpu.memory_space<vmem>>
      %dma_wait3A_550 = tpu.memref_squeeze %dma_wait3A_549 : memref<1x128xi32, #tpu.memory_space<vmem>> -> memref<128xi32, #tpu.memory_space<vmem>>
      %dma_wait3A_551 = arith.constant 0 : i32
      %dma_wait3A_552 = tpu.memref_slice %arg7[%dma_wait3A_551] : memref<10240xf32, #tpu.memory_space<vmem_shared>> -> memref<10240xf32, #tpu.memory_space<vmem_shared>>
      %dma_wait3A_553 = tpu.memref_slice %arg12[%dma_wait3A_547] : memref<12x!tpu.dma_semaphore, #tpu.memory_space<semaphore_mem>> -> memref<1x!tpu.dma_semaphore, #tpu.memory_space<semaphore_mem>>
      %dma_wait3A_554 = tpu.memref_squeeze %dma_wait3A_553 : memref<1x!tpu.dma_semaphore, #tpu.memory_space<semaphore_mem>> -> memref<!tpu.dma_semaphore, #tpu.memory_space<semaphore_mem>>
      tpu.wait_indirect_dma semaphore(%dma_wait3A_554 : memref<!tpu.dma_semaphore, #tpu.memory_space<semaphore_mem>>) src(%arg8 : memref<128xf32, #tpu.memory_space<vmem>>) dst(%dma_wait3A_552 : memref<10240xf32, #tpu.memory_space<vmem_shared>>)
      %dma_wait3A_555 = arith.constant 11 : i32
      %dma_wait3A_556 = arith.constant 11 : i32
      %dma_wait3A_557 = arith.constant 0 : i32
      %dma_wait3A_558 = tpu.memref_slice %arg9[%dma_wait3A_555, %dma_wait3A_557] : memref<12x128xi32, #tpu.memory_space<vmem>> -> memref<1x128xi32, #tpu.memory_space<vmem>>
      %dma_wait3A_559 = tpu.memref_squeeze %dma_wait3A_558 : memref<1x128xi32, #tpu.memory_space<vmem>> -> memref<128xi32, #tpu.memory_space<vmem>>
      %dma_wait3A_560 = arith.constant 0 : i32
      %dma_wait3A_561 = tpu.memref_slice %arg7[%dma_wait3A_560] : memref<10240xf32, #tpu.memory_space<vmem_shared>> -> memref<10240xf32, #tpu.memory_space<vmem_shared>>
      %dma_wait3A_562 = tpu.memref_slice %arg12[%dma_wait3A_556] : memref<12x!tpu.dma_semaphore, #tpu.memory_space<semaphore_mem>> -> memref<1x!tpu.dma_semaphore, #tpu.memory_space<semaphore_mem>>
      %dma_wait3A_563 = tpu.memref_squeeze %dma_wait3A_562 : memref<1x!tpu.dma_semaphore, #tpu.memory_space<semaphore_mem>> -> memref<!tpu.dma_semaphore, #tpu.memory_space<semaphore_mem>>
      tpu.wait_indirect_dma semaphore(%dma_wait3A_563 : memref<!tpu.dma_semaphore, #tpu.memory_space<semaphore_mem>>) src(%arg8 : memref<128xf32, #tpu.memory_space<vmem>>) dst(%dma_wait3A_561 : memref<10240xf32, #tpu.memory_space<vmem_shared>>)
      %add3A_564 = arith.constant 19968 : i32
      %add3A_565 = arith.addi %mul3A_2, %add3A_564 : i32
      "tpu.region"() ({
        %run_scoped3A = tpu.sem_alloc : memref<!tpu.dma_semaphore, #tpu.memory_space<semaphore_mem>>
        %dma_start3A_566 = tpu.memref_slice %arg3[%add3A_565] : memref<320000xi32, #tpu.memory_space<hbm>> -> memref<32xi32, #tpu.memory_space<hbm>>
        %dma_start3A_567 = tpu.memref_slice %arg3[%add3A_565] : memref<320000xi32, #tpu.memory_space<hbm>> -> memref<32xi32, #tpu.memory_space<hbm>>
        tpu.enqueue_dma source(%dma_start3A_567 : memref<32xi32, #tpu.memory_space<hbm>>) target(%arg10 : memref<32xi32, #tpu.memory_space<vmem>>) target_semaphore(%run_scoped3A : memref<!tpu.dma_semaphore, #tpu.memory_space<semaphore_mem>>)
        %dma_wait3A_568 = tpu.memref_slice %arg3[%add3A_565] : memref<320000xi32, #tpu.memory_space<hbm>> -> memref<32xi32, #tpu.memory_space<hbm>>
        %dma_wait3A_569 = tpu.memref_slice %arg3[%add3A_565] : memref<320000xi32, #tpu.memory_space<hbm>> -> memref<32xi32, #tpu.memory_space<hbm>>
        tpu.wait_dma2 semaphore(%run_scoped3A : memref<!tpu.dma_semaphore, #tpu.memory_space<semaphore_mem>>) src(%dma_wait3A_569 : memref<32xi32, #tpu.memory_space<hbm>>) dst(%arg10 : memref<32xi32, #tpu.memory_space<vmem>>)
        tpu.yield
      }) : () -> ()
      "tpu.region"() ({
        %run_scoped3A = tpu.sem_alloc : memref<!tpu.dma_semaphore, #tpu.memory_space<semaphore_mem>>
        %dma_start3A_566 = arith.constant 0 : i32
        %dma_start3A_567 = tpu.memref_slice %arg8[%dma_start3A_566] : memref<128xf32, #tpu.memory_space<vmem>> -> memref<32xf32, #tpu.memory_space<vmem>>
        %dma_start3A_568 = arith.constant 0 : i32
        %dma_start3A_569 = tpu.memref_slice %arg7[%dma_start3A_568] : memref<10240xf32, #tpu.memory_space<vmem_shared>> -> memref<10240xf32, #tpu.memory_space<vmem_shared>>
        tpu.enqueue_indirect_dma source(%dma_start3A_567 : memref<32xf32, #tpu.memory_space<vmem>>) target(%dma_start3A_569 : memref<10240xf32, #tpu.memory_space<vmem_shared>>) offsets(%arg10 : memref<32xi32, #tpu.memory_space<vmem>>) semaphore(%run_scoped3A : memref<!tpu.dma_semaphore, #tpu.memory_space<semaphore_mem>>) {add = true}
        %dma_wait3A_570 = arith.constant 0 : i32
        %dma_wait3A_571 = tpu.memref_slice %arg8[%dma_wait3A_570] : memref<128xf32, #tpu.memory_space<vmem>> -> memref<32xf32, #tpu.memory_space<vmem>>
        %dma_wait3A_572 = arith.constant 0 : i32
        %dma_wait3A_573 = tpu.memref_slice %arg7[%dma_wait3A_572] : memref<10240xf32, #tpu.memory_space<vmem_shared>> -> memref<10240xf32, #tpu.memory_space<vmem_shared>>
        tpu.wait_indirect_dma semaphore(%run_scoped3A : memref<!tpu.dma_semaphore, #tpu.memory_space<semaphore_mem>>) src(%dma_wait3A_571 : memref<32xf32, #tpu.memory_space<vmem>>) dst(%dma_wait3A_573 : memref<10240xf32, #tpu.memory_space<vmem_shared>>)
        tpu.yield
      }) : () -> ()
    } else {
    }
    %barrier3A_10 = arith.constant 0 : index
    tpu.barrier barrier_id(%barrier3A_10)
    "tpu.region"() ({
      %run_scoped3A = tpu.sem_alloc : memref<!tpu.dma_semaphore, #tpu.memory_space<semaphore_mem>>
      %dma_start3A = tpu.memref_slice %arg6[%arg0, %mul3A_0] : memref<2x10240xf32, #tpu.memory_space<hbm>> -> memref<1x640xf32, #tpu.memory_space<hbm>>
      %dma_start3A_11 = tpu.memref_squeeze %dma_start3A : memref<1x640xf32, #tpu.memory_space<hbm>> -> memref<640xf32, #tpu.memory_space<hbm>>
      %dma_start3A_12 = tpu.memref_slice %arg7[%mul3A_0] : memref<10240xf32, #tpu.memory_space<vmem_shared>> -> memref<640xf32, #tpu.memory_space<vmem_shared>>
      tpu.enqueue_dma source(%dma_start3A_12 : memref<640xf32, #tpu.memory_space<vmem_shared>>) target(%dma_start3A_11 : memref<640xf32, #tpu.memory_space<hbm>>) target_semaphore(%run_scoped3A : memref<!tpu.dma_semaphore, #tpu.memory_space<semaphore_mem>>)
      %dma_wait3A = tpu.memref_slice %arg6[%arg0, %mul3A_0] : memref<2x10240xf32, #tpu.memory_space<hbm>> -> memref<1x640xf32, #tpu.memory_space<hbm>>
      %dma_wait3A_13 = tpu.memref_squeeze %dma_wait3A : memref<1x640xf32, #tpu.memory_space<hbm>> -> memref<640xf32, #tpu.memory_space<hbm>>
      %dma_wait3A_14 = tpu.memref_slice %arg7[%mul3A_0] : memref<10240xf32, #tpu.memory_space<vmem_shared>> -> memref<640xf32, #tpu.memory_space<vmem_shared>>
      tpu.wait_dma2 semaphore(%run_scoped3A : memref<!tpu.dma_semaphore, #tpu.memory_space<semaphore_mem>>) src(%dma_wait3A_14 : memref<640xf32, #tpu.memory_space<vmem_shared>>) dst(%dma_wait3A_13 : memref<640xf32, #tpu.memory_space<hbm>>)
      tpu.yield
    }) : () -> ()
    return
  }
}

</mosaic_0001>

<sc_bundles>
// kernel: _degrees.3.cloned.1.call-start
scs
__scs_entry_jumppad:
0x0: {  	(pc) =	sbr.rel $0x88, $3  }
0x1: {  	(tag) =	ssettag $0x0;
	lr =	simm.s32 $0x1  }
0x2: {  	[smem:$0x3F9F] =	sst lr;
	_ =	strace $0xD0000000  }
0x3: {  	_ = 	snop  }
0x4: {  	_ = 	snop  }
0x5: {  	_ = 	snop  }
0x6: {  	_ = 	snop  }
0x7: {  	_ = 	snop  }
__scs_overlays_trampoline_lowered:
0x8: {  	[smem:$0x3FAE] =	sst s0  }
0x9: {  	[smem:$0x3FAF] =	sst s1  }
0xa: {  	[smem:$0x3FB0] =	sst s2  }
0xb: {  	[smem:$0x3FB1] =	sst s3  }
0xc: {  	[smem:$0x3FB2] =	sst s4  }
0xd: {  	[smem:$0x3FB3] =	sst s5  }
0xe: {  	[smem:$0x3FB4] =	sst s6  }
0xf: {  	[smem:$0x3FB5] =	sst s7  }
0x10: {  	[smem:$0x3FB6] =	sst s8  }
0x11: {  	[smem:$0x3FB7] =	sst s9;
	s0 =	simm.s32 @!p0 $0x0  }
0x12: {  	s1 =	sld [smem:$0x3F9D];
	s0 =	simm.s32 @p0 $0x1  }
0x13: {  	[smem:$0x3FB8] =	sst s0;
	s0 =	simm.s32 @!p1 $0x0  }
0x14: {  	s2 =	sld [smem:$0x3F9C];
	s0 =	simm.s32 @p1 $0x1  }
0x15: {  	[smem:$0x3FB9] =	sst s0;
	s0 =	simm.s32 @!p2 $0x0  }
0x16: {  	s3 =	sld [smem:$0x3FDB];
	s0 =	simm.s32 @p2 $0x1  }
0x17: {  	s4 =	simm.s32 $0x1BF5;
	[smem:$0x3FBB] =	sst s0  }
0x18: {  	s0 =	sld [smem:$0x3F9E];
	_ =	swait.ge [sflag:s4], $0x0  }
0x19: {  	s7 =	sld [smem:$0x3F9F]  }
0x1a: {  	s8 =	sadd.s32 $0xFFFFE003, lr  }
0x1b: {  	s9 =	sadd.s32 $0xFFFFFEF7, lr;
	s5 =	simm.s32 $0xFFFFFFFF;
	p2 =	slt.u32 s8, $0xFFFFF086  }
0x1c: {  	p1 =	slt.u32 s9, $0xF7A;
	s5 =	simm.s32 @!p2 $0x0  }
0x1d: {  	s5 =	simm.s32 @p1 $0x1;
	p0 =	seq.s32 s7, s2  }
0x1e: {  	s7 =	smul.u32 @!p0 $0xF7A, s2;
	p2 =	seq.s32 @!p0 s5, $0x0  }
0x1f: {  	s9 =	smul.u32 $0xF7A, s1;
	s8 =	simm.s32 @!p0 $0x1BF5;
	p2 =	por !p2, p0  }
0x20: {  	[sflag:s8] =	ssyncset.s32 @!p0 $0xFFFFF086;
	s6 =	sadd.s32 @!p0 s3, s7;
	s7 =	simm.s32 @!p0 $0x108  }
0x21: {  	s3 =	sadd.s32 s3, s9;
	s6 =	sadd.s32 @!p0 $0x88, s6;
	s7 =	simm.s32 @p2 $0x1082  }
0x22: {  	[simem:s7], [sflag:s8] =	dma.local @!p0 [hbm:s6], $0xF7A  }
0x23: {  	s9 =	sor.u32 $0xD0000000, s2;
	s6 =	simm.s32 $0x108;
	_ =	swait.ge @!p0 [sflag:s8], $0x0  }
0x24: {  	s3 =	sadd.s32 $0x88, s3;
	s6 =	simm.s32 @!p1 $0x1082;
	[sflag:s4] =	ssyncset.s32 $0xFFFFF086  }
0x25: {  	[simem:s6], [sflag:s4] =	dma.local [hbm:s3], $0xF7A  }
0x26: {  	[smem:$0x3F9F] =	sst s1;
	(tag) =	ssettag s2;
	_ =	strace s9  }
0x27: {  	s1 =	sld [smem:$0x3FAF]  }
0x28: {  	s2 =	sld [smem:$0x3FB0]  }
0x29: {  	s4 =	sld [smem:$0x3FB2]  }
0x2a: {  	p0 =	seq.s32 s5, $0x0;
	s5 =	sld [smem:$0x3FB3]  }
0x2b: {  	s6 =	sld [smem:$0x3FB4]  }
0x2c: {  	s7 =	sld [smem:$0x3FB5]  }
0x2d: {  	s3 =	simm.s32 $0x108;
	s8 =	sld [smem:$0x3FB6]  }
0x2e: {  	s3 =	simm.s32 @!p0 $0x1082;
	s9 =	sld [smem:$0x3FB7]  }
0x2f: {  	lr =	sadd.s32 s0, s3;
	s0 =	sld [smem:$0x3FAE]  }
0x30: {  	s3 =	sld [smem:$0x3FB1]  }
0x31: {  	[smem:$0x3FBA] =	sst s10  }
0x32: {  	s10 =	sld [smem:$0x3FB8];
	_ =	sdelay $0x3  }
0x33: {  	p0 =	seq.s32 s10, $0x1;
	s10 =	sld [smem:$0x3FBA];
	_ =	sdelay $0x3  }
0x34: {  	[smem:$0x3FBA] =	sst s10  }
0x35: {  	s10 =	sld [smem:$0x3FB9];
	_ =	sdelay $0x3  }
0x36: {  	p1 =	seq.s32 s10, $0x1;
	s10 =	sld [smem:$0x3FBA];
	_ =	sdelay $0x3  }
0x37: {  	[smem:$0x3FBA] =	sst s10  }
0x38: {  	s10 =	sld [smem:$0x3FBB]  }
0x39: {  	_ = 	snop;
	(pc) =	sbr.ind lr, $3  }
0x3a: {  	_ = 	snop  }
0x3b: {  	_ = 	snop  }
0x3c: {  	p2 =	seq.s32 s10, $0x1;
	s10 =	sld [smem:$0x3FBA]  }
0x3d: {  	_ =	shalt  }
0x3e: {  	_ =	shalt  }
0x3f: {  	_ =	shalt  }
0x40: {  	_ =	shalt  }
0x41: {  	_ =	shalt  }
0x42: {  	_ =	shalt  }
0x43: {  	_ =	shalt  }
0x44: {  	_ =	shalt  }
0x45: {  	_ =	shalt  }
0x46: {  	_ =	shalt  }
0x47: {  	_ =	shalt  }
0x48: {  	_ =	shalt  }
0x49: {  	_ =	shalt  }
0x4a: {  	_ =	shalt  }
0x4b: {  	_ =	shalt  }
0x4c: {  	_ =	shalt  }
0x4d: {  	_ =	shalt  }
0x4e: {  	_ =	shalt  }
0x4f: {  	_ =	shalt  }
0x50: {  	_ =	shalt  }
0x51: {  	_ =	shalt  }
0x52: {  	_ =	shalt  }
0x53: {  	_ =	shalt  }
0x54: {  	_ =	shalt  }
0x55: {  	_ =	shalt  }
0x56: {  	_ =	shalt  }
0x57: {  	_ =	shalt  }
0x58: {  	_ =	shalt  }
0x59: {  	_ =	shalt  }
0x5a: {  	_ =	shalt  }
0x5b: {  	_ =	shalt  }
0x5c: {  	_ =	shalt  }
0x5d: {  	_ =	shalt  }
0x5e: {  	_ =	shalt  }
0x5f: {  	_ =	shalt  }
0x60: {  	_ =	shalt  }
0x61: {  	_ =	shalt  }
0x62: {  	_ =	shalt  }
0x63: {  	_ =	shalt  }
0x64: {  	_ =	shalt  }
0x65: {  	_ =	shalt  }
0x66: {  	_ =	shalt  }
0x67: {  	_ =	shalt  }
0x68: {  	_ =	shalt  }
0x69: {  	_ =	shalt  }
0x6a: {  	_ =	shalt  }
0x6b: {  	_ =	shalt  }
0x6c: {  	_ =	shalt  }
0x6d: {  	_ =	shalt  }
0x6e: {  	_ =	shalt  }
0x6f: {  	_ =	shalt  }
0x70: {  	_ =	shalt  }
0x71: {  	_ =	shalt  }
0x72: {  	_ =	shalt  }
0x73: {  	_ =	shalt  }
0x74: {  	_ =	shalt  }
0x75: {  	_ =	shalt  }
0x76: {  	_ =	shalt  }
0x77: {  	_ =	shalt  }
0x78: {  	_ =	shalt  }
0x79: {  	_ =	shalt  }
0x7a: {  	_ =	shalt  }
0x7b: {  	_ =	shalt  }
0x7c: {  	_ =	shalt  }
0x7d: {  	_ =	shalt  }
0x7e: {  	_ =	shalt  }
0x7f: {  	_ =	shalt  }
0x80: {  	_ =	shalt  }
0x81: {  	_ =	shalt  }
0x82: {  	_ =	shalt  }
0x83: {  	_ =	shalt  }
0x84: {  	_ =	shalt  }
0x85: {  	_ =	shalt  }
0x86: {  	_ =	shalt  }
0x87: {  	_ =	shalt  }
.Lfunc_end0:
.L_simem_size_0:
called_computation_lowered:
.L_overlay_start_0:
0x88: {  	s2 =	sld [smem:$0x3FD9]  }
0x89: {  	s3 =	sld [smem:$0x3FFE];
	_ =	sdelay $0x1  }
0x8a: {  	s1 =	srdreg.scid  }
0x8b: {  	s0 =	sand.u32 $0x1, s1  }
0x8c: {  	s17 =	sshll.u32 s0, $0xA;
	s2 =	sadd.s32 s3, s2  }
0x8d: {  	s2 =	sadd.s32 s2, s17  }
0x8e: {  	[smem:$0x3FC6] =	sst s2  }
0x8f: {  	_ = 	snop  }
0x90: {  	s2 =	sld [smem:$0x3FC9]  }
0x91: {  	s18 =	sld [smem:$0x3FC8]  }
0x92: {  	s4 =	sld [smem:$0x3FD0];
	(tm) =	ssettm $0x1  }
0x93: {  	s5 =	sld [smem:$0x3FFB];
	_ =	sdelay $0x3  }
0x94: {  	_ =	strace s5  }
0x95: {  	s5 =	sld [smem:$0x3FFC];
	_ =	sdelay $0x3  }
0x96: {  	_ =	strace s5  }
0x97: {  	s5 =	sld [smem:$0x3FFD];
	_ =	sdelay $0x3  }
0x98: {  	_ =	strace s5  }
0x99: {  	_ =	strace $0x8FFFFFFF  }
0x9a: {  	s19 =	sld [smem:$0x3FDB];
	_ =	sdelay $0x1  }
0x9b: {  	s6 =	simm.s32 $_scs_section_size  }
0x9c: {  	s7 =	simm.s32 $_size__tile_overlayer_lowered;
	s8 =	simm.s32 $_tile_overlayer_lowered  }
0x9d: {  	s22 =	simm.s32 $0x1BFF;
	s21 =	sshll.u32 s8, $0x1;
	s5 =	sadd.s32 s6, s19  }
0x9e: {  	s9 =	simm.s32 $0x0;
	s20 =	sshll.u32 s7, $0x1;
	s7 =	sadd.s32 s21, s5  }
0x9f: {  	[timem:s9], [sflag:s22] =	dma.local [hbm:s7], s20  }
0xa0: {  	_ =	swait.ge [sflag:s22], s20  }
0xa1: {  	s6 =	ssub.s32 $0x0, s20;
	[sflag:s22] =	ssyncset.done $0x0  }
0xa2: {  	[sflag:s22] =	ssyncadd.s32 s6;
	_ =	sdelay $0x1  }
0xa3: {  	s23 =	simm.s32 $0x1B8B  }
0xa4: {  	_ =	swait.ge [sflag:s23], $0x1  }
0xa5: {  	[sflag:s23] =	ssyncset.done $0x0  }
0xa6: {  	s25 =	simm.s32 $0x1B8E;
	s24 =	sld [smem:$0x3FFE];
	[sflag:s23] =	ssyncadd.s32 $0xFFFFFFFF  }
0xa7: {  	s26 =	simm.s32 $execute0_lowered;
	[smem:$0x3FD2] =	sst s25  }
0xa8: {  	s7 =	sshll.u32 s26, $0x1;
	_ =	strace $0x80000046;
	[dreg:$0x1] =	wrdreg $0xFFFFFFFF  }
0xa9: {  	s28 =	simm.s32 $_size_execute0_lowered;
	s5 =	sadd.s32 s5, s7;
	[dreg:$0x0] =	wrdreg $0x0  }
0xaa: {  	s7 =	sshll.u32 s28, $0x1;
	[dreg:$0x2] =	wrdreg s5  }
0xab: {  	[dreg:$0x3] =	wrdreg s7  }
0xac: {  	[dreg:$0x4] =	wrdreg $0xC0  }
0xad: {  	_ =	task [dreg:s9], $0x5FFFF  }
0xae: {  	[dreg:$0x1] =	wrdreg $0xFFFFFFFF  }
0xaf: {  	[dreg:$0x0] =	wrdreg $0x60  }
0xb0: {  	[dreg:$0x2] =	wrdreg s2  }
0xb1: {  	[dreg:$0x3] =	wrdreg s18  }
0xb2: {  	[dreg:$0x4] =	wrdreg s24  }
0xb3: {  	[dreg:$0x5] =	wrdreg s4  }
0xb4: {  	[dreg:$0x6] =	wrdreg $0x0  }
0xb5: {  	[dreg:$0x7] =	wrdreg $0x9  }
0xb6: {  	_ =	task.clear_ibuf [dreg:s9], $0x8FFFF;
	_ =	strace $0x90000046  }
0xb7: {  	s29 =	simm.s32 $0x9;
	_ =	strace $0x80000048  }
0xb8: {  	_ =	swait.ge [sflag:s29], $0x1  }
0xb9: {  	[sflag:s29] =	ssyncadd.s32 $0xFFFFFFFF  }
0xba: {  	_ =	strace $0x90000048  }
0xbb: {  	_ =	sfence  }
0xbc: {  	s30 =	sld [smem:$0x0];
	_ =	sdelay $0x2  }
0xbd: {  	s31 =	sshll.u32 s1, $0xD;
	s1 =	sshrl.u32 s1, $0x2  }
0xbe: {  	s3 =	sand.u32 $0x4000, s31;
	s1 =	sadd.s32 s1, s30  }
0xbf: {  	s0 =	sor.u32 s3, s0;
	s1 =	sshll.u32 s1, $0x11  }
0xc0: {  	s0 =	sor.u32 s1, s0  }
0xc1: {  	s0 =	sadd.s32 $0x8F2B, s0  }
0xc2: {  	[sflag:s0] =	ssyncadd.remote.s32 $0x1  }
0xc3: {  	_ =	sfence.sel $0xFFFF  }
0xc4: {  	[dreg:$0x0] =	wrdreg $0xFFFFFFFF;
	(pc) =	sbr.abs _section_cstart, $3  }
0xc5: {  	[dreg:$0x1] =	wrdreg $0xFFFFFFFF  }
0xc6: {  	_ =	task.clear_ibuf [dreg:s9], $0x2FFFF;
	_ =	strace $0x9FFFFFFF  }
0xc7: {  	(tm) =	ssettm $0x7FFFFFFF  }
tec
execute0_lowered:
.L_overlay_start_1:
0x0: {  	(tag) =	ssettag $0x1  }
0x1: {  	s16 =	rddreg [dreg:$0x0]  }
0x2: {  	s17 =	rddreg [dreg:$0x1]  }
0x3: {  	s0 =	rddreg [dreg:$0x2]  }
0x4: {  	s1 =	rddreg [dreg:$0x3]  }
0x5: {  	s4 =	rddreg [dreg:$0x4];
	s13 =	stileid.u32  }
0x6: {  	s5 =	simm.s32 $0x0;
	s3 =	srdreg.scid;
	s2 =	smul.u32 $0x280, s13  }
0x7: {  	[smem:$0x7FF] =	sst s5;
	s8 =	smul.u32 $0x4E20, s13  }
0x8: {  	s3 =	sand.u32 $0x1, s3;
	s6 =	sadd.s32 $0x400, s0;
	s9 =	smul.u32 $0x500, s13  }
0x9: {  	s21 =	sshll.u32 s13, $0x6;
	s31 =	smul.u32 $0x9C4, s13;
	_ =	strace $0x80000047  }
0xa: {  	[dreg:$0x8] =	wrdreg s6;
	s7 =	ssub.s32 $0x2, s3;
	s26 =	sor.u32 $0x1C19, s21  }
0xb: {  	p0 =	seq.s32 s3, $0x1;
	s3 =	sshll.u32 s3, $0x7;
	s19 =	sshrl.u32 s2, $0x3  }
0xc: {  	s20 =	sshrl.u32 s7, $0x1;
	s2 =	sadd.s32 s2, s4;
	[dreg:$0xb] =	wrdreg s26  }
0xd: {  	s22 =	sshrl.u32 s8, $0x3;
	s18 =	sadd.s32 s31, s16;
	[dreg:$0x9] =	wrdreg s2  }
0xe: {  	s3 =	sor.u32 s3, s9;
	s23 =	sadd.s32 s16, s22;
	[dreg:$0x6] =	wrdreg s18  }
0xf: {  	s0 =	sadd.s32 s19, s0;
	s19 =	sadd.s32 s31, s17;
	[dreg:$0xc] =	wrdreg s23  }
0x10: {  	s6 =	ssub.s32 s7, s20;
	s20 =	sadd.s32 $0x9C0, s22;
	[dreg:$0x7] =	wrdreg s19  }
0x11: {  	s3 =	sshrl.u32 s3, $0x3;
	s0 =	sadd.s32 $0x600, s0;
	[dreg:$0xe] =	wrdreg s20  }
0x12: {  	s24 =	sadd.s32 $0x10, s22;
	s1 =	sadd.s32 s1, s3;
	[dreg:$0xa] =	wrdreg s0  }
0x13: {  	s25 =	sadd.s32 $0x20, s22;
	s21 =	sadd.s32 s16, s24;
	[dreg:$0xd] =	wrdreg s1  }
0x14: {  	s8 =	sadd.s32 $0x30, s22;
	s23 =	sadd.s32 s16, s25;
	[dreg:$0x10] =	wrdreg s21  }
0x15: {  	s10 =	sadd.s32 $0x40, s22;
	s31 =	sadd.s32 s17, s8;
	[dreg:$0x12] =	wrdreg s23  }
0x16: {  	s11 =	sadd.s32 $0x50, s22;
	s2 =	sadd.s32 s17, s10;
	[dreg:$0x15] =	wrdreg s31  }
0x17: {  	s14 =	sadd.s32 $0x80, s22;
	s7 =	sadd.s32 s16, s11;
	[dreg:$0x17] =	wrdreg s2  }
0x18: {  	s12 =	sadd.s32 $0x60, s22;
	s18 =	sadd.s32 s16, s14;
	[dreg:$0x18] =	wrdreg s7  }
0x19: {  	s15 =	sadd.s32 $0x90, s22;
	s19 =	sadd.s32 s17, s14;
	[dreg:$0x1e] =	wrdreg s18  }
0x1a: {  	s13 =	sadd.s32 $0x70, s22;
	s20 =	sadd.s32 s16, s15;
	[dreg:$0x1f] =	wrdreg s19  }
0x1b: {  	s9 =	sadd.s32 $0xB0, s22;
	s0 =	sadd.s32 s17, s22;
	[smem:$0x7F7] =	sst s20  }
0x1c: {  	s3 =	sadd.s32 $0xA0, s22;
	s22 =	sadd.s32 s17, s24;
	[dreg:$0xf] =	wrdreg s0  }
0x1d: {  	s24 =	sadd.s32 s17, s25;
	[dreg:$0x11] =	wrdreg s22  }
0x1e: {  	s25 =	sadd.s32 s16, s8;
	[dreg:$0x13] =	wrdreg s24  }
0x1f: {  	s1 =	sadd.s32 s16, s10;
	[dreg:$0x14] =	wrdreg s25  }
0x20: {  	s8 =	sadd.s32 s17, s11;
	[dreg:$0x16] =	wrdreg s1  }
0x21: {  	s10 =	sadd.s32 s16, s12;
	[dreg:$0x19] =	wrdreg s8  }
0x22: {  	s11 =	sadd.s32 s17, s12;
	[dreg:$0x1a] =	wrdreg s10  }
0x23: {  	s12 =	sadd.s32 s16, s13;
	[dreg:$0x1b] =	wrdreg s11  }
0x24: {  	s13 =	sadd.s32 s17, s13;
	[dreg:$0x1c] =	wrdreg s12  }
0x25: {  	s21 =	sadd.s32 s17, s15;
	[dreg:$0x1d] =	wrdreg s13  }
0x26: {  	s23 =	sadd.s32 s17, s3;
	[smem:$0x7F8] =	sst s21  }
.Ltmp0:
0x27: {  	s31 =	smax.u32 s6, $0x1;
	[smem:$0x7FA] =	sst s23;
	(pc) =	sbr.rel .LBB2_1-.Ltmp0, $4  }
0x28: {  	s28 =	simm.s32 $0x19;
	s22 =	sadd.s32 s16, s3;
	[smem:$0x7FD] =	sst s31  }
0x29: {  	s29 =	simm.s32 $0x380;
	s24 =	sadd.s32 s16, s9;
	[smem:$0x7F9] =	sst s22  }
0x2a: {  	s30 =	simm.s32 $0x80;
	s25 =	sadd.s32 s17, s9;
	[smem:$0x7FB] =	sst s24  }
0x2b: {  	s15 =	simm.s32 $0x280;
	s6 =	simm.s32 $0x0;
	[smem:$0x7FC] =	sst s25  }
.LBB2_7:
0x2c: {  	[tilespmem:s31], [sflag:$0xC] =	stream.linear.gather [hbm4b:s26+s5], $0x80, $0x38;
	[tilespmem:$0xB80] =	vst v63  }
0x2d: {  	s25 =	rddreg [dreg:$0x1]  }
0x2e: {  	s6 =	sld [smem:$0x7F5]  }
.LBB2_8:
0x2f: {  	s0 =	simm.s32 $0x1  }
0x30: {  	_ =	swait.ge [sflag:s0], $0x80  }
0x31: {  	[sflag:s0] =	ssyncset.done $0x0  }
0x32: {  	s12 =	simm.s32 $0x2;
	[sflag:s0] =	ssyncadd.s32 $0xFFFFFF80  }
0x33: {  	[spmem:s4] =	stream.indirect.scatter.add.f32 [tilespmem:s15], [sflag:$0xD], $0x1, s28, s30, $0xb8;
	[tilespmem:$0xB80] =	vst v63  }
0x34: {  	_ =	swait.ge [sflag:s12], $0x80  }
0x35: {  	[sflag:s12] =	ssyncset.done $0x0  }
0x36: {  	s13 =	simm.s32 $0x3;
	[sflag:s12] =	ssyncadd.s32 $0xFFFFFF80  }
0x37: {  	[spmem:s4] =	stream.indirect.scatter.add.f32 [tilespmem:s15], [sflag:$0xE], $0x1, s29, s30, $0xb8;
	[tilespmem:$0xB80] =	vst v63  }
0x38: {  	_ =	swait.ge [sflag:s13], $0x80  }
0x39: {  	[sflag:s13] =	ssyncset.done $0x0  }
0x3a: {  	s26 =	simm.s32 $0x400;
	s14 =	simm.s32 $0x4;
	[sflag:s13] =	ssyncadd.s32 $0xFFFFFF80  }
0x3b: {  	[spmem:s4] =	stream.indirect.scatter.add.f32 [tilespmem:s15], [sflag:$0xF], $0x1, s26, s30, $0xb8;
	[tilespmem:$0xB80] =	vst v63  }
0x3c: {  	_ =	swait.ge [sflag:s14], $0x80  }
0x3d: {  	[sflag:s14] =	ssyncset.done $0x0  }
0x3e: {  	s16 =	simm.s32 $0x480;
	s17 =	simm.s32 $0x5;
	[sflag:s14] =	ssyncadd.s32 $0xFFFFFF80  }
0x3f: {  	[spmem:s4] =	stream.indirect.scatter.add.f32 [tilespmem:s15], [sflag:$0x10], $0x1, s16, s30, $0xb8;
	[tilespmem:$0xB80] =	vst v63  }
0x40: {  	_ =	swait.ge [sflag:s17], $0x80  }
0x41: {  	[sflag:s17] =	ssyncset.done $0x0  }
0x42: {  	s18 =	simm.s32 $0x500;
	s19 =	simm.s32 $0x6;
	[sflag:s17] =	ssyncadd.s32 $0xFFFFFF80  }
0x43: {  	[spmem:s4] =	stream.indirect.scatter.add.f32 [tilespmem:s15], [sflag:$0x11], $0x1, s18, s30, $0xb8;
	[tilespmem:$0xB80] =	vst v63  }
0x44: {  	_ =	swait.ge [sflag:s19], $0x80  }
0x45: {  	[sflag:s19] =	ssyncset.done $0x0  }
0x46: {  	s20 =	simm.s32 $0x580;
	s21 =	simm.s32 $0x7;
	[sflag:s19] =	ssyncadd.s32 $0xFFFFFF80  }
0x47: {  	[spmem:s4] =	stream.indirect.scatter.add.f32 [tilespmem:s15], [sflag:$0x12], $0x1, s20, s30, $0xb8;
	[tilespmem:$0xB80] =	vst v63  }
0x48: {  	_ =	swait.ge [sflag:s21], $0x80  }
0x49: {  	[sflag:s21] =	ssyncset.done $0x0  }
0x4a: {  	s22 =	simm.s32 $0x600;
	s23 =	simm.s32 $0x8;
	[sflag:s21] =	ssyncadd.s32 $0xFFFFFF80  }
0x4b: {  	[spmem:s4] =	stream.indirect.scatter.add.f32 [tilespmem:s15], [sflag:$0x13], $0x1, s22, s30, $0xb8;
	[tilespmem:$0xB80] =	vst v63  }
0x4c: {  	_ =	swait.ge [sflag:s23], $0x80  }
0x4d: {  	[sflag:s23] =	ssyncset.done $0x0  }
0x4e: {  	s24 =	simm.s32 $0x680;
	s26 =	simm.s32 $0x9;
	[sflag:s23] =	ssyncadd.s32 $0xFFFFFF80  }
0x4f: {  	[spmem:s4] =	stream.indirect.scatter.add.f32 [tilespmem:s15], [sflag:$0x14], $0x1, s24, s30, $0xb8;
	[tilespmem:$0xB80] =	vst v63  }
0x50: {  	_ =	swait.ge [sflag:s26], $0x80  }
0x51: {  	[sflag:s26] =	ssyncset.done $0x0  }
0x52: {  	s1 =	simm.s32 $0xA;
	s0 =	simm.s32 $0x700;
	[sflag:s26] =	ssyncadd.s32 $0xFFFFFF80  }
0x53: {  	[spmem:s4] =	stream.indirect.scatter.add.f32 [tilespmem:s15], [sflag:$0x15], $0x1, s0, s30, $0xb8;
	[tilespmem:$0xB80] =	vst v63  }
0x54: {  	_ =	swait.ge [sflag:s1], $0x80  }
0x55: {  	[sflag:s1] =	ssyncset.done $0x0  }
0x56: {  	s2 =	simm.s32 $0x780;
	s3 =	simm.s32 $0xB;
	[sflag:s1] =	ssyncadd.s32 $0xFFFFFF80  }
0x57: {  	[spmem:s4] =	stream.indirect.scatter.add.f32 [tilespmem:s15], [sflag:$0x16], $0x1, s2, s30, $0xb8;
	[tilespmem:$0xB80] =	vst v63  }
0x58: {  	_ =	swait.ge [sflag:s3], $0x80  }
0x59: {  	[sflag:s3] =	ssyncset.done $0x0  }
0x5a: {  	s7 =	simm.s32 $0x800;
	s8 =	simm.s32 $0xC;
	[sflag:s3] =	ssyncadd.s32 $0xFFFFFF80  }
0x5b: {  	[spmem:s4] =	stream.indirect.scatter.add.f32 [tilespmem:s15], [sflag:$0x17], $0x1, s7, s30, $0xb8;
	[tilespmem:$0xB80] =	vst v63  }
0x5c: {  	_ =	swait.ge [sflag:s8], $0x80  }
0x5d: {  	[sflag:s8] =	ssyncset.done $0x0  }
0x5e: {  	s1 =	simm.s32 $0xD;
	[sflag:s8] =	ssyncadd.s32 $0xFFFFFF80  }
0x5f: {  	[spmem:s4] =	stream.indirect.scatter.add.f32 [tilespmem:s15], [sflag:$0x18], $0x1, s31, s30, $0xb8;
	[tilespmem:$0xB80] =	vst v63  }
0x60: {  	_ =	swait.ge [sflag:s1], $0x80  }
0x61: {  	[sflag:s1] =	ssyncset.done $0x0  }
0x62: {  	s10 =	simm.s32 $0xE;
	[sflag:s1] =	ssyncadd.s32 $0xFFFFFF80  }
0x63: {  	_ =	swait.ge [sflag:s10], $0x80  }
0x64: {  	[sflag:s10] =	ssyncset.done $0x0  }
0x65: {  	s11 =	simm.s32 $0xF;
	[sflag:s10] =	ssyncadd.s32 $0xFFFFFF80  }
0x66: {  	_ =	swait.ge [sflag:s11], $0x80  }
0x67: {  	[sflag:s11] =	ssyncset.done $0x0  }
0x68: {  	s12 =	simm.s32 $0x10;
	[sflag:s11] =	ssyncadd.s32 $0xFFFFFF80  }
0x69: {  	_ =	swait.ge [sflag:s12], $0x80  }
0x6a: {  	[sflag:s12] =	ssyncset.done $0x0  }
0x6b: {  	s2 =	simm.s32 $0x11;
	[sflag:s12] =	ssyncadd.s32 $0xFFFFFF80  }
0x6c: {  	_ =	swait.ge [sflag:s2], $0x80  }
0x6d: {  	[sflag:s2] =	ssyncset.done $0x0  }
0x6e: {  	s13 =	simm.s32 $0x12;
	[sflag:s2] =	ssyncadd.s32 $0xFFFFFF80  }
0x6f: {  	_ =	swait.ge [sflag:s13], $0x80  }
0x70: {  	[sflag:s13] =	ssyncset.done $0x0  }
0x71: {  	s14 =	simm.s32 $0x13;
	[sflag:s13] =	ssyncadd.s32 $0xFFFFFF80  }
0x72: {  	_ =	swait.ge [sflag:s14], $0x80  }
0x73: {  	[sflag:s14] =	ssyncset.done $0x0  }
0x74: {  	s16 =	simm.s32 $0x14;
	[sflag:s14] =	ssyncadd.s32 $0xFFFFFF80  }
0x75: {  	_ =	swait.ge [sflag:s16], $0x80  }
0x76: {  	[sflag:s16] =	ssyncset.done $0x0  }
0x77: {  	s17 =	simm.s32 $0x15;
	[sflag:s16] =	ssyncadd.s32 $0xFFFFFF80  }
0x78: {  	_ =	swait.ge [sflag:s17], $0x80  }
0x79: {  	[sflag:s17] =	ssyncset.done $0x0  }
0x7a: {  	s18 =	simm.s32 $0x16;
	[sflag:s17] =	ssyncadd.s32 $0xFFFFFF80  }
0x7b: {  	_ =	swait.ge [sflag:s18], $0x80  }
0x7c: {  	[sflag:s18] =	ssyncset.done $0x0  }
0x7d: {  	s19 =	simm.s32 $0x17;
	[sflag:s18] =	ssyncadd.s32 $0xFFFFFF80  }
0x7e: {  	_ =	swait.ge [sflag:s19], $0x80  }
0x7f: {  	[sflag:s19] =	ssyncset.done $0x0  }
0x80: {  	s20 =	simm.s32 $0x18;
	[sflag:s19] =	ssyncadd.s32 $0xFFFFFF80  }
0x81: {  	_ =	swait.ge [sflag:s20], $0x80  }
0x82: {  	s28 =	simm.s32 $0x19;
	[sflag:s20] =	ssyncset.done $0x0;
	s21 =	rddreg [dreg:$0xe]  }
0x83: {  	s22 =	simm.s32 $0xB00;
	s25 =	sadd.s32 s25, s21;
	[sflag:s20] =	ssyncadd.s32 $0xFFFFFF80  }
0x84: {  	[tilespmem:s22], [sflag:$0x19] =	stream.linear.gather [hbm4b:s25+s5], $0x20, $0x38;
	[tilespmem:$0xB80] =	vst v63  }
0x85: {  	_ =	swait.ge [sflag:s28], $0x20  }
0x86: {  	[sflag:s28] =	ssyncset.done $0x0  }
0x87: {  	s3 =	simm.s32 $0x20;
	[sflag:s28] =	ssyncadd.s32 $0xFFFFFFE0  }
0x88: {  	[spmem:s4] =	stream.indirect.scatter.add.f32 [tilespmem:s15], [sflag:$0x19], $0x1, s22, s3, $0xb8;
	[tilespmem:$0xB80] =	vst v63  }
0x89: {  	_ =	swait.ge [sflag:s28], $0x20  }
0x8a: {  	[sflag:s28] =	ssyncset.done $0x0  }
0x8b: {  	[sflag:s28] =	ssyncadd.s32 $0xFFFFFFE0  }
0x8c: {  	[bflag:$0x0] =	sbarrier.arrive $0xFFFF  }
0x8d: {  	s24 =	sld [smem:$0x7F6]  }
0x8e: {  	s26 =	rddreg [dreg:$0xb]  }
0x8f: {  	s9 =	simm.s32 $0x1;
	s23 =	rddreg [dreg:$0xd]  }
0x90: {  	[hbm:s23@s3], [sflag:s26] =	dma.strided [spmem:s24@s12], $0x50, s9, $0x10   }
0x91: {  	_ =	swait.ge [sflag:s28], $0x50  }
0x92: {  	s31 =	sld [smem:$0x7FD];
	_ =	sdelay $0x1  }
0x93: {  	s6 =	sadd.s32 $0x1, s6  }
0x94: {  	p1 =	sne.s32 s6, s31  }
.Ltmp1:
0x95: {  	_ = 	snop;
	(pc) =	sbr.rel @!p1 .LBB2_9-.Ltmp1, $3  }
0x96: {  	_ =	sdelay $0x1  }
0x97: {  	[sflag:s28] =	ssyncset.done $0x0  }
0x98: {  	[sflag:s28] =	ssyncadd.s32 $0xFFFFFFB0  }
.LBB2_1:
0x99: {  	[smem:$0x7F5] =	sst s6  }
0x9a: {  	s25 =	rddreg [dreg:$0x9]  }
0x9b: {  	s24 =	rddreg [dreg:$0xa];
	s0 =	sshrl.u32 s25, $0x3  }
0x9c: {  	[smem:$0x7F6] =	sst s0  }
0x9d: {  	[spmem:s0], [sflag:s26] =	dma.local [hbm:s24], $0x50  }
0x9e: {  	_ =	swait.ge [sflag:s28], $0x50  }
0x9f: {  	[sflag:s28] =	ssyncset.done $0x0  }
0xa0: {  	s31 =	rddreg [dreg:$0x8];
	[sflag:s28] =	ssyncadd.s32 $0xFFFFFFB0  }
0xa1: {  	[tilespmem:s15], [sflag:$0x19] =	stream.linear.gather [hbm4b:s31+s5], $0x80, $0x38;
	[tilespmem:$0xB80] =	vst v63  }
.Ltmp2:
0xa2: {  	_ =	swait.ge [sflag:s28], $0x80;
	(pc) =	sbr.rel @!p0 .LBB2_2-.Ltmp2, $4  }
0xa3: {  	[sflag:s28] =	ssyncset.done $0x0  }
0xa4: {  	[sflag:s28] =	ssyncadd.s32 $0xFFFFFF80  }
0xa5: {  	[bflag:$0x0] =	sbarrier.arrive $0xFFFF  }
0xa6: {  	s25 =	simm.s32 $0x0  }
0xa7: {  	s26 =	rddreg [dreg:$0xf]  }
0xa8: {  	s28 =	simm.s32 $0x300;
	s13 =	rddreg [dreg:$0x11]  }
0xa9: {  	[tilespmem:s28], [sflag:$0x1] =	stream.linear.gather [hbm4b:s26+s25], $0x80, $0x38;
	[tilespmem:$0xB80] =	vst v63  }
0xaa: {  	s14 =	rddreg [dreg:$0x13]  }
0xab: {  	[tilespmem:s29], [sflag:$0x2] =	stream.linear.gather [hbm4b:s13+s25], $0x80, $0x38;
	[tilespmem:$0xB80] =	vst v63  }
0xac: {  	s0 =	simm.s32 $0x400;
	s16 =	rddreg [dreg:$0x15]  }
0xad: {  	[tilespmem:s0], [sflag:$0x3] =	stream.linear.gather [hbm4b:s14+s25], $0x80, $0x38;
	[tilespmem:$0xB80] =	vst v63  }
0xae: {  	s1 =	simm.s32 $0x480;
	s17 =	rddreg [dreg:$0x17]  }
0xaf: {  	[tilespmem:s1], [sflag:$0x4] =	stream.linear.gather [hbm4b:s16+s25], $0x80, $0x38;
	[tilespmem:$0xB80] =	vst v63  }
0xb0: {  	s2 =	simm.s32 $0x500;
	s18 =	rddreg [dreg:$0x19]  }
0xb1: {  	[tilespmem:s2], [sflag:$0x5] =	stream.linear.gather [hbm4b:s17+s25], $0x80, $0x38;
	[tilespmem:$0xB80] =	vst v63  }
0xb2: {  	s3 =	simm.s32 $0x580;
	s19 =	rddreg [dreg:$0x1b]  }
0xb3: {  	[tilespmem:s3], [sflag:$0x6] =	stream.linear.gather [hbm4b:s18+s25], $0x80, $0x38;
	[tilespmem:$0xB80] =	vst v63  }
0xb4: {  	s6 =	simm.s32 $0x600;
	s20 =	rddreg [dreg:$0x1d]  }
0xb5: {  	[tilespmem:s6], [sflag:$0x7] =	stream.linear.gather [hbm4b:s19+s25], $0x80, $0x38;
	[tilespmem:$0xB80] =	vst v63  }
0xb6: {  	s7 =	simm.s32 $0x680;
	s21 =	rddreg [dreg:$0x1f]  }
0xb7: {  	[tilespmem:s7], [sflag:$0x8] =	stream.linear.gather [hbm4b:s20+s25], $0x80, $0x38;
	[tilespmem:$0xB80] =	vst v63  }
0xb8: {  	s8 =	simm.s32 $0x700;
	s22 =	sld [smem:$0x7F8]  }
0xb9: {  	[tilespmem:s8], [sflag:$0x9] =	stream.linear.gather [hbm4b:s21+s25], $0x80, $0x38;
	[tilespmem:$0xB80] =	vst v63  }
0xba: {  	s10 =	simm.s32 $0x780;
	s23 =	sld [smem:$0x7FA]  }
0xbb: {  	[tilespmem:s10], [sflag:$0xA] =	stream.linear.gather [hbm4b:s22+s25], $0x80, $0x38;
	[tilespmem:$0xB80] =	vst v63  }
0xbc: {  	s11 =	simm.s32 $0x800;
	s24 =	sld [smem:$0x7FC]  }
0xbd: {  	[tilespmem:s11], [sflag:$0xB] =	stream.linear.gather [hbm4b:s23+s25], $0x80, $0x38;
	[tilespmem:$0xB80] =	vst v63  }
0xbe: {  	s31 =	simm.s32 $0x880;
	s9 =	simm.s32 $0x1  }
0xbf: {  	[tilespmem:s31], [sflag:$0xC] =	stream.linear.gather [hbm4b:s24+s25], $0x80, $0x38;
	[tilespmem:$0xB80] =	vst v63  }
0xc0: {  	_ =	swait.ge [sflag:s9], $0x80  }
0xc1: {  	[sflag:s9] =	ssyncset.done $0x0  }
0xc2: {  	s26 =	simm.s32 $0x2;
	[sflag:s9] =	ssyncadd.s32 $0xFFFFFF80  }
0xc3: {  	[spmem:s4] =	stream.indirect.scatter.add.f32 [tilespmem:s15], [sflag:$0xD], $0x1, s28, s30, $0xb8;
	[tilespmem:$0xB80] =	vst v63  }
0xc4: {  	_ =	swait.ge [sflag:s26], $0x80  }
0xc5: {  	[sflag:s26] =	ssyncset.done $0x0  }
0xc6: {  	s12 =	simm.s32 $0x3;
	[sflag:s26] =	ssyncadd.s32 $0xFFFFFF80  }
0xc7: {  	[spmem:s4] =	stream.indirect.scatter.add.f32 [tilespmem:s15], [sflag:$0xE], $0x1, s29, s30, $0xb8;
	[tilespmem:$0xB80] =	vst v63  }
0xc8: {  	_ =	swait.ge [sflag:s12], $0x80  }
0xc9: {  	[sflag:s12] =	ssyncset.done $0x0  }
0xca: {  	s13 =	simm.s32 $0x4;
	[sflag:s12] =	ssyncadd.s32 $0xFFFFFF80  }
0xcb: {  	[spmem:s4] =	stream.indirect.scatter.add.f32 [tilespmem:s15], [sflag:$0xF], $0x1, s0, s30, $0xb8;
	[tilespmem:$0xB80] =	vst v63  }
0xcc: {  	_ =	swait.ge [sflag:s13], $0x80  }
0xcd: {  	[sflag:s13] =	ssyncset.done $0x0  }
0xce: {  	s14 =	simm.s32 $0x5;
	[sflag:s13] =	ssyncadd.s32 $0xFFFFFF80  }
0xcf: {  	[spmem:s4] =	stream.indirect.scatter.add.f32 [tilespmem:s15], [sflag:$0x10], $0x1, s1, s30, $0xb8;
	[tilespmem:$0xB80] =	vst v63  }
0xd0: {  	_ =	swait.ge [sflag:s14], $0x80  }
0xd1: {  	[sflag:s14] =	ssyncset.done $0x0  }
0xd2: {  	s16 =	simm.s32 $0x6;
	[sflag:s14] =	ssyncadd.s32 $0xFFFFFF80  }
0xd3: {  	[spmem:s4] =	stream.indirect.scatter.add.f32 [tilespmem:s15], [sflag:$0x11], $0x1, s2, s30, $0xb8;
	[tilespmem:$0xB80] =	vst v63  }
0xd4: {  	_ =	swait.ge [sflag:s16], $0x80  }
0xd5: {  	[sflag:s16] =	ssyncset.done $0x0  }
0xd6: {  	s17 =	simm.s32 $0x7;
	[sflag:s16] =	ssyncadd.s32 $0xFFFFFF80  }
0xd7: {  	[spmem:s4] =	stream.indirect.scatter.add.f32 [tilespmem:s15], [sflag:$0x12], $0x1, s3, s30, $0xb8;
	[tilespmem:$0xB80] =	vst v63  }
0xd8: {  	_ =	swait.ge [sflag:s17], $0x80  }
0xd9: {  	[sflag:s17] =	ssyncset.done $0x0  }
0xda: {  	s18 =	simm.s32 $0x8;
	[sflag:s17] =	ssyncadd.s32 $0xFFFFFF80  }
0xdb: {  	[spmem:s4] =	stream.indirect.scatter.add.f32 [tilespmem:s15], [sflag:$0x13], $0x1, s6, s30, $0xb8;
	[tilespmem:$0xB80] =	vst v63  }
0xdc: {  	_ =	swait.ge [sflag:s18], $0x80  }
0xdd: {  	[sflag:s18] =	ssyncset.done $0x0  }
0xde: {  	s19 =	simm.s32 $0x9;
	[sflag:s18] =	ssyncadd.s32 $0xFFFFFF80  }
0xdf: {  	[spmem:s4] =	stream.indirect.scatter.add.f32 [tilespmem:s15], [sflag:$0x14], $0x1, s7, s30, $0xb8;
	[tilespmem:$0xB80] =	vst v63  }
0xe0: {  	_ =	swait.ge [sflag:s19], $0x80  }
0xe1: {  	[sflag:s19] =	ssyncset.done $0x0  }
0xe2: {  	s20 =	simm.s32 $0xA;
	[sflag:s19] =	ssyncadd.s32 $0xFFFFFF80  }
0xe3: {  	[spmem:s4] =	stream.indirect.scatter.add.f32 [tilespmem:s15], [sflag:$0x15], $0x1, s8, s30, $0xb8;
	[tilespmem:$0xB80] =	vst v63  }
0xe4: {  	_ =	swait.ge [sflag:s20], $0x80  }
0xe5: {  	[sflag:s20] =	ssyncset.done $0x0  }
0xe6: {  	s21 =	simm.s32 $0xB;
	[sflag:s20] =	ssyncadd.s32 $0xFFFFFF80  }
0xe7: {  	[spmem:s4] =	stream.indirect.scatter.add.f32 [tilespmem:s15], [sflag:$0x16], $0x1, s10, s30, $0xb8;
	[tilespmem:$0xB80] =	vst v63  }
0xe8: {  	_ =	swait.ge [sflag:s21], $0x80  }
0xe9: {  	[sflag:s21] =	ssyncset.done $0x0  }
0xea: {  	s9 =	simm.s32 $0xC;
	[sflag:s21] =	ssyncadd.s32 $0xFFFFFF80  }
0xeb: {  	[spmem:s4] =	stream.indirect.scatter.add.f32 [tilespmem:s15], [sflag:$0x17], $0x1, s11, s30, $0xb8;
	[tilespmem:$0xB80] =	vst v63  }
0xec: {  	_ =	swait.ge [sflag:s9], $0x80  }
0xed: {  	[sflag:s9] =	ssyncset.done $0x0  }
0xee: {  	s14 =	simm.s32 $0xD;
	[sflag:s9] =	ssyncadd.s32 $0xFFFFFF80  }
0xef: {  	[spmem:s4] =	stream.indirect.scatter.add.f32 [tilespmem:s15], [sflag:$0x18], $0x1, s31, s30, $0xb8;
	[tilespmem:$0xB80] =	vst v63  }
0xf0: {  	_ =	swait.ge [sflag:s14], $0x80  }
0xf1: {  	s22 =	rddreg [dreg:$0x7]  }
0xf2: {  	[sflag:s14] =	ssyncset.done $0x0;
	s26 =	sadd.s32 $0x0, s22  }
0xf3: {  	s16 =	simm.s32 $0xE;
	[sflag:s14] =	ssyncadd.s32 $0xFFFFFF80;
	s25 =	sadd.s32 $0xC0, s26  }
0xf4: {  	[tilespmem:s28], [sflag:$0x1] =	stream.linear.gather [hbm4b:s25+s5], $0x80, $0x38;
	[tilespmem:$0xB80] =	vst v63  }
0xf5: {  	_ =	swait.ge [sflag:s16], $0x80  }
0xf6: {  	[sflag:s16] =	ssyncset.done $0x0  }
0xf7: {  	s17 =	simm.s32 $0xF;
	s23 =	sadd.s32 $0xD0, s26;
	[sflag:s16] =	ssyncadd.s32 $0xFFFFFF80  }
0xf8: {  	[tilespmem:s29], [sflag:$0x2] =	stream.linear.gather [hbm4b:s23+s5], $0x80, $0x38;
	[tilespmem:$0xB80] =	vst v63  }
0xf9: {  	_ =	swait.ge [sflag:s17], $0x80  }
0xfa: {  	[sflag:s17] =	ssyncset.done $0x0  }
0xfb: {  	s18 =	simm.s32 $0x10;
	s24 =	sadd.s32 $0xE0, s26;
	[sflag:s17] =	ssyncadd.s32 $0xFFFFFF80  }
0xfc: {  	[tilespmem:s0], [sflag:$0x3] =	stream.linear.gather [hbm4b:s24+s5], $0x80, $0x38;
	[tilespmem:$0xB80] =	vst v63  }
0xfd: {  	_ =	swait.ge [sflag:s18], $0x80  }
0xfe: {  	[sflag:s18] =	ssyncset.done $0x0  }
0xff: {  	s19 =	simm.s32 $0x11;
	s0 =	sadd.s32 $0xF0, s26;
	[sflag:s18] =	ssyncadd.s32 $0xFFFFFF80  }
0x100: {  	[tilespmem:s1], [sflag:$0x4] =	stream.linear.gather [hbm4b:s0+s5], $0x80, $0x38;
	[tilespmem:$0xB80] =	vst v63  }
0x101: {  	_ =	swait.ge [sflag:s19], $0x80  }
0x102: {  	[sflag:s19] =	ssyncset.done $0x0  }
0x103: {  	s20 =	simm.s32 $0x12;
	s1 =	sadd.s32 $0x100, s26;
	[sflag:s19] =	ssyncadd.s32 $0xFFFFFF80  }
0x104: {  	[tilespmem:s2], [sflag:$0x5] =	stream.linear.gather [hbm4b:s1+s5], $0x80, $0x38;
	[tilespmem:$0xB80] =	vst v63  }
0x105: {  	_ =	swait.ge [sflag:s20], $0x80  }
0x106: {  	[sflag:s20] =	ssyncset.done $0x0  }
0x107: {  	s21 =	simm.s32 $0x13;
	s2 =	sadd.s32 $0x110, s26;
	[sflag:s20] =	ssyncadd.s32 $0xFFFFFF80  }
0x108: {  	[tilespmem:s3], [sflag:$0x6] =	stream.linear.gather [hbm4b:s2+s5], $0x80, $0x38;
	[tilespmem:$0xB80] =	vst v63  }
0x109: {  	_ =	swait.ge [sflag:s21], $0x80  }
0x10a: {  	[sflag:s21] =	ssyncset.done $0x0  }
0x10b: {  	s22 =	simm.s32 $0x14;
	s3 =	sadd.s32 $0x120, s26;
	[sflag:s21] =	ssyncadd.s32 $0xFFFFFF80  }
0x10c: {  	[tilespmem:s6], [sflag:$0x7] =	stream.linear.gather [hbm4b:s3+s5], $0x80, $0x38;
	[tilespmem:$0xB80] =	vst v63  }
0x10d: {  	_ =	swait.ge [sflag:s22], $0x80  }
0x10e: {  	[sflag:s22] =	ssyncset.done $0x0  }
0x10f: {  	s23 =	simm.s32 $0x15;
	s6 =	sadd.s32 $0x130, s26;
	[sflag:s22] =	ssyncadd.s32 $0xFFFFFF80  }
0x110: {  	[tilespmem:s7], [sflag:$0x8] =	stream.linear.gather [hbm4b:s6+s5], $0x80, $0x38;
	[tilespmem:$0xB80] =	vst v63  }
0x111: {  	_ =	swait.ge [sflag:s23], $0x80  }
0x112: {  	[sflag:s23] =	ssyncset.done $0x0  }
0x113: {  	s24 =	simm.s32 $0x16;
	s7 =	sadd.s32 $0x140, s26;
	[sflag:s23] =	ssyncadd.s32 $0xFFFFFF80  }
0x114: {  	[tilespmem:s8], [sflag:$0x9] =	stream.linear.gather [hbm4b:s7+s5], $0x80, $0x38;
	[tilespmem:$0xB80] =	vst v63  }
0x115: {  	_ =	swait.ge [sflag:s24], $0x80  }
0x116: {  	[sflag:s24] =	ssyncset.done $0x0  }
0x117: {  	s12 =	sadd.s32 $0x150, s26;
	s0 =	simm.s32 $0x17;
	[sflag:s24] =	ssyncadd.s32 $0xFFFFFF80  }
0x118: {  	[tilespmem:s10], [sflag:$0xA] =	stream.linear.gather [hbm4b:s12+s5], $0x80, $0x38;
	[tilespmem:$0xB80] =	vst v63  }
0x119: {  	_ =	swait.ge [sflag:s0], $0x80  }
0x11a: {  	[sflag:s0] =	ssyncset.done $0x0  }
0x11b: {  	s13 =	sadd.s32 $0x160, s26;
	s3 =	simm.s32 $0x18;
	[sflag:s0] =	ssyncadd.s32 $0xFFFFFF80  }
0x11c: {  	[tilespmem:s11], [sflag:$0xB] =	stream.linear.gather [hbm4b:s13+s5], $0x80, $0x38;
	[tilespmem:$0xB80] =	vst v63  }
0x11d: {  	_ =	swait.ge [sflag:s3], $0x80  }
0x11e: {  	[sflag:s3] =	ssyncset.done $0x0  }
0x11f: {  	s25 =	simm.s32 $0xC0;
	s26 =	sadd.s32 $0x170, s26;
	[sflag:s3] =	ssyncadd.s32 $0xFFFFFF80  }
.LBB2_6:
0x120: {  	[tilespmem:s31], [sflag:$0xC] =	stream.linear.gather [hbm4b:s26+s5], $0x80, $0x38;
	[tilespmem:$0xB80] =	vst v63  }
0x121: {  	s1 =	simm.s32 $0x1  }
0x122: {  	_ =	swait.ge [sflag:s1], $0x80  }
0x123: {  	[sflag:s1] =	ssyncset.done $0x0  }
0x124: {  	s11 =	simm.s32 $0x2;
	[sflag:s1] =	ssyncadd.s32 $0xFFFFFF80  }
0x125: {  	[spmem:s4] =	stream.indirect.scatter.add.f32 [tilespmem:s15], [sflag:$0xD], $0x1, s28, s30, $0xb8;
	[tilespmem:$0xB80] =	vst v63  }
0x126: {  	_ =	swait.ge [sflag:s11], $0x80  }
0x127: {  	[sflag:s11] =	ssyncset.done $0x0  }
0x128: {  	s12 =	simm.s32 $0x3;
	[sflag:s11] =	ssyncadd.s32 $0xFFFFFF80  }
0x129: {  	[spmem:s4] =	stream.indirect.scatter.add.f32 [tilespmem:s15], [sflag:$0xE], $0x1, s29, s30, $0xb8;
	[tilespmem:$0xB80] =	vst v63  }
0x12a: {  	_ =	swait.ge [sflag:s12], $0x80  }
0x12b: {  	[sflag:s12] =	ssyncset.done $0x0  }
0x12c: {  	s2 =	simm.s32 $0x4;
	s1 =	simm.s32 $0x400;
	[sflag:s12] =	ssyncadd.s32 $0xFFFFFF80  }
0x12d: {  	[spmem:s4] =	stream.indirect.scatter.add.f32 [tilespmem:s15], [sflag:$0xF], $0x1, s1, s30, $0xb8;
	[tilespmem:$0xB80] =	vst v63  }
0x12e: {  	_ =	swait.ge [sflag:s2], $0x80  }
0x12f: {  	[sflag:s2] =	ssyncset.done $0x0  }
0x130: {  	s6 =	simm.s32 $0x5;
	[sflag:s2] =	ssyncadd.s32 $0xFFFFFF80;
	s2 =	simm.s32 $0x480  }
0x131: {  	[spmem:s4] =	stream.indirect.scatter.add.f32 [tilespmem:s15], [sflag:$0x10], $0x1, s2, s30, $0xb8;
	[tilespmem:$0xB80] =	vst v63  }
0x132: {  	_ =	swait.ge [sflag:s6], $0x80  }
0x133: {  	[sflag:s6] =	ssyncset.done $0x0  }
0x134: {  	s10 =	simm.s32 $0x500;
	s13 =	simm.s32 $0x6;
	[sflag:s6] =	ssyncadd.s32 $0xFFFFFF80  }
0x135: {  	[spmem:s4] =	stream.indirect.scatter.add.f32 [tilespmem:s15], [sflag:$0x11], $0x1, s10, s30, $0xb8;
	[tilespmem:$0xB80] =	vst v63  }
0x136: {  	_ =	swait.ge [sflag:s13], $0x80  }
0x137: {  	[sflag:s13] =	ssyncset.done $0x0  }
0x138: {  	s7 =	simm.s32 $0x7;
	s6 =	simm.s32 $0x580;
	[sflag:s13] =	ssyncadd.s32 $0xFFFFFF80  }
0x139: {  	[spmem:s4] =	stream.indirect.scatter.add.f32 [tilespmem:s15], [sflag:$0x12], $0x1, s6, s30, $0xb8;
	[tilespmem:$0xB80] =	vst v63  }
0x13a: {  	_ =	swait.ge [sflag:s7], $0x80  }
0x13b: {  	[sflag:s7] =	ssyncset.done $0x0  }
0x13c: {  	s8 =	simm.s32 $0x8;
	[sflag:s7] =	ssyncadd.s32 $0xFFFFFF80;
	s7 =	simm.s32 $0x600  }
0x13d: {  	[spmem:s4] =	stream.indirect.scatter.add.f32 [tilespmem:s15], [sflag:$0x13], $0x1, s7, s30, $0xb8;
	[tilespmem:$0xB80] =	vst v63  }
0x13e: {  	_ =	swait.ge [sflag:s8], $0x80  }
0x13f: {  	[sflag:s8] =	ssyncset.done $0x0  }
0x140: {  	s11 =	simm.s32 $0x9;
	[sflag:s8] =	ssyncadd.s32 $0xFFFFFF80;
	s8 =	simm.s32 $0x680  }
0x141: {  	[spmem:s4] =	stream.indirect.scatter.add.f32 [tilespmem:s15], [sflag:$0x14], $0x1, s8, s30, $0xb8;
	[tilespmem:$0xB80] =	vst v63  }
0x142: {  	_ =	swait.ge [sflag:s11], $0x80  }
0x143: {  	[sflag:s11] =	ssyncset.done $0x0  }
0x144: {  	s12 =	simm.s32 $0xA;
	[sflag:s11] =	ssyncadd.s32 $0xFFFFFF80;
	s11 =	simm.s32 $0x700  }
0x145: {  	[spmem:s4] =	stream.indirect.scatter.add.f32 [tilespmem:s15], [sflag:$0x15], $0x1, s11, s30, $0xb8;
	[tilespmem:$0xB80] =	vst v63  }
0x146: {  	_ =	swait.ge [sflag:s12], $0x80  }
0x147: {  	[sflag:s12] =	ssyncset.done $0x0  }
0x148: {  	s13 =	simm.s32 $0xB;
	[sflag:s12] =	ssyncadd.s32 $0xFFFFFF80;
	s12 =	simm.s32 $0x780  }
0x149: {  	[spmem:s4] =	stream.indirect.scatter.add.f32 [tilespmem:s15], [sflag:$0x16], $0x1, s12, s30, $0xb8;
	[tilespmem:$0xB80] =	vst v63  }
0x14a: {  	_ =	swait.ge [sflag:s13], $0x80  }
0x14b: {  	[sflag:s13] =	ssyncset.done $0x0  }
0x14c: {  	[sflag:s13] =	ssyncadd.s32 $0xFFFFFF80;
	s13 =	simm.s32 $0x800  }
0x14d: {  	[spmem:s4] =	stream.indirect.scatter.add.f32 [tilespmem:s15], [sflag:$0x17], $0x1, s13, s30, $0xb8;
	[tilespmem:$0xB80] =	vst v63  }
0x14e: {  	_ =	swait.ge [sflag:s9], $0x80  }
0x14f: {  	[sflag:s9] =	ssyncset.done $0x0  }
0x150: {  	[sflag:s9] =	ssyncadd.s32 $0xFFFFFF80  }
0x151: {  	[spmem:s4] =	stream.indirect.scatter.add.f32 [tilespmem:s15], [sflag:$0x18], $0x1, s31, s30, $0xb8;
	[tilespmem:$0xB80] =	vst v63  }
0x152: {  	_ =	swait.ge [sflag:s14], $0x80  }
0x153: {  	s26 =	smov.u32 s25;
	s28 =	rddreg [dreg:$0x7]  }
0x154: {  	[sflag:s14] =	ssyncset.done $0x0;
	s26 =	sadd.s32 s26, s28  }
0x155: {  	s29 =	simm.s32 $0x300;
	[sflag:s14] =	ssyncadd.s32 $0xFFFFFF80;
	s28 =	sadd.s32 $0xC0, s26  }
0x156: {  	[tilespmem:s29], [sflag:$0x1] =	stream.linear.gather [hbm4b:s28+s5], $0x80, $0x38;
	[tilespmem:$0xB80] =	vst v63  }
0x157: {  	_ =	swait.ge [sflag:s16], $0x80  }
0x158: {  	[sflag:s16] =	ssyncset.done $0x0  }
0x159: {  	s29 =	simm.s32 $0x380;
	s28 =	sadd.s32 $0xD0, s26;
	[sflag:s16] =	ssyncadd.s32 $0xFFFFFF80  }
0x15a: {  	[tilespmem:s29], [sflag:$0x2] =	stream.linear.gather [hbm4b:s28+s5], $0x80, $0x38;
	[tilespmem:$0xB80] =	vst v63  }
0x15b: {  	_ =	swait.ge [sflag:s17], $0x80  }
0x15c: {  	[sflag:s17] =	ssyncset.done $0x0  }
0x15d: {  	s28 =	sadd.s32 $0xE0, s26;
	[sflag:s17] =	ssyncadd.s32 $0xFFFFFF80  }
0x15e: {  	[tilespmem:s1], [sflag:$0x3] =	stream.linear.gather [hbm4b:s28+s5], $0x80, $0x38;
	[tilespmem:$0xB80] =	vst v63  }
0x15f: {  	_ =	swait.ge [sflag:s18], $0x80  }
0x160: {  	[sflag:s18] =	ssyncset.done $0x0  }
0x161: {  	s28 =	sadd.s32 $0xF0, s26;
	[sflag:s18] =	ssyncadd.s32 $0xFFFFFF80  }
0x162: {  	[tilespmem:s2], [sflag:$0x4] =	stream.linear.gather [hbm4b:s28+s5], $0x80, $0x38;
	[tilespmem:$0xB80] =	vst v63  }
0x163: {  	_ =	swait.ge [sflag:s19], $0x80  }
0x164: {  	[sflag:s19] =	ssyncset.done $0x0  }
0x165: {  	s28 =	sadd.s32 $0x100, s26;
	[sflag:s19] =	ssyncadd.s32 $0xFFFFFF80  }
0x166: {  	[tilespmem:s10], [sflag:$0x5] =	stream.linear.gather [hbm4b:s28+s5], $0x80, $0x38;
	[tilespmem:$0xB80] =	vst v63  }
0x167: {  	_ =	swait.ge [sflag:s20], $0x80  }
0x168: {  	[sflag:s20] =	ssyncset.done $0x0  }
0x169: {  	s28 =	sadd.s32 $0x110, s26;
	[sflag:s20] =	ssyncadd.s32 $0xFFFFFF80  }
0x16a: {  	[tilespmem:s6], [sflag:$0x6] =	stream.linear.gather [hbm4b:s28+s5], $0x80, $0x38;
	[tilespmem:$0xB80] =	vst v63  }
0x16b: {  	_ =	swait.ge [sflag:s21], $0x80  }
0x16c: {  	[sflag:s21] =	ssyncset.done $0x0  }
0x16d: {  	s28 =	sadd.s32 $0x120, s26;
	[sflag:s21] =	ssyncadd.s32 $0xFFFFFF80  }
0x16e: {  	[tilespmem:s7], [sflag:$0x7] =	stream.linear.gather [hbm4b:s28+s5], $0x80, $0x38;
	[tilespmem:$0xB80] =	vst v63  }
0x16f: {  	_ =	swait.ge [sflag:s22], $0x80  }
0x170: {  	[sflag:s22] =	ssyncset.done $0x0  }
0x171: {  	s28 =	sadd.s32 $0x130, s26;
	[sflag:s22] =	ssyncadd.s32 $0xFFFFFF80  }
0x172: {  	[tilespmem:s8], [sflag:$0x8] =	stream.linear.gather [hbm4b:s28+s5], $0x80, $0x38;
	[tilespmem:$0xB80] =	vst v63  }
0x173: {  	_ =	swait.ge [sflag:s23], $0x80  }
0x174: {  	[sflag:s23] =	ssyncset.done $0x0  }
0x175: {  	s28 =	sadd.s32 $0x140, s26;
	[sflag:s23] =	ssyncadd.s32 $0xFFFFFF80  }
0x176: {  	[tilespmem:s11], [sflag:$0x9] =	stream.linear.gather [hbm4b:s28+s5], $0x80, $0x38;
	[tilespmem:$0xB80] =	vst v63  }
0x177: {  	_ =	swait.ge [sflag:s24], $0x80  }
0x178: {  	[sflag:s24] =	ssyncset.done $0x0  }
0x179: {  	s28 =	sadd.s32 $0x150, s26;
	[sflag:s24] =	ssyncadd.s32 $0xFFFFFF80  }
0x17a: {  	[tilespmem:s12], [sflag:$0xA] =	stream.linear.gather [hbm4b:s28+s5], $0x80, $0x38;
	[tilespmem:$0xB80] =	vst v63  }
0x17b: {  	_ =	swait.ge [sflag:s0], $0x80  }
0x17c: {  	p1 =	sne.s32 s25, $0x840;
	[sflag:s0] =	ssyncset.done $0x0  }
.Ltmp3:
0x17d: {  	s28 =	sadd.s32 $0x160, s26;
	[sflag:s0] =	ssyncadd.s32 $0xFFFFFF80;
	(pc) =	sbr.rel @p1 .LBB2_6-.Ltmp3, $4  }
0x17e: {  	[tilespmem:s13], [sflag:$0xB] =	stream.linear.gather [hbm4b:s28+s5], $0x80, $0x38;
	[tilespmem:$0xB80] =	vst v63  }
0x17f: {  	_ =	swait.ge [sflag:s3], $0x80  }
0x180: {  	s25 =	sadd.s32 $0xC0, s25;
	[sflag:s3] =	ssyncset.done $0x0  }
0x181: {  	s26 =	sadd.s32 $0x170, s26;
	s28 =	simm.s32 $0x300;
	[sflag:s3] =	ssyncadd.s32 $0xFFFFFF80  }
.Ltmp4:
0x182: {  	_ = 	snop;
	(pc) =	sbr.rel .LBB2_7-.Ltmp4, $1  }
0x183: {  	_ =	sdelay $0x3  }
.LBB2_2:
0x184: {  	s26 =	rddreg [dreg:$0xc]  }
0x185: {  	s28 =	simm.s32 $0x300;
	s13 =	rddreg [dreg:$0x10]  }
0x186: {  	[tilespmem:s28], [sflag:$0x1] =	stream.linear.gather [hbm4b:s26+s25], $0x80, $0x38;
	[tilespmem:$0xB80] =	vst v63  }
0x187: {  	s14 =	rddreg [dreg:$0x12]  }
0x188: {  	[tilespmem:s29], [sflag:$0x2] =	stream.linear.gather [hbm4b:s13+s25], $0x80, $0x38;
	[tilespmem:$0xB80] =	vst v63  }
0x189: {  	s0 =	simm.s32 $0x400;
	s16 =	rddreg [dreg:$0x14]  }
0x18a: {  	[tilespmem:s0], [sflag:$0x3] =	stream.linear.gather [hbm4b:s14+s25], $0x80, $0x38;
	[tilespmem:$0xB80] =	vst v63  }
0x18b: {  	s1 =	simm.s32 $0x480;
	s17 =	rddreg [dreg:$0x16]  }
0x18c: {  	[tilespmem:s1], [sflag:$0x4] =	stream.linear.gather [hbm4b:s16+s25], $0x80, $0x38;
	[tilespmem:$0xB80] =	vst v63  }
0x18d: {  	s2 =	simm.s32 $0x500;
	s18 =	rddreg [dreg:$0x18]  }
0x18e: {  	[tilespmem:s2], [sflag:$0x5] =	stream.linear.gather [hbm4b:s17+s25], $0x80, $0x38;
	[tilespmem:$0xB80] =	vst v63  }
0x18f: {  	s3 =	simm.s32 $0x580;
	s19 =	rddreg [dreg:$0x1a]  }
0x190: {  	[tilespmem:s3], [sflag:$0x6] =	stream.linear.gather [hbm4b:s18+s25], $0x80, $0x38;
	[tilespmem:$0xB80] =	vst v63  }
0x191: {  	s6 =	simm.s32 $0x600;
	s20 =	rddreg [dreg:$0x1c]  }
0x192: {  	[tilespmem:s6], [sflag:$0x7] =	stream.linear.gather [hbm4b:s19+s25], $0x80, $0x38;
	[tilespmem:$0xB80] =	vst v63  }
0x193: {  	s7 =	simm.s32 $0x680;
	s21 =	rddreg [dreg:$0x1e]  }
0x194: {  	[tilespmem:s7], [sflag:$0x8] =	stream.linear.gather [hbm4b:s20+s25], $0x80, $0x38;
	[tilespmem:$0xB80] =	vst v63  }
0x195: {  	s8 =	simm.s32 $0x700;
	s22 =	sld [smem:$0x7F7]  }
0x196: {  	[tilespmem:s8], [sflag:$0x9] =	stream.linear.gather [hbm4b:s21+s25], $0x80, $0x38;
	[tilespmem:$0xB80] =	vst v63  }
0x197: {  	s10 =	simm.s32 $0x780;
	s23 =	sld [smem:$0x7F9]  }
0x198: {  	[tilespmem:s10], [sflag:$0xA] =	stream.linear.gather [hbm4b:s22+s25], $0x80, $0x38;
	[tilespmem:$0xB80] =	vst v63  }
0x199: {  	s11 =	simm.s32 $0x800;
	s24 =	sld [smem:$0x7FB]  }
0x19a: {  	[tilespmem:s11], [sflag:$0xB] =	stream.linear.gather [hbm4b:s23+s25], $0x80, $0x38;
	[tilespmem:$0xB80] =	vst v63  }
0x19b: {  	s31 =	simm.s32 $0x880;
	s9 =	simm.s32 $0x1  }
0x19c: {  	[tilespmem:s31], [sflag:$0xC] =	stream.linear.gather [hbm4b:s24+s25], $0x80, $0x38;
	[tilespmem:$0xB80] =	vst v63  }
0x19d: {  	_ =	swait.ge [sflag:s9], $0x80  }
0x19e: {  	[sflag:s9] =	ssyncset.done $0x0  }
0x19f: {  	s26 =	simm.s32 $0x2;
	[sflag:s9] =	ssyncadd.s32 $0xFFFFFF80  }
0x1a0: {  	[spmem:s4] =	stream.indirect.scatter.add.f32 [tilespmem:s15], [sflag:$0xD], $0x1, s28, s30, $0xb8;
	[tilespmem:$0xB80] =	vst v63  }
0x1a1: {  	_ =	swait.ge [sflag:s26], $0x80  }
0x1a2: {  	[sflag:s26] =	ssyncset.done $0x0  }
0x1a3: {  	s12 =	simm.s32 $0x3;
	[sflag:s26] =	ssyncadd.s32 $0xFFFFFF80  }
0x1a4: {  	[spmem:s4] =	stream.indirect.scatter.add.f32 [tilespmem:s15], [sflag:$0xE], $0x1, s29, s30, $0xb8;
	[tilespmem:$0xB80] =	vst v63  }
0x1a5: {  	_ =	swait.ge [sflag:s12], $0x80  }
0x1a6: {  	[sflag:s12] =	ssyncset.done $0x0  }
0x1a7: {  	s13 =	simm.s32 $0x4;
	[sflag:s12] =	ssyncadd.s32 $0xFFFFFF80  }
0x1a8: {  	[spmem:s4] =	stream.indirect.scatter.add.f32 [tilespmem:s15], [sflag:$0xF], $0x1, s0, s30, $0xb8;
	[tilespmem:$0xB80] =	vst v63  }
0x1a9: {  	_ =	swait.ge [sflag:s13], $0x80  }
0x1aa: {  	[sflag:s13] =	ssyncset.done $0x0  }
0x1ab: {  	s14 =	simm.s32 $0x5;
	[sflag:s13] =	ssyncadd.s32 $0xFFFFFF80  }
0x1ac: {  	[spmem:s4] =	stream.indirect.scatter.add.f32 [tilespmem:s15], [sflag:$0x10], $0x1, s1, s30, $0xb8;
	[tilespmem:$0xB80] =	vst v63  }
0x1ad: {  	_ =	swait.ge [sflag:s14], $0x80  }
0x1ae: {  	[sflag:s14] =	ssyncset.done $0x0  }
0x1af: {  	s16 =	simm.s32 $0x6;
	[sflag:s14] =	ssyncadd.s32 $0xFFFFFF80  }
0x1b0: {  	[spmem:s4] =	stream.indirect.scatter.add.f32 [tilespmem:s15], [sflag:$0x11], $0x1, s2, s30, $0xb8;
	[tilespmem:$0xB80] =	vst v63  }
0x1b1: {  	_ =	swait.ge [sflag:s16], $0x80  }
0x1b2: {  	[sflag:s16] =	ssyncset.done $0x0  }
0x1b3: {  	s17 =	simm.s32 $0x7;
	[sflag:s16] =	ssyncadd.s32 $0xFFFFFF80  }
0x1b4: {  	[spmem:s4] =	stream.indirect.scatter.add.f32 [tilespmem:s15], [sflag:$0x12], $0x1, s3, s30, $0xb8;
	[tilespmem:$0xB80] =	vst v63  }
0x1b5: {  	_ =	swait.ge [sflag:s17], $0x80  }
0x1b6: {  	[sflag:s17] =	ssyncset.done $0x0  }
0x1b7: {  	s18 =	simm.s32 $0x8;
	[sflag:s17] =	ssyncadd.s32 $0xFFFFFF80  }
0x1b8: {  	[spmem:s4] =	stream.indirect.scatter.add.f32 [tilespmem:s15], [sflag:$0x13], $0x1, s6, s30, $0xb8;
	[tilespmem:$0xB80] =	vst v63  }
0x1b9: {  	_ =	swait.ge [sflag:s18], $0x80  }
0x1ba: {  	[sflag:s18] =	ssyncset.done $0x0  }
0x1bb: {  	s19 =	simm.s32 $0x9;
	[sflag:s18] =	ssyncadd.s32 $0xFFFFFF80  }
0x1bc: {  	[spmem:s4] =	stream.indirect.scatter.add.f32 [tilespmem:s15], [sflag:$0x14], $0x1, s7, s30, $0xb8;
	[tilespmem:$0xB80] =	vst v63  }
0x1bd: {  	_ =	swait.ge [sflag:s19], $0x80  }
0x1be: {  	[sflag:s19] =	ssyncset.done $0x0  }
0x1bf: {  	s20 =	simm.s32 $0xA;
	[sflag:s19] =	ssyncadd.s32 $0xFFFFFF80  }
0x1c0: {  	[spmem:s4] =	stream.indirect.scatter.add.f32 [tilespmem:s15], [sflag:$0x15], $0x1, s8, s30, $0xb8;
	[tilespmem:$0xB80] =	vst v63  }
0x1c1: {  	_ =	swait.ge [sflag:s20], $0x80  }
0x1c2: {  	[sflag:s20] =	ssyncset.done $0x0  }
0x1c3: {  	s21 =	simm.s32 $0xB;
	[sflag:s20] =	ssyncadd.s32 $0xFFFFFF80  }
0x1c4: {  	[spmem:s4] =	stream.indirect.scatter.add.f32 [tilespmem:s15], [sflag:$0x16], $0x1, s10, s30, $0xb8;
	[tilespmem:$0xB80] =	vst v63  }
0x1c5: {  	_ =	swait.ge [sflag:s21], $0x80  }
0x1c6: {  	[sflag:s21] =	ssyncset.done $0x0  }
0x1c7: {  	s9 =	simm.s32 $0xC;
	[sflag:s21] =	ssyncadd.s32 $0xFFFFFF80  }
0x1c8: {  	[spmem:s4] =	stream.indirect.scatter.add.f32 [tilespmem:s15], [sflag:$0x17], $0x1, s11, s30, $0xb8;
	[tilespmem:$0xB80] =	vst v63  }
0x1c9: {  	_ =	swait.ge [sflag:s9], $0x80  }
0x1ca: {  	[sflag:s9] =	ssyncset.done $0x0  }
0x1cb: {  	s14 =	simm.s32 $0xD;
	[sflag:s9] =	ssyncadd.s32 $0xFFFFFF80  }
0x1cc: {  	[spmem:s4] =	stream.indirect.scatter.add.f32 [tilespmem:s15], [sflag:$0x18], $0x1, s31, s30, $0xb8;
	[tilespmem:$0xB80] =	vst v63  }
0x1cd: {  	_ =	swait.ge [sflag:s14], $0x80  }
0x1ce: {  	s22 =	rddreg [dreg:$0x6]  }
0x1cf: {  	[sflag:s14] =	ssyncset.done $0x0;
	s26 =	sadd.s32 $0x0, s22  }
0x1d0: {  	s16 =	simm.s32 $0xE;
	[sflag:s14] =	ssyncadd.s32 $0xFFFFFF80;
	s25 =	sadd.s32 $0xC0, s26  }
0x1d1: {  	[tilespmem:s28], [sflag:$0x1] =	stream.linear.gather [hbm4b:s25+s5], $0x80, $0x38;
	[tilespmem:$0xB80] =	vst v63  }
0x1d2: {  	_ =	swait.ge [sflag:s16], $0x80  }
0x1d3: {  	[sflag:s16] =	ssyncset.done $0x0  }
0x1d4: {  	s17 =	simm.s32 $0xF;
	s23 =	sadd.s32 $0xD0, s26;
	[sflag:s16] =	ssyncadd.s32 $0xFFFFFF80  }
0x1d5: {  	[tilespmem:s29], [sflag:$0x2] =	stream.linear.gather [hbm4b:s23+s5], $0x80, $0x38;
	[tilespmem:$0xB80] =	vst v63  }
0x1d6: {  	_ =	swait.ge [sflag:s17], $0x80  }
0x1d7: {  	[sflag:s17] =	ssyncset.done $0x0  }
0x1d8: {  	s18 =	simm.s32 $0x10;
	s24 =	sadd.s32 $0xE0, s26;
	[sflag:s17] =	ssyncadd.s32 $0xFFFFFF80  }
0x1d9: {  	[tilespmem:s0], [sflag:$0x3] =	stream.linear.gather [hbm4b:s24+s5], $0x80, $0x38;
	[tilespmem:$0xB80] =	vst v63  }
0x1da: {  	_ =	swait.ge [sflag:s18], $0x80  }
0x1db: {  	[sflag:s18] =	ssyncset.done $0x0  }
0x1dc: {  	s19 =	simm.s32 $0x11;
	s0 =	sadd.s32 $0xF0, s26;
	[sflag:s18] =	ssyncadd.s32 $0xFFFFFF80  }
0x1dd: {  	[tilespmem:s1], [sflag:$0x4] =	stream.linear.gather [hbm4b:s0+s5], $0x80, $0x38;
	[tilespmem:$0xB80] =	vst v63  }
0x1de: {  	_ =	swait.ge [sflag:s19], $0x80  }
0x1df: {  	[sflag:s19] =	ssyncset.done $0x0  }
0x1e0: {  	s20 =	simm.s32 $0x12;
	s1 =	sadd.s32 $0x100, s26;
	[sflag:s19] =	ssyncadd.s32 $0xFFFFFF80  }
0x1e1: {  	[tilespmem:s2], [sflag:$0x5] =	stream.linear.gather [hbm4b:s1+s5], $0x80, $0x38;
	[tilespmem:$0xB80] =	vst v63  }
0x1e2: {  	_ =	swait.ge [sflag:s20], $0x80  }
0x1e3: {  	[sflag:s20] =	ssyncset.done $0x0  }
0x1e4: {  	s21 =	simm.s32 $0x13;
	s2 =	sadd.s32 $0x110, s26;
	[sflag:s20] =	ssyncadd.s32 $0xFFFFFF80  }
0x1e5: {  	[tilespmem:s3], [sflag:$0x6] =	stream.linear.gather [hbm4b:s2+s5], $0x80, $0x38;
	[tilespmem:$0xB80] =	vst v63  }
0x1e6: {  	_ =	swait.ge [sflag:s21], $0x80  }
0x1e7: {  	[sflag:s21] =	ssyncset.done $0x0  }
0x1e8: {  	s22 =	simm.s32 $0x14;
	s3 =	sadd.s32 $0x120, s26;
	[sflag:s21] =	ssyncadd.s32 $0xFFFFFF80  }
0x1e9: {  	[tilespmem:s6], [sflag:$0x7] =	stream.linear.gather [hbm4b:s3+s5], $0x80, $0x38;
	[tilespmem:$0xB80] =	vst v63  }
0x1ea: {  	_ =	swait.ge [sflag:s22], $0x80  }
0x1eb: {  	[sflag:s22] =	ssyncset.done $0x0  }
0x1ec: {  	s23 =	simm.s32 $0x15;
	s6 =	sadd.s32 $0x130, s26;
	[sflag:s22] =	ssyncadd.s32 $0xFFFFFF80  }
0x1ed: {  	[tilespmem:s7], [sflag:$0x8] =	stream.linear.gather [hbm4b:s6+s5], $0x80, $0x38;
	[tilespmem:$0xB80] =	vst v63  }
0x1ee: {  	_ =	swait.ge [sflag:s23], $0x80  }
0x1ef: {  	[sflag:s23] =	ssyncset.done $0x0  }
0x1f0: {  	s24 =	simm.s32 $0x16;
	s7 =	sadd.s32 $0x140, s26;
	[sflag:s23] =	ssyncadd.s32 $0xFFFFFF80  }
0x1f1: {  	[tilespmem:s8], [sflag:$0x9] =	stream.linear.gather [hbm4b:s7+s5], $0x80, $0x38;
	[tilespmem:$0xB80] =	vst v63  }
0x1f2: {  	_ =	swait.ge [sflag:s24], $0x80  }
0x1f3: {  	[sflag:s24] =	ssyncset.done $0x0  }
0x1f4: {  	s12 =	sadd.s32 $0x150, s26;
	s0 =	simm.s32 $0x17;
	[sflag:s24] =	ssyncadd.s32 $0xFFFFFF80  }
0x1f5: {  	[tilespmem:s10], [sflag:$0xA] =	stream.linear.gather [hbm4b:s12+s5], $0x80, $0x38;
	[tilespmem:$0xB80] =	vst v63  }
0x1f6: {  	_ =	swait.ge [sflag:s0], $0x80  }
0x1f7: {  	[sflag:s0] =	ssyncset.done $0x0  }
0x1f8: {  	s13 =	sadd.s32 $0x160, s26;
	s3 =	simm.s32 $0x18;
	[sflag:s0] =	ssyncadd.s32 $0xFFFFFF80  }
0x1f9: {  	[tilespmem:s11], [sflag:$0xB] =	stream.linear.gather [hbm4b:s13+s5], $0x80, $0x38;
	[tilespmem:$0xB80] =	vst v63  }
0x1fa: {  	_ =	swait.ge [sflag:s3], $0x80  }
0x1fb: {  	[sflag:s3] =	ssyncset.done $0x0  }
0x1fc: {  	s25 =	simm.s32 $0xC0;
	s26 =	sadd.s32 $0x170, s26;
	[sflag:s3] =	ssyncadd.s32 $0xFFFFFF80  }
.LBB2_3:
0x1fd: {  	[tilespmem:s31], [sflag:$0xC] =	stream.linear.gather [hbm4b:s26+s5], $0x80, $0x38;
	[tilespmem:$0xB80] =	vst v63  }
0x1fe: {  	s1 =	simm.s32 $0x1  }
0x1ff: {  	_ =	swait.ge [sflag:s1], $0x80  }
0x200: {  	[sflag:s1] =	ssyncset.done $0x0  }
0x201: {  	s11 =	simm.s32 $0x2;
	[sflag:s1] =	ssyncadd.s32 $0xFFFFFF80  }
0x202: {  	[spmem:s4] =	stream.indirect.scatter.add.f32 [tilespmem:s15], [sflag:$0xD], $0x1, s28, s30, $0xb8;
	[tilespmem:$0xB80] =	vst v63  }
0x203: {  	_ =	swait.ge [sflag:s11], $0x80  }
0x204: {  	[sflag:s11] =	ssyncset.done $0x0  }
0x205: {  	s12 =	simm.s32 $0x3;
	[sflag:s11] =	ssyncadd.s32 $0xFFFFFF80  }
0x206: {  	[spmem:s4] =	stream.indirect.scatter.add.f32 [tilespmem:s15], [sflag:$0xE], $0x1, s29, s30, $0xb8;
	[tilespmem:$0xB80] =	vst v63  }
0x207: {  	_ =	swait.ge [sflag:s12], $0x80  }
0x208: {  	[sflag:s12] =	ssyncset.done $0x0  }
0x209: {  	s2 =	simm.s32 $0x4;
	s1 =	simm.s32 $0x400;
	[sflag:s12] =	ssyncadd.s32 $0xFFFFFF80  }
0x20a: {  	[spmem:s4] =	stream.indirect.scatter.add.f32 [tilespmem:s15], [sflag:$0xF], $0x1, s1, s30, $0xb8;
	[tilespmem:$0xB80] =	vst v63  }
0x20b: {  	_ =	swait.ge [sflag:s2], $0x80  }
0x20c: {  	[sflag:s2] =	ssyncset.done $0x0  }
0x20d: {  	s6 =	simm.s32 $0x5;
	[sflag:s2] =	ssyncadd.s32 $0xFFFFFF80;
	s2 =	simm.s32 $0x480  }
0x20e: {  	[spmem:s4] =	stream.indirect.scatter.add.f32 [tilespmem:s15], [sflag:$0x10], $0x1, s2, s30, $0xb8;
	[tilespmem:$0xB80] =	vst v63  }
0x20f: {  	_ =	swait.ge [sflag:s6], $0x80  }
0x210: {  	[sflag:s6] =	ssyncset.done $0x0  }
0x211: {  	s10 =	simm.s32 $0x500;
	s13 =	simm.s32 $0x6;
	[sflag:s6] =	ssyncadd.s32 $0xFFFFFF80  }
0x212: {  	[spmem:s4] =	stream.indirect.scatter.add.f32 [tilespmem:s15], [sflag:$0x11], $0x1, s10, s30, $0xb8;
	[tilespmem:$0xB80] =	vst v63  }
0x213: {  	_ =	swait.ge [sflag:s13], $0x80  }
0x214: {  	[sflag:s13] =	ssyncset.done $0x0  }
0x215: {  	s7 =	simm.s32 $0x7;
	s6 =	simm.s32 $0x580;
	[sflag:s13] =	ssyncadd.s32 $0xFFFFFF80  }
0x216: {  	[spmem:s4] =	stream.indirect.scatter.add.f32 [tilespmem:s15], [sflag:$0x12], $0x1, s6, s30, $0xb8;
	[tilespmem:$0xB80] =	vst v63  }
0x217: {  	_ =	swait.ge [sflag:s7], $0x80  }
0x218: {  	[sflag:s7] =	ssyncset.done $0x0  }
0x219: {  	s8 =	simm.s32 $0x8;
	[sflag:s7] =	ssyncadd.s32 $0xFFFFFF80;
	s7 =	simm.s32 $0x600  }
0x21a: {  	[spmem:s4] =	stream.indirect.scatter.add.f32 [tilespmem:s15], [sflag:$0x13], $0x1, s7, s30, $0xb8;
	[tilespmem:$0xB80] =	vst v63  }
0x21b: {  	_ =	swait.ge [sflag:s8], $0x80  }
0x21c: {  	[sflag:s8] =	ssyncset.done $0x0  }
0x21d: {  	s11 =	simm.s32 $0x9;
	[sflag:s8] =	ssyncadd.s32 $0xFFFFFF80;
	s8 =	simm.s32 $0x680  }
0x21e: {  	[spmem:s4] =	stream.indirect.scatter.add.f32 [tilespmem:s15], [sflag:$0x14], $0x1, s8, s30, $0xb8;
	[tilespmem:$0xB80] =	vst v63  }
0x21f: {  	_ =	swait.ge [sflag:s11], $0x80  }
0x220: {  	[sflag:s11] =	ssyncset.done $0x0  }
0x221: {  	s12 =	simm.s32 $0xA;
	[sflag:s11] =	ssyncadd.s32 $0xFFFFFF80;
	s11 =	simm.s32 $0x700  }
0x222: {  	[spmem:s4] =	stream.indirect.scatter.add.f32 [tilespmem:s15], [sflag:$0x15], $0x1, s11, s30, $0xb8;
	[tilespmem:$0xB80] =	vst v63  }
0x223: {  	_ =	swait.ge [sflag:s12], $0x80  }
0x224: {  	[sflag:s12] =	ssyncset.done $0x0  }
0x225: {  	s13 =	simm.s32 $0xB;
	[sflag:s12] =	ssyncadd.s32 $0xFFFFFF80;
	s12 =	simm.s32 $0x780  }
0x226: {  	[spmem:s4] =	stream.indirect.scatter.add.f32 [tilespmem:s15], [sflag:$0x16], $0x1, s12, s30, $0xb8;
	[tilespmem:$0xB80] =	vst v63  }
0x227: {  	_ =	swait.ge [sflag:s13], $0x80  }
0x228: {  	[sflag:s13] =	ssyncset.done $0x0  }
0x229: {  	[sflag:s13] =	ssyncadd.s32 $0xFFFFFF80;
	s13 =	simm.s32 $0x800  }
0x22a: {  	[spmem:s4] =	stream.indirect.scatter.add.f32 [tilespmem:s15], [sflag:$0x17], $0x1, s13, s30, $0xb8;
	[tilespmem:$0xB80] =	vst v63  }
0x22b: {  	_ =	swait.ge [sflag:s9], $0x80  }
0x22c: {  	[sflag:s9] =	ssyncset.done $0x0  }
0x22d: {  	[sflag:s9] =	ssyncadd.s32 $0xFFFFFF80  }
0x22e: {  	[spmem:s4] =	stream.indirect.scatter.add.f32 [tilespmem:s15], [sflag:$0x18], $0x1, s31, s30, $0xb8;
	[tilespmem:$0xB80] =	vst v63  }
0x22f: {  	_ =	swait.ge [sflag:s14], $0x80  }
0x230: {  	s26 =	smov.u32 s25;
	s28 =	rddreg [dreg:$0x6]  }
0x231: {  	[sflag:s14] =	ssyncset.done $0x0;
	s26 =	sadd.s32 s26, s28  }
0x232: {  	s29 =	simm.s32 $0x300;
	[sflag:s14] =	ssyncadd.s32 $0xFFFFFF80;
	s28 =	sadd.s32 $0xC0, s26  }
0x233: {  	[tilespmem:s29], [sflag:$0x1] =	stream.linear.gather [hbm4b:s28+s5], $0x80, $0x38;
	[tilespmem:$0xB80] =	vst v63  }
0x234: {  	_ =	swait.ge [sflag:s16], $0x80  }
0x235: {  	[sflag:s16] =	ssyncset.done $0x0  }
0x236: {  	s29 =	simm.s32 $0x380;
	s28 =	sadd.s32 $0xD0, s26;
	[sflag:s16] =	ssyncadd.s32 $0xFFFFFF80  }
0x237: {  	[tilespmem:s29], [sflag:$0x2] =	stream.linear.gather [hbm4b:s28+s5], $0x80, $0x38;
	[tilespmem:$0xB80] =	vst v63  }
0x238: {  	_ =	swait.ge [sflag:s17], $0x80  }
0x239: {  	[sflag:s17] =	ssyncset.done $0x0  }
0x23a: {  	s28 =	sadd.s32 $0xE0, s26;
	[sflag:s17] =	ssyncadd.s32 $0xFFFFFF80  }
0x23b: {  	[tilespmem:s1], [sflag:$0x3] =	stream.linear.gather [hbm4b:s28+s5], $0x80, $0x38;
	[tilespmem:$0xB80] =	vst v63  }
0x23c: {  	_ =	swait.ge [sflag:s18], $0x80  }
0x23d: {  	[sflag:s18] =	ssyncset.done $0x0  }
0x23e: {  	s28 =	sadd.s32 $0xF0, s26;
	[sflag:s18] =	ssyncadd.s32 $0xFFFFFF80  }
0x23f: {  	[tilespmem:s2], [sflag:$0x4] =	stream.linear.gather [hbm4b:s28+s5], $0x80, $0x38;
	[tilespmem:$0xB80] =	vst v63  }
0x240: {  	_ =	swait.ge [sflag:s19], $0x80  }
0x241: {  	[sflag:s19] =	ssyncset.done $0x0  }
0x242: {  	s28 =	sadd.s32 $0x100, s26;
	[sflag:s19] =	ssyncadd.s32 $0xFFFFFF80  }
0x243: {  	[tilespmem:s10], [sflag:$0x5] =	stream.linear.gather [hbm4b:s28+s5], $0x80, $0x38;
	[tilespmem:$0xB80] =	vst v63  }
0x244: {  	_ =	swait.ge [sflag:s20], $0x80  }
0x245: {  	[sflag:s20] =	ssyncset.done $0x0  }
0x246: {  	s28 =	sadd.s32 $0x110, s26;
	[sflag:s20] =	ssyncadd.s32 $0xFFFFFF80  }
0x247: {  	[tilespmem:s6], [sflag:$0x6] =	stream.linear.gather [hbm4b:s28+s5], $0x80, $0x38;
	[tilespmem:$0xB80] =	vst v63  }
0x248: {  	_ =	swait.ge [sflag:s21], $0x80  }
0x249: {  	[sflag:s21] =	ssyncset.done $0x0  }
0x24a: {  	s28 =	sadd.s32 $0x120, s26;
	[sflag:s21] =	ssyncadd.s32 $0xFFFFFF80  }
0x24b: {  	[tilespmem:s7], [sflag:$0x7] =	stream.linear.gather [hbm4b:s28+s5], $0x80, $0x38;
	[tilespmem:$0xB80] =	vst v63  }
0x24c: {  	_ =	swait.ge [sflag:s22], $0x80  }
0x24d: {  	[sflag:s22] =	ssyncset.done $0x0  }
0x24e: {  	s28 =	sadd.s32 $0x130, s26;
	[sflag:s22] =	ssyncadd.s32 $0xFFFFFF80  }
0x24f: {  	[tilespmem:s8], [sflag:$0x8] =	stream.linear.gather [hbm4b:s28+s5], $0x80, $0x38;
	[tilespmem:$0xB80] =	vst v63  }
0x250: {  	_ =	swait.ge [sflag:s23], $0x80  }
0x251: {  	[sflag:s23] =	ssyncset.done $0x0  }
0x252: {  	s28 =	sadd.s32 $0x140, s26;
	[sflag:s23] =	ssyncadd.s32 $0xFFFFFF80  }
0x253: {  	[tilespmem:s11], [sflag:$0x9] =	stream.linear.gather [hbm4b:s28+s5], $0x80, $0x38;
	[tilespmem:$0xB80] =	vst v63  }
0x254: {  	_ =	swait.ge [sflag:s24], $0x80  }
0x255: {  	[sflag:s24] =	ssyncset.done $0x0  }
0x256: {  	s28 =	sadd.s32 $0x150, s26;
	[sflag:s24] =	ssyncadd.s32 $0xFFFFFF80  }
0x257: {  	[tilespmem:s12], [sflag:$0xA] =	stream.linear.gather [hbm4b:s28+s5], $0x80, $0x38;
	[tilespmem:$0xB80] =	vst v63  }
0x258: {  	_ =	swait.ge [sflag:s0], $0x80  }
0x259: {  	p1 =	seq.s32 s25, $0x840;
	[sflag:s0] =	ssyncset.done $0x0  }
.Ltmp5:
0x25a: {  	s28 =	sadd.s32 $0x160, s26;
	[sflag:s0] =	ssyncadd.s32 $0xFFFFFF80;
	(pc) =	sbr.rel @!p1 .LBB2_3-.Ltmp5, $4  }
0x25b: {  	[tilespmem:s13], [sflag:$0xB] =	stream.linear.gather [hbm4b:s28+s5], $0x80, $0x38;
	[tilespmem:$0xB80] =	vst v63  }
0x25c: {  	_ =	swait.ge [sflag:s3], $0x80  }
0x25d: {  	s25 =	sadd.s32 $0xC0, s25;
	[sflag:s3] =	ssyncset.done $0x0  }
0x25e: {  	s26 =	sadd.s32 $0x170, s26;
	s28 =	simm.s32 $0x300;
	[sflag:s3] =	ssyncadd.s32 $0xFFFFFF80  }
.Ltmp6:
0x25f: {  	(pc) =	sbr.rel .LBB2_8-.Ltmp6, $4  }
0x260: {  	_ = 	snop  }
0x261: {  	[tilespmem:s31], [sflag:$0xC] =	stream.linear.gather [hbm4b:s26+s5], $0x80, $0x38;
	[tilespmem:$0xB80] =	vst v63  }
0x262: {  	s25 =	rddreg [dreg:$0x0]  }
0x263: {  	s6 =	sld [smem:$0x7F5]  }
.LBB2_9:
0x264: {  	_ =	sfence.sel $0x180000  }
0x265: {  	[bflag:$0x0] =	sbarrier.arrive $0xFFFF  }
0x266: {  	_ =	strace $0x90000047  }
0x267: {  	s0 =	stileid.u32;
	[bflag:$0x2] =	sbarrier.arrive $0xFFFF  }
0x268: {  	p0 =	sne.s32 s0, $0x0;
	s0 =	rddreg [dreg:$0x5]  }
0x269: {  	s0 =	sadd.s32 @!p0 $0x100000, s0  }
0x26a: {  	[sflag:s0] =	ssyncadd.tile.s32 @!p0 $0x1;
	_ =	shalt  }
.Lfunc_end2:
_tile_overlayer_lowered:
.L_overlay_start_2:
0x26b: {  	(tag) =	ssettag $0x2  }
0x26c: {  	s0 =	rddreg [dreg:$0x0];
	s2 =	stileid.u32  }
0x26d: {  	s1 =	rddreg [dreg:$0x1];
	p0 =	sne.s32 s2, $0x0  }
0x26e: {  	s3 =	rddreg [dreg:$0x2];
	[bflag:$0x3] =	sbarrier.arrive $0xFFFF;
	s2 =	simm.s32 @!p0 $0x1C19  }
0x26f: {  	[timem:s3], [sflag:s2] =	dma.local @!p0 [hbm:s0], s1  }
0x270: {  	s0 =	simm.s32 @!p0 $0x19  }
0x271: {  	_ =	swait.ge @!p0 [sflag:s0], s1  }
0x272: {  	s1 =	ssub.s32 @!p0 $0x0, s1;
	[sflag:s0] =	ssyncset.done @!p0 $0x0  }
0x273: {  	[sflag:s0] =	ssyncadd.s32 @!p0 s1  }
0x274: {  	[bflag:$0x3] =	sbarrier.arrive $0xFFFF  }
0x275: {  	_ =	shalt  }

</sc_bundles>
